<compile_context>
chip_gen: v7x
topology: tpu7x:2x2x1
jax: 0.10.2.dev20260603
libtpu: 0.0.44.dev20260713+nightly
codegen_flags: <defaults>
</compile_context>

<pallas_src>
import functools

import jax
import jax.numpy as jnp
from jax import lax
from jax.experimental import pallas as pl
from jax.experimental.pallas import tpu as pltpu
from jax.experimental.pallas import tpu_sc as plsc

_H = 128
_B = 16
_HW = 64
_NT = 16
_CH = 448
_STR = 80
_RU = 8
_RG = 2000


def _sc_pool_means(cpg2, cb, mirna2, mb):
    n_c = cb.shape[0]
    n_m = mb.shape[0]

    mesh = plsc.VectorSubcoreMesh(core_axis_name="c", subcore_axis_name="s")

    @functools.partial(
        pl.kernel,
        mesh=mesh,
        compiler_params=pltpu.CompilerParams(needs_layout_passes=False,
                                             use_tc_tiling_on_sc=False),
        out_type=[jax.ShapeDtypeStruct((_B, _H), jnp.float32)] * 2,
        scratch_types=[
            pltpu.VMEM((_CH, _HW), jnp.float32),
            pltpu.VMEM((_CH, _HW), jnp.float32),
            pltpu.VMEM((_CH + 16,), jnp.int32),
            pltpu.VMEM((_CH + 16,), jnp.int32),
            pltpu.VMEM((2 * _B, _STR), jnp.float32),
            pltpu.VMEM((_B,), jnp.int32),
            pltpu.VMEM((_STR,), jnp.float32),
            pltpu.VMEM((_HW,), jnp.float32),
            pltpu.VMEM_SHARED((_B, _STR), jnp.float32),
            pltpu.VMEM_SHARED((_B, _STR), jnp.float32),
            pltpu.SemaphoreType.DMA,
            pltpu.SemaphoreType.DMA,
        ],
    )
    def sc_run(cpg_h, cb_h, mirna_h, mb_h, dna_h, mir_h,
               dbufA, dbufB, bbufA, bbufB, acc, iref, rowbuf, sbuf,
               szc, szm, semA, semB):
        sid = lax.axis_index("s")
        core = lax.axis_index("c")
        col0 = core * _HW
        off = lax.broadcasted_iota(jnp.int32, (16,), 0)
        ones = jnp.ones((16,), jnp.float32)
        zeros = jnp.zeros((16,), jnp.float32)
        mask0 = off == 0
        bufsA = (dbufA, bbufA, semA)
        bufsB = (dbufB, bbufB, semB)

        iref[...] = off

        def zrow(t, carry):
            row = t // (_STR // 16)
            grp = t % (_STR // 16)
            plsc.store_scatter(acc, [jnp.full((16,), row, jnp.int32),
                                     grp * 16 + off], zeros)
            return carry
        lax.fori_loop(0, 2 * _B * (_STR // 16), zrow, 0)
        for t in range(_STR // 16):
            rowbuf[pl.ds(t * 16, 16)] = zeros
        pltpu.sync_copy(rowbuf, szc.at[sid])
        pltpu.sync_copy(rowbuf, szm.at[sid])
        plsc.subcore_barrier()

        def flush_regs(av, seg_row, cnt):
            for j in range(4):
                plsc.addupdate_scatter(acc, [seg_row, (j * 16) + off], av[j])
            plsc.addupdate_scatter(acc, [seg_row, jnp.full((16,), _HW,
                                                           jnp.int32)],
                                   cnt, mask=mask0)

        def process(data_h, batch_h, n_rows, seg_base):
            nchunks = -(-n_rows // _CH)
            t_steps = -(-nchunks // _NT)

            def start_into(refs, c):
                dbuf, bbuf, sem = refs
                s2 = jnp.minimum(c * _CH, n_rows - _CH)
                pltpu.async_copy(data_h.at[pl.ds(s2, _CH), pl.ds(col0, _HW)],
                                 dbuf, sem)
                pltpu.async_copy(batch_h.at[pl.ds(s2, _CH)],
                                 bbuf.at[pl.ds(0, _CH)], sem)

            def wait_into(refs):
                dbuf, bbuf, sem = refs
                pltpu.make_async_copy(
                    data_h.at[pl.ds(0, _CH), pl.ds(0, _HW)], dbuf, sem).wait()
                pltpu.make_async_copy(batch_h.at[pl.ds(0, _CH)],
                                      bbuf.at[pl.ds(0, _CH)], sem).wait()

            def row_scatter(dbuf, bbuf, r_lo, r_hi):
                def row(i, carry):
                    bs = plsc.load_gather(bbuf,
                                          [jnp.full((16,), i, jnp.int32)])
                    seg_row = bs + seg_base
                    for j in range(4):
                        x = dbuf[i, pl.ds(j * 16, 16)]
                        plsc.addupdate_scatter(acc, [seg_row, (j * 16) + off],
                                               x)
                    plsc.addupdate_scatter(
                        acc, [seg_row, jnp.full((16,), _HW, jnp.int32)],
                        ones, mask=mask0)
                    return carry
                lax.fori_loop(r_lo, r_hi, row, 0)

            def chunk_work(dbuf, bbuf, c):
                s2 = jnp.minimum(c * _CH, n_rows - _CH)
                lo = c * _CH - s2
                v = bbuf[pl.ds(0, 16)]
                bmin = v
                bmax = v
                for t in range(1, _CH // 16):
                    v = bbuf[pl.ds(t * 16, 16)]
                    bmin = jnp.minimum(bmin, v)
                    bmax = jnp.maximum(bmax, v)
                bmin_s = jnp.min(bmin)
                bmax_s = jnp.max(bmax)
                uniform = jnp.logical_and(lo == 0, bmin_s == bmax_s)

                def fast():
                    def body(i, carry):
                        av = list(carry)
                        r0 = i * _RU
                        for u in range(_RU):
                            for j in range(4):
                                av[j] = av[j] + dbuf[r0 + u,
                                                     pl.ds(j * 16, 16)]
                        return tuple(av)
                    av = lax.fori_loop(0, _CH // _RU, body,
                                       tuple([zeros] * 4))
                    flush_regs(av, jnp.full((16,), bmin_s + seg_base,
                                            jnp.int32),
                               jnp.full((16,), float(_CH), jnp.float32))

                def slow():
                    def sub(g, carry):
                        r0 = g * _RU
                        bvec = bbuf[pl.ds(r0, 16)]
                        big = jnp.full((16,), 2 ** 30, jnp.int32)
                        small = jnp.full((16,), -2 ** 30, jnp.int32)
                        sel = off < _RU
                        mn = jnp.min(jnp.where(sel, bvec, big))
                        mx = jnp.max(jnp.where(sel, bvec, small))
                        ok = jnp.logical_and(mn == mx, r0 >= lo)

                        def gfast():
                            av = [zeros] * 4
                            for u in range(_RU):
                                for j in range(4):
                                    av[j] = av[j] + dbuf[r0 + u,
                                                         pl.ds(j * 16, 16)]
                            flush_regs(av, jnp.full((16,), mn + seg_base,
                                                    jnp.int32),
                                       jnp.full((16,), float(_RU),
                                                jnp.float32))

                        def grows():
                            row_scatter(dbuf, bbuf, jnp.maximum(lo, r0),
                                        r0 + _RU)

                        lax.cond(ok, gfast, grows)
                        return carry
                    lax.fori_loop(lo // _RU, _CH // _RU, sub, 0)

                lax.cond(uniform, fast, slow)

            def body(k, carry):
                c = sid + k * _NT

                def run(cur, nxt):
                    pl.when(k + 1 < t_steps)(lambda: start_into(nxt, c + _NT))
                    wait_into(cur)
                    dbuf, bbuf, _ = cur
                    bbuf[pl.ds(_CH, 16)] = bbuf[pl.ds(_CH - 16, 16)]
                    pl.when(c < nchunks)(lambda: chunk_work(dbuf, bbuf, c))

                lax.cond(k % 2 == 0,
                         lambda: run(bufsA, bufsB),
                         lambda: run(bufsB, bufsA))
                return carry

            start_into(bufsA, sid)
            lax.fori_loop(0, t_steps, body, 0)

        process(cpg_h, cb_h, n_c, 0)
        process(mirna_h, mb_h, n_m, _B)

        pltpu.sync_copy(acc.at[pl.ds(0, _B)], szc.at[iref], add=True)
        pltpu.sync_copy(acc.at[pl.ds(_B, _B)], szm.at[iref], add=True)
        plsc.subcore_barrier()

        def emit(shared, out_h):
            pltpu.sync_copy(shared.at[sid], rowbuf)
            cntv = plsc.load_gather(rowbuf,
                                    [jnp.full((16,), _HW, jnp.int32)])
            den = jnp.maximum(cntv, 1.0)
            for j in range(4):
                sbuf[pl.ds(j * 16, 16)] = rowbuf[pl.ds(j * 16, 16)] / den
            pltpu.sync_copy(sbuf, out_h.at[sid, pl.ds(col0, _HW)])

        emit(szc, dna_h)
        emit(szm, mir_h)

    return sc_run(cpg2, cb, mirna2, mb)


def _gene_body(b_ref, x_ref, wmt_ref, wct_ref, bm_ref, bc_ref,
               mrna_ref, cnv_ref, gsum, gcnt):
    i = pl.program_id(0)
    k_steps = pl.num_programs(0)

    @pl.when(i == 0)
    def _init():
        gsum[...] = jnp.zeros_like(gsum)
        gcnt[...] = jnp.zeros_like(gcnt)

    seg_ids = lax.broadcasted_iota(jnp.int32, (_B, _RG), 0)
    oh = (seg_ids == b_ref[0]).astype(jnp.float32)
    gsum[...] += jnp.dot(oh, x_ref[...], preferred_element_type=jnp.float32)
    gcnt[...] += jnp.sum(oh, axis=1, keepdims=True)

    @pl.when(i == k_steps - 1)
    def _fin():
        cnt = gcnt[:, 0:1]
        mean = gsum[...] / jnp.maximum(cnt, 1.0)
        mask = (cnt > 0.0).astype(jnp.float32)
        dn = (((1,), (1,)), ((), ()))
        mrna_ref[...] = (lax.dot_general(mean, wmt_ref[...], dn,
                                         preferred_element_type=jnp.float32)
                         + bm_ref[...] * mask)
        cnv_ref[...] = (lax.dot_general(mean, wct_ref[...], dn,
                                        preferred_element_type=jnp.float32)
                        + bc_ref[...] * mask)


def _gene_project(gene, gb3, wmt, wct, bm2, bc2):
    k_steps = gene.shape[0] // _RG
    return pl.pallas_call(
        _gene_body,
        grid=(k_steps,),
        in_specs=[
            pl.BlockSpec((1, 1, _RG), lambda i: (i, 0, 0)),
            pl.BlockSpec((_RG, _H), lambda i: (i, 0)),
            pl.BlockSpec((_H, _H), lambda i: (0, 0)),
            pl.BlockSpec((_H, _H), lambda i: (0, 0)),
            pl.BlockSpec((1, _H), lambda i: (0, 0)),
            pl.BlockSpec((1, _H), lambda i: (0, 0)),
        ],
        out_specs=[
            pl.BlockSpec((_B, _H), lambda i: (0, 0)),
            pl.BlockSpec((_B, _H), lambda i: (0, 0)),
        ],
        out_shape=[jax.ShapeDtypeStruct((_B, _H), jnp.float32)] * 2,
        scratch_shapes=[
            pltpu.VMEM((_B, _H), jnp.float32),
            pltpu.VMEM((_B, _H), jnp.float32),
        ],
    )(gb3, gene, wmt, wct, bm2, bc2)


def kernel(gene, cpg, mirna, gene_batch, cpg_batch, mirna_batch, Wm, bm, Wc, bc):
    gene = gene.astype(jnp.float32)
    cpg = cpg.astype(jnp.float32)
    mirna = mirna.astype(jnp.float32)
    gb = gene_batch.astype(jnp.int32)
    cb = cpg_batch.astype(jnp.int32)
    mb = mirna_batch.astype(jnp.int32)

    dna, mir = _sc_pool_means(cpg, cb, mirna, mb)
    mrna, cnv = _gene_project(
        gene, gb.reshape(-1, 1, _RG),
        Wm.astype(jnp.float32), Wc.astype(jnp.float32),
        bm.astype(jnp.float32).reshape(1, _H),
        bc.astype(jnp.float32).reshape(1, _H),
    )
    return (mrna, cnv, dna, mir)

# --- scband reference (transcript-rebuilt; emitter-appended) ---
"""Pipeline reference for scband-modality-pooling-85091892068531 (READ-ONLY COPY).

The authoritative reference and input builder live on the scoring server;
editing this copy changes nothing except your own understanding.
"""

import jax, jax.numpy as jnp
import numpy as np

H = 128
B = 16

def setup_inputs(seed: int = 0) -> dict:
    key = jax.random.key(seed)
    ks = jax.random.split(key, 10)
    gene = jax.random.normal(ks[0], (100000, H), dtype=jnp.float32)
    cpg = jax.random.normal(ks[1], (100000, H), dtype=jnp.float32)
    mirna = jax.random.normal(ks[2], (50000, H), dtype=jnp.float32)
    gene_batch = jnp.sort(jax.random.randint(ks[3], (100000,), 0, B))
    cpg_batch = jnp.sort(jax.random.randint(ks[4], (100000,), 0, B))
    mirna_batch = jnp.sort(jax.random.randint(ks[5], (50000,), 0, B))
    # projection head params (nn.Linear weight [out,in] and bias)
    Wm = jax.random.normal(ks[6], (H, H), dtype=jnp.float32) * (1.0 / np.sqrt(H))
    bm = jax.random.normal(ks[7], (H,), dtype=jnp.float32) * 0.01
    Wc = jax.random.normal(ks[8], (H, H), dtype=jnp.float32) * (1.0 / np.sqrt(H))
    bc = jax.random.normal(ks[9], (H,), dtype=jnp.float32) * 0.01
    return {"gene": gene, "cpg": cpg, "mirna": mirna,
            "gene_batch": gene_batch, "cpg_batch": cpg_batch, "mirna_batch": mirna_batch,
            "Wm": Wm, "bm": bm, "Wc": Wc, "bc": bc}

def _mean_pool(x, batch):
    s = jax.ops.segment_sum(x, batch, num_segments=B)
    cnt = jax.ops.segment_sum(jnp.ones((x.shape[0], 1), x.dtype), batch, num_segments=B)
    return s / jnp.clip(cnt, 1.0, None)

def reference(gene, cpg, mirna, gene_batch, cpg_batch, mirna_batch, Wm, bm, Wc, bc):
    mrna_emb = gene @ Wm.T + bm
    cnv_emb = gene @ Wc.T + bc
    mrna = _mean_pool(mrna_emb, gene_batch)
    cnv = _mean_pool(cnv_emb, gene_batch)
    dnameth = _mean_pool(cpg, cpg_batch)
    mirna_out = _mean_pool(mirna, mirna_batch)
    return (mrna, cnv, dnameth, mirna_out)

if __name__ == "__main__":
    import jax
    _d = setup_inputs()
    print(jax.jit(kernel)(*tuple(_d.values())))

</pallas_src>

<mosaic_0001>
#map = affine_map<(d0, d1) -> (0, 0)>
#map1 = affine_map<(d0, d1) -> (0)>
module attributes {stable_mosaic.version = 14 : i64} {
  func.func @sc_run(%arg0: i32, %arg1: i32, %arg2: memref<100000x128xf32, #tpu.memory_space<hbm>>, %arg3: memref<100000xi32, #tpu.memory_space<hbm>>, %arg4: memref<50000x128xf32, #tpu.memory_space<hbm>>, %arg5: memref<50000xi32, #tpu.memory_space<hbm>>, %arg6: memref<16x128xf32, #tpu.memory_space<hbm>>, %arg7: memref<16x128xf32, #tpu.memory_space<hbm>>, %arg8: memref<448x64xf32, #tpu.memory_space<vmem>>, %arg9: memref<448x64xf32, #tpu.memory_space<vmem>>, %arg10: memref<464xi32, #tpu.memory_space<vmem>>, %arg11: memref<464xi32, #tpu.memory_space<vmem>>, %arg12: memref<32x80xf32, #tpu.memory_space<vmem>>, %arg13: memref<16xi32, #tpu.memory_space<vmem>>, %arg14: memref<80xf32, #tpu.memory_space<vmem>>, %arg15: memref<64xf32, #tpu.memory_space<vmem>>, %arg16: memref<16x80xf32, #tpu.memory_space<vmem_shared>>, %arg17: memref<16x80xf32, #tpu.memory_space<vmem_shared>>, %arg18: memref<!tpu.dma_semaphore, #tpu.memory_space<semaphore_mem>>, %arg19: memref<!tpu.dma_semaphore, #tpu.memory_space<semaphore_mem>>) attributes {dimension_semantics = [#tpu.dimension_semantics<core_parallel>, #tpu.dimension_semantics<subcore_parallel>], iteration_bounds = array<i64: 2, 16>, scalar_prefetch = 0 : i64, scratch_operands = 12 : i64, tpu.core_type = #tpu.core_type<sc_vector_subcore>, window_params = [{transform_indices = #map}, {transform_indices = #map1}, {transform_indices = #map}, {transform_indices = #map1}, {transform_indices = #map}, {transform_indices = #map}]} {
    %mul3A = arith.constant 64 : i32
    %mul3A_0 = arith.muli %arg0, %mul3A : i32
    %iota3A = tpu.iota {dimensions = array<i32: 0>} : vector<16xi32>
    %broadcast_in_dim3A = arith.constant 1.000000e+00 : f32
    %broadcast_in_dim3A_1 = vector.broadcast %broadcast_in_dim3A : f32 to vector<16xf32>
    %broadcast_in_dim3A_2 = arith.constant 0.000000e+00 : f32
    %broadcast_in_dim3A_3 = vector.broadcast %broadcast_in_dim3A_2 : f32 to vector<16xf32>
    %eq3A = arith.constant 0 : i32
    %eq3A_4 = vector.broadcast %eq3A : i32 to vector<16xi32>
    %eq3A_5 = arith.cmpi eq, %iota3A, %eq3A_4 : vector<16xi32>
    %swap3A = arith.constant 0 : index
    %swap3A_6 = tpu.vector_load %arg13[%swap3A] {strides = array<i32>} : memref<16xi32, #tpu.memory_space<vmem>>, vector<16xi32>,
    tpu.vector_store %arg13[%swap3A], %iota3A {strides = array<i32>} : memref<16xi32, #tpu.memory_space<vmem>>, vector<16xi32>,
    %scan3A = arith.constant 0 : i32
    %scan3A_7 = arith.constant 0 : i32
    %scan3A_8 = arith.constant 160 : i32
    %scan3A_9 = arith.addi %scan3A_7, %scan3A_8 : i32
    %scan3A_10 = arith.constant 1 : i32
    scf.for %scan3A_105 = %scan3A_7 to %scan3A_9 step %scan3A_10  : i32 {
      %jit3A = arith.constant 5 : i32
      %div3A_106 = arith.divsi %scan3A_105, %jit3A : i32
      %sign3A = arith.constant 0 : i32
      %sign3A_107 = arith.cmpi sgt, %scan3A_105, %sign3A : i32
      %sign3A_108 = arith.extui %sign3A_107 : i1 to i32
      %sign3A_109 = arith.constant 0 : i32
      %sign3A_110 = arith.cmpi slt, %scan3A_105, %sign3A_109 : i32
      %sign3A_111 = arith.extui %sign3A_110 : i1 to i32
      %sign3A_112 = arith.subi %sign3A_108, %sign3A_111 : i32
      %sign3A_113 = arith.constant 0 : i32
      %sign3A_114 = arith.cmpi sgt, %jit3A, %sign3A_113 : i32
      %sign3A_115 = arith.extui %sign3A_114 : i1 to i32
      %sign3A_116 = arith.constant 0 : i32
      %sign3A_117 = arith.cmpi slt, %jit3A, %sign3A_116 : i32
      %sign3A_118 = arith.extui %sign3A_117 : i1 to i32
      %sign3A_119 = arith.subi %sign3A_115, %sign3A_118 : i32
      %ne3A = arith.cmpi ne, %sign3A_112, %sign3A_119 : i32
      %rem3A = arith.remsi %scan3A_105, %jit3A : i32
      %ne3A_120 = arith.constant 0 : i32
      %ne3A_121 = arith.cmpi ne, %rem3A, %ne3A_120 : i32
      %and3A = arith.andi %ne3A, %ne3A_121 : i1
      %sub3A = arith.constant 1 : i32
      %sub3A_122 = arith.subi %div3A_106, %sub3A : i32
      %select_n3A = arith.select %and3A, %sub3A_122, %div3A_106 : i32
      %jit3A_123 = arith.constant 5 : i32
      %eq3A_124 = arith.constant 0 : i32
      %eq3A_125 = arith.cmpi eq, %jit3A_123, %eq3A_124 : i32
      %jit3A_126 = arith.constant 1 : i32
      %select_n3A_127 = arith.select %eq3A_125, %jit3A_126, %jit3A_123 : i32
      %rem3A_128 = arith.remsi %scan3A_105, %select_n3A_127 : i32
      %ne3A_129 = arith.constant 0 : i32
      %ne3A_130 = arith.cmpi ne, %rem3A_128, %ne3A_129 : i32
      %lt3A = arith.constant 0 : i32
      %lt3A_131 = arith.cmpi slt, %rem3A_128, %lt3A : i32
      %lt3A_132 = arith.constant 0 : i32
      %lt3A_133 = arith.cmpi slt, %select_n3A_127, %lt3A_132 : i32
      %ne3A_134 = arith.xori %lt3A_131, %lt3A_133 : i1
      %and3A_135 = arith.andi %ne3A_134, %ne3A_130 : i1
      %add3A = arith.addi %rem3A_128, %select_n3A_127 : i32
      %select_n3A_136 = arith.select %and3A_135, %add3A, %rem3A_128 : i32
      %broadcast_in_dim3A_137 = vector.broadcast %select_n3A : i32 to vector<16xi32>
      %mul3A_138 = arith.constant 16 : i32
      %mul3A_139 = arith.muli %select_n3A_136, %mul3A_138 : i32
      %add3A_140 = vector.broadcast %mul3A_139 : i32 to vector<16xi32>
      %add3A_141 = arith.addi %add3A_140, %iota3A : vector<16xi32>
      tpu.vector_store_idx %arg12[%broadcast_in_dim3A_137, %add3A_141], %broadcast_in_dim3A_3 : memref<32x80xf32, #tpu.memory_space<vmem>>[vector<16xi32>, vector<16xi32>], vector<16xf32>,
    }
    %scan3A_11 = arith.constant 160 : i32
    %swap3A_12 = arith.constant 0 : index
    %swap3A_13 = tpu.vector_load %arg14[%swap3A_12] {strides = array<i32>} : memref<80xf32, #tpu.memory_space<vmem>>, vector<16xf32>,
    tpu.vector_store %arg14[%swap3A_12], %broadcast_in_dim3A_3 {strides = array<i32>} : memref<80xf32, #tpu.memory_space<vmem>>, vector<16xf32>,
    %swap3A_14 = arith.constant 16 : index
    %swap3A_15 = tpu.vector_load %arg14[%swap3A_14] {strides = array<i32>} : memref<80xf32, #tpu.memory_space<vmem>>, vector<16xf32>,
    tpu.vector_store %arg14[%swap3A_14], %broadcast_in_dim3A_3 {strides = array<i32>} : memref<80xf32, #tpu.memory_space<vmem>>, vector<16xf32>,
    %swap3A_16 = arith.constant 32 : index
    %swap3A_17 = tpu.vector_load %arg14[%swap3A_16] {strides = array<i32>} : memref<80xf32, #tpu.memory_space<vmem>>, vector<16xf32>,
    tpu.vector_store %arg14[%swap3A_16], %broadcast_in_dim3A_3 {strides = array<i32>} : memref<80xf32, #tpu.memory_space<vmem>>, vector<16xf32>,
    %swap3A_18 = arith.constant 48 : index
    %swap3A_19 = tpu.vector_load %arg14[%swap3A_18] {strides = array<i32>} : memref<80xf32, #tpu.memory_space<vmem>>, vector<16xf32>,
    tpu.vector_store %arg14[%swap3A_18], %broadcast_in_dim3A_3 {strides = array<i32>} : memref<80xf32, #tpu.memory_space<vmem>>, vector<16xf32>,
    %swap3A_20 = arith.constant 64 : index
    %swap3A_21 = tpu.vector_load %arg14[%swap3A_20] {strides = array<i32>} : memref<80xf32, #tpu.memory_space<vmem>>, vector<16xf32>,
    tpu.vector_store %arg14[%swap3A_20], %broadcast_in_dim3A_3 {strides = array<i32>} : memref<80xf32, #tpu.memory_space<vmem>>, vector<16xf32>,
    "tpu.region"() ({
      %run_scoped3A = tpu.sem_alloc : memref<!tpu.dma_semaphore, #tpu.memory_space<semaphore_mem>>
      %dma_start3A_105 = arith.constant 0 : i32
      %dma_start3A_106 = tpu.memref_slice %arg16[%arg1, %dma_start3A_105] : memref<16x80xf32, #tpu.memory_space<vmem_shared>> -> memref<1x80xf32, #tpu.memory_space<vmem_shared>>
      %dma_start3A_107 = tpu.memref_squeeze %dma_start3A_106 : memref<1x80xf32, #tpu.memory_space<vmem_shared>> -> memref<80xf32, #tpu.memory_space<vmem_shared>>
      %dma_start3A_108 = arith.constant 0 : i32
      %dma_start3A_109 = tpu.memref_slice %arg16[%arg1, %dma_start3A_108] : memref<16x80xf32, #tpu.memory_space<vmem_shared>> -> memref<1x80xf32, #tpu.memory_space<vmem_shared>>
      %dma_start3A_110 = tpu.memref_squeeze %dma_start3A_109 : memref<1x80xf32, #tpu.memory_space<vmem_shared>> -> memref<80xf32, #tpu.memory_space<vmem_shared>>
      tpu.enqueue_dma source(%arg14 : memref<80xf32, #tpu.memory_space<vmem>>) target(%dma_start3A_110 : memref<80xf32, #tpu.memory_space<vmem_shared>>) target_semaphore(%run_scoped3A : memref<!tpu.dma_semaphore, #tpu.memory_space<semaphore_mem>>)
      %dma_wait3A = arith.constant 0 : i32
      %dma_wait3A_111 = tpu.memref_slice %arg16[%arg1, %dma_wait3A] : memref<16x80xf32, #tpu.memory_space<vmem_shared>> -> memref<1x80xf32, #tpu.memory_space<vmem_shared>>
      %dma_wait3A_112 = tpu.memref_squeeze %dma_wait3A_111 : memref<1x80xf32, #tpu.memory_space<vmem_shared>> -> memref<80xf32, #tpu.memory_space<vmem_shared>>
      %dma_wait3A_113 = arith.constant 0 : i32
      %dma_wait3A_114 = tpu.memref_slice %arg16[%arg1, %dma_wait3A_113] : memref<16x80xf32, #tpu.memory_space<vmem_shared>> -> memref<1x80xf32, #tpu.memory_space<vmem_shared>>
      %dma_wait3A_115 = tpu.memref_squeeze %dma_wait3A_114 : memref<1x80xf32, #tpu.memory_space<vmem_shared>> -> memref<80xf32, #tpu.memory_space<vmem_shared>>
      tpu.wait_dma2 semaphore(%run_scoped3A : memref<!tpu.dma_semaphore, #tpu.memory_space<semaphore_mem>>) src(%arg14 : memref<80xf32, #tpu.memory_space<vmem>>) dst(%dma_wait3A_115 : memref<80xf32, #tpu.memory_space<vmem_shared>>)
      tpu.yield
    }) : () -> ()
    "tpu.region"() ({
      %run_scoped3A = tpu.sem_alloc : memref<!tpu.dma_semaphore, #tpu.memory_space<semaphore_mem>>
      %dma_start3A_105 = arith.constant 0 : i32
      %dma_start3A_106 = tpu.memref_slice %arg17[%arg1, %dma_start3A_105] : memref<16x80xf32, #tpu.memory_space<vmem_shared>> -> memref<1x80xf32, #tpu.memory_space<vmem_shared>>
      %dma_start3A_107 = tpu.memref_squeeze %dma_start3A_106 : memref<1x80xf32, #tpu.memory_space<vmem_shared>> -> memref<80xf32, #tpu.memory_space<vmem_shared>>
      %dma_start3A_108 = arith.constant 0 : i32
      %dma_start3A_109 = tpu.memref_slice %arg17[%arg1, %dma_start3A_108] : memref<16x80xf32, #tpu.memory_space<vmem_shared>> -> memref<1x80xf32, #tpu.memory_space<vmem_shared>>
      %dma_start3A_110 = tpu.memref_squeeze %dma_start3A_109 : memref<1x80xf32, #tpu.memory_space<vmem_shared>> -> memref<80xf32, #tpu.memory_space<vmem_shared>>
      tpu.enqueue_dma source(%arg14 : memref<80xf32, #tpu.memory_space<vmem>>) target(%dma_start3A_110 : memref<80xf32, #tpu.memory_space<vmem_shared>>) target_semaphore(%run_scoped3A : memref<!tpu.dma_semaphore, #tpu.memory_space<semaphore_mem>>)
      %dma_wait3A = arith.constant 0 : i32
      %dma_wait3A_111 = tpu.memref_slice %arg17[%arg1, %dma_wait3A] : memref<16x80xf32, #tpu.memory_space<vmem_shared>> -> memref<1x80xf32, #tpu.memory_space<vmem_shared>>
      %dma_wait3A_112 = tpu.memref_squeeze %dma_wait3A_111 : memref<1x80xf32, #tpu.memory_space<vmem_shared>> -> memref<80xf32, #tpu.memory_space<vmem_shared>>
      %dma_wait3A_113 = arith.constant 0 : i32
      %dma_wait3A_114 = tpu.memref_slice %arg17[%arg1, %dma_wait3A_113] : memref<16x80xf32, #tpu.memory_space<vmem_shared>> -> memref<1x80xf32, #tpu.memory_space<vmem_shared>>
      %dma_wait3A_115 = tpu.memref_squeeze %dma_wait3A_114 : memref<1x80xf32, #tpu.memory_space<vmem_shared>> -> memref<80xf32, #tpu.memory_space<vmem_shared>>
      tpu.wait_dma2 semaphore(%run_scoped3A : memref<!tpu.dma_semaphore, #tpu.memory_space<semaphore_mem>>) src(%arg14 : memref<80xf32, #tpu.memory_space<vmem>>) dst(%dma_wait3A_115 : memref<80xf32, #tpu.memory_space<vmem_shared>>)
      tpu.yield
    }) : () -> ()
    %barrier3A = arith.constant 0 : index
    tpu.barrier barrier_id(%barrier3A)
    %mul3A_22 = arith.constant 448 : i32
    %mul3A_23 = arith.muli %arg1, %mul3A_22 : i32
    %min3A = arith.constant 99552 : i32
    %min3A_24 = arith.minsi %mul3A_23, %min3A : i32
    %dma_start3A = tpu.memref_slice %arg2[%min3A_24, %mul3A_0] : memref<100000x128xf32, #tpu.memory_space<hbm>> -> memref<448x64xf32, #tpu.memory_space<hbm>>
    %dma_start3A_25 = tpu.memref_slice %arg2[%min3A_24, %mul3A_0] : memref<100000x128xf32, #tpu.memory_space<hbm>> -> memref<448x64xf32, #tpu.memory_space<hbm>>
    tpu.enqueue_dma source(%dma_start3A_25 : memref<448x64xf32, #tpu.memory_space<hbm>>) target(%arg8 : memref<448x64xf32, #tpu.memory_space<vmem>>) target_semaphore(%arg18 : memref<!tpu.dma_semaphore, #tpu.memory_space<semaphore_mem>>)
    %dma_start3A_26 = arith.constant 0 : i32
    %dma_start3A_27 = tpu.memref_slice %arg10[%dma_start3A_26] : memref<464xi32, #tpu.memory_space<vmem>> -> memref<448xi32, #tpu.memory_space<vmem>>
    %dma_start3A_28 = tpu.memref_slice %arg3[%min3A_24] : memref<100000xi32, #tpu.memory_space<hbm>> -> memref<448xi32, #tpu.memory_space<hbm>>
    %dma_start3A_29 = arith.constant 0 : i32
    %dma_start3A_30 = tpu.memref_slice %arg10[%dma_start3A_29] : memref<464xi32, #tpu.memory_space<vmem>> -> memref<448xi32, #tpu.memory_space<vmem>>
    %dma_start3A_31 = tpu.memref_slice %arg3[%min3A_24] : memref<100000xi32, #tpu.memory_space<hbm>> -> memref<448xi32, #tpu.memory_space<hbm>>
    tpu.enqueue_dma source(%dma_start3A_31 : memref<448xi32, #tpu.memory_space<hbm>>) target(%dma_start3A_30 : memref<448xi32, #tpu.memory_space<vmem>>) target_semaphore(%arg18 : memref<!tpu.dma_semaphore, #tpu.memory_space<semaphore_mem>>)
    %scan3A_32 = arith.constant 0 : i32
    %scan3A_33 = arith.constant 0 : i32
    %scan3A_34 = arith.constant 14 : i32
    %scan3A_35 = arith.addi %scan3A_33, %scan3A_34 : i32
    %scan3A_36 = arith.constant 1 : i32
    scf.for %scan3A_105 = %scan3A_33 to %scan3A_35 step %scan3A_36  : i32 {
      %mul3A_106 = arith.constant 16 : i32
      %mul3A_107 = arith.muli %scan3A_105, %mul3A_106 : i32
      %add3A = arith.addi %arg1, %mul3A_107 : i32
      %jit3A = arith.constant 2 : i32
      %eq3A_108 = arith.constant 0 : i32
      %eq3A_109 = arith.cmpi eq, %jit3A, %eq3A_108 : i32
      %jit3A_110 = arith.constant 1 : i32
      %select_n3A = arith.select %eq3A_109, %jit3A_110, %jit3A : i32
      %rem3A = arith.remsi %scan3A_105, %select_n3A : i32
      %ne3A = arith.constant 0 : i32
      %ne3A_111 = arith.cmpi ne, %rem3A, %ne3A : i32
      %lt3A = arith.constant 0 : i32
      %lt3A_112 = arith.cmpi slt, %rem3A, %lt3A : i32
      %lt3A_113 = arith.constant 0 : i32
      %lt3A_114 = arith.cmpi slt, %select_n3A, %lt3A_113 : i32
      %ne3A_115 = arith.xori %lt3A_112, %lt3A_114 : i1
      %and3A = arith.andi %ne3A_115, %ne3A_111 : i1
      %add3A_116 = arith.addi %rem3A, %select_n3A : i32
      %select_n3A_117 = arith.select %and3A, %add3A_116, %rem3A : i32
      %eq3A_118 = arith.constant 0 : i32
      %eq3A_119 = arith.cmpi eq, %select_n3A_117, %eq3A_118 : i32
      %convert_element_type3A = arith.extui %eq3A_119 : i1 to i32
      %cond3A = arith.constant 0 : i32
      %cond3A_120 = arith.cmpi ne, %convert_element_type3A, %cond3A : i32
      scf.if %cond3A_120 {
        %add3A_121 = arith.constant 1 : i32
        %add3A_122 = arith.addi %scan3A_105, %add3A_121 : i32
        %lt3A_123 = arith.constant 14 : i32
        %lt3A_124 = arith.cmpi slt, %add3A_122, %lt3A_123 : i32
        %convert_element_type3A_125 = arith.extui %lt3A_124 : i1 to i32
        %cond3A_126 = arith.constant 0 : i32
        %cond3A_127 = arith.cmpi ne, %convert_element_type3A_125, %cond3A_126 : i32
        scf.if %cond3A_127 {
          %add3A_150 = arith.constant 16 : i32
          %add3A_151 = arith.addi %add3A, %add3A_150 : i32
          %mul3A_152 = arith.constant 448 : i32
          %mul3A_153 = arith.muli %add3A_151, %mul3A_152 : i32
          %min3A_154 = arith.constant 99552 : i32
          %min3A_155 = arith.minsi %mul3A_153, %min3A_154 : i32
          %dma_start3A_156 = tpu.memref_slice %arg2[%min3A_155, %mul3A_0] : memref<100000x128xf32, #tpu.memory_space<hbm>> -> memref<448x64xf32, #tpu.memory_space<hbm>>
          %dma_start3A_157 = tpu.memref_slice %arg2[%min3A_155, %mul3A_0] : memref<100000x128xf32, #tpu.memory_space<hbm>> -> memref<448x64xf32, #tpu.memory_space<hbm>>
          tpu.enqueue_dma source(%dma_start3A_157 : memref<448x64xf32, #tpu.memory_space<hbm>>) target(%arg9 : memref<448x64xf32, #tpu.memory_space<vmem>>) target_semaphore(%arg19 : memref<!tpu.dma_semaphore, #tpu.memory_space<semaphore_mem>>)
          %dma_start3A_158 = arith.constant 0 : i32
          %dma_start3A_159 = tpu.memref_slice %arg11[%dma_start3A_158] : memref<464xi32, #tpu.memory_space<vmem>> -> memref<448xi32, #tpu.memory_space<vmem>>
          %dma_start3A_160 = tpu.memref_slice %arg3[%min3A_155] : memref<100000xi32, #tpu.memory_space<hbm>> -> memref<448xi32, #tpu.memory_space<hbm>>
          %dma_start3A_161 = arith.constant 0 : i32
          %dma_start3A_162 = tpu.memref_slice %arg11[%dma_start3A_161] : memref<464xi32, #tpu.memory_space<vmem>> -> memref<448xi32, #tpu.memory_space<vmem>>
          %dma_start3A_163 = tpu.memref_slice %arg3[%min3A_155] : memref<100000xi32, #tpu.memory_space<hbm>> -> memref<448xi32, #tpu.memory_space<hbm>>
          tpu.enqueue_dma source(%dma_start3A_163 : memref<448xi32, #tpu.memory_space<hbm>>) target(%dma_start3A_162 : memref<448xi32, #tpu.memory_space<vmem>>) target_semaphore(%arg19 : memref<!tpu.dma_semaphore, #tpu.memory_space<semaphore_mem>>)
        } else {
        }
        %dma_wait3A = arith.constant 0 : i32
        %dma_wait3A_128 = arith.constant 0 : i32
        %dma_wait3A_129 = tpu.memref_slice %arg2[%dma_wait3A, %dma_wait3A_128] : memref<100000x128xf32, #tpu.memory_space<hbm>> -> memref<448x64xf32, #tpu.memory_space<hbm>>
        %dma_wait3A_130 = arith.constant 0 : i32
        %dma_wait3A_131 = arith.constant 0 : i32
        %dma_wait3A_132 = tpu.memref_slice %arg2[%dma_wait3A_130, %dma_wait3A_131] : memref<100000x128xf32, #tpu.memory_space<hbm>> -> memref<448x64xf32, #tpu.memory_space<hbm>>
        tpu.wait_dma2 semaphore(%arg18 : memref<!tpu.dma_semaphore, #tpu.memory_space<semaphore_mem>>) src(%dma_wait3A_132 : memref<448x64xf32, #tpu.memory_space<hbm>>) dst(%arg8 : memref<448x64xf32, #tpu.memory_space<vmem>>)
        %dma_wait3A_133 = arith.constant 0 : i32
        %dma_wait3A_134 = tpu.memref_slice %arg10[%dma_wait3A_133] : memref<464xi32, #tpu.memory_space<vmem>> -> memref<448xi32, #tpu.memory_space<vmem>>
        %dma_wait3A_135 = arith.constant 0 : i32
        %dma_wait3A_136 = tpu.memref_slice %arg3[%dma_wait3A_135] : memref<100000xi32, #tpu.memory_space<hbm>> -> memref<448xi32, #tpu.memory_space<hbm>>
        %dma_wait3A_137 = arith.constant 0 : i32
        %dma_wait3A_138 = tpu.memref_slice %arg10[%dma_wait3A_137] : memref<464xi32, #tpu.memory_space<vmem>> -> memref<448xi32, #tpu.memory_space<vmem>>
        %dma_wait3A_139 = arith.constant 0 : i32
        %dma_wait3A_140 = tpu.memref_slice %arg3[%dma_wait3A_139] : memref<100000xi32, #tpu.memory_space<hbm>> -> memref<448xi32, #tpu.memory_space<hbm>>
        tpu.wait_dma2 semaphore(%arg18 : memref<!tpu.dma_semaphore, #tpu.memory_space<semaphore_mem>>) src(%dma_wait3A_140 : memref<448xi32, #tpu.memory_space<hbm>>) dst(%dma_wait3A_138 : memref<448xi32, #tpu.memory_space<vmem>>)
        %get3A_141 = arith.constant 432 : index
        %get3A_142 = tpu.vector_load %arg10[%get3A_141] {strides = array<i32>} : memref<464xi32, #tpu.memory_space<vmem>>, vector<16xi32>,
        %swap3A_143 = arith.constant 448 : index
        %swap3A_144 = tpu.vector_load %arg10[%swap3A_143] {strides = array<i32>} : memref<464xi32, #tpu.memory_space<vmem>>, vector<16xi32>,
        tpu.vector_store %arg10[%swap3A_143], %get3A_142 {strides = array<i32>} : memref<464xi32, #tpu.memory_space<vmem>>, vector<16xi32>,
        %lt3A_145 = arith.constant 224 : i32
        %lt3A_146 = arith.cmpi slt, %add3A, %lt3A_145 : i32
        %convert_element_type3A_147 = arith.extui %lt3A_146 : i1 to i32
        %cond3A_148 = arith.constant 0 : i32
        %cond3A_149 = arith.cmpi ne, %convert_element_type3A_147, %cond3A_148 : i32
        scf.if %cond3A_149 {
          %mul3A_150 = arith.constant 448 : i32
          %mul3A_151 = arith.muli %add3A, %mul3A_150 : i32
          %min3A_152 = arith.constant 99552 : i32
          %min3A_153 = arith.minsi %mul3A_151, %min3A_152 : i32
          %mul3A_154 = arith.constant 448 : i32
          %mul3A_155 = arith.muli %add3A, %mul3A_154 : i32
          %sub3A = arith.subi %mul3A_155, %min3A_153 : i32
          %get3A_156 = arith.constant 0 : index
          %get3A_157 = tpu.vector_load %arg10[%get3A_156] {strides = array<i32>} : memref<464xi32, #tpu.memory_space<vmem>>, vector<16xi32>,
          %get3A_158 = arith.constant 16 : index
          %get3A_159 = tpu.vector_load %arg10[%get3A_158] {strides = array<i32>} : memref<464xi32, #tpu.memory_space<vmem>>, vector<16xi32>,
          %min3A_160 = arith.minsi %get3A_157, %get3A_159 : vector<16xi32>
          %max3A_161 = arith.maxsi %get3A_157, %get3A_159 : vector<16xi32>
          %get3A_162 = arith.constant 32 : index
          %get3A_163 = tpu.vector_load %arg10[%get3A_162] {strides = array<i32>} : memref<464xi32, #tpu.memory_space<vmem>>, vector<16xi32>,
          %min3A_164 = arith.minsi %min3A_160, %get3A_163 : vector<16xi32>
          %max3A_165 = arith.maxsi %max3A_161, %get3A_163 : vector<16xi32>
          %get3A_166 = arith.constant 48 : index
          %get3A_167 = tpu.vector_load %arg10[%get3A_166] {strides = array<i32>} : memref<464xi32, #tpu.memory_space<vmem>>, vector<16xi32>,
          %min3A_168 = arith.minsi %min3A_164, %get3A_167 : vector<16xi32>
          %max3A_169 = arith.maxsi %max3A_165, %get3A_167 : vector<16xi32>
          %get3A_170 = arith.constant 64 : index
          %get3A_171 = tpu.vector_load %arg10[%get3A_170] {strides = array<i32>} : memref<464xi32, #tpu.memory_space<vmem>>, vector<16xi32>,
          %min3A_172 = arith.minsi %min3A_168, %get3A_171 : vector<16xi32>
          %max3A_173 = arith.maxsi %max3A_169, %get3A_171 : vector<16xi32>
          %get3A_174 = arith.constant 80 : index
          %get3A_175 = tpu.vector_load %arg10[%get3A_174] {strides = array<i32>} : memref<464xi32, #tpu.memory_space<vmem>>, vector<16xi32>,
          %min3A_176 = arith.minsi %min3A_172, %get3A_175 : vector<16xi32>
          %max3A_177 = arith.maxsi %max3A_173, %get3A_175 : vector<16xi32>
          %get3A_178 = arith.constant 96 : index
          %get3A_179 = tpu.vector_load %arg10[%get3A_178] {strides = array<i32>} : memref<464xi32, #tpu.memory_space<vmem>>, vector<16xi32>,
          %min3A_180 = arith.minsi %min3A_176, %get3A_179 : vector<16xi32>
          %max3A_181 = arith.maxsi %max3A_177, %get3A_179 : vector<16xi32>
          %get3A_182 = arith.constant 112 : index
          %get3A_183 = tpu.vector_load %arg10[%get3A_182] {strides = array<i32>} : memref<464xi32, #tpu.memory_space<vmem>>, vector<16xi32>,
          %min3A_184 = arith.minsi %min3A_180, %get3A_183 : vector<16xi32>
          %max3A_185 = arith.maxsi %max3A_181, %get3A_183 : vector<16xi32>
          %get3A_186 = arith.constant 128 : index
          %get3A_187 = tpu.vector_load %arg10[%get3A_186] {strides = array<i32>} : memref<464xi32, #tpu.memory_space<vmem>>, vector<16xi32>,
          %min3A_188 = arith.minsi %min3A_184, %get3A_187 : vector<16xi32>
          %max3A_189 = arith.maxsi %max3A_185, %get3A_187 : vector<16xi32>
          %get3A_190 = arith.constant 144 : index
          %get3A_191 = tpu.vector_load %arg10[%get3A_190] {strides = array<i32>} : memref<464xi32, #tpu.memory_space<vmem>>, vector<16xi32>,
          %min3A_192 = arith.minsi %min3A_188, %get3A_191 : vector<16xi32>
          %max3A_193 = arith.maxsi %max3A_189, %get3A_191 : vector<16xi32>
          %get3A_194 = arith.constant 160 : index
          %get3A_195 = tpu.vector_load %arg10[%get3A_194] {strides = array<i32>} : memref<464xi32, #tpu.memory_space<vmem>>, vector<16xi32>,
          %min3A_196 = arith.minsi %min3A_192, %get3A_195 : vector<16xi32>
          %max3A_197 = arith.maxsi %max3A_193, %get3A_195 : vector<16xi32>
          %get3A_198 = arith.constant 176 : index
          %get3A_199 = tpu.vector_load %arg10[%get3A_198] {strides = array<i32>} : memref<464xi32, #tpu.memory_space<vmem>>, vector<16xi32>,
          %min3A_200 = arith.minsi %min3A_196, %get3A_199 : vector<16xi32>
          %max3A_201 = arith.maxsi %max3A_197, %get3A_199 : vector<16xi32>
          %get3A_202 = arith.constant 192 : index
          %get3A_203 = tpu.vector_load %arg10[%get3A_202] {strides = array<i32>} : memref<464xi32, #tpu.memory_space<vmem>>, vector<16xi32>,
          %min3A_204 = arith.minsi %min3A_200, %get3A_203 : vector<16xi32>
          %max3A_205 = arith.maxsi %max3A_201, %get3A_203 : vector<16xi32>
          %get3A_206 = arith.constant 208 : index
          %get3A_207 = tpu.vector_load %arg10[%get3A_206] {strides = array<i32>} : memref<464xi32, #tpu.memory_space<vmem>>, vector<16xi32>,
          %min3A_208 = arith.minsi %min3A_204, %get3A_207 : vector<16xi32>
          %max3A_209 = arith.maxsi %max3A_205, %get3A_207 : vector<16xi32>
          %get3A_210 = arith.constant 224 : index
          %get3A_211 = tpu.vector_load %arg10[%get3A_210] {strides = array<i32>} : memref<464xi32, #tpu.memory_space<vmem>>, vector<16xi32>,
          %min3A_212 = arith.minsi %min3A_208, %get3A_211 : vector<16xi32>
          %max3A_213 = arith.maxsi %max3A_209, %get3A_211 : vector<16xi32>
          %get3A_214 = arith.constant 240 : index
          %get3A_215 = tpu.vector_load %arg10[%get3A_214] {strides = array<i32>} : memref<464xi32, #tpu.memory_space<vmem>>, vector<16xi32>,
          %min3A_216 = arith.minsi %min3A_212, %get3A_215 : vector<16xi32>
          %max3A_217 = arith.maxsi %max3A_213, %get3A_215 : vector<16xi32>
          %get3A_218 = arith.constant 256 : index
          %get3A_219 = tpu.vector_load %arg10[%get3A_218] {strides = array<i32>} : memref<464xi32, #tpu.memory_space<vmem>>, vector<16xi32>,
          %min3A_220 = arith.minsi %min3A_216, %get3A_219 : vector<16xi32>
          %max3A_221 = arith.maxsi %max3A_217, %get3A_219 : vector<16xi32>
          %get3A_222 = arith.constant 272 : index
          %get3A_223 = tpu.vector_load %arg10[%get3A_222] {strides = array<i32>} : memref<464xi32, #tpu.memory_space<vmem>>, vector<16xi32>,
          %min3A_224 = arith.minsi %min3A_220, %get3A_223 : vector<16xi32>
          %max3A_225 = arith.maxsi %max3A_221, %get3A_223 : vector<16xi32>
          %get3A_226 = arith.constant 288 : index
          %get3A_227 = tpu.vector_load %arg10[%get3A_226] {strides = array<i32>} : memref<464xi32, #tpu.memory_space<vmem>>, vector<16xi32>,
          %min3A_228 = arith.minsi %min3A_224, %get3A_227 : vector<16xi32>
          %max3A_229 = arith.maxsi %max3A_225, %get3A_227 : vector<16xi32>
          %get3A_230 = arith.constant 304 : index
          %get3A_231 = tpu.vector_load %arg10[%get3A_230] {strides = array<i32>} : memref<464xi32, #tpu.memory_space<vmem>>, vector<16xi32>,
          %min3A_232 = arith.minsi %min3A_228, %get3A_231 : vector<16xi32>
          %max3A_233 = arith.maxsi %max3A_229, %get3A_231 : vector<16xi32>
          %get3A_234 = arith.constant 320 : index
          %get3A_235 = tpu.vector_load %arg10[%get3A_234] {strides = array<i32>} : memref<464xi32, #tpu.memory_space<vmem>>, vector<16xi32>,
          %min3A_236 = arith.minsi %min3A_232, %get3A_235 : vector<16xi32>
          %max3A_237 = arith.maxsi %max3A_233, %get3A_235 : vector<16xi32>
          %get3A_238 = arith.constant 336 : index
          %get3A_239 = tpu.vector_load %arg10[%get3A_238] {strides = array<i32>} : memref<464xi32, #tpu.memory_space<vmem>>, vector<16xi32>,
          %min3A_240 = arith.minsi %min3A_236, %get3A_239 : vector<16xi32>
          %max3A_241 = arith.maxsi %max3A_237, %get3A_239 : vector<16xi32>
          %get3A_242 = arith.constant 352 : index
          %get3A_243 = tpu.vector_load %arg10[%get3A_242] {strides = array<i32>} : memref<464xi32, #tpu.memory_space<vmem>>, vector<16xi32>,
          %min3A_244 = arith.minsi %min3A_240, %get3A_243 : vector<16xi32>
          %max3A_245 = arith.maxsi %max3A_241, %get3A_243 : vector<16xi32>
          %get3A_246 = arith.constant 368 : index
          %get3A_247 = tpu.vector_load %arg10[%get3A_246] {strides = array<i32>} : memref<464xi32, #tpu.memory_space<vmem>>, vector<16xi32>,
          %min3A_248 = arith.minsi %min3A_244, %get3A_247 : vector<16xi32>
          %max3A_249 = arith.maxsi %max3A_245, %get3A_247 : vector<16xi32>
          %get3A_250 = arith.constant 384 : index
          %get3A_251 = tpu.vector_load %arg10[%get3A_250] {strides = array<i32>} : memref<464xi32, #tpu.memory_space<vmem>>, vector<16xi32>,
          %min3A_252 = arith.minsi %min3A_248, %get3A_251 : vector<16xi32>
          %max3A_253 = arith.maxsi %max3A_249, %get3A_251 : vector<16xi32>
          %get3A_254 = arith.constant 400 : index
          %get3A_255 = tpu.vector_load %arg10[%get3A_254] {strides = array<i32>} : memref<464xi32, #tpu.memory_space<vmem>>, vector<16xi32>,
          %min3A_256 = arith.minsi %min3A_252, %get3A_255 : vector<16xi32>
          %max3A_257 = arith.maxsi %max3A_253, %get3A_255 : vector<16xi32>
          %get3A_258 = arith.constant 416 : index
          %get3A_259 = tpu.vector_load %arg10[%get3A_258] {strides = array<i32>} : memref<464xi32, #tpu.memory_space<vmem>>, vector<16xi32>,
          %min3A_260 = arith.minsi %min3A_256, %get3A_259 : vector<16xi32>
          %max3A_261 = arith.maxsi %max3A_257, %get3A_259 : vector<16xi32>
          %get3A_262 = arith.constant 432 : index
          %get3A_263 = tpu.vector_load %arg10[%get3A_262] {strides = array<i32>} : memref<464xi32, #tpu.memory_space<vmem>>, vector<16xi32>,
          %min3A_264 = arith.minsi %min3A_260, %get3A_263 : vector<16xi32>
          %max3A_265 = arith.maxsi %max3A_261, %get3A_263 : vector<16xi32>
          %reduce_min3A = arith.constant true
          %reduce_min3A_266 = vector.broadcast %reduce_min3A : i1 to vector<16xi1>
          %reduce_min3A_267 = arith.constant -2147483648 : i32
          %reduce_min3A_268 = vector.broadcast %reduce_min3A_267 : i32 to vector<16xi32>
          %reduce_min3A_269 = arith.xori %min3A_264, %reduce_min3A_268 : vector<16xi32>
          %reduce_min3A_270 = tpu.scan <min>, %reduce_min3A_269 masked %reduce_min3A_266 : vector<16xi32>, vector<16xi1> -> vector<16xi32>
          %reduce_min3A_271 = arith.xori %reduce_min3A_270, %reduce_min3A_268 : vector<16xi32>
          %reduce_min3A_272 = vector.extract %reduce_min3A_271[15] : i32 from vector<16xi32>
          %reduce_max3A = arith.constant true
          %reduce_max3A_273 = vector.broadcast %reduce_max3A : i1 to vector<16xi1>
          %reduce_max3A_274 = arith.constant -2147483648 : i32
          %reduce_max3A_275 = vector.broadcast %reduce_max3A_274 : i32 to vector<16xi32>
          %reduce_max3A_276 = arith.xori %max3A_265, %reduce_max3A_275 : vector<16xi32>
          %reduce_max3A_277 = tpu.scan <max>, %reduce_max3A_276 masked %reduce_max3A_273 : vector<16xi32>, vector<16xi1> -> vector<16xi32>
          %reduce_max3A_278 = arith.xori %reduce_max3A_277, %reduce_max3A_275 : vector<16xi32>
          %reduce_max3A_279 = vector.extract %reduce_max3A_278[15] : i32 from vector<16xi32>
          %eq3A_280 = arith.constant 0 : i32
          %eq3A_281 = arith.cmpi eq, %sub3A, %eq3A_280 : i32
          %eq3A_282 = arith.cmpi eq, %reduce_min3A_272, %reduce_max3A_279 : i32
          %and3A_283 = arith.andi %eq3A_281, %eq3A_282 : i1
          %convert_element_type3A_284 = arith.extui %and3A_283 : i1 to i32
          %cond3A_285 = arith.constant 0 : i32
          %cond3A_286 = arith.cmpi ne, %convert_element_type3A_284, %cond3A_285 : i32
          scf.if %cond3A_286 {
            %scan3A_287 = arith.constant 0 : i32
            %scan3A_288 = arith.constant 56 : i32
            %scan3A_289 = arith.addi %scan3A_287, %scan3A_288 : i32
            %scan3A_290 = arith.constant 1 : i32
            %scan3A_291:4 = scf.for %scan3A_312 = %scan3A_287 to %scan3A_289 step %scan3A_290 iter_args(%scan3A_313 = %broadcast_in_dim3A_3, %scan3A_314 = %broadcast_in_dim3A_3, %scan3A_315 = %broadcast_in_dim3A_3, %scan3A_316 = %broadcast_in_dim3A_3) -> (vector<16xf32>, vector<16xf32>, vector<16xf32>, vector<16xf32>)  : i32 {
              %mul3A_317 = arith.constant 8 : i32
              %mul3A_318 = arith.muli %scan3A_312, %mul3A_317 : i32
              %add3A_319 = arith.constant 0 : i32
              %add3A_320 = arith.addi %mul3A_318, %add3A_319 : i32
              %get3A_321 = arith.index_cast %add3A_320 : i32 to index
              %get3A_322 = arith.constant 0 : index
              %get3A_323 = tpu.vector_load %arg8[%get3A_321, %get3A_322] {strides = array<i32>} : memref<448x64xf32, #tpu.memory_space<vmem>>, vector<16xf32>,
              %add3A_324 = arith.addf %scan3A_313, %get3A_323 : vector<16xf32>
              %add3A_325 = arith.constant 0 : i32
              %add3A_326 = arith.addi %mul3A_318, %add3A_325 : i32
              %get3A_327 = arith.index_cast %add3A_326 : i32 to index
              %get3A_328 = arith.constant 16 : index
              %get3A_329 = tpu.vector_load %arg8[%get3A_327, %get3A_328] {strides = array<i32>} : memref<448x64xf32, #tpu.memory_space<vmem>>, vector<16xf32>,
              %add3A_330 = arith.addf %scan3A_314, %get3A_329 : vector<16xf32>
              %add3A_331 = arith.constant 0 : i32
              %add3A_332 = arith.addi %mul3A_318, %add3A_331 : i32
              %get3A_333 = arith.index_cast %add3A_332 : i32 to index
              %get3A_334 = arith.constant 32 : index
              %get3A_335 = tpu.vector_load %arg8[%get3A_333, %get3A_334] {strides = array<i32>} : memref<448x64xf32, #tpu.memory_space<vmem>>, vector<16xf32>,
              %add3A_336 = arith.addf %scan3A_315, %get3A_335 : vector<16xf32>
              %add3A_337 = arith.constant 0 : i32
              %add3A_338 = arith.addi %mul3A_318, %add3A_337 : i32
              %get3A_339 = arith.index_cast %add3A_338 : i32 to index
              %get3A_340 = arith.constant 48 : index
              %get3A_341 = tpu.vector_load %arg8[%get3A_339, %get3A_340] {strides = array<i32>} : memref<448x64xf32, #tpu.memory_space<vmem>>, vector<16xf32>,
              %add3A_342 = arith.addf %scan3A_316, %get3A_341 : vector<16xf32>
              %add3A_343 = arith.constant 1 : i32
              %add3A_344 = arith.addi %mul3A_318, %add3A_343 : i32
              %get3A_345 = arith.index_cast %add3A_344 : i32 to index
              %get3A_346 = arith.constant 0 : index
              %get3A_347 = tpu.vector_load %arg8[%get3A_345, %get3A_346] {strides = array<i32>} : memref<448x64xf32, #tpu.memory_space<vmem>>, vector<16xf32>,
              %add3A_348 = arith.addf %add3A_324, %get3A_347 : vector<16xf32>
              %add3A_349 = arith.constant 1 : i32
              %add3A_350 = arith.addi %mul3A_318, %add3A_349 : i32
              %get3A_351 = arith.index_cast %add3A_350 : i32 to index
              %get3A_352 = arith.constant 16 : index
              %get3A_353 = tpu.vector_load %arg8[%get3A_351, %get3A_352] {strides = array<i32>} : memref<448x64xf32, #tpu.memory_space<vmem>>, vector<16xf32>,
              %add3A_354 = arith.addf %add3A_330, %get3A_353 : vector<16xf32>
              %add3A_355 = arith.constant 1 : i32
              %add3A_356 = arith.addi %mul3A_318, %add3A_355 : i32
              %get3A_357 = arith.index_cast %add3A_356 : i32 to index
              %get3A_358 = arith.constant 32 : index
              %get3A_359 = tpu.vector_load %arg8[%get3A_357, %get3A_358] {strides = array<i32>} : memref<448x64xf32, #tpu.memory_space<vmem>>, vector<16xf32>,
              %add3A_360 = arith.addf %add3A_336, %get3A_359 : vector<16xf32>
              %add3A_361 = arith.constant 1 : i32
              %add3A_362 = arith.addi %mul3A_318, %add3A_361 : i32
              %get3A_363 = arith.index_cast %add3A_362 : i32 to index
              %get3A_364 = arith.constant 48 : index
              %get3A_365 = tpu.vector_load %arg8[%get3A_363, %get3A_364] {strides = array<i32>} : memref<448x64xf32, #tpu.memory_space<vmem>>, vector<16xf32>,
              %add3A_366 = arith.addf %add3A_342, %get3A_365 : vector<16xf32>
              %add3A_367 = arith.constant 2 : i32
              %add3A_368 = arith.addi %mul3A_318, %add3A_367 : i32
              %get3A_369 = arith.index_cast %add3A_368 : i32 to index
              %get3A_370 = arith.constant 0 : index
              %get3A_371 = tpu.vector_load %arg8[%get3A_369, %get3A_370] {strides = array<i32>} : memref<448x64xf32, #tpu.memory_space<vmem>>, vector<16xf32>,
              %add3A_372 = arith.addf %add3A_348, %get3A_371 : vector<16xf32>
              %add3A_373 = arith.constant 2 : i32
              %add3A_374 = arith.addi %mul3A_318, %add3A_373 : i32
              %get3A_375 = arith.index_cast %add3A_374 : i32 to index
              %get3A_376 = arith.constant 16 : index
              %get3A_377 = tpu.vector_load %arg8[%get3A_375, %get3A_376] {strides = array<i32>} : memref<448x64xf32, #tpu.memory_space<vmem>>, vector<16xf32>,
              %add3A_378 = arith.addf %add3A_354, %get3A_377 : vector<16xf32>
              %add3A_379 = arith.constant 2 : i32
              %add3A_380 = arith.addi %mul3A_318, %add3A_379 : i32
              %get3A_381 = arith.index_cast %add3A_380 : i32 to index
              %get3A_382 = arith.constant 32 : index
              %get3A_383 = tpu.vector_load %arg8[%get3A_381, %get3A_382] {strides = array<i32>} : memref<448x64xf32, #tpu.memory_space<vmem>>, vector<16xf32>,
              %add3A_384 = arith.addf %add3A_360, %get3A_383 : vector<16xf32>
              %add3A_385 = arith.constant 2 : i32
              %add3A_386 = arith.addi %mul3A_318, %add3A_385 : i32
              %get3A_387 = arith.index_cast %add3A_386 : i32 to index
              %get3A_388 = arith.constant 48 : index
              %get3A_389 = tpu.vector_load %arg8[%get3A_387, %get3A_388] {strides = array<i32>} : memref<448x64xf32, #tpu.memory_space<vmem>>, vector<16xf32>,
              %add3A_390 = arith.addf %add3A_366, %get3A_389 : vector<16xf32>
              %add3A_391 = arith.constant 3 : i32
              %add3A_392 = arith.addi %mul3A_318, %add3A_391 : i32
              %get3A_393 = arith.index_cast %add3A_392 : i32 to index
              %get3A_394 = arith.constant 0 : index
              %get3A_395 = tpu.vector_load %arg8[%get3A_393, %get3A_394] {strides = array<i32>} : memref<448x64xf32, #tpu.memory_space<vmem>>, vector<16xf32>,
              %add3A_396 = arith.addf %add3A_372, %get3A_395 : vector<16xf32>
              %add3A_397 = arith.constant 3 : i32
              %add3A_398 = arith.addi %mul3A_318, %add3A_397 : i32
              %get3A_399 = arith.index_cast %add3A_398 : i32 to index
              %get3A_400 = arith.constant 16 : index
              %get3A_401 = tpu.vector_load %arg8[%get3A_399, %get3A_400] {strides = array<i32>} : memref<448x64xf32, #tpu.memory_space<vmem>>, vector<16xf32>,
              %add3A_402 = arith.addf %add3A_378, %get3A_401 : vector<16xf32>
              %add3A_403 = arith.constant 3 : i32
              %add3A_404 = arith.addi %mul3A_318, %add3A_403 : i32
              %get3A_405 = arith.index_cast %add3A_404 : i32 to index
              %get3A_406 = arith.constant 32 : index
              %get3A_407 = tpu.vector_load %arg8[%get3A_405, %get3A_406] {strides = array<i32>} : memref<448x64xf32, #tpu.memory_space<vmem>>, vector<16xf32>,
              %add3A_408 = arith.addf %add3A_384, %get3A_407 : vector<16xf32>
              %add3A_409 = arith.constant 3 : i32
              %add3A_410 = arith.addi %mul3A_318, %add3A_409 : i32
              %get3A_411 = arith.index_cast %add3A_410 : i32 to index
              %get3A_412 = arith.constant 48 : index
              %get3A_413 = tpu.vector_load %arg8[%get3A_411, %get3A_412] {strides = array<i32>} : memref<448x64xf32, #tpu.memory_space<vmem>>, vector<16xf32>,
              %add3A_414 = arith.addf %add3A_390, %get3A_413 : vector<16xf32>
              %add3A_415 = arith.constant 4 : i32
              %add3A_416 = arith.addi %mul3A_318, %add3A_415 : i32
              %get3A_417 = arith.index_cast %add3A_416 : i32 to index
              %get3A_418 = arith.constant 0 : index
              %get3A_419 = tpu.vector_load %arg8[%get3A_417, %get3A_418] {strides = array<i32>} : memref<448x64xf32, #tpu.memory_space<vmem>>, vector<16xf32>,
              %add3A_420 = arith.addf %add3A_396, %get3A_419 : vector<16xf32>
              %add3A_421 = arith.constant 4 : i32
              %add3A_422 = arith.addi %mul3A_318, %add3A_421 : i32
              %get3A_423 = arith.index_cast %add3A_422 : i32 to index
              %get3A_424 = arith.constant 16 : index
              %get3A_425 = tpu.vector_load %arg8[%get3A_423, %get3A_424] {strides = array<i32>} : memref<448x64xf32, #tpu.memory_space<vmem>>, vector<16xf32>,
              %add3A_426 = arith.addf %add3A_402, %get3A_425 : vector<16xf32>
              %add3A_427 = arith.constant 4 : i32
              %add3A_428 = arith.addi %mul3A_318, %add3A_427 : i32
              %get3A_429 = arith.index_cast %add3A_428 : i32 to index
              %get3A_430 = arith.constant 32 : index
              %get3A_431 = tpu.vector_load %arg8[%get3A_429, %get3A_430] {strides = array<i32>} : memref<448x64xf32, #tpu.memory_space<vmem>>, vector<16xf32>,
              %add3A_432 = arith.addf %add3A_408, %get3A_431 : vector<16xf32>
              %add3A_433 = arith.constant 4 : i32
              %add3A_434 = arith.addi %mul3A_318, %add3A_433 : i32
              %get3A_435 = arith.index_cast %add3A_434 : i32 to index
              %get3A_436 = arith.constant 48 : index
              %get3A_437 = tpu.vector_load %arg8[%get3A_435, %get3A_436] {strides = array<i32>} : memref<448x64xf32, #tpu.memory_space<vmem>>, vector<16xf32>,
              %add3A_438 = arith.addf %add3A_414, %get3A_437 : vector<16xf32>
              %add3A_439 = arith.constant 5 : i32
              %add3A_440 = arith.addi %mul3A_318, %add3A_439 : i32
              %get3A_441 = arith.index_cast %add3A_440 : i32 to index
              %get3A_442 = arith.constant 0 : index
              %get3A_443 = tpu.vector_load %arg8[%get3A_441, %get3A_442] {strides = array<i32>} : memref<448x64xf32, #tpu.memory_space<vmem>>, vector<16xf32>,
              %add3A_444 = arith.addf %add3A_420, %get3A_443 : vector<16xf32>
              %add3A_445 = arith.constant 5 : i32
              %add3A_446 = arith.addi %mul3A_318, %add3A_445 : i32
              %get3A_447 = arith.index_cast %add3A_446 : i32 to index
              %get3A_448 = arith.constant 16 : index
              %get3A_449 = tpu.vector_load %arg8[%get3A_447, %get3A_448] {strides = array<i32>} : memref<448x64xf32, #tpu.memory_space<vmem>>, vector<16xf32>,
              %add3A_450 = arith.addf %add3A_426, %get3A_449 : vector<16xf32>
              %add3A_451 = arith.constant 5 : i32
              %add3A_452 = arith.addi %mul3A_318, %add3A_451 : i32
              %get3A_453 = arith.index_cast %add3A_452 : i32 to index
              %get3A_454 = arith.constant 32 : index
              %get3A_455 = tpu.vector_load %arg8[%get3A_453, %get3A_454] {strides = array<i32>} : memref<448x64xf32, #tpu.memory_space<vmem>>, vector<16xf32>,
              %add3A_456 = arith.addf %add3A_432, %get3A_455 : vector<16xf32>
              %add3A_457 = arith.constant 5 : i32
              %add3A_458 = arith.addi %mul3A_318, %add3A_457 : i32
              %get3A_459 = arith.index_cast %add3A_458 : i32 to index
              %get3A_460 = arith.constant 48 : index
              %get3A_461 = tpu.vector_load %arg8[%get3A_459, %get3A_460] {strides = array<i32>} : memref<448x64xf32, #tpu.memory_space<vmem>>, vector<16xf32>,
              %add3A_462 = arith.addf %add3A_438, %get3A_461 : vector<16xf32>
              %add3A_463 = arith.constant 6 : i32
              %add3A_464 = arith.addi %mul3A_318, %add3A_463 : i32
              %get3A_465 = arith.index_cast %add3A_464 : i32 to index
              %get3A_466 = arith.constant 0 : index
              %get3A_467 = tpu.vector_load %arg8[%get3A_465, %get3A_466] {strides = array<i32>} : memref<448x64xf32, #tpu.memory_space<vmem>>, vector<16xf32>,
              %add3A_468 = arith.addf %add3A_444, %get3A_467 : vector<16xf32>
              %add3A_469 = arith.constant 6 : i32
              %add3A_470 = arith.addi %mul3A_318, %add3A_469 : i32
              %get3A_471 = arith.index_cast %add3A_470 : i32 to index
              %get3A_472 = arith.constant 16 : index
              %get3A_473 = tpu.vector_load %arg8[%get3A_471, %get3A_472] {strides = array<i32>} : memref<448x64xf32, #tpu.memory_space<vmem>>, vector<16xf32>,
              %add3A_474 = arith.addf %add3A_450, %get3A_473 : vector<16xf32>
              %add3A_475 = arith.constant 6 : i32
              %add3A_476 = arith.addi %mul3A_318, %add3A_475 : i32
              %get3A_477 = arith.index_cast %add3A_476 : i32 to index
              %get3A_478 = arith.constant 32 : index
              %get3A_479 = tpu.vector_load %arg8[%get3A_477, %get3A_478] {strides = array<i32>} : memref<448x64xf32, #tpu.memory_space<vmem>>, vector<16xf32>,
              %add3A_480 = arith.addf %add3A_456, %get3A_479 : vector<16xf32>
              %add3A_481 = arith.constant 6 : i32
              %add3A_482 = arith.addi %mul3A_318, %add3A_481 : i32
              %get3A_483 = arith.index_cast %add3A_482 : i32 to index
              %get3A_484 = arith.constant 48 : index
              %get3A_485 = tpu.vector_load %arg8[%get3A_483, %get3A_484] {strides = array<i32>} : memref<448x64xf32, #tpu.memory_space<vmem>>, vector<16xf32>,
              %add3A_486 = arith.addf %add3A_462, %get3A_485 : vector<16xf32>
              %add3A_487 = arith.constant 7 : i32
              %add3A_488 = arith.addi %mul3A_318, %add3A_487 : i32
              %get3A_489 = arith.index_cast %add3A_488 : i32 to index
              %get3A_490 = arith.constant 0 : index
              %get3A_491 = tpu.vector_load %arg8[%get3A_489, %get3A_490] {strides = array<i32>} : memref<448x64xf32, #tpu.memory_space<vmem>>, vector<16xf32>,
              %add3A_492 = arith.addf %add3A_468, %get3A_491 : vector<16xf32>
              %add3A_493 = arith.constant 7 : i32
              %add3A_494 = arith.addi %mul3A_318, %add3A_493 : i32
              %get3A_495 = arith.index_cast %add3A_494 : i32 to index
              %get3A_496 = arith.constant 16 : index
              %get3A_497 = tpu.vector_load %arg8[%get3A_495, %get3A_496] {strides = array<i32>} : memref<448x64xf32, #tpu.memory_space<vmem>>, vector<16xf32>,
              %add3A_498 = arith.addf %add3A_474, %get3A_497 : vector<16xf32>
              %add3A_499 = arith.constant 7 : i32
              %add3A_500 = arith.addi %mul3A_318, %add3A_499 : i32
              %get3A_501 = arith.index_cast %add3A_500 : i32 to index
              %get3A_502 = arith.constant 32 : index
              %get3A_503 = tpu.vector_load %arg8[%get3A_501, %get3A_502] {strides = array<i32>} : memref<448x64xf32, #tpu.memory_space<vmem>>, vector<16xf32>,
              %add3A_504 = arith.addf %add3A_480, %get3A_503 : vector<16xf32>
              %add3A_505 = arith.constant 7 : i32
              %add3A_506 = arith.addi %mul3A_318, %add3A_505 : i32
              %get3A_507 = arith.index_cast %add3A_506 : i32 to index
              %get3A_508 = arith.constant 48 : index
              %get3A_509 = tpu.vector_load %arg8[%get3A_507, %get3A_508] {strides = array<i32>} : memref<448x64xf32, #tpu.memory_space<vmem>>, vector<16xf32>,
              %add3A_510 = arith.addf %add3A_486, %get3A_509 : vector<16xf32>
              scf.yield %add3A_492, %add3A_498, %add3A_504, %add3A_510 : vector<16xf32>, vector<16xf32>, vector<16xf32>, vector<16xf32>
            }
            %scan3A_292 = arith.constant 56 : i32
            %add3A_293 = arith.constant 0 : i32
            %add3A_294 = arith.addi %reduce_min3A_272, %add3A_293 : i32
            %broadcast_in_dim3A_295 = vector.broadcast %add3A_294 : i32 to vector<16xi32>
            %broadcast_in_dim3A_296 = arith.constant 4.480000e+02 : f32
            %broadcast_in_dim3A_297 = vector.broadcast %broadcast_in_dim3A_296 : f32 to vector<16xf32>
            %add3A_298 = arith.constant 0 : i32
            %add3A_299 = vector.broadcast %add3A_298 : i32 to vector<16xi32>
            %add3A_300 = arith.addi %add3A_299, %iota3A : vector<16xi32>
            tpu.vector_store_idx %arg12[%broadcast_in_dim3A_295, %add3A_300], %scan3A_291#0 {add = true} : memref<32x80xf32, #tpu.memory_space<vmem>>[vector<16xi32>, vector<16xi32>], vector<16xf32>,
            %add3A_301 = arith.constant 16 : i32
            %add3A_302 = vector.broadcast %add3A_301 : i32 to vector<16xi32>
            %add3A_303 = arith.addi %add3A_302, %iota3A : vector<16xi32>
            tpu.vector_store_idx %arg12[%broadcast_in_dim3A_295, %add3A_303], %scan3A_291#1 {add = true} : memref<32x80xf32, #tpu.memory_space<vmem>>[vector<16xi32>, vector<16xi32>], vector<16xf32>,
            %add3A_304 = arith.constant 32 : i32
            %add3A_305 = vector.broadcast %add3A_304 : i32 to vector<16xi32>
            %add3A_306 = arith.addi %add3A_305, %iota3A : vector<16xi32>
            tpu.vector_store_idx %arg12[%broadcast_in_dim3A_295, %add3A_306], %scan3A_291#2 {add = true} : memref<32x80xf32, #tpu.memory_space<vmem>>[vector<16xi32>, vector<16xi32>], vector<16xf32>,
            %add3A_307 = arith.constant 48 : i32
            %add3A_308 = vector.broadcast %add3A_307 : i32 to vector<16xi32>
            %add3A_309 = arith.addi %add3A_308, %iota3A : vector<16xi32>
            tpu.vector_store_idx %arg12[%broadcast_in_dim3A_295, %add3A_309], %scan3A_291#3 {add = true} : memref<32x80xf32, #tpu.memory_space<vmem>>[vector<16xi32>, vector<16xi32>], vector<16xf32>,
            %broadcast_in_dim3A_310 = arith.constant 64 : i32
            %broadcast_in_dim3A_311 = vector.broadcast %broadcast_in_dim3A_310 : i32 to vector<16xi32>
            tpu.vector_store_idx %arg12[%broadcast_in_dim3A_295, %broadcast_in_dim3A_311], %broadcast_in_dim3A_297 masked %eq3A_5 {add = true} : memref<32x80xf32, #tpu.memory_space<vmem>>[vector<16xi32>, vector<16xi32>], vector<16xf32>, vector<16xi1>
          } else {
            %jit3A_287 = arith.constant 8 : i32
            %div3A_288 = arith.divsi %sub3A, %jit3A_287 : i32
            %sign3A = arith.constant 0 : i32
            %sign3A_289 = arith.cmpi sgt, %sub3A, %sign3A : i32
            %sign3A_290 = arith.extui %sign3A_289 : i1 to i32
            %sign3A_291 = arith.constant 0 : i32
            %sign3A_292 = arith.cmpi slt, %sub3A, %sign3A_291 : i32
            %sign3A_293 = arith.extui %sign3A_292 : i1 to i32
            %sign3A_294 = arith.subi %sign3A_290, %sign3A_293 : i32
            %sign3A_295 = arith.constant 0 : i32
            %sign3A_296 = arith.cmpi sgt, %jit3A_287, %sign3A_295 : i32
            %sign3A_297 = arith.extui %sign3A_296 : i1 to i32
            %sign3A_298 = arith.constant 0 : i32
            %sign3A_299 = arith.cmpi slt, %jit3A_287, %sign3A_298 : i32
            %sign3A_300 = arith.extui %sign3A_299 : i1 to i32
            %sign3A_301 = arith.subi %sign3A_297, %sign3A_300 : i32
            %ne3A_302 = arith.cmpi ne, %sign3A_294, %sign3A_301 : i32
            %rem3A_303 = arith.remsi %sub3A, %jit3A_287 : i32
            %ne3A_304 = arith.constant 0 : i32
            %ne3A_305 = arith.cmpi ne, %rem3A_303, %ne3A_304 : i32
            %and3A_306 = arith.andi %ne3A_302, %ne3A_305 : i1
            %sub3A_307 = arith.constant 1 : i32
            %sub3A_308 = arith.subi %div3A_288, %sub3A_307 : i32
            %select_n3A_309 = arith.select %and3A_306, %sub3A_308, %div3A_288 : i32
            %while3A = arith.constant 0 : i32
            %while3A_310 = arith.constant 56 : i32
            %while3A_311 = arith.subi %while3A_310, %select_n3A_309 : i32
            %while3A_312 = arith.addi %select_n3A_309, %while3A_311 : i32
            %while3A_313 = arith.constant 1 : i32
            %while3A_314 = arith.divsi %while3A_311, %while3A_313 : i32
            %while3A_315 = arith.muli %while3A_314, %while3A_313 : i32
            %while3A_316 = arith.addi %select_n3A_309, %while3A_315 : i32
            %while3A_317 = arith.constant 1 : i32
            scf.for %while3A_319 = %select_n3A_309 to %while3A_316 step %while3A_317  : i32 {
              %mul3A_320 = arith.constant 8 : i32
              %mul3A_321 = arith.muli %while3A_319, %mul3A_320 : i32
              %get3A_322 = arith.index_cast %mul3A_321 : i32 to index
              %get3A_323 = tpu.vector_load %arg10[%get3A_322] {strides = array<i32>} : memref<464xi32, #tpu.memory_space<vmem>>, vector<16xi32>,
              %broadcast_in_dim3A_324 = arith.constant 1073741824 : i32
              %broadcast_in_dim3A_325 = vector.broadcast %broadcast_in_dim3A_324 : i32 to vector<16xi32>
              %broadcast_in_dim3A_326 = arith.constant -1073741824 : i32
              %broadcast_in_dim3A_327 = vector.broadcast %broadcast_in_dim3A_326 : i32 to vector<16xi32>
              %lt3A_328 = arith.constant 8 : i32
              %lt3A_329 = vector.broadcast %lt3A_328 : i32 to vector<16xi32>
              %lt3A_330 = arith.cmpi slt, %iota3A, %lt3A_329 : vector<16xi32>
              %select_n3A_331 = arith.select %lt3A_330, %get3A_323, %broadcast_in_dim3A_325 : vector<16xi1>, vector<16xi32>
              %reduce_min3A_332 = arith.constant true
              %reduce_min3A_333 = vector.broadcast %reduce_min3A_332 : i1 to vector<16xi1>
              %reduce_min3A_334 = arith.constant -2147483648 : i32
              %reduce_min3A_335 = vector.broadcast %reduce_min3A_334 : i32 to vector<16xi32>
              %reduce_min3A_336 = arith.xori %select_n3A_331, %reduce_min3A_335 : vector<16xi32>
              %reduce_min3A_337 = tpu.scan <min>, %reduce_min3A_336 masked %reduce_min3A_333 : vector<16xi32>, vector<16xi1> -> vector<16xi32>
              %reduce_min3A_338 = arith.xori %reduce_min3A_337, %reduce_min3A_335 : vector<16xi32>
              %reduce_min3A_339 = vector.extract %reduce_min3A_338[15] : i32 from vector<16xi32>
              %select_n3A_340 = arith.select %lt3A_330, %get3A_323, %broadcast_in_dim3A_327 : vector<16xi1>, vector<16xi32>
              %reduce_max3A_341 = arith.constant true
              %reduce_max3A_342 = vector.broadcast %reduce_max3A_341 : i1 to vector<16xi1>
              %reduce_max3A_343 = arith.constant -2147483648 : i32
              %reduce_max3A_344 = vector.broadcast %reduce_max3A_343 : i32 to vector<16xi32>
              %reduce_max3A_345 = arith.xori %select_n3A_340, %reduce_max3A_344 : vector<16xi32>
              %reduce_max3A_346 = tpu.scan <max>, %reduce_max3A_345 masked %reduce_max3A_342 : vector<16xi32>, vector<16xi1> -> vector<16xi32>
              %reduce_max3A_347 = arith.xori %reduce_max3A_346, %reduce_max3A_344 : vector<16xi32>
              %reduce_max3A_348 = vector.extract %reduce_max3A_347[15] : i32 from vector<16xi32>
              %eq3A_349 = arith.cmpi eq, %reduce_min3A_339, %reduce_max3A_348 : i32
              %ge3A = arith.cmpi sge, %mul3A_321, %sub3A : i32
              %and3A_350 = arith.andi %eq3A_349, %ge3A : i1
              %convert_element_type3A_351 = arith.extui %and3A_350 : i1 to i32
              %cond3A_352 = arith.constant 0 : i32
              %cond3A_353 = arith.cmpi ne, %convert_element_type3A_351, %cond3A_352 : i32
              scf.if %cond3A_353 {
                %add3A_354 = arith.constant 0 : i32
                %add3A_355 = arith.addi %mul3A_321, %add3A_354 : i32
                %get3A_356 = arith.index_cast %add3A_355 : i32 to index
                %get3A_357 = arith.constant 0 : index
                %get3A_358 = tpu.vector_load %arg8[%get3A_356, %get3A_357] {strides = array<i32>} : memref<448x64xf32, #tpu.memory_space<vmem>>, vector<16xf32>,
                %add3A_359 = arith.addf %broadcast_in_dim3A_3, %get3A_358 : vector<16xf32>
                %add3A_360 = arith.constant 0 : i32
                %add3A_361 = arith.addi %mul3A_321, %add3A_360 : i32
                %get3A_362 = arith.index_cast %add3A_361 : i32 to index
                %get3A_363 = arith.constant 16 : index
                %get3A_364 = tpu.vector_load %arg8[%get3A_362, %get3A_363] {strides = array<i32>} : memref<448x64xf32, #tpu.memory_space<vmem>>, vector<16xf32>,
                %add3A_365 = arith.addf %broadcast_in_dim3A_3, %get3A_364 : vector<16xf32>
                %add3A_366 = arith.constant 0 : i32
                %add3A_367 = arith.addi %mul3A_321, %add3A_366 : i32
                %get3A_368 = arith.index_cast %add3A_367 : i32 to index
                %get3A_369 = arith.constant 32 : index
                %get3A_370 = tpu.vector_load %arg8[%get3A_368, %get3A_369] {strides = array<i32>} : memref<448x64xf32, #tpu.memory_space<vmem>>, vector<16xf32>,
                %add3A_371 = arith.addf %broadcast_in_dim3A_3, %get3A_370 : vector<16xf32>
                %add3A_372 = arith.constant 0 : i32
                %add3A_373 = arith.addi %mul3A_321, %add3A_372 : i32
                %get3A_374 = arith.index_cast %add3A_373 : i32 to index
                %get3A_375 = arith.constant 48 : index
                %get3A_376 = tpu.vector_load %arg8[%get3A_374, %get3A_375] {strides = array<i32>} : memref<448x64xf32, #tpu.memory_space<vmem>>, vector<16xf32>,
                %add3A_377 = arith.addf %broadcast_in_dim3A_3, %get3A_376 : vector<16xf32>
                %add3A_378 = arith.constant 1 : i32
                %add3A_379 = arith.addi %mul3A_321, %add3A_378 : i32
                %get3A_380 = arith.index_cast %add3A_379 : i32 to index
                %get3A_381 = arith.constant 0 : index
                %get3A_382 = tpu.vector_load %arg8[%get3A_380, %get3A_381] {strides = array<i32>} : memref<448x64xf32, #tpu.memory_space<vmem>>, vector<16xf32>,
                %add3A_383 = arith.addf %add3A_359, %get3A_382 : vector<16xf32>
                %add3A_384 = arith.constant 1 : i32
                %add3A_385 = arith.addi %mul3A_321, %add3A_384 : i32
                %get3A_386 = arith.index_cast %add3A_385 : i32 to index
                %get3A_387 = arith.constant 16 : index
                %get3A_388 = tpu.vector_load %arg8[%get3A_386, %get3A_387] {strides = array<i32>} : memref<448x64xf32, #tpu.memory_space<vmem>>, vector<16xf32>,
                %add3A_389 = arith.addf %add3A_365, %get3A_388 : vector<16xf32>
                %add3A_390 = arith.constant 1 : i32
                %add3A_391 = arith.addi %mul3A_321, %add3A_390 : i32
                %get3A_392 = arith.index_cast %add3A_391 : i32 to index
                %get3A_393 = arith.constant 32 : index
                %get3A_394 = tpu.vector_load %arg8[%get3A_392, %get3A_393] {strides = array<i32>} : memref<448x64xf32, #tpu.memory_space<vmem>>, vector<16xf32>,
                %add3A_395 = arith.addf %add3A_371, %get3A_394 : vector<16xf32>
                %add3A_396 = arith.constant 1 : i32
                %add3A_397 = arith.addi %mul3A_321, %add3A_396 : i32
                %get3A_398 = arith.index_cast %add3A_397 : i32 to index
                %get3A_399 = arith.constant 48 : index
                %get3A_400 = tpu.vector_load %arg8[%get3A_398, %get3A_399] {strides = array<i32>} : memref<448x64xf32, #tpu.memory_space<vmem>>, vector<16xf32>,
                %add3A_401 = arith.addf %add3A_377, %get3A_400 : vector<16xf32>
                %add3A_402 = arith.constant 2 : i32
                %add3A_403 = arith.addi %mul3A_321, %add3A_402 : i32
                %get3A_404 = arith.index_cast %add3A_403 : i32 to index
                %get3A_405 = arith.constant 0 : index
                %get3A_406 = tpu.vector_load %arg8[%get3A_404, %get3A_405] {strides = array<i32>} : memref<448x64xf32, #tpu.memory_space<vmem>>, vector<16xf32>,
                %add3A_407 = arith.addf %add3A_383, %get3A_406 : vector<16xf32>
                %add3A_408 = arith.constant 2 : i32
                %add3A_409 = arith.addi %mul3A_321, %add3A_408 : i32
                %get3A_410 = arith.index_cast %add3A_409 : i32 to index
                %get3A_411 = arith.constant 16 : index
                %get3A_412 = tpu.vector_load %arg8[%get3A_410, %get3A_411] {strides = array<i32>} : memref<448x64xf32, #tpu.memory_space<vmem>>, vector<16xf32>,
                %add3A_413 = arith.addf %add3A_389, %get3A_412 : vector<16xf32>
                %add3A_414 = arith.constant 2 : i32
                %add3A_415 = arith.addi %mul3A_321, %add3A_414 : i32
                %get3A_416 = arith.index_cast %add3A_415 : i32 to index
                %get3A_417 = arith.constant 32 : index
                %get3A_418 = tpu.vector_load %arg8[%get3A_416, %get3A_417] {strides = array<i32>} : memref<448x64xf32, #tpu.memory_space<vmem>>, vector<16xf32>,
                %add3A_419 = arith.addf %add3A_395, %get3A_418 : vector<16xf32>
                %add3A_420 = arith.constant 2 : i32
                %add3A_421 = arith.addi %mul3A_321, %add3A_420 : i32
                %get3A_422 = arith.index_cast %add3A_421 : i32 to index
                %get3A_423 = arith.constant 48 : index
                %get3A_424 = tpu.vector_load %arg8[%get3A_422, %get3A_423] {strides = array<i32>} : memref<448x64xf32, #tpu.memory_space<vmem>>, vector<16xf32>,
                %add3A_425 = arith.addf %add3A_401, %get3A_424 : vector<16xf32>
                %add3A_426 = arith.constant 3 : i32
                %add3A_427 = arith.addi %mul3A_321, %add3A_426 : i32
                %get3A_428 = arith.index_cast %add3A_427 : i32 to index
                %get3A_429 = arith.constant 0 : index
                %get3A_430 = tpu.vector_load %arg8[%get3A_428, %get3A_429] {strides = array<i32>} : memref<448x64xf32, #tpu.memory_space<vmem>>, vector<16xf32>,
                %add3A_431 = arith.addf %add3A_407, %get3A_430 : vector<16xf32>
                %add3A_432 = arith.constant 3 : i32
                %add3A_433 = arith.addi %mul3A_321, %add3A_432 : i32
                %get3A_434 = arith.index_cast %add3A_433 : i32 to index
                %get3A_435 = arith.constant 16 : index
                %get3A_436 = tpu.vector_load %arg8[%get3A_434, %get3A_435] {strides = array<i32>} : memref<448x64xf32, #tpu.memory_space<vmem>>, vector<16xf32>,
                %add3A_437 = arith.addf %add3A_413, %get3A_436 : vector<16xf32>
                %add3A_438 = arith.constant 3 : i32
                %add3A_439 = arith.addi %mul3A_321, %add3A_438 : i32
                %get3A_440 = arith.index_cast %add3A_439 : i32 to index
                %get3A_441 = arith.constant 32 : index
                %get3A_442 = tpu.vector_load %arg8[%get3A_440, %get3A_441] {strides = array<i32>} : memref<448x64xf32, #tpu.memory_space<vmem>>, vector<16xf32>,
                %add3A_443 = arith.addf %add3A_419, %get3A_442 : vector<16xf32>
                %add3A_444 = arith.constant 3 : i32
                %add3A_445 = arith.addi %mul3A_321, %add3A_444 : i32
                %get3A_446 = arith.index_cast %add3A_445 : i32 to index
                %get3A_447 = arith.constant 48 : index
                %get3A_448 = tpu.vector_load %arg8[%get3A_446, %get3A_447] {strides = array<i32>} : memref<448x64xf32, #tpu.memory_space<vmem>>, vector<16xf32>,
                %add3A_449 = arith.addf %add3A_425, %get3A_448 : vector<16xf32>
                %add3A_450 = arith.constant 4 : i32
                %add3A_451 = arith.addi %mul3A_321, %add3A_450 : i32
                %get3A_452 = arith.index_cast %add3A_451 : i32 to index
                %get3A_453 = arith.constant 0 : index
                %get3A_454 = tpu.vector_load %arg8[%get3A_452, %get3A_453] {strides = array<i32>} : memref<448x64xf32, #tpu.memory_space<vmem>>, vector<16xf32>,
                %add3A_455 = arith.addf %add3A_431, %get3A_454 : vector<16xf32>
                %add3A_456 = arith.constant 4 : i32
                %add3A_457 = arith.addi %mul3A_321, %add3A_456 : i32
                %get3A_458 = arith.index_cast %add3A_457 : i32 to index
                %get3A_459 = arith.constant 16 : index
                %get3A_460 = tpu.vector_load %arg8[%get3A_458, %get3A_459] {strides = array<i32>} : memref<448x64xf32, #tpu.memory_space<vmem>>, vector<16xf32>,
                %add3A_461 = arith.addf %add3A_437, %get3A_460 : vector<16xf32>
                %add3A_462 = arith.constant 4 : i32
                %add3A_463 = arith.addi %mul3A_321, %add3A_462 : i32
                %get3A_464 = arith.index_cast %add3A_463 : i32 to index
                %get3A_465 = arith.constant 32 : index
                %get3A_466 = tpu.vector_load %arg8[%get3A_464, %get3A_465] {strides = array<i32>} : memref<448x64xf32, #tpu.memory_space<vmem>>, vector<16xf32>,
                %add3A_467 = arith.addf %add3A_443, %get3A_466 : vector<16xf32>
                %add3A_468 = arith.constant 4 : i32
                %add3A_469 = arith.addi %mul3A_321, %add3A_468 : i32
                %get3A_470 = arith.index_cast %add3A_469 : i32 to index
                %get3A_471 = arith.constant 48 : index
                %get3A_472 = tpu.vector_load %arg8[%get3A_470, %get3A_471] {strides = array<i32>} : memref<448x64xf32, #tpu.memory_space<vmem>>, vector<16xf32>,
                %add3A_473 = arith.addf %add3A_449, %get3A_472 : vector<16xf32>
                %add3A_474 = arith.constant 5 : i32
                %add3A_475 = arith.addi %mul3A_321, %add3A_474 : i32
                %get3A_476 = arith.index_cast %add3A_475 : i32 to index
                %get3A_477 = arith.constant 0 : index
                %get3A_478 = tpu.vector_load %arg8[%get3A_476, %get3A_477] {strides = array<i32>} : memref<448x64xf32, #tpu.memory_space<vmem>>, vector<16xf32>,
                %add3A_479 = arith.addf %add3A_455, %get3A_478 : vector<16xf32>
                %add3A_480 = arith.constant 5 : i32
                %add3A_481 = arith.addi %mul3A_321, %add3A_480 : i32
                %get3A_482 = arith.index_cast %add3A_481 : i32 to index
                %get3A_483 = arith.constant 16 : index
                %get3A_484 = tpu.vector_load %arg8[%get3A_482, %get3A_483] {strides = array<i32>} : memref<448x64xf32, #tpu.memory_space<vmem>>, vector<16xf32>,
                %add3A_485 = arith.addf %add3A_461, %get3A_484 : vector<16xf32>
                %add3A_486 = arith.constant 5 : i32
                %add3A_487 = arith.addi %mul3A_321, %add3A_486 : i32
                %get3A_488 = arith.index_cast %add3A_487 : i32 to index
                %get3A_489 = arith.constant 32 : index
                %get3A_490 = tpu.vector_load %arg8[%get3A_488, %get3A_489] {strides = array<i32>} : memref<448x64xf32, #tpu.memory_space<vmem>>, vector<16xf32>,
                %add3A_491 = arith.addf %add3A_467, %get3A_490 : vector<16xf32>
                %add3A_492 = arith.constant 5 : i32
                %add3A_493 = arith.addi %mul3A_321, %add3A_492 : i32
                %get3A_494 = arith.index_cast %add3A_493 : i32 to index
                %get3A_495 = arith.constant 48 : index
                %get3A_496 = tpu.vector_load %arg8[%get3A_494, %get3A_495] {strides = array<i32>} : memref<448x64xf32, #tpu.memory_space<vmem>>, vector<16xf32>,
                %add3A_497 = arith.addf %add3A_473, %get3A_496 : vector<16xf32>
                %add3A_498 = arith.constant 6 : i32
                %add3A_499 = arith.addi %mul3A_321, %add3A_498 : i32
                %get3A_500 = arith.index_cast %add3A_499 : i32 to index
                %get3A_501 = arith.constant 0 : index
                %get3A_502 = tpu.vector_load %arg8[%get3A_500, %get3A_501] {strides = array<i32>} : memref<448x64xf32, #tpu.memory_space<vmem>>, vector<16xf32>,
                %add3A_503 = arith.addf %add3A_479, %get3A_502 : vector<16xf32>
                %add3A_504 = arith.constant 6 : i32
                %add3A_505 = arith.addi %mul3A_321, %add3A_504 : i32
                %get3A_506 = arith.index_cast %add3A_505 : i32 to index
                %get3A_507 = arith.constant 16 : index
                %get3A_508 = tpu.vector_load %arg8[%get3A_506, %get3A_507] {strides = array<i32>} : memref<448x64xf32, #tpu.memory_space<vmem>>, vector<16xf32>,
                %add3A_509 = arith.addf %add3A_485, %get3A_508 : vector<16xf32>
                %add3A_510 = arith.constant 6 : i32
                %add3A_511 = arith.addi %mul3A_321, %add3A_510 : i32
                %get3A_512 = arith.index_cast %add3A_511 : i32 to index
                %get3A_513 = arith.constant 32 : index
                %get3A_514 = tpu.vector_load %arg8[%get3A_512, %get3A_513] {strides = array<i32>} : memref<448x64xf32, #tpu.memory_space<vmem>>, vector<16xf32>,
                %add3A_515 = arith.addf %add3A_491, %get3A_514 : vector<16xf32>
                %add3A_516 = arith.constant 6 : i32
                %add3A_517 = arith.addi %mul3A_321, %add3A_516 : i32
                %get3A_518 = arith.index_cast %add3A_517 : i32 to index
                %get3A_519 = arith.constant 48 : index
                %get3A_520 = tpu.vector_load %arg8[%get3A_518, %get3A_519] {strides = array<i32>} : memref<448x64xf32, #tpu.memory_space<vmem>>, vector<16xf32>,
                %add3A_521 = arith.addf %add3A_497, %get3A_520 : vector<16xf32>
                %add3A_522 = arith.constant 7 : i32
                %add3A_523 = arith.addi %mul3A_321, %add3A_522 : i32
                %get3A_524 = arith.index_cast %add3A_523 : i32 to index
                %get3A_525 = arith.constant 0 : index
                %get3A_526 = tpu.vector_load %arg8[%get3A_524, %get3A_525] {strides = array<i32>} : memref<448x64xf32, #tpu.memory_space<vmem>>, vector<16xf32>,
                %add3A_527 = arith.addf %add3A_503, %get3A_526 : vector<16xf32>
                %add3A_528 = arith.constant 7 : i32
                %add3A_529 = arith.addi %mul3A_321, %add3A_528 : i32
                %get3A_530 = arith.index_cast %add3A_529 : i32 to index
                %get3A_531 = arith.constant 16 : index
                %get3A_532 = tpu.vector_load %arg8[%get3A_530, %get3A_531] {strides = array<i32>} : memref<448x64xf32, #tpu.memory_space<vmem>>, vector<16xf32>,
                %add3A_533 = arith.addf %add3A_509, %get3A_532 : vector<16xf32>
                %add3A_534 = arith.constant 7 : i32
                %add3A_535 = arith.addi %mul3A_321, %add3A_534 : i32
                %get3A_536 = arith.index_cast %add3A_535 : i32 to index
                %get3A_537 = arith.constant 32 : index
                %get3A_538 = tpu.vector_load %arg8[%get3A_536, %get3A_537] {strides = array<i32>} : memref<448x64xf32, #tpu.memory_space<vmem>>, vector<16xf32>,
                %add3A_539 = arith.addf %add3A_515, %get3A_538 : vector<16xf32>
                %add3A_540 = arith.constant 7 : i32
                %add3A_541 = arith.addi %mul3A_321, %add3A_540 : i32
                %get3A_542 = arith.index_cast %add3A_541 : i32 to index
                %get3A_543 = arith.constant 48 : index
                %get3A_544 = tpu.vector_load %arg8[%get3A_542, %get3A_543] {strides = array<i32>} : memref<448x64xf32, #tpu.memory_space<vmem>>, vector<16xf32>,
                %add3A_545 = arith.addf %add3A_521, %get3A_544 : vector<16xf32>
                %add3A_546 = arith.constant 0 : i32
                %add3A_547 = arith.addi %reduce_min3A_339, %add3A_546 : i32
                %broadcast_in_dim3A_548 = vector.broadcast %add3A_547 : i32 to vector<16xi32>
                %broadcast_in_dim3A_549 = arith.constant 8.000000e+00 : f32
                %broadcast_in_dim3A_550 = vector.broadcast %broadcast_in_dim3A_549 : f32 to vector<16xf32>
                %add3A_551 = arith.constant 0 : i32
                %add3A_552 = vector.broadcast %add3A_551 : i32 to vector<16xi32>
                %add3A_553 = arith.addi %add3A_552, %iota3A : vector<16xi32>
                tpu.vector_store_idx %arg12[%broadcast_in_dim3A_548, %add3A_553], %add3A_527 {add = true} : memref<32x80xf32, #tpu.memory_space<vmem>>[vector<16xi32>, vector<16xi32>], vector<16xf32>,
                %add3A_554 = arith.constant 16 : i32
                %add3A_555 = vector.broadcast %add3A_554 : i32 to vector<16xi32>
                %add3A_556 = arith.addi %add3A_555, %iota3A : vector<16xi32>
                tpu.vector_store_idx %arg12[%broadcast_in_dim3A_548, %add3A_556], %add3A_533 {add = true} : memref<32x80xf32, #tpu.memory_space<vmem>>[vector<16xi32>, vector<16xi32>], vector<16xf32>,
                %add3A_557 = arith.constant 32 : i32
                %add3A_558 = vector.broadcast %add3A_557 : i32 to vector<16xi32>
                %add3A_559 = arith.addi %add3A_558, %iota3A : vector<16xi32>
                tpu.vector_store_idx %arg12[%broadcast_in_dim3A_548, %add3A_559], %add3A_539 {add = true} : memref<32x80xf32, #tpu.memory_space<vmem>>[vector<16xi32>, vector<16xi32>], vector<16xf32>,
                %add3A_560 = arith.constant 48 : i32
                %add3A_561 = vector.broadcast %add3A_560 : i32 to vector<16xi32>
                %add3A_562 = arith.addi %add3A_561, %iota3A : vector<16xi32>
                tpu.vector_store_idx %arg12[%broadcast_in_dim3A_548, %add3A_562], %add3A_545 {add = true} : memref<32x80xf32, #tpu.memory_space<vmem>>[vector<16xi32>, vector<16xi32>], vector<16xf32>,
                %broadcast_in_dim3A_563 = arith.constant 64 : i32
                %broadcast_in_dim3A_564 = vector.broadcast %broadcast_in_dim3A_563 : i32 to vector<16xi32>
                tpu.vector_store_idx %arg12[%broadcast_in_dim3A_548, %broadcast_in_dim3A_564], %broadcast_in_dim3A_550 masked %eq3A_5 {add = true} : memref<32x80xf32, #tpu.memory_space<vmem>>[vector<16xi32>, vector<16xi32>], vector<16xf32>, vector<16xi1>
              } else {
                %max3A_354 = arith.maxsi %sub3A, %mul3A_321 : i32
                %add3A_355 = arith.constant 8 : i32
                %add3A_356 = arith.addi %mul3A_321, %add3A_355 : i32
                %while3A_357 = arith.constant 0 : i32
                %while3A_358 = arith.subi %add3A_356, %max3A_354 : i32
                %while3A_359 = arith.addi %max3A_354, %while3A_358 : i32
                %while3A_360 = arith.constant 1 : i32
                %while3A_361 = arith.divsi %while3A_358, %while3A_360 : i32
                %while3A_362 = arith.muli %while3A_361, %while3A_360 : i32
                %while3A_363 = arith.addi %max3A_354, %while3A_362 : i32
                %while3A_364 = arith.constant 1 : i32
                scf.for %while3A_366 = %max3A_354 to %while3A_363 step %while3A_364  : i32 {
                  %broadcast_in_dim3A_367 = vector.broadcast %while3A_366 : i32 to vector<16xi32>
                  %gather3A_368 = tpu.vector_load_idx %arg10[%broadcast_in_dim3A_367] : memref<464xi32, #tpu.memory_space<vmem>>[vector<16xi32>], vector<16xi32>,
                  %add3A_369 = arith.constant 0 : i32
                  %add3A_370 = vector.broadcast %add3A_369 : i32 to vector<16xi32>
                  %add3A_371 = arith.addi %gather3A_368, %add3A_370 : vector<16xi32>
                  %get3A_372 = arith.index_cast %while3A_366 : i32 to index
                  %get3A_373 = arith.constant 0 : index
                  %get3A_374 = tpu.vector_load %arg8[%get3A_372, %get3A_373] {strides = array<i32>} : memref<448x64xf32, #tpu.memory_space<vmem>>, vector<16xf32>,
                  %add3A_375 = arith.constant 0 : i32
                  %add3A_376 = vector.broadcast %add3A_375 : i32 to vector<16xi32>
                  %add3A_377 = arith.addi %add3A_376, %iota3A : vector<16xi32>
                  tpu.vector_store_idx %arg12[%add3A_371, %add3A_377], %get3A_374 {add = true} : memref<32x80xf32, #tpu.memory_space<vmem>>[vector<16xi32>, vector<16xi32>], vector<16xf32>,
                  %get3A_378 = arith.index_cast %while3A_366 : i32 to index
                  %get3A_379 = arith.constant 16 : index
                  %get3A_380 = tpu.vector_load %arg8[%get3A_378, %get3A_379] {strides = array<i32>} : memref<448x64xf32, #tpu.memory_space<vmem>>, vector<16xf32>,
                  %add3A_381 = arith.constant 16 : i32
                  %add3A_382 = vector.broadcast %add3A_381 : i32 to vector<16xi32>
                  %add3A_383 = arith.addi %add3A_382, %iota3A : vector<16xi32>
                  tpu.vector_store_idx %arg12[%add3A_371, %add3A_383], %get3A_380 {add = true} : memref<32x80xf32, #tpu.memory_space<vmem>>[vector<16xi32>, vector<16xi32>], vector<16xf32>,
                  %get3A_384 = arith.index_cast %while3A_366 : i32 to index
                  %get3A_385 = arith.constant 32 : index
                  %get3A_386 = tpu.vector_load %arg8[%get3A_384, %get3A_385] {strides = array<i32>} : memref<448x64xf32, #tpu.memory_space<vmem>>, vector<16xf32>,
                  %add3A_387 = arith.constant 32 : i32
                  %add3A_388 = vector.broadcast %add3A_387 : i32 to vector<16xi32>
                  %add3A_389 = arith.addi %add3A_388, %iota3A : vector<16xi32>
                  tpu.vector_store_idx %arg12[%add3A_371, %add3A_389], %get3A_386 {add = true} : memref<32x80xf32, #tpu.memory_space<vmem>>[vector<16xi32>, vector<16xi32>], vector<16xf32>,
                  %get3A_390 = arith.index_cast %while3A_366 : i32 to index
                  %get3A_391 = arith.constant 48 : index
                  %get3A_392 = tpu.vector_load %arg8[%get3A_390, %get3A_391] {strides = array<i32>} : memref<448x64xf32, #tpu.memory_space<vmem>>, vector<16xf32>,
                  %add3A_393 = arith.constant 48 : i32
                  %add3A_394 = vector.broadcast %add3A_393 : i32 to vector<16xi32>
                  %add3A_395 = arith.addi %add3A_394, %iota3A : vector<16xi32>
                  tpu.vector_store_idx %arg12[%add3A_371, %add3A_395], %get3A_392 {add = true} : memref<32x80xf32, #tpu.memory_space<vmem>>[vector<16xi32>, vector<16xi32>], vector<16xf32>,
                  %broadcast_in_dim3A_396 = arith.constant 64 : i32
                  %broadcast_in_dim3A_397 = vector.broadcast %broadcast_in_dim3A_396 : i32 to vector<16xi32>
                  tpu.vector_store_idx %arg12[%add3A_371, %broadcast_in_dim3A_397], %broadcast_in_dim3A_1 masked %eq3A_5 {add = true} : memref<32x80xf32, #tpu.memory_space<vmem>>[vector<16xi32>, vector<16xi32>], vector<16xf32>, vector<16xi1>
                }
                %while3A_365 = arith.constant 1 : i32
                scf.for %while3A_366 = %while3A_363 to %while3A_359 step %while3A_365  : i32 {
                  %broadcast_in_dim3A_367 = vector.broadcast %while3A_366 : i32 to vector<16xi32>
                  %gather3A_368 = tpu.vector_load_idx %arg10[%broadcast_in_dim3A_367] : memref<464xi32, #tpu.memory_space<vmem>>[vector<16xi32>], vector<16xi32>,
                  %add3A_369 = arith.constant 0 : i32
                  %add3A_370 = vector.broadcast %add3A_369 : i32 to vector<16xi32>
                  %add3A_371 = arith.addi %gather3A_368, %add3A_370 : vector<16xi32>
                  %get3A_372 = arith.index_cast %while3A_366 : i32 to index
                  %get3A_373 = arith.constant 0 : index
                  %get3A_374 = tpu.vector_load %arg8[%get3A_372, %get3A_373] {strides = array<i32>} : memref<448x64xf32, #tpu.memory_space<vmem>>, vector<16xf32>,
                  %add3A_375 = arith.constant 0 : i32
                  %add3A_376 = vector.broadcast %add3A_375 : i32 to vector<16xi32>
                  %add3A_377 = arith.addi %add3A_376, %iota3A : vector<16xi32>
                  tpu.vector_store_idx %arg12[%add3A_371, %add3A_377], %get3A_374 {add = true} : memref<32x80xf32, #tpu.memory_space<vmem>>[vector<16xi32>, vector<16xi32>], vector<16xf32>,
                  %get3A_378 = arith.index_cast %while3A_366 : i32 to index
                  %get3A_379 = arith.constant 16 : index
                  %get3A_380 = tpu.vector_load %arg8[%get3A_378, %get3A_379] {strides = array<i32>} : memref<448x64xf32, #tpu.memory_space<vmem>>, vector<16xf32>,
                  %add3A_381 = arith.constant 16 : i32
                  %add3A_382 = vector.broadcast %add3A_381 : i32 to vector<16xi32>
                  %add3A_383 = arith.addi %add3A_382, %iota3A : vector<16xi32>
                  tpu.vector_store_idx %arg12[%add3A_371, %add3A_383], %get3A_380 {add = true} : memref<32x80xf32, #tpu.memory_space<vmem>>[vector<16xi32>, vector<16xi32>], vector<16xf32>,
                  %get3A_384 = arith.index_cast %while3A_366 : i32 to index
                  %get3A_385 = arith.constant 32 : index
                  %get3A_386 = tpu.vector_load %arg8[%get3A_384, %get3A_385] {strides = array<i32>} : memref<448x64xf32, #tpu.memory_space<vmem>>, vector<16xf32>,
                  %add3A_387 = arith.constant 32 : i32
                  %add3A_388 = vector.broadcast %add3A_387 : i32 to vector<16xi32>
                  %add3A_389 = arith.addi %add3A_388, %iota3A : vector<16xi32>
                  tpu.vector_store_idx %arg12[%add3A_371, %add3A_389], %get3A_386 {add = true} : memref<32x80xf32, #tpu.memory_space<vmem>>[vector<16xi32>, vector<16xi32>], vector<16xf32>,
                  %get3A_390 = arith.index_cast %while3A_366 : i32 to index
                  %get3A_391 = arith.constant 48 : index
                  %get3A_392 = tpu.vector_load %arg8[%get3A_390, %get3A_391] {strides = array<i32>} : memref<448x64xf32, #tpu.memory_space<vmem>>, vector<16xf32>,
                  %add3A_393 = arith.constant 48 : i32
                  %add3A_394 = vector.broadcast %add3A_393 : i32 to vector<16xi32>
                  %add3A_395 = arith.addi %add3A_394, %iota3A : vector<16xi32>
                  tpu.vector_store_idx %arg12[%add3A_371, %add3A_395], %get3A_392 {add = true} : memref<32x80xf32, #tpu.memory_space<vmem>>[vector<16xi32>, vector<16xi32>], vector<16xf32>,
                  %broadcast_in_dim3A_396 = arith.constant 64 : i32
                  %broadcast_in_dim3A_397 = vector.broadcast %broadcast_in_dim3A_396 : i32 to vector<16xi32>
                  tpu.vector_store_idx %arg12[%add3A_371, %broadcast_in_dim3A_397], %broadcast_in_dim3A_1 masked %eq3A_5 {add = true} : memref<32x80xf32, #tpu.memory_space<vmem>>[vector<16xi32>, vector<16xi32>], vector<16xf32>, vector<16xi1>
                }
              }
            }
            %while3A_318 = arith.constant 1 : i32
            scf.for %while3A_319 = %while3A_316 to %while3A_312 step %while3A_318  : i32 {
              %mul3A_320 = arith.constant 8 : i32
              %mul3A_321 = arith.muli %while3A_319, %mul3A_320 : i32
              %get3A_322 = arith.index_cast %mul3A_321 : i32 to index
              %get3A_323 = tpu.vector_load %arg10[%get3A_322] {strides = array<i32>} : memref<464xi32, #tpu.memory_space<vmem>>, vector<16xi32>,
              %broadcast_in_dim3A_324 = arith.constant 1073741824 : i32
              %broadcast_in_dim3A_325 = vector.broadcast %broadcast_in_dim3A_324 : i32 to vector<16xi32>
              %broadcast_in_dim3A_326 = arith.constant -1073741824 : i32
              %broadcast_in_dim3A_327 = vector.broadcast %broadcast_in_dim3A_326 : i32 to vector<16xi32>
              %lt3A_328 = arith.constant 8 : i32
              %lt3A_329 = vector.broadcast %lt3A_328 : i32 to vector<16xi32>
              %lt3A_330 = arith.cmpi slt, %iota3A, %lt3A_329 : vector<16xi32>
              %select_n3A_331 = arith.select %lt3A_330, %get3A_323, %broadcast_in_dim3A_325 : vector<16xi1>, vector<16xi32>
              %reduce_min3A_332 = arith.constant true
              %reduce_min3A_333 = vector.broadcast %reduce_min3A_332 : i1 to vector<16xi1>
              %reduce_min3A_334 = arith.constant -2147483648 : i32
              %reduce_min3A_335 = vector.broadcast %reduce_min3A_334 : i32 to vector<16xi32>
              %reduce_min3A_336 = arith.xori %select_n3A_331, %reduce_min3A_335 : vector<16xi32>
              %reduce_min3A_337 = tpu.scan <min>, %reduce_min3A_336 masked %reduce_min3A_333 : vector<16xi32>, vector<16xi1> -> vector<16xi32>
              %reduce_min3A_338 = arith.xori %reduce_min3A_337, %reduce_min3A_335 : vector<16xi32>
              %reduce_min3A_339 = vector.extract %reduce_min3A_338[15] : i32 from vector<16xi32>
              %select_n3A_340 = arith.select %lt3A_330, %get3A_323, %broadcast_in_dim3A_327 : vector<16xi1>, vector<16xi32>
              %reduce_max3A_341 = arith.constant true
              %reduce_max3A_342 = vector.broadcast %reduce_max3A_341 : i1 to vector<16xi1>
              %reduce_max3A_343 = arith.constant -2147483648 : i32
              %reduce_max3A_344 = vector.broadcast %reduce_max3A_343 : i32 to vector<16xi32>
              %reduce_max3A_345 = arith.xori %select_n3A_340, %reduce_max3A_344 : vector<16xi32>
              %reduce_max3A_346 = tpu.scan <max>, %reduce_max3A_345 masked %reduce_max3A_342 : vector<16xi32>, vector<16xi1> -> vector<16xi32>
              %reduce_max3A_347 = arith.xori %reduce_max3A_346, %reduce_max3A_344 : vector<16xi32>
              %reduce_max3A_348 = vector.extract %reduce_max3A_347[15] : i32 from vector<16xi32>
              %eq3A_349 = arith.cmpi eq, %reduce_min3A_339, %reduce_max3A_348 : i32
              %ge3A = arith.cmpi sge, %mul3A_321, %sub3A : i32
              %and3A_350 = arith.andi %eq3A_349, %ge3A : i1
              %convert_element_type3A_351 = arith.extui %and3A_350 : i1 to i32
              %cond3A_352 = arith.constant 0 : i32
              %cond3A_353 = arith.cmpi ne, %convert_element_type3A_351, %cond3A_352 : i32
              scf.if %cond3A_353 {
                %add3A_354 = arith.constant 0 : i32
                %add3A_355 = arith.addi %mul3A_321, %add3A_354 : i32
                %get3A_356 = arith.index_cast %add3A_355 : i32 to index
                %get3A_357 = arith.constant 0 : index
                %get3A_358 = tpu.vector_load %arg8[%get3A_356, %get3A_357] {strides = array<i32>} : memref<448x64xf32, #tpu.memory_space<vmem>>, vector<16xf32>,
                %add3A_359 = arith.addf %broadcast_in_dim3A_3, %get3A_358 : vector<16xf32>
                %add3A_360 = arith.constant 0 : i32
                %add3A_361 = arith.addi %mul3A_321, %add3A_360 : i32
                %get3A_362 = arith.index_cast %add3A_361 : i32 to index
                %get3A_363 = arith.constant 16 : index
                %get3A_364 = tpu.vector_load %arg8[%get3A_362, %get3A_363] {strides = array<i32>} : memref<448x64xf32, #tpu.memory_space<vmem>>, vector<16xf32>,
                %add3A_365 = arith.addf %broadcast_in_dim3A_3, %get3A_364 : vector<16xf32>
                %add3A_366 = arith.constant 0 : i32
                %add3A_367 = arith.addi %mul3A_321, %add3A_366 : i32
                %get3A_368 = arith.index_cast %add3A_367 : i32 to index
                %get3A_369 = arith.constant 32 : index
                %get3A_370 = tpu.vector_load %arg8[%get3A_368, %get3A_369] {strides = array<i32>} : memref<448x64xf32, #tpu.memory_space<vmem>>, vector<16xf32>,
                %add3A_371 = arith.addf %broadcast_in_dim3A_3, %get3A_370 : vector<16xf32>
                %add3A_372 = arith.constant 0 : i32
                %add3A_373 = arith.addi %mul3A_321, %add3A_372 : i32
                %get3A_374 = arith.index_cast %add3A_373 : i32 to index
                %get3A_375 = arith.constant 48 : index
                %get3A_376 = tpu.vector_load %arg8[%get3A_374, %get3A_375] {strides = array<i32>} : memref<448x64xf32, #tpu.memory_space<vmem>>, vector<16xf32>,
                %add3A_377 = arith.addf %broadcast_in_dim3A_3, %get3A_376 : vector<16xf32>
                %add3A_378 = arith.constant 1 : i32
                %add3A_379 = arith.addi %mul3A_321, %add3A_378 : i32
                %get3A_380 = arith.index_cast %add3A_379 : i32 to index
                %get3A_381 = arith.constant 0 : index
                %get3A_382 = tpu.vector_load %arg8[%get3A_380, %get3A_381] {strides = array<i32>} : memref<448x64xf32, #tpu.memory_space<vmem>>, vector<16xf32>,
                %add3A_383 = arith.addf %add3A_359, %get3A_382 : vector<16xf32>
                %add3A_384 = arith.constant 1 : i32
                %add3A_385 = arith.addi %mul3A_321, %add3A_384 : i32
                %get3A_386 = arith.index_cast %add3A_385 : i32 to index
                %get3A_387 = arith.constant 16 : index
                %get3A_388 = tpu.vector_load %arg8[%get3A_386, %get3A_387] {strides = array<i32>} : memref<448x64xf32, #tpu.memory_space<vmem>>, vector<16xf32>,
                %add3A_389 = arith.addf %add3A_365, %get3A_388 : vector<16xf32>
                %add3A_390 = arith.constant 1 : i32
                %add3A_391 = arith.addi %mul3A_321, %add3A_390 : i32
                %get3A_392 = arith.index_cast %add3A_391 : i32 to index
                %get3A_393 = arith.constant 32 : index
                %get3A_394 = tpu.vector_load %arg8[%get3A_392, %get3A_393] {strides = array<i32>} : memref<448x64xf32, #tpu.memory_space<vmem>>, vector<16xf32>,
                %add3A_395 = arith.addf %add3A_371, %get3A_394 : vector<16xf32>
                %add3A_396 = arith.constant 1 : i32
                %add3A_397 = arith.addi %mul3A_321, %add3A_396 : i32
                %get3A_398 = arith.index_cast %add3A_397 : i32 to index
                %get3A_399 = arith.constant 48 : index
                %get3A_400 = tpu.vector_load %arg8[%get3A_398, %get3A_399] {strides = array<i32>} : memref<448x64xf32, #tpu.memory_space<vmem>>, vector<16xf32>,
                %add3A_401 = arith.addf %add3A_377, %get3A_400 : vector<16xf32>
                %add3A_402 = arith.constant 2 : i32
                %add3A_403 = arith.addi %mul3A_321, %add3A_402 : i32
                %get3A_404 = arith.index_cast %add3A_403 : i32 to index
                %get3A_405 = arith.constant 0 : index
                %get3A_406 = tpu.vector_load %arg8[%get3A_404, %get3A_405] {strides = array<i32>} : memref<448x64xf32, #tpu.memory_space<vmem>>, vector<16xf32>,
                %add3A_407 = arith.addf %add3A_383, %get3A_406 : vector<16xf32>
                %add3A_408 = arith.constant 2 : i32
                %add3A_409 = arith.addi %mul3A_321, %add3A_408 : i32
                %get3A_410 = arith.index_cast %add3A_409 : i32 to index
                %get3A_411 = arith.constant 16 : index
                %get3A_412 = tpu.vector_load %arg8[%get3A_410, %get3A_411] {strides = array<i32>} : memref<448x64xf32, #tpu.memory_space<vmem>>, vector<16xf32>,
                %add3A_413 = arith.addf %add3A_389, %get3A_412 : vector<16xf32>
                %add3A_414 = arith.constant 2 : i32
                %add3A_415 = arith.addi %mul3A_321, %add3A_414 : i32
                %get3A_416 = arith.index_cast %add3A_415 : i32 to index
                %get3A_417 = arith.constant 32 : index
                %get3A_418 = tpu.vector_load %arg8[%get3A_416, %get3A_417] {strides = array<i32>} : memref<448x64xf32, #tpu.memory_space<vmem>>, vector<16xf32>,
                %add3A_419 = arith.addf %add3A_395, %get3A_418 : vector<16xf32>
                %add3A_420 = arith.constant 2 : i32
                %add3A_421 = arith.addi %mul3A_321, %add3A_420 : i32
                %get3A_422 = arith.index_cast %add3A_421 : i32 to index
                %get3A_423 = arith.constant 48 : index
                %get3A_424 = tpu.vector_load %arg8[%get3A_422, %get3A_423] {strides = array<i32>} : memref<448x64xf32, #tpu.memory_space<vmem>>, vector<16xf32>,
                %add3A_425 = arith.addf %add3A_401, %get3A_424 : vector<16xf32>
                %add3A_426 = arith.constant 3 : i32
                %add3A_427 = arith.addi %mul3A_321, %add3A_426 : i32
                %get3A_428 = arith.index_cast %add3A_427 : i32 to index
                %get3A_429 = arith.constant 0 : index
                %get3A_430 = tpu.vector_load %arg8[%get3A_428, %get3A_429] {strides = array<i32>} : memref<448x64xf32, #tpu.memory_space<vmem>>, vector<16xf32>,
                %add3A_431 = arith.addf %add3A_407, %get3A_430 : vector<16xf32>
                %add3A_432 = arith.constant 3 : i32
                %add3A_433 = arith.addi %mul3A_321, %add3A_432 : i32
                %get3A_434 = arith.index_cast %add3A_433 : i32 to index
                %get3A_435 = arith.constant 16 : index
                %get3A_436 = tpu.vector_load %arg8[%get3A_434, %get3A_435] {strides = array<i32>} : memref<448x64xf32, #tpu.memory_space<vmem>>, vector<16xf32>,
                %add3A_437 = arith.addf %add3A_413, %get3A_436 : vector<16xf32>
                %add3A_438 = arith.constant 3 : i32
                %add3A_439 = arith.addi %mul3A_321, %add3A_438 : i32
                %get3A_440 = arith.index_cast %add3A_439 : i32 to index
                %get3A_441 = arith.constant 32 : index
                %get3A_442 = tpu.vector_load %arg8[%get3A_440, %get3A_441] {strides = array<i32>} : memref<448x64xf32, #tpu.memory_space<vmem>>, vector<16xf32>,
                %add3A_443 = arith.addf %add3A_419, %get3A_442 : vector<16xf32>
                %add3A_444 = arith.constant 3 : i32
                %add3A_445 = arith.addi %mul3A_321, %add3A_444 : i32
                %get3A_446 = arith.index_cast %add3A_445 : i32 to index
                %get3A_447 = arith.constant 48 : index
                %get3A_448 = tpu.vector_load %arg8[%get3A_446, %get3A_447] {strides = array<i32>} : memref<448x64xf32, #tpu.memory_space<vmem>>, vector<16xf32>,
                %add3A_449 = arith.addf %add3A_425, %get3A_448 : vector<16xf32>
                %add3A_450 = arith.constant 4 : i32
                %add3A_451 = arith.addi %mul3A_321, %add3A_450 : i32
                %get3A_452 = arith.index_cast %add3A_451 : i32 to index
                %get3A_453 = arith.constant 0 : index
                %get3A_454 = tpu.vector_load %arg8[%get3A_452, %get3A_453] {strides = array<i32>} : memref<448x64xf32, #tpu.memory_space<vmem>>, vector<16xf32>,
                %add3A_455 = arith.addf %add3A_431, %get3A_454 : vector<16xf32>
                %add3A_456 = arith.constant 4 : i32
                %add3A_457 = arith.addi %mul3A_321, %add3A_456 : i32
                %get3A_458 = arith.index_cast %add3A_457 : i32 to index
                %get3A_459 = arith.constant 16 : index
                %get3A_460 = tpu.vector_load %arg8[%get3A_458, %get3A_459] {strides = array<i32>} : memref<448x64xf32, #tpu.memory_space<vmem>>, vector<16xf32>,
                %add3A_461 = arith.addf %add3A_437, %get3A_460 : vector<16xf32>
                %add3A_462 = arith.constant 4 : i32
                %add3A_463 = arith.addi %mul3A_321, %add3A_462 : i32
                %get3A_464 = arith.index_cast %add3A_463 : i32 to index
                %get3A_465 = arith.constant 32 : index
                %get3A_466 = tpu.vector_load %arg8[%get3A_464, %get3A_465] {strides = array<i32>} : memref<448x64xf32, #tpu.memory_space<vmem>>, vector<16xf32>,
                %add3A_467 = arith.addf %add3A_443, %get3A_466 : vector<16xf32>
                %add3A_468 = arith.constant 4 : i32
                %add3A_469 = arith.addi %mul3A_321, %add3A_468 : i32
                %get3A_470 = arith.index_cast %add3A_469 : i32 to index
                %get3A_471 = arith.constant 48 : index
                %get3A_472 = tpu.vector_load %arg8[%get3A_470, %get3A_471] {strides = array<i32>} : memref<448x64xf32, #tpu.memory_space<vmem>>, vector<16xf32>,
                %add3A_473 = arith.addf %add3A_449, %get3A_472 : vector<16xf32>
                %add3A_474 = arith.constant 5 : i32
                %add3A_475 = arith.addi %mul3A_321, %add3A_474 : i32
                %get3A_476 = arith.index_cast %add3A_475 : i32 to index
                %get3A_477 = arith.constant 0 : index
                %get3A_478 = tpu.vector_load %arg8[%get3A_476, %get3A_477] {strides = array<i32>} : memref<448x64xf32, #tpu.memory_space<vmem>>, vector<16xf32>,
                %add3A_479 = arith.addf %add3A_455, %get3A_478 : vector<16xf32>
                %add3A_480 = arith.constant 5 : i32
                %add3A_481 = arith.addi %mul3A_321, %add3A_480 : i32
                %get3A_482 = arith.index_cast %add3A_481 : i32 to index
                %get3A_483 = arith.constant 16 : index
                %get3A_484 = tpu.vector_load %arg8[%get3A_482, %get3A_483] {strides = array<i32>} : memref<448x64xf32, #tpu.memory_space<vmem>>, vector<16xf32>,
                %add3A_485 = arith.addf %add3A_461, %get3A_484 : vector<16xf32>
                %add3A_486 = arith.constant 5 : i32
                %add3A_487 = arith.addi %mul3A_321, %add3A_486 : i32
                %get3A_488 = arith.index_cast %add3A_487 : i32 to index
                %get3A_489 = arith.constant 32 : index
                %get3A_490 = tpu.vector_load %arg8[%get3A_488, %get3A_489] {strides = array<i32>} : memref<448x64xf32, #tpu.memory_space<vmem>>, vector<16xf32>,
                %add3A_491 = arith.addf %add3A_467, %get3A_490 : vector<16xf32>
                %add3A_492 = arith.constant 5 : i32
                %add3A_493 = arith.addi %mul3A_321, %add3A_492 : i32
                %get3A_494 = arith.index_cast %add3A_493 : i32 to index
                %get3A_495 = arith.constant 48 : index
                %get3A_496 = tpu.vector_load %arg8[%get3A_494, %get3A_495] {strides = array<i32>} : memref<448x64xf32, #tpu.memory_space<vmem>>, vector<16xf32>,
                %add3A_497 = arith.addf %add3A_473, %get3A_496 : vector<16xf32>
                %add3A_498 = arith.constant 6 : i32
                %add3A_499 = arith.addi %mul3A_321, %add3A_498 : i32
                %get3A_500 = arith.index_cast %add3A_499 : i32 to index
                %get3A_501 = arith.constant 0 : index
                %get3A_502 = tpu.vector_load %arg8[%get3A_500, %get3A_501] {strides = array<i32>} : memref<448x64xf32, #tpu.memory_space<vmem>>, vector<16xf32>,
                %add3A_503 = arith.addf %add3A_479, %get3A_502 : vector<16xf32>
                %add3A_504 = arith.constant 6 : i32
                %add3A_505 = arith.addi %mul3A_321, %add3A_504 : i32
                %get3A_506 = arith.index_cast %add3A_505 : i32 to index
                %get3A_507 = arith.constant 16 : index
                %get3A_508 = tpu.vector_load %arg8[%get3A_506, %get3A_507] {strides = array<i32>} : memref<448x64xf32, #tpu.memory_space<vmem>>, vector<16xf32>,
                %add3A_509 = arith.addf %add3A_485, %get3A_508 : vector<16xf32>
                %add3A_510 = arith.constant 6 : i32
                %add3A_511 = arith.addi %mul3A_321, %add3A_510 : i32
                %get3A_512 = arith.index_cast %add3A_511 : i32 to index
                %get3A_513 = arith.constant 32 : index
                %get3A_514 = tpu.vector_load %arg8[%get3A_512, %get3A_513] {strides = array<i32>} : memref<448x64xf32, #tpu.memory_space<vmem>>, vector<16xf32>,
                %add3A_515 = arith.addf %add3A_491, %get3A_514 : vector<16xf32>
                %add3A_516 = arith.constant 6 : i32
                %add3A_517 = arith.addi %mul3A_321, %add3A_516 : i32
                %get3A_518 = arith.index_cast %add3A_517 : i32 to index
                %get3A_519 = arith.constant 48 : index
                %get3A_520 = tpu.vector_load %arg8[%get3A_518, %get3A_519] {strides = array<i32>} : memref<448x64xf32, #tpu.memory_space<vmem>>, vector<16xf32>,
                %add3A_521 = arith.addf %add3A_497, %get3A_520 : vector<16xf32>
                %add3A_522 = arith.constant 7 : i32
                %add3A_523 = arith.addi %mul3A_321, %add3A_522 : i32
                %get3A_524 = arith.index_cast %add3A_523 : i32 to index
                %get3A_525 = arith.constant 0 : index
                %get3A_526 = tpu.vector_load %arg8[%get3A_524, %get3A_525] {strides = array<i32>} : memref<448x64xf32, #tpu.memory_space<vmem>>, vector<16xf32>,
                %add3A_527 = arith.addf %add3A_503, %get3A_526 : vector<16xf32>
                %add3A_528 = arith.constant 7 : i32
                %add3A_529 = arith.addi %mul3A_321, %add3A_528 : i32
                %get3A_530 = arith.index_cast %add3A_529 : i32 to index
                %get3A_531 = arith.constant 16 : index
                %get3A_532 = tpu.vector_load %arg8[%get3A_530, %get3A_531] {strides = array<i32>} : memref<448x64xf32, #tpu.memory_space<vmem>>, vector<16xf32>,
                %add3A_533 = arith.addf %add3A_509, %get3A_532 : vector<16xf32>
                %add3A_534 = arith.constant 7 : i32
                %add3A_535 = arith.addi %mul3A_321, %add3A_534 : i32
                %get3A_536 = arith.index_cast %add3A_535 : i32 to index
                %get3A_537 = arith.constant 32 : index
                %get3A_538 = tpu.vector_load %arg8[%get3A_536, %get3A_537] {strides = array<i32>} : memref<448x64xf32, #tpu.memory_space<vmem>>, vector<16xf32>,
                %add3A_539 = arith.addf %add3A_515, %get3A_538 : vector<16xf32>
                %add3A_540 = arith.constant 7 : i32
                %add3A_541 = arith.addi %mul3A_321, %add3A_540 : i32
                %get3A_542 = arith.index_cast %add3A_541 : i32 to index
                %get3A_543 = arith.constant 48 : index
                %get3A_544 = tpu.vector_load %arg8[%get3A_542, %get3A_543] {strides = array<i32>} : memref<448x64xf32, #tpu.memory_space<vmem>>, vector<16xf32>,
                %add3A_545 = arith.addf %add3A_521, %get3A_544 : vector<16xf32>
                %add3A_546 = arith.constant 0 : i32
                %add3A_547 = arith.addi %reduce_min3A_339, %add3A_546 : i32
                %broadcast_in_dim3A_548 = vector.broadcast %add3A_547 : i32 to vector<16xi32>
                %broadcast_in_dim3A_549 = arith.constant 8.000000e+00 : f32
                %broadcast_in_dim3A_550 = vector.broadcast %broadcast_in_dim3A_549 : f32 to vector<16xf32>
                %add3A_551 = arith.constant 0 : i32
                %add3A_552 = vector.broadcast %add3A_551 : i32 to vector<16xi32>
                %add3A_553 = arith.addi %add3A_552, %iota3A : vector<16xi32>
                tpu.vector_store_idx %arg12[%broadcast_in_dim3A_548, %add3A_553], %add3A_527 {add = true} : memref<32x80xf32, #tpu.memory_space<vmem>>[vector<16xi32>, vector<16xi32>], vector<16xf32>,
                %add3A_554 = arith.constant 16 : i32
                %add3A_555 = vector.broadcast %add3A_554 : i32 to vector<16xi32>
                %add3A_556 = arith.addi %add3A_555, %iota3A : vector<16xi32>
                tpu.vector_store_idx %arg12[%broadcast_in_dim3A_548, %add3A_556], %add3A_533 {add = true} : memref<32x80xf32, #tpu.memory_space<vmem>>[vector<16xi32>, vector<16xi32>], vector<16xf32>,
                %add3A_557 = arith.constant 32 : i32
                %add3A_558 = vector.broadcast %add3A_557 : i32 to vector<16xi32>
                %add3A_559 = arith.addi %add3A_558, %iota3A : vector<16xi32>
                tpu.vector_store_idx %arg12[%broadcast_in_dim3A_548, %add3A_559], %add3A_539 {add = true} : memref<32x80xf32, #tpu.memory_space<vmem>>[vector<16xi32>, vector<16xi32>], vector<16xf32>,
                %add3A_560 = arith.constant 48 : i32
                %add3A_561 = vector.broadcast %add3A_560 : i32 to vector<16xi32>
                %add3A_562 = arith.addi %add3A_561, %iota3A : vector<16xi32>
                tpu.vector_store_idx %arg12[%broadcast_in_dim3A_548, %add3A_562], %add3A_545 {add = true} : memref<32x80xf32, #tpu.memory_space<vmem>>[vector<16xi32>, vector<16xi32>], vector<16xf32>,
                %broadcast_in_dim3A_563 = arith.constant 64 : i32
                %broadcast_in_dim3A_564 = vector.broadcast %broadcast_in_dim3A_563 : i32 to vector<16xi32>
                tpu.vector_store_idx %arg12[%broadcast_in_dim3A_548, %broadcast_in_dim3A_564], %broadcast_in_dim3A_550 masked %eq3A_5 {add = true} : memref<32x80xf32, #tpu.memory_space<vmem>>[vector<16xi32>, vector<16xi32>], vector<16xf32>, vector<16xi1>
              } else {
                %max3A_354 = arith.maxsi %sub3A, %mul3A_321 : i32
                %add3A_355 = arith.constant 8 : i32
                %add3A_356 = arith.addi %mul3A_321, %add3A_355 : i32
                %while3A_357 = arith.constant 0 : i32
                %while3A_358 = arith.subi %add3A_356, %max3A_354 : i32
                %while3A_359 = arith.addi %max3A_354, %while3A_358 : i32
                %while3A_360 = arith.constant 1 : i32
                %while3A_361 = arith.divsi %while3A_358, %while3A_360 : i32
                %while3A_362 = arith.muli %while3A_361, %while3A_360 : i32
                %while3A_363 = arith.addi %max3A_354, %while3A_362 : i32
                %while3A_364 = arith.constant 1 : i32
                scf.for %while3A_366 = %max3A_354 to %while3A_363 step %while3A_364  : i32 {
                  %broadcast_in_dim3A_367 = vector.broadcast %while3A_366 : i32 to vector<16xi32>
                  %gather3A_368 = tpu.vector_load_idx %arg10[%broadcast_in_dim3A_367] : memref<464xi32, #tpu.memory_space<vmem>>[vector<16xi32>], vector<16xi32>,
                  %add3A_369 = arith.constant 0 : i32
                  %add3A_370 = vector.broadcast %add3A_369 : i32 to vector<16xi32>
                  %add3A_371 = arith.addi %gather3A_368, %add3A_370 : vector<16xi32>
                  %get3A_372 = arith.index_cast %while3A_366 : i32 to index
                  %get3A_373 = arith.constant 0 : index
                  %get3A_374 = tpu.vector_load %arg8[%get3A_372, %get3A_373] {strides = array<i32>} : memref<448x64xf32, #tpu.memory_space<vmem>>, vector<16xf32>,
                  %add3A_375 = arith.constant 0 : i32
                  %add3A_376 = vector.broadcast %add3A_375 : i32 to vector<16xi32>
                  %add3A_377 = arith.addi %add3A_376, %iota3A : vector<16xi32>
                  tpu.vector_store_idx %arg12[%add3A_371, %add3A_377], %get3A_374 {add = true} : memref<32x80xf32, #tpu.memory_space<vmem>>[vector<16xi32>, vector<16xi32>], vector<16xf32>,
                  %get3A_378 = arith.index_cast %while3A_366 : i32 to index
                  %get3A_379 = arith.constant 16 : index
                  %get3A_380 = tpu.vector_load %arg8[%get3A_378, %get3A_379] {strides = array<i32>} : memref<448x64xf32, #tpu.memory_space<vmem>>, vector<16xf32>,
                  %add3A_381 = arith.constant 16 : i32
                  %add3A_382 = vector.broadcast %add3A_381 : i32 to vector<16xi32>
                  %add3A_383 = arith.addi %add3A_382, %iota3A : vector<16xi32>
                  tpu.vector_store_idx %arg12[%add3A_371, %add3A_383], %get3A_380 {add = true} : memref<32x80xf32, #tpu.memory_space<vmem>>[vector<16xi32>, vector<16xi32>], vector<16xf32>,
                  %get3A_384 = arith.index_cast %while3A_366 : i32 to index
                  %get3A_385 = arith.constant 32 : index
                  %get3A_386 = tpu.vector_load %arg8[%get3A_384, %get3A_385] {strides = array<i32>} : memref<448x64xf32, #tpu.memory_space<vmem>>, vector<16xf32>,
                  %add3A_387 = arith.constant 32 : i32
                  %add3A_388 = vector.broadcast %add3A_387 : i32 to vector<16xi32>
                  %add3A_389 = arith.addi %add3A_388, %iota3A : vector<16xi32>
                  tpu.vector_store_idx %arg12[%add3A_371, %add3A_389], %get3A_386 {add = true} : memref<32x80xf32, #tpu.memory_space<vmem>>[vector<16xi32>, vector<16xi32>], vector<16xf32>,
                  %get3A_390 = arith.index_cast %while3A_366 : i32 to index
                  %get3A_391 = arith.constant 48 : index
                  %get3A_392 = tpu.vector_load %arg8[%get3A_390, %get3A_391] {strides = array<i32>} : memref<448x64xf32, #tpu.memory_space<vmem>>, vector<16xf32>,
                  %add3A_393 = arith.constant 48 : i32
                  %add3A_394 = vector.broadcast %add3A_393 : i32 to vector<16xi32>
                  %add3A_395 = arith.addi %add3A_394, %iota3A : vector<16xi32>
                  tpu.vector_store_idx %arg12[%add3A_371, %add3A_395], %get3A_392 {add = true} : memref<32x80xf32, #tpu.memory_space<vmem>>[vector<16xi32>, vector<16xi32>], vector<16xf32>,
                  %broadcast_in_dim3A_396 = arith.constant 64 : i32
                  %broadcast_in_dim3A_397 = vector.broadcast %broadcast_in_dim3A_396 : i32 to vector<16xi32>
                  tpu.vector_store_idx %arg12[%add3A_371, %broadcast_in_dim3A_397], %broadcast_in_dim3A_1 masked %eq3A_5 {add = true} : memref<32x80xf32, #tpu.memory_space<vmem>>[vector<16xi32>, vector<16xi32>], vector<16xf32>, vector<16xi1>
                }
                %while3A_365 = arith.constant 1 : i32
                scf.for %while3A_366 = %while3A_363 to %while3A_359 step %while3A_365  : i32 {
                  %broadcast_in_dim3A_367 = vector.broadcast %while3A_366 : i32 to vector<16xi32>
                  %gather3A_368 = tpu.vector_load_idx %arg10[%broadcast_in_dim3A_367] : memref<464xi32, #tpu.memory_space<vmem>>[vector<16xi32>], vector<16xi32>,
                  %add3A_369 = arith.constant 0 : i32
                  %add3A_370 = vector.broadcast %add3A_369 : i32 to vector<16xi32>
                  %add3A_371 = arith.addi %gather3A_368, %add3A_370 : vector<16xi32>
                  %get3A_372 = arith.index_cast %while3A_366 : i32 to index
                  %get3A_373 = arith.constant 0 : index
                  %get3A_374 = tpu.vector_load %arg8[%get3A_372, %get3A_373] {strides = array<i32>} : memref<448x64xf32, #tpu.memory_space<vmem>>, vector<16xf32>,
                  %add3A_375 = arith.constant 0 : i32
                  %add3A_376 = vector.broadcast %add3A_375 : i32 to vector<16xi32>
                  %add3A_377 = arith.addi %add3A_376, %iota3A : vector<16xi32>
                  tpu.vector_store_idx %arg12[%add3A_371, %add3A_377], %get3A_374 {add = true} : memref<32x80xf32, #tpu.memory_space<vmem>>[vector<16xi32>, vector<16xi32>], vector<16xf32>,
                  %get3A_378 = arith.index_cast %while3A_366 : i32 to index
                  %get3A_379 = arith.constant 16 : index
                  %get3A_380 = tpu.vector_load %arg8[%get3A_378, %get3A_379] {strides = array<i32>} : memref<448x64xf32, #tpu.memory_space<vmem>>, vector<16xf32>,
                  %add3A_381 = arith.constant 16 : i32
                  %add3A_382 = vector.broadcast %add3A_381 : i32 to vector<16xi32>
                  %add3A_383 = arith.addi %add3A_382, %iota3A : vector<16xi32>
                  tpu.vector_store_idx %arg12[%add3A_371, %add3A_383], %get3A_380 {add = true} : memref<32x80xf32, #tpu.memory_space<vmem>>[vector<16xi32>, vector<16xi32>], vector<16xf32>,
                  %get3A_384 = arith.index_cast %while3A_366 : i32 to index
                  %get3A_385 = arith.constant 32 : index
                  %get3A_386 = tpu.vector_load %arg8[%get3A_384, %get3A_385] {strides = array<i32>} : memref<448x64xf32, #tpu.memory_space<vmem>>, vector<16xf32>,
                  %add3A_387 = arith.constant 32 : i32
                  %add3A_388 = vector.broadcast %add3A_387 : i32 to vector<16xi32>
                  %add3A_389 = arith.addi %add3A_388, %iota3A : vector<16xi32>
                  tpu.vector_store_idx %arg12[%add3A_371, %add3A_389], %get3A_386 {add = true} : memref<32x80xf32, #tpu.memory_space<vmem>>[vector<16xi32>, vector<16xi32>], vector<16xf32>,
                  %get3A_390 = arith.index_cast %while3A_366 : i32 to index
                  %get3A_391 = arith.constant 48 : index
                  %get3A_392 = tpu.vector_load %arg8[%get3A_390, %get3A_391] {strides = array<i32>} : memref<448x64xf32, #tpu.memory_space<vmem>>, vector<16xf32>,
                  %add3A_393 = arith.constant 48 : i32
                  %add3A_394 = vector.broadcast %add3A_393 : i32 to vector<16xi32>
                  %add3A_395 = arith.addi %add3A_394, %iota3A : vector<16xi32>
                  tpu.vector_store_idx %arg12[%add3A_371, %add3A_395], %get3A_392 {add = true} : memref<32x80xf32, #tpu.memory_space<vmem>>[vector<16xi32>, vector<16xi32>], vector<16xf32>,
                  %broadcast_in_dim3A_396 = arith.constant 64 : i32
                  %broadcast_in_dim3A_397 = vector.broadcast %broadcast_in_dim3A_396 : i32 to vector<16xi32>
                  tpu.vector_store_idx %arg12[%add3A_371, %broadcast_in_dim3A_397], %broadcast_in_dim3A_1 masked %eq3A_5 {add = true} : memref<32x80xf32, #tpu.memory_space<vmem>>[vector<16xi32>, vector<16xi32>], vector<16xf32>, vector<16xi1>
                }
              }
            }
          }
        } else {
        }
      } else {
        %add3A_121 = arith.constant 1 : i32
        %add3A_122 = arith.addi %scan3A_105, %add3A_121 : i32
        %lt3A_123 = arith.constant 14 : i32
        %lt3A_124 = arith.cmpi slt, %add3A_122, %lt3A_123 : i32
        %convert_element_type3A_125 = arith.extui %lt3A_124 : i1 to i32
        %cond3A_126 = arith.constant 0 : i32
        %cond3A_127 = arith.cmpi ne, %convert_element_type3A_125, %cond3A_126 : i32
        scf.if %cond3A_127 {
          %add3A_150 = arith.constant 16 : i32
          %add3A_151 = arith.addi %add3A, %add3A_150 : i32
          %mul3A_152 = arith.constant 448 : i32
          %mul3A_153 = arith.muli %add3A_151, %mul3A_152 : i32
          %min3A_154 = arith.constant 99552 : i32
          %min3A_155 = arith.minsi %mul3A_153, %min3A_154 : i32
          %dma_start3A_156 = tpu.memref_slice %arg2[%min3A_155, %mul3A_0] : memref<100000x128xf32, #tpu.memory_space<hbm>> -> memref<448x64xf32, #tpu.memory_space<hbm>>
          %dma_start3A_157 = tpu.memref_slice %arg2[%min3A_155, %mul3A_0] : memref<100000x128xf32, #tpu.memory_space<hbm>> -> memref<448x64xf32, #tpu.memory_space<hbm>>
          tpu.enqueue_dma source(%dma_start3A_157 : memref<448x64xf32, #tpu.memory_space<hbm>>) target(%arg8 : memref<448x64xf32, #tpu.memory_space<vmem>>) target_semaphore(%arg18 : memref<!tpu.dma_semaphore, #tpu.memory_space<semaphore_mem>>)
          %dma_start3A_158 = arith.constant 0 : i32
          %dma_start3A_159 = tpu.memref_slice %arg10[%dma_start3A_158] : memref<464xi32, #tpu.memory_space<vmem>> -> memref<448xi32, #tpu.memory_space<vmem>>
          %dma_start3A_160 = tpu.memref_slice %arg3[%min3A_155] : memref<100000xi32, #tpu.memory_space<hbm>> -> memref<448xi32, #tpu.memory_space<hbm>>
          %dma_start3A_161 = arith.constant 0 : i32
          %dma_start3A_162 = tpu.memref_slice %arg10[%dma_start3A_161] : memref<464xi32, #tpu.memory_space<vmem>> -> memref<448xi32, #tpu.memory_space<vmem>>
          %dma_start3A_163 = tpu.memref_slice %arg3[%min3A_155] : memref<100000xi32, #tpu.memory_space<hbm>> -> memref<448xi32, #tpu.memory_space<hbm>>
          tpu.enqueue_dma source(%dma_start3A_163 : memref<448xi32, #tpu.memory_space<hbm>>) target(%dma_start3A_162 : memref<448xi32, #tpu.memory_space<vmem>>) target_semaphore(%arg18 : memref<!tpu.dma_semaphore, #tpu.memory_space<semaphore_mem>>)
        } else {
        }
        %dma_wait3A = arith.constant 0 : i32
        %dma_wait3A_128 = arith.constant 0 : i32
        %dma_wait3A_129 = tpu.memref_slice %arg2[%dma_wait3A, %dma_wait3A_128] : memref<100000x128xf32, #tpu.memory_space<hbm>> -> memref<448x64xf32, #tpu.memory_space<hbm>>
        %dma_wait3A_130 = arith.constant 0 : i32
        %dma_wait3A_131 = arith.constant 0 : i32
        %dma_wait3A_132 = tpu.memref_slice %arg2[%dma_wait3A_130, %dma_wait3A_131] : memref<100000x128xf32, #tpu.memory_space<hbm>> -> memref<448x64xf32, #tpu.memory_space<hbm>>
        tpu.wait_dma2 semaphore(%arg19 : memref<!tpu.dma_semaphore, #tpu.memory_space<semaphore_mem>>) src(%dma_wait3A_132 : memref<448x64xf32, #tpu.memory_space<hbm>>) dst(%arg9 : memref<448x64xf32, #tpu.memory_space<vmem>>)
        %dma_wait3A_133 = arith.constant 0 : i32
        %dma_wait3A_134 = tpu.memref_slice %arg11[%dma_wait3A_133] : memref<464xi32, #tpu.memory_space<vmem>> -> memref<448xi32, #tpu.memory_space<vmem>>
        %dma_wait3A_135 = arith.constant 0 : i32
        %dma_wait3A_136 = tpu.memref_slice %arg3[%dma_wait3A_135] : memref<100000xi32, #tpu.memory_space<hbm>> -> memref<448xi32, #tpu.memory_space<hbm>>
        %dma_wait3A_137 = arith.constant 0 : i32
        %dma_wait3A_138 = tpu.memref_slice %arg11[%dma_wait3A_137] : memref<464xi32, #tpu.memory_space<vmem>> -> memref<448xi32, #tpu.memory_space<vmem>>
        %dma_wait3A_139 = arith.constant 0 : i32
        %dma_wait3A_140 = tpu.memref_slice %arg3[%dma_wait3A_139] : memref<100000xi32, #tpu.memory_space<hbm>> -> memref<448xi32, #tpu.memory_space<hbm>>
        tpu.wait_dma2 semaphore(%arg19 : memref<!tpu.dma_semaphore, #tpu.memory_space<semaphore_mem>>) src(%dma_wait3A_140 : memref<448xi32, #tpu.memory_space<hbm>>) dst(%dma_wait3A_138 : memref<448xi32, #tpu.memory_space<vmem>>)
        %get3A_141 = arith.constant 432 : index
        %get3A_142 = tpu.vector_load %arg11[%get3A_141] {strides = array<i32>} : memref<464xi32, #tpu.memory_space<vmem>>, vector<16xi32>,
        %swap3A_143 = arith.constant 448 : index
        %swap3A_144 = tpu.vector_load %arg11[%swap3A_143] {strides = array<i32>} : memref<464xi32, #tpu.memory_space<vmem>>, vector<16xi32>,
        tpu.vector_store %arg11[%swap3A_143], %get3A_142 {strides = array<i32>} : memref<464xi32, #tpu.memory_space<vmem>>, vector<16xi32>,
        %lt3A_145 = arith.constant 224 : i32
        %lt3A_146 = arith.cmpi slt, %add3A, %lt3A_145 : i32
        %convert_element_type3A_147 = arith.extui %lt3A_146 : i1 to i32
        %cond3A_148 = arith.constant 0 : i32
        %cond3A_149 = arith.cmpi ne, %convert_element_type3A_147, %cond3A_148 : i32
        scf.if %cond3A_149 {
          %mul3A_150 = arith.constant 448 : i32
          %mul3A_151 = arith.muli %add3A, %mul3A_150 : i32
          %min3A_152 = arith.constant 99552 : i32
          %min3A_153 = arith.minsi %mul3A_151, %min3A_152 : i32
          %mul3A_154 = arith.constant 448 : i32
          %mul3A_155 = arith.muli %add3A, %mul3A_154 : i32
          %sub3A = arith.subi %mul3A_155, %min3A_153 : i32
          %get3A_156 = arith.constant 0 : index
          %get3A_157 = tpu.vector_load %arg11[%get3A_156] {strides = array<i32>} : memref<464xi32, #tpu.memory_space<vmem>>, vector<16xi32>,
          %get3A_158 = arith.constant 16 : index
          %get3A_159 = tpu.vector_load %arg11[%get3A_158] {strides = array<i32>} : memref<464xi32, #tpu.memory_space<vmem>>, vector<16xi32>,
          %min3A_160 = arith.minsi %get3A_157, %get3A_159 : vector<16xi32>
          %max3A_161 = arith.maxsi %get3A_157, %get3A_159 : vector<16xi32>
          %get3A_162 = arith.constant 32 : index
          %get3A_163 = tpu.vector_load %arg11[%get3A_162] {strides = array<i32>} : memref<464xi32, #tpu.memory_space<vmem>>, vector<16xi32>,
          %min3A_164 = arith.minsi %min3A_160, %get3A_163 : vector<16xi32>
          %max3A_165 = arith.maxsi %max3A_161, %get3A_163 : vector<16xi32>
          %get3A_166 = arith.constant 48 : index
          %get3A_167 = tpu.vector_load %arg11[%get3A_166] {strides = array<i32>} : memref<464xi32, #tpu.memory_space<vmem>>, vector<16xi32>,
          %min3A_168 = arith.minsi %min3A_164, %get3A_167 : vector<16xi32>
          %max3A_169 = arith.maxsi %max3A_165, %get3A_167 : vector<16xi32>
          %get3A_170 = arith.constant 64 : index
          %get3A_171 = tpu.vector_load %arg11[%get3A_170] {strides = array<i32>} : memref<464xi32, #tpu.memory_space<vmem>>, vector<16xi32>,
          %min3A_172 = arith.minsi %min3A_168, %get3A_171 : vector<16xi32>
          %max3A_173 = arith.maxsi %max3A_169, %get3A_171 : vector<16xi32>
          %get3A_174 = arith.constant 80 : index
          %get3A_175 = tpu.vector_load %arg11[%get3A_174] {strides = array<i32>} : memref<464xi32, #tpu.memory_space<vmem>>, vector<16xi32>,
          %min3A_176 = arith.minsi %min3A_172, %get3A_175 : vector<16xi32>
          %max3A_177 = arith.maxsi %max3A_173, %get3A_175 : vector<16xi32>
          %get3A_178 = arith.constant 96 : index
          %get3A_179 = tpu.vector_load %arg11[%get3A_178] {strides = array<i32>} : memref<464xi32, #tpu.memory_space<vmem>>, vector<16xi32>,
          %min3A_180 = arith.minsi %min3A_176, %get3A_179 : vector<16xi32>
          %max3A_181 = arith.maxsi %max3A_177, %get3A_179 : vector<16xi32>
          %get3A_182 = arith.constant 112 : index
          %get3A_183 = tpu.vector_load %arg11[%get3A_182] {strides = array<i32>} : memref<464xi32, #tpu.memory_space<vmem>>, vector<16xi32>,
          %min3A_184 = arith.minsi %min3A_180, %get3A_183 : vector<16xi32>
          %max3A_185 = arith.maxsi %max3A_181, %get3A_183 : vector<16xi32>
          %get3A_186 = arith.constant 128 : index
          %get3A_187 = tpu.vector_load %arg11[%get3A_186] {strides = array<i32>} : memref<464xi32, #tpu.memory_space<vmem>>, vector<16xi32>,
          %min3A_188 = arith.minsi %min3A_184, %get3A_187 : vector<16xi32>
          %max3A_189 = arith.maxsi %max3A_185, %get3A_187 : vector<16xi32>
          %get3A_190 = arith.constant 144 : index
          %get3A_191 = tpu.vector_load %arg11[%get3A_190] {strides = array<i32>} : memref<464xi32, #tpu.memory_space<vmem>>, vector<16xi32>,
          %min3A_192 = arith.minsi %min3A_188, %get3A_191 : vector<16xi32>
          %max3A_193 = arith.maxsi %max3A_189, %get3A_191 : vector<16xi32>
          %get3A_194 = arith.constant 160 : index
          %get3A_195 = tpu.vector_load %arg11[%get3A_194] {strides = array<i32>} : memref<464xi32, #tpu.memory_space<vmem>>, vector<16xi32>,
          %min3A_196 = arith.minsi %min3A_192, %get3A_195 : vector<16xi32>
          %max3A_197 = arith.maxsi %max3A_193, %get3A_195 : vector<16xi32>
          %get3A_198 = arith.constant 176 : index
          %get3A_199 = tpu.vector_load %arg11[%get3A_198] {strides = array<i32>} : memref<464xi32, #tpu.memory_space<vmem>>, vector<16xi32>,
          %min3A_200 = arith.minsi %min3A_196, %get3A_199 : vector<16xi32>
          %max3A_201 = arith.maxsi %max3A_197, %get3A_199 : vector<16xi32>
          %get3A_202 = arith.constant 192 : index
          %get3A_203 = tpu.vector_load %arg11[%get3A_202] {strides = array<i32>} : memref<464xi32, #tpu.memory_space<vmem>>, vector<16xi32>,
          %min3A_204 = arith.minsi %min3A_200, %get3A_203 : vector<16xi32>
          %max3A_205 = arith.maxsi %max3A_201, %get3A_203 : vector<16xi32>
          %get3A_206 = arith.constant 208 : index
          %get3A_207 = tpu.vector_load %arg11[%get3A_206] {strides = array<i32>} : memref<464xi32, #tpu.memory_space<vmem>>, vector<16xi32>,
          %min3A_208 = arith.minsi %min3A_204, %get3A_207 : vector<16xi32>
          %max3A_209 = arith.maxsi %max3A_205, %get3A_207 : vector<16xi32>
          %get3A_210 = arith.constant 224 : index
          %get3A_211 = tpu.vector_load %arg11[%get3A_210] {strides = array<i32>} : memref<464xi32, #tpu.memory_space<vmem>>, vector<16xi32>,
          %min3A_212 = arith.minsi %min3A_208, %get3A_211 : vector<16xi32>
          %max3A_213 = arith.maxsi %max3A_209, %get3A_211 : vector<16xi32>
          %get3A_214 = arith.constant 240 : index
          %get3A_215 = tpu.vector_load %arg11[%get3A_214] {strides = array<i32>} : memref<464xi32, #tpu.memory_space<vmem>>, vector<16xi32>,
          %min3A_216 = arith.minsi %min3A_212, %get3A_215 : vector<16xi32>
          %max3A_217 = arith.maxsi %max3A_213, %get3A_215 : vector<16xi32>
          %get3A_218 = arith.constant 256 : index
          %get3A_219 = tpu.vector_load %arg11[%get3A_218] {strides = array<i32>} : memref<464xi32, #tpu.memory_space<vmem>>, vector<16xi32>,
          %min3A_220 = arith.minsi %min3A_216, %get3A_219 : vector<16xi32>
          %max3A_221 = arith.maxsi %max3A_217, %get3A_219 : vector<16xi32>
          %get3A_222 = arith.constant 272 : index
          %get3A_223 = tpu.vector_load %arg11[%get3A_222] {strides = array<i32>} : memref<464xi32, #tpu.memory_space<vmem>>, vector<16xi32>,
          %min3A_224 = arith.minsi %min3A_220, %get3A_223 : vector<16xi32>
          %max3A_225 = arith.maxsi %max3A_221, %get3A_223 : vector<16xi32>
          %get3A_226 = arith.constant 288 : index
          %get3A_227 = tpu.vector_load %arg11[%get3A_226] {strides = array<i32>} : memref<464xi32, #tpu.memory_space<vmem>>, vector<16xi32>,
          %min3A_228 = arith.minsi %min3A_224, %get3A_227 : vector<16xi32>
          %max3A_229 = arith.maxsi %max3A_225, %get3A_227 : vector<16xi32>
          %get3A_230 = arith.constant 304 : index
          %get3A_231 = tpu.vector_load %arg11[%get3A_230] {strides = array<i32>} : memref<464xi32, #tpu.memory_space<vmem>>, vector<16xi32>,
          %min3A_232 = arith.minsi %min3A_228, %get3A_231 : vector<16xi32>
          %max3A_233 = arith.maxsi %max3A_229, %get3A_231 : vector<16xi32>
          %get3A_234 = arith.constant 320 : index
          %get3A_235 = tpu.vector_load %arg11[%get3A_234] {strides = array<i32>} : memref<464xi32, #tpu.memory_space<vmem>>, vector<16xi32>,
          %min3A_236 = arith.minsi %min3A_232, %get3A_235 : vector<16xi32>
          %max3A_237 = arith.maxsi %max3A_233, %get3A_235 : vector<16xi32>
          %get3A_238 = arith.constant 336 : index
          %get3A_239 = tpu.vector_load %arg11[%get3A_238] {strides = array<i32>} : memref<464xi32, #tpu.memory_space<vmem>>, vector<16xi32>,
          %min3A_240 = arith.minsi %min3A_236, %get3A_239 : vector<16xi32>
          %max3A_241 = arith.maxsi %max3A_237, %get3A_239 : vector<16xi32>
          %get3A_242 = arith.constant 352 : index
          %get3A_243 = tpu.vector_load %arg11[%get3A_242] {strides = array<i32>} : memref<464xi32, #tpu.memory_space<vmem>>, vector<16xi32>,
          %min3A_244 = arith.minsi %min3A_240, %get3A_243 : vector<16xi32>
          %max3A_245 = arith.maxsi %max3A_241, %get3A_243 : vector<16xi32>
          %get3A_246 = arith.constant 368 : index
          %get3A_247 = tpu.vector_load %arg11[%get3A_246] {strides = array<i32>} : memref<464xi32, #tpu.memory_space<vmem>>, vector<16xi32>,
          %min3A_248 = arith.minsi %min3A_244, %get3A_247 : vector<16xi32>
          %max3A_249 = arith.maxsi %max3A_245, %get3A_247 : vector<16xi32>
          %get3A_250 = arith.constant 384 : index
          %get3A_251 = tpu.vector_load %arg11[%get3A_250] {strides = array<i32>} : memref<464xi32, #tpu.memory_space<vmem>>, vector<16xi32>,
          %min3A_252 = arith.minsi %min3A_248, %get3A_251 : vector<16xi32>
          %max3A_253 = arith.maxsi %max3A_249, %get3A_251 : vector<16xi32>
          %get3A_254 = arith.constant 400 : index
          %get3A_255 = tpu.vector_load %arg11[%get3A_254] {strides = array<i32>} : memref<464xi32, #tpu.memory_space<vmem>>, vector<16xi32>,
          %min3A_256 = arith.minsi %min3A_252, %get3A_255 : vector<16xi32>
          %max3A_257 = arith.maxsi %max3A_253, %get3A_255 : vector<16xi32>
          %get3A_258 = arith.constant 416 : index
          %get3A_259 = tpu.vector_load %arg11[%get3A_258] {strides = array<i32>} : memref<464xi32, #tpu.memory_space<vmem>>, vector<16xi32>,
          %min3A_260 = arith.minsi %min3A_256, %get3A_259 : vector<16xi32>
          %max3A_261 = arith.maxsi %max3A_257, %get3A_259 : vector<16xi32>
          %get3A_262 = arith.constant 432 : index
          %get3A_263 = tpu.vector_load %arg11[%get3A_262] {strides = array<i32>} : memref<464xi32, #tpu.memory_space<vmem>>, vector<16xi32>,
          %min3A_264 = arith.minsi %min3A_260, %get3A_263 : vector<16xi32>
          %max3A_265 = arith.maxsi %max3A_261, %get3A_263 : vector<16xi32>
          %reduce_min3A = arith.constant true
          %reduce_min3A_266 = vector.broadcast %reduce_min3A : i1 to vector<16xi1>
          %reduce_min3A_267 = arith.constant -2147483648 : i32
          %reduce_min3A_268 = vector.broadcast %reduce_min3A_267 : i32 to vector<16xi32>
          %reduce_min3A_269 = arith.xori %min3A_264, %reduce_min3A_268 : vector<16xi32>
          %reduce_min3A_270 = tpu.scan <min>, %reduce_min3A_269 masked %reduce_min3A_266 : vector<16xi32>, vector<16xi1> -> vector<16xi32>
          %reduce_min3A_271 = arith.xori %reduce_min3A_270, %reduce_min3A_268 : vector<16xi32>
          %reduce_min3A_272 = vector.extract %reduce_min3A_271[15] : i32 from vector<16xi32>
          %reduce_max3A = arith.constant true
          %reduce_max3A_273 = vector.broadcast %reduce_max3A : i1 to vector<16xi1>
          %reduce_max3A_274 = arith.constant -2147483648 : i32
          %reduce_max3A_275 = vector.broadcast %reduce_max3A_274 : i32 to vector<16xi32>
          %reduce_max3A_276 = arith.xori %max3A_265, %reduce_max3A_275 : vector<16xi32>
          %reduce_max3A_277 = tpu.scan <max>, %reduce_max3A_276 masked %reduce_max3A_273 : vector<16xi32>, vector<16xi1> -> vector<16xi32>
          %reduce_max3A_278 = arith.xori %reduce_max3A_277, %reduce_max3A_275 : vector<16xi32>
          %reduce_max3A_279 = vector.extract %reduce_max3A_278[15] : i32 from vector<16xi32>
          %eq3A_280 = arith.constant 0 : i32
          %eq3A_281 = arith.cmpi eq, %sub3A, %eq3A_280 : i32
          %eq3A_282 = arith.cmpi eq, %reduce_min3A_272, %reduce_max3A_279 : i32
          %and3A_283 = arith.andi %eq3A_281, %eq3A_282 : i1
          %convert_element_type3A_284 = arith.extui %and3A_283 : i1 to i32
          %cond3A_285 = arith.constant 0 : i32
          %cond3A_286 = arith.cmpi ne, %convert_element_type3A_284, %cond3A_285 : i32
          scf.if %cond3A_286 {
            %scan3A_287 = arith.constant 0 : i32
            %scan3A_288 = arith.constant 56 : i32
            %scan3A_289 = arith.addi %scan3A_287, %scan3A_288 : i32
            %scan3A_290 = arith.constant 1 : i32
            %scan3A_291:4 = scf.for %scan3A_312 = %scan3A_287 to %scan3A_289 step %scan3A_290 iter_args(%scan3A_313 = %broadcast_in_dim3A_3, %scan3A_314 = %broadcast_in_dim3A_3, %scan3A_315 = %broadcast_in_dim3A_3, %scan3A_316 = %broadcast_in_dim3A_3) -> (vector<16xf32>, vector<16xf32>, vector<16xf32>, vector<16xf32>)  : i32 {
              %mul3A_317 = arith.constant 8 : i32
              %mul3A_318 = arith.muli %scan3A_312, %mul3A_317 : i32
              %add3A_319 = arith.constant 0 : i32
              %add3A_320 = arith.addi %mul3A_318, %add3A_319 : i32
              %get3A_321 = arith.index_cast %add3A_320 : i32 to index
              %get3A_322 = arith.constant 0 : index
              %get3A_323 = tpu.vector_load %arg9[%get3A_321, %get3A_322] {strides = array<i32>} : memref<448x64xf32, #tpu.memory_space<vmem>>, vector<16xf32>,
              %add3A_324 = arith.addf %scan3A_313, %get3A_323 : vector<16xf32>
              %add3A_325 = arith.constant 0 : i32
              %add3A_326 = arith.addi %mul3A_318, %add3A_325 : i32
              %get3A_327 = arith.index_cast %add3A_326 : i32 to index
              %get3A_328 = arith.constant 16 : index
              %get3A_329 = tpu.vector_load %arg9[%get3A_327, %get3A_328] {strides = array<i32>} : memref<448x64xf32, #tpu.memory_space<vmem>>, vector<16xf32>,
              %add3A_330 = arith.addf %scan3A_314, %get3A_329 : vector<16xf32>
              %add3A_331 = arith.constant 0 : i32
              %add3A_332 = arith.addi %mul3A_318, %add3A_331 : i32
              %get3A_333 = arith.index_cast %add3A_332 : i32 to index
              %get3A_334 = arith.constant 32 : index
              %get3A_335 = tpu.vector_load %arg9[%get3A_333, %get3A_334] {strides = array<i32>} : memref<448x64xf32, #tpu.memory_space<vmem>>, vector<16xf32>,
              %add3A_336 = arith.addf %scan3A_315, %get3A_335 : vector<16xf32>
              %add3A_337 = arith.constant 0 : i32
              %add3A_338 = arith.addi %mul3A_318, %add3A_337 : i32
              %get3A_339 = arith.index_cast %add3A_338 : i32 to index
              %get3A_340 = arith.constant 48 : index
              %get3A_341 = tpu.vector_load %arg9[%get3A_339, %get3A_340] {strides = array<i32>} : memref<448x64xf32, #tpu.memory_space<vmem>>, vector<16xf32>,
              %add3A_342 = arith.addf %scan3A_316, %get3A_341 : vector<16xf32>
              %add3A_343 = arith.constant 1 : i32
              %add3A_344 = arith.addi %mul3A_318, %add3A_343 : i32
              %get3A_345 = arith.index_cast %add3A_344 : i32 to index
              %get3A_346 = arith.constant 0 : index
              %get3A_347 = tpu.vector_load %arg9[%get3A_345, %get3A_346] {strides = array<i32>} : memref<448x64xf32, #tpu.memory_space<vmem>>, vector<16xf32>,
              %add3A_348 = arith.addf %add3A_324, %get3A_347 : vector<16xf32>
              %add3A_349 = arith.constant 1 : i32
              %add3A_350 = arith.addi %mul3A_318, %add3A_349 : i32
              %get3A_351 = arith.index_cast %add3A_350 : i32 to index
              %get3A_352 = arith.constant 16 : index
              %get3A_353 = tpu.vector_load %arg9[%get3A_351, %get3A_352] {strides = array<i32>} : memref<448x64xf32, #tpu.memory_space<vmem>>, vector<16xf32>,
              %add3A_354 = arith.addf %add3A_330, %get3A_353 : vector<16xf32>
              %add3A_355 = arith.constant 1 : i32
              %add3A_356 = arith.addi %mul3A_318, %add3A_355 : i32
              %get3A_357 = arith.index_cast %add3A_356 : i32 to index
              %get3A_358 = arith.constant 32 : index
              %get3A_359 = tpu.vector_load %arg9[%get3A_357, %get3A_358] {strides = array<i32>} : memref<448x64xf32, #tpu.memory_space<vmem>>, vector<16xf32>,
              %add3A_360 = arith.addf %add3A_336, %get3A_359 : vector<16xf32>
              %add3A_361 = arith.constant 1 : i32
              %add3A_362 = arith.addi %mul3A_318, %add3A_361 : i32
              %get3A_363 = arith.index_cast %add3A_362 : i32 to index
              %get3A_364 = arith.constant 48 : index
              %get3A_365 = tpu.vector_load %arg9[%get3A_363, %get3A_364] {strides = array<i32>} : memref<448x64xf32, #tpu.memory_space<vmem>>, vector<16xf32>,
              %add3A_366 = arith.addf %add3A_342, %get3A_365 : vector<16xf32>
              %add3A_367 = arith.constant 2 : i32
              %add3A_368 = arith.addi %mul3A_318, %add3A_367 : i32
              %get3A_369 = arith.index_cast %add3A_368 : i32 to index
              %get3A_370 = arith.constant 0 : index
              %get3A_371 = tpu.vector_load %arg9[%get3A_369, %get3A_370] {strides = array<i32>} : memref<448x64xf32, #tpu.memory_space<vmem>>, vector<16xf32>,
              %add3A_372 = arith.addf %add3A_348, %get3A_371 : vector<16xf32>
              %add3A_373 = arith.constant 2 : i32
              %add3A_374 = arith.addi %mul3A_318, %add3A_373 : i32
              %get3A_375 = arith.index_cast %add3A_374 : i32 to index
              %get3A_376 = arith.constant 16 : index
              %get3A_377 = tpu.vector_load %arg9[%get3A_375, %get3A_376] {strides = array<i32>} : memref<448x64xf32, #tpu.memory_space<vmem>>, vector<16xf32>,
              %add3A_378 = arith.addf %add3A_354, %get3A_377 : vector<16xf32>
              %add3A_379 = arith.constant 2 : i32
              %add3A_380 = arith.addi %mul3A_318, %add3A_379 : i32
              %get3A_381 = arith.index_cast %add3A_380 : i32 to index
              %get3A_382 = arith.constant 32 : index
              %get3A_383 = tpu.vector_load %arg9[%get3A_381, %get3A_382] {strides = array<i32>} : memref<448x64xf32, #tpu.memory_space<vmem>>, vector<16xf32>,
              %add3A_384 = arith.addf %add3A_360, %get3A_383 : vector<16xf32>
              %add3A_385 = arith.constant 2 : i32
              %add3A_386 = arith.addi %mul3A_318, %add3A_385 : i32
              %get3A_387 = arith.index_cast %add3A_386 : i32 to index
              %get3A_388 = arith.constant 48 : index
              %get3A_389 = tpu.vector_load %arg9[%get3A_387, %get3A_388] {strides = array<i32>} : memref<448x64xf32, #tpu.memory_space<vmem>>, vector<16xf32>,
              %add3A_390 = arith.addf %add3A_366, %get3A_389 : vector<16xf32>
              %add3A_391 = arith.constant 3 : i32
              %add3A_392 = arith.addi %mul3A_318, %add3A_391 : i32
              %get3A_393 = arith.index_cast %add3A_392 : i32 to index
              %get3A_394 = arith.constant 0 : index
              %get3A_395 = tpu.vector_load %arg9[%get3A_393, %get3A_394] {strides = array<i32>} : memref<448x64xf32, #tpu.memory_space<vmem>>, vector<16xf32>,
              %add3A_396 = arith.addf %add3A_372, %get3A_395 : vector<16xf32>
              %add3A_397 = arith.constant 3 : i32
              %add3A_398 = arith.addi %mul3A_318, %add3A_397 : i32
              %get3A_399 = arith.index_cast %add3A_398 : i32 to index
              %get3A_400 = arith.constant 16 : index
              %get3A_401 = tpu.vector_load %arg9[%get3A_399, %get3A_400] {strides = array<i32>} : memref<448x64xf32, #tpu.memory_space<vmem>>, vector<16xf32>,
              %add3A_402 = arith.addf %add3A_378, %get3A_401 : vector<16xf32>
              %add3A_403 = arith.constant 3 : i32
              %add3A_404 = arith.addi %mul3A_318, %add3A_403 : i32
              %get3A_405 = arith.index_cast %add3A_404 : i32 to index
              %get3A_406 = arith.constant 32 : index
              %get3A_407 = tpu.vector_load %arg9[%get3A_405, %get3A_406] {strides = array<i32>} : memref<448x64xf32, #tpu.memory_space<vmem>>, vector<16xf32>,
              %add3A_408 = arith.addf %add3A_384, %get3A_407 : vector<16xf32>
              %add3A_409 = arith.constant 3 : i32
              %add3A_410 = arith.addi %mul3A_318, %add3A_409 : i32
              %get3A_411 = arith.index_cast %add3A_410 : i32 to index
              %get3A_412 = arith.constant 48 : index
              %get3A_413 = tpu.vector_load %arg9[%get3A_411, %get3A_412] {strides = array<i32>} : memref<448x64xf32, #tpu.memory_space<vmem>>, vector<16xf32>,
              %add3A_414 = arith.addf %add3A_390, %get3A_413 : vector<16xf32>
              %add3A_415 = arith.constant 4 : i32
              %add3A_416 = arith.addi %mul3A_318, %add3A_415 : i32
              %get3A_417 = arith.index_cast %add3A_416 : i32 to index
              %get3A_418 = arith.constant 0 : index
              %get3A_419 = tpu.vector_load %arg9[%get3A_417, %get3A_418] {strides = array<i32>} : memref<448x64xf32, #tpu.memory_space<vmem>>, vector<16xf32>,
              %add3A_420 = arith.addf %add3A_396, %get3A_419 : vector<16xf32>
              %add3A_421 = arith.constant 4 : i32
              %add3A_422 = arith.addi %mul3A_318, %add3A_421 : i32
              %get3A_423 = arith.index_cast %add3A_422 : i32 to index
              %get3A_424 = arith.constant 16 : index
              %get3A_425 = tpu.vector_load %arg9[%get3A_423, %get3A_424] {strides = array<i32>} : memref<448x64xf32, #tpu.memory_space<vmem>>, vector<16xf32>,
              %add3A_426 = arith.addf %add3A_402, %get3A_425 : vector<16xf32>
              %add3A_427 = arith.constant 4 : i32
              %add3A_428 = arith.addi %mul3A_318, %add3A_427 : i32
              %get3A_429 = arith.index_cast %add3A_428 : i32 to index
              %get3A_430 = arith.constant 32 : index
              %get3A_431 = tpu.vector_load %arg9[%get3A_429, %get3A_430] {strides = array<i32>} : memref<448x64xf32, #tpu.memory_space<vmem>>, vector<16xf32>,
              %add3A_432 = arith.addf %add3A_408, %get3A_431 : vector<16xf32>
              %add3A_433 = arith.constant 4 : i32
              %add3A_434 = arith.addi %mul3A_318, %add3A_433 : i32
              %get3A_435 = arith.index_cast %add3A_434 : i32 to index
              %get3A_436 = arith.constant 48 : index
              %get3A_437 = tpu.vector_load %arg9[%get3A_435, %get3A_436] {strides = array<i32>} : memref<448x64xf32, #tpu.memory_space<vmem>>, vector<16xf32>,
              %add3A_438 = arith.addf %add3A_414, %get3A_437 : vector<16xf32>
              %add3A_439 = arith.constant 5 : i32
              %add3A_440 = arith.addi %mul3A_318, %add3A_439 : i32
              %get3A_441 = arith.index_cast %add3A_440 : i32 to index
              %get3A_442 = arith.constant 0 : index
              %get3A_443 = tpu.vector_load %arg9[%get3A_441, %get3A_442] {strides = array<i32>} : memref<448x64xf32, #tpu.memory_space<vmem>>, vector<16xf32>,
              %add3A_444 = arith.addf %add3A_420, %get3A_443 : vector<16xf32>
              %add3A_445 = arith.constant 5 : i32
              %add3A_446 = arith.addi %mul3A_318, %add3A_445 : i32
              %get3A_447 = arith.index_cast %add3A_446 : i32 to index
              %get3A_448 = arith.constant 16 : index
              %get3A_449 = tpu.vector_load %arg9[%get3A_447, %get3A_448] {strides = array<i32>} : memref<448x64xf32, #tpu.memory_space<vmem>>, vector<16xf32>,
              %add3A_450 = arith.addf %add3A_426, %get3A_449 : vector<16xf32>
              %add3A_451 = arith.constant 5 : i32
              %add3A_452 = arith.addi %mul3A_318, %add3A_451 : i32
              %get3A_453 = arith.index_cast %add3A_452 : i32 to index
              %get3A_454 = arith.constant 32 : index
              %get3A_455 = tpu.vector_load %arg9[%get3A_453, %get3A_454] {strides = array<i32>} : memref<448x64xf32, #tpu.memory_space<vmem>>, vector<16xf32>,
              %add3A_456 = arith.addf %add3A_432, %get3A_455 : vector<16xf32>
              %add3A_457 = arith.constant 5 : i32
              %add3A_458 = arith.addi %mul3A_318, %add3A_457 : i32
              %get3A_459 = arith.index_cast %add3A_458 : i32 to index
              %get3A_460 = arith.constant 48 : index
              %get3A_461 = tpu.vector_load %arg9[%get3A_459, %get3A_460] {strides = array<i32>} : memref<448x64xf32, #tpu.memory_space<vmem>>, vector<16xf32>,
              %add3A_462 = arith.addf %add3A_438, %get3A_461 : vector<16xf32>
              %add3A_463 = arith.constant 6 : i32
              %add3A_464 = arith.addi %mul3A_318, %add3A_463 : i32
              %get3A_465 = arith.index_cast %add3A_464 : i32 to index
              %get3A_466 = arith.constant 0 : index
              %get3A_467 = tpu.vector_load %arg9[%get3A_465, %get3A_466] {strides = array<i32>} : memref<448x64xf32, #tpu.memory_space<vmem>>, vector<16xf32>,
              %add3A_468 = arith.addf %add3A_444, %get3A_467 : vector<16xf32>
              %add3A_469 = arith.constant 6 : i32
              %add3A_470 = arith.addi %mul3A_318, %add3A_469 : i32
              %get3A_471 = arith.index_cast %add3A_470 : i32 to index
              %get3A_472 = arith.constant 16 : index
              %get3A_473 = tpu.vector_load %arg9[%get3A_471, %get3A_472] {strides = array<i32>} : memref<448x64xf32, #tpu.memory_space<vmem>>, vector<16xf32>,
              %add3A_474 = arith.addf %add3A_450, %get3A_473 : vector<16xf32>
              %add3A_475 = arith.constant 6 : i32
              %add3A_476 = arith.addi %mul3A_318, %add3A_475 : i32
              %get3A_477 = arith.index_cast %add3A_476 : i32 to index
              %get3A_478 = arith.constant 32 : index
              %get3A_479 = tpu.vector_load %arg9[%get3A_477, %get3A_478] {strides = array<i32>} : memref<448x64xf32, #tpu.memory_space<vmem>>, vector<16xf32>,
              %add3A_480 = arith.addf %add3A_456, %get3A_479 : vector<16xf32>
              %add3A_481 = arith.constant 6 : i32
              %add3A_482 = arith.addi %mul3A_318, %add3A_481 : i32
              %get3A_483 = arith.index_cast %add3A_482 : i32 to index
              %get3A_484 = arith.constant 48 : index
              %get3A_485 = tpu.vector_load %arg9[%get3A_483, %get3A_484] {strides = array<i32>} : memref<448x64xf32, #tpu.memory_space<vmem>>, vector<16xf32>,
              %add3A_486 = arith.addf %add3A_462, %get3A_485 : vector<16xf32>
              %add3A_487 = arith.constant 7 : i32
              %add3A_488 = arith.addi %mul3A_318, %add3A_487 : i32
              %get3A_489 = arith.index_cast %add3A_488 : i32 to index
              %get3A_490 = arith.constant 0 : index
              %get3A_491 = tpu.vector_load %arg9[%get3A_489, %get3A_490] {strides = array<i32>} : memref<448x64xf32, #tpu.memory_space<vmem>>, vector<16xf32>,
              %add3A_492 = arith.addf %add3A_468, %get3A_491 : vector<16xf32>
              %add3A_493 = arith.constant 7 : i32
              %add3A_494 = arith.addi %mul3A_318, %add3A_493 : i32
              %get3A_495 = arith.index_cast %add3A_494 : i32 to index
              %get3A_496 = arith.constant 16 : index
              %get3A_497 = tpu.vector_load %arg9[%get3A_495, %get3A_496] {strides = array<i32>} : memref<448x64xf32, #tpu.memory_space<vmem>>, vector<16xf32>,
              %add3A_498 = arith.addf %add3A_474, %get3A_497 : vector<16xf32>
              %add3A_499 = arith.constant 7 : i32
              %add3A_500 = arith.addi %mul3A_318, %add3A_499 : i32
              %get3A_501 = arith.index_cast %add3A_500 : i32 to index
              %get3A_502 = arith.constant 32 : index
              %get3A_503 = tpu.vector_load %arg9[%get3A_501, %get3A_502] {strides = array<i32>} : memref<448x64xf32, #tpu.memory_space<vmem>>, vector<16xf32>,
              %add3A_504 = arith.addf %add3A_480, %get3A_503 : vector<16xf32>
              %add3A_505 = arith.constant 7 : i32
              %add3A_506 = arith.addi %mul3A_318, %add3A_505 : i32
              %get3A_507 = arith.index_cast %add3A_506 : i32 to index
              %get3A_508 = arith.constant 48 : index
              %get3A_509 = tpu.vector_load %arg9[%get3A_507, %get3A_508] {strides = array<i32>} : memref<448x64xf32, #tpu.memory_space<vmem>>, vector<16xf32>,
              %add3A_510 = arith.addf %add3A_486, %get3A_509 : vector<16xf32>
              scf.yield %add3A_492, %add3A_498, %add3A_504, %add3A_510 : vector<16xf32>, vector<16xf32>, vector<16xf32>, vector<16xf32>
            }
            %scan3A_292 = arith.constant 56 : i32
            %add3A_293 = arith.constant 0 : i32
            %add3A_294 = arith.addi %reduce_min3A_272, %add3A_293 : i32
            %broadcast_in_dim3A_295 = vector.broadcast %add3A_294 : i32 to vector<16xi32>
            %broadcast_in_dim3A_296 = arith.constant 4.480000e+02 : f32
            %broadcast_in_dim3A_297 = vector.broadcast %broadcast_in_dim3A_296 : f32 to vector<16xf32>
            %add3A_298 = arith.constant 0 : i32
            %add3A_299 = vector.broadcast %add3A_298 : i32 to vector<16xi32>
            %add3A_300 = arith.addi %add3A_299, %iota3A : vector<16xi32>
            tpu.vector_store_idx %arg12[%broadcast_in_dim3A_295, %add3A_300], %scan3A_291#0 {add = true} : memref<32x80xf32, #tpu.memory_space<vmem>>[vector<16xi32>, vector<16xi32>], vector<16xf32>,
            %add3A_301 = arith.constant 16 : i32
            %add3A_302 = vector.broadcast %add3A_301 : i32 to vector<16xi32>
            %add3A_303 = arith.addi %add3A_302, %iota3A : vector<16xi32>
            tpu.vector_store_idx %arg12[%broadcast_in_dim3A_295, %add3A_303], %scan3A_291#1 {add = true} : memref<32x80xf32, #tpu.memory_space<vmem>>[vector<16xi32>, vector<16xi32>], vector<16xf32>,
            %add3A_304 = arith.constant 32 : i32
            %add3A_305 = vector.broadcast %add3A_304 : i32 to vector<16xi32>
            %add3A_306 = arith.addi %add3A_305, %iota3A : vector<16xi32>
            tpu.vector_store_idx %arg12[%broadcast_in_dim3A_295, %add3A_306], %scan3A_291#2 {add = true} : memref<32x80xf32, #tpu.memory_space<vmem>>[vector<16xi32>, vector<16xi32>], vector<16xf32>,
            %add3A_307 = arith.constant 48 : i32
            %add3A_308 = vector.broadcast %add3A_307 : i32 to vector<16xi32>
            %add3A_309 = arith.addi %add3A_308, %iota3A : vector<16xi32>
            tpu.vector_store_idx %arg12[%broadcast_in_dim3A_295, %add3A_309], %scan3A_291#3 {add = true} : memref<32x80xf32, #tpu.memory_space<vmem>>[vector<16xi32>, vector<16xi32>], vector<16xf32>,
            %broadcast_in_dim3A_310 = arith.constant 64 : i32
            %broadcast_in_dim3A_311 = vector.broadcast %broadcast_in_dim3A_310 : i32 to vector<16xi32>
            tpu.vector_store_idx %arg12[%broadcast_in_dim3A_295, %broadcast_in_dim3A_311], %broadcast_in_dim3A_297 masked %eq3A_5 {add = true} : memref<32x80xf32, #tpu.memory_space<vmem>>[vector<16xi32>, vector<16xi32>], vector<16xf32>, vector<16xi1>
          } else {
            %jit3A_287 = arith.constant 8 : i32
            %div3A_288 = arith.divsi %sub3A, %jit3A_287 : i32
            %sign3A = arith.constant 0 : i32
            %sign3A_289 = arith.cmpi sgt, %sub3A, %sign3A : i32
            %sign3A_290 = arith.extui %sign3A_289 : i1 to i32
            %sign3A_291 = arith.constant 0 : i32
            %sign3A_292 = arith.cmpi slt, %sub3A, %sign3A_291 : i32
            %sign3A_293 = arith.extui %sign3A_292 : i1 to i32
            %sign3A_294 = arith.subi %sign3A_290, %sign3A_293 : i32
            %sign3A_295 = arith.constant 0 : i32
            %sign3A_296 = arith.cmpi sgt, %jit3A_287, %sign3A_295 : i32
            %sign3A_297 = arith.extui %sign3A_296 : i1 to i32
            %sign3A_298 = arith.constant 0 : i32
            %sign3A_299 = arith.cmpi slt, %jit3A_287, %sign3A_298 : i32
            %sign3A_300 = arith.extui %sign3A_299 : i1 to i32
            %sign3A_301 = arith.subi %sign3A_297, %sign3A_300 : i32
            %ne3A_302 = arith.cmpi ne, %sign3A_294, %sign3A_301 : i32
            %rem3A_303 = arith.remsi %sub3A, %jit3A_287 : i32
            %ne3A_304 = arith.constant 0 : i32
            %ne3A_305 = arith.cmpi ne, %rem3A_303, %ne3A_304 : i32
            %and3A_306 = arith.andi %ne3A_302, %ne3A_305 : i1
            %sub3A_307 = arith.constant 1 : i32
            %sub3A_308 = arith.subi %div3A_288, %sub3A_307 : i32
            %select_n3A_309 = arith.select %and3A_306, %sub3A_308, %div3A_288 : i32
            %while3A = arith.constant 0 : i32
            %while3A_310 = arith.constant 56 : i32
            %while3A_311 = arith.subi %while3A_310, %select_n3A_309 : i32
            %while3A_312 = arith.addi %select_n3A_309, %while3A_311 : i32
            %while3A_313 = arith.constant 1 : i32
            %while3A_314 = arith.divsi %while3A_311, %while3A_313 : i32
            %while3A_315 = arith.muli %while3A_314, %while3A_313 : i32
            %while3A_316 = arith.addi %select_n3A_309, %while3A_315 : i32
            %while3A_317 = arith.constant 1 : i32
            scf.for %while3A_319 = %select_n3A_309 to %while3A_316 step %while3A_317  : i32 {
              %mul3A_320 = arith.constant 8 : i32
              %mul3A_321 = arith.muli %while3A_319, %mul3A_320 : i32
              %get3A_322 = arith.index_cast %mul3A_321 : i32 to index
              %get3A_323 = tpu.vector_load %arg11[%get3A_322] {strides = array<i32>} : memref<464xi32, #tpu.memory_space<vmem>>, vector<16xi32>,
              %broadcast_in_dim3A_324 = arith.constant 1073741824 : i32
              %broadcast_in_dim3A_325 = vector.broadcast %broadcast_in_dim3A_324 : i32 to vector<16xi32>
              %broadcast_in_dim3A_326 = arith.constant -1073741824 : i32
              %broadcast_in_dim3A_327 = vector.broadcast %broadcast_in_dim3A_326 : i32 to vector<16xi32>
              %lt3A_328 = arith.constant 8 : i32
              %lt3A_329 = vector.broadcast %lt3A_328 : i32 to vector<16xi32>
              %lt3A_330 = arith.cmpi slt, %iota3A, %lt3A_329 : vector<16xi32>
              %select_n3A_331 = arith.select %lt3A_330, %get3A_323, %broadcast_in_dim3A_325 : vector<16xi1>, vector<16xi32>
              %reduce_min3A_332 = arith.constant true
              %reduce_min3A_333 = vector.broadcast %reduce_min3A_332 : i1 to vector<16xi1>
              %reduce_min3A_334 = arith.constant -2147483648 : i32
              %reduce_min3A_335 = vector.broadcast %reduce_min3A_334 : i32 to vector<16xi32>
              %reduce_min3A_336 = arith.xori %select_n3A_331, %reduce_min3A_335 : vector<16xi32>
              %reduce_min3A_337 = tpu.scan <min>, %reduce_min3A_336 masked %reduce_min3A_333 : vector<16xi32>, vector<16xi1> -> vector<16xi32>
              %reduce_min3A_338 = arith.xori %reduce_min3A_337, %reduce_min3A_335 : vector<16xi32>
              %reduce_min3A_339 = vector.extract %reduce_min3A_338[15] : i32 from vector<16xi32>
              %select_n3A_340 = arith.select %lt3A_330, %get3A_323, %broadcast_in_dim3A_327 : vector<16xi1>, vector<16xi32>
              %reduce_max3A_341 = arith.constant true
              %reduce_max3A_342 = vector.broadcast %reduce_max3A_341 : i1 to vector<16xi1>
              %reduce_max3A_343 = arith.constant -2147483648 : i32
              %reduce_max3A_344 = vector.broadcast %reduce_max3A_343 : i32 to vector<16xi32>
              %reduce_max3A_345 = arith.xori %select_n3A_340, %reduce_max3A_344 : vector<16xi32>
              %reduce_max3A_346 = tpu.scan <max>, %reduce_max3A_345 masked %reduce_max3A_342 : vector<16xi32>, vector<16xi1> -> vector<16xi32>
              %reduce_max3A_347 = arith.xori %reduce_max3A_346, %reduce_max3A_344 : vector<16xi32>
              %reduce_max3A_348 = vector.extract %reduce_max3A_347[15] : i32 from vector<16xi32>
              %eq3A_349 = arith.cmpi eq, %reduce_min3A_339, %reduce_max3A_348 : i32
              %ge3A = arith.cmpi sge, %mul3A_321, %sub3A : i32
              %and3A_350 = arith.andi %eq3A_349, %ge3A : i1
              %convert_element_type3A_351 = arith.extui %and3A_350 : i1 to i32
              %cond3A_352 = arith.constant 0 : i32
              %cond3A_353 = arith.cmpi ne, %convert_element_type3A_351, %cond3A_352 : i32
              scf.if %cond3A_353 {
                %add3A_354 = arith.constant 0 : i32
                %add3A_355 = arith.addi %mul3A_321, %add3A_354 : i32
                %get3A_356 = arith.index_cast %add3A_355 : i32 to index
                %get3A_357 = arith.constant 0 : index
                %get3A_358 = tpu.vector_load %arg9[%get3A_356, %get3A_357] {strides = array<i32>} : memref<448x64xf32, #tpu.memory_space<vmem>>, vector<16xf32>,
                %add3A_359 = arith.addf %broadcast_in_dim3A_3, %get3A_358 : vector<16xf32>
                %add3A_360 = arith.constant 0 : i32
                %add3A_361 = arith.addi %mul3A_321, %add3A_360 : i32
                %get3A_362 = arith.index_cast %add3A_361 : i32 to index
                %get3A_363 = arith.constant 16 : index
                %get3A_364 = tpu.vector_load %arg9[%get3A_362, %get3A_363] {strides = array<i32>} : memref<448x64xf32, #tpu.memory_space<vmem>>, vector<16xf32>,
                %add3A_365 = arith.addf %broadcast_in_dim3A_3, %get3A_364 : vector<16xf32>
                %add3A_366 = arith.constant 0 : i32
                %add3A_367 = arith.addi %mul3A_321, %add3A_366 : i32
                %get3A_368 = arith.index_cast %add3A_367 : i32 to index
                %get3A_369 = arith.constant 32 : index
                %get3A_370 = tpu.vector_load %arg9[%get3A_368, %get3A_369] {strides = array<i32>} : memref<448x64xf32, #tpu.memory_space<vmem>>, vector<16xf32>,
                %add3A_371 = arith.addf %broadcast_in_dim3A_3, %get3A_370 : vector<16xf32>
                %add3A_372 = arith.constant 0 : i32
                %add3A_373 = arith.addi %mul3A_321, %add3A_372 : i32
                %get3A_374 = arith.index_cast %add3A_373 : i32 to index
                %get3A_375 = arith.constant 48 : index
                %get3A_376 = tpu.vector_load %arg9[%get3A_374, %get3A_375] {strides = array<i32>} : memref<448x64xf32, #tpu.memory_space<vmem>>, vector<16xf32>,
                %add3A_377 = arith.addf %broadcast_in_dim3A_3, %get3A_376 : vector<16xf32>
                %add3A_378 = arith.constant 1 : i32
                %add3A_379 = arith.addi %mul3A_321, %add3A_378 : i32
                %get3A_380 = arith.index_cast %add3A_379 : i32 to index
                %get3A_381 = arith.constant 0 : index
                %get3A_382 = tpu.vector_load %arg9[%get3A_380, %get3A_381] {strides = array<i32>} : memref<448x64xf32, #tpu.memory_space<vmem>>, vector<16xf32>,
                %add3A_383 = arith.addf %add3A_359, %get3A_382 : vector<16xf32>
                %add3A_384 = arith.constant 1 : i32
                %add3A_385 = arith.addi %mul3A_321, %add3A_384 : i32
                %get3A_386 = arith.index_cast %add3A_385 : i32 to index
                %get3A_387 = arith.constant 16 : index
                %get3A_388 = tpu.vector_load %arg9[%get3A_386, %get3A_387] {strides = array<i32>} : memref<448x64xf32, #tpu.memory_space<vmem>>, vector<16xf32>,
                %add3A_389 = arith.addf %add3A_365, %get3A_388 : vector<16xf32>
                %add3A_390 = arith.constant 1 : i32
                %add3A_391 = arith.addi %mul3A_321, %add3A_390 : i32
                %get3A_392 = arith.index_cast %add3A_391 : i32 to index
                %get3A_393 = arith.constant 32 : index
                %get3A_394 = tpu.vector_load %arg9[%get3A_392, %get3A_393] {strides = array<i32>} : memref<448x64xf32, #tpu.memory_space<vmem>>, vector<16xf32>,
                %add3A_395 = arith.addf %add3A_371, %get3A_394 : vector<16xf32>
                %add3A_396 = arith.constant 1 : i32
                %add3A_397 = arith.addi %mul3A_321, %add3A_396 : i32
                %get3A_398 = arith.index_cast %add3A_397 : i32 to index
                %get3A_399 = arith.constant 48 : index
                %get3A_400 = tpu.vector_load %arg9[%get3A_398, %get3A_399] {strides = array<i32>} : memref<448x64xf32, #tpu.memory_space<vmem>>, vector<16xf32>,
                %add3A_401 = arith.addf %add3A_377, %get3A_400 : vector<16xf32>
                %add3A_402 = arith.constant 2 : i32
                %add3A_403 = arith.addi %mul3A_321, %add3A_402 : i32
                %get3A_404 = arith.index_cast %add3A_403 : i32 to index
                %get3A_405 = arith.constant 0 : index
                %get3A_406 = tpu.vector_load %arg9[%get3A_404, %get3A_405] {strides = array<i32>} : memref<448x64xf32, #tpu.memory_space<vmem>>, vector<16xf32>,
                %add3A_407 = arith.addf %add3A_383, %get3A_406 : vector<16xf32>
                %add3A_408 = arith.constant 2 : i32
                %add3A_409 = arith.addi %mul3A_321, %add3A_408 : i32
                %get3A_410 = arith.index_cast %add3A_409 : i32 to index
                %get3A_411 = arith.constant 16 : index
                %get3A_412 = tpu.vector_load %arg9[%get3A_410, %get3A_411] {strides = array<i32>} : memref<448x64xf32, #tpu.memory_space<vmem>>, vector<16xf32>,
                %add3A_413 = arith.addf %add3A_389, %get3A_412 : vector<16xf32>
                %add3A_414 = arith.constant 2 : i32
                %add3A_415 = arith.addi %mul3A_321, %add3A_414 : i32
                %get3A_416 = arith.index_cast %add3A_415 : i32 to index
                %get3A_417 = arith.constant 32 : index
                %get3A_418 = tpu.vector_load %arg9[%get3A_416, %get3A_417] {strides = array<i32>} : memref<448x64xf32, #tpu.memory_space<vmem>>, vector<16xf32>,
                %add3A_419 = arith.addf %add3A_395, %get3A_418 : vector<16xf32>
                %add3A_420 = arith.constant 2 : i32
                %add3A_421 = arith.addi %mul3A_321, %add3A_420 : i32
                %get3A_422 = arith.index_cast %add3A_421 : i32 to index
                %get3A_423 = arith.constant 48 : index
                %get3A_424 = tpu.vector_load %arg9[%get3A_422, %get3A_423] {strides = array<i32>} : memref<448x64xf32, #tpu.memory_space<vmem>>, vector<16xf32>,
                %add3A_425 = arith.addf %add3A_401, %get3A_424 : vector<16xf32>
                %add3A_426 = arith.constant 3 : i32
                %add3A_427 = arith.addi %mul3A_321, %add3A_426 : i32
                %get3A_428 = arith.index_cast %add3A_427 : i32 to index
                %get3A_429 = arith.constant 0 : index
                %get3A_430 = tpu.vector_load %arg9[%get3A_428, %get3A_429] {strides = array<i32>} : memref<448x64xf32, #tpu.memory_space<vmem>>, vector<16xf32>,
                %add3A_431 = arith.addf %add3A_407, %get3A_430 : vector<16xf32>
                %add3A_432 = arith.constant 3 : i32
                %add3A_433 = arith.addi %mul3A_321, %add3A_432 : i32
                %get3A_434 = arith.index_cast %add3A_433 : i32 to index
                %get3A_435 = arith.constant 16 : index
                %get3A_436 = tpu.vector_load %arg9[%get3A_434, %get3A_435] {strides = array<i32>} : memref<448x64xf32, #tpu.memory_space<vmem>>, vector<16xf32>,
                %add3A_437 = arith.addf %add3A_413, %get3A_436 : vector<16xf32>
                %add3A_438 = arith.constant 3 : i32
                %add3A_439 = arith.addi %mul3A_321, %add3A_438 : i32
                %get3A_440 = arith.index_cast %add3A_439 : i32 to index
                %get3A_441 = arith.constant 32 : index
                %get3A_442 = tpu.vector_load %arg9[%get3A_440, %get3A_441] {strides = array<i32>} : memref<448x64xf32, #tpu.memory_space<vmem>>, vector<16xf32>,
                %add3A_443 = arith.addf %add3A_419, %get3A_442 : vector<16xf32>
                %add3A_444 = arith.constant 3 : i32
                %add3A_445 = arith.addi %mul3A_321, %add3A_444 : i32
                %get3A_446 = arith.index_cast %add3A_445 : i32 to index
                %get3A_447 = arith.constant 48 : index
                %get3A_448 = tpu.vector_load %arg9[%get3A_446, %get3A_447] {strides = array<i32>} : memref<448x64xf32, #tpu.memory_space<vmem>>, vector<16xf32>,
                %add3A_449 = arith.addf %add3A_425, %get3A_448 : vector<16xf32>
                %add3A_450 = arith.constant 4 : i32
                %add3A_451 = arith.addi %mul3A_321, %add3A_450 : i32
                %get3A_452 = arith.index_cast %add3A_451 : i32 to index
                %get3A_453 = arith.constant 0 : index
                %get3A_454 = tpu.vector_load %arg9[%get3A_452, %get3A_453] {strides = array<i32>} : memref<448x64xf32, #tpu.memory_space<vmem>>, vector<16xf32>,
                %add3A_455 = arith.addf %add3A_431, %get3A_454 : vector<16xf32>
                %add3A_456 = arith.constant 4 : i32
                %add3A_457 = arith.addi %mul3A_321, %add3A_456 : i32
                %get3A_458 = arith.index_cast %add3A_457 : i32 to index
                %get3A_459 = arith.constant 16 : index
                %get3A_460 = tpu.vector_load %arg9[%get3A_458, %get3A_459] {strides = array<i32>} : memref<448x64xf32, #tpu.memory_space<vmem>>, vector<16xf32>,
                %add3A_461 = arith.addf %add3A_437, %get3A_460 : vector<16xf32>
                %add3A_462 = arith.constant 4 : i32
                %add3A_463 = arith.addi %mul3A_321, %add3A_462 : i32
                %get3A_464 = arith.index_cast %add3A_463 : i32 to index
                %get3A_465 = arith.constant 32 : index
                %get3A_466 = tpu.vector_load %arg9[%get3A_464, %get3A_465] {strides = array<i32>} : memref<448x64xf32, #tpu.memory_space<vmem>>, vector<16xf32>,
                %add3A_467 = arith.addf %add3A_443, %get3A_466 : vector<16xf32>
                %add3A_468 = arith.constant 4 : i32
                %add3A_469 = arith.addi %mul3A_321, %add3A_468 : i32
                %get3A_470 = arith.index_cast %add3A_469 : i32 to index
                %get3A_471 = arith.constant 48 : index
                %get3A_472 = tpu.vector_load %arg9[%get3A_470, %get3A_471] {strides = array<i32>} : memref<448x64xf32, #tpu.memory_space<vmem>>, vector<16xf32>,
                %add3A_473 = arith.addf %add3A_449, %get3A_472 : vector<16xf32>
                %add3A_474 = arith.constant 5 : i32
                %add3A_475 = arith.addi %mul3A_321, %add3A_474 : i32
                %get3A_476 = arith.index_cast %add3A_475 : i32 to index
                %get3A_477 = arith.constant 0 : index
                %get3A_478 = tpu.vector_load %arg9[%get3A_476, %get3A_477] {strides = array<i32>} : memref<448x64xf32, #tpu.memory_space<vmem>>, vector<16xf32>,
                %add3A_479 = arith.addf %add3A_455, %get3A_478 : vector<16xf32>
                %add3A_480 = arith.constant 5 : i32
                %add3A_481 = arith.addi %mul3A_321, %add3A_480 : i32
                %get3A_482 = arith.index_cast %add3A_481 : i32 to index
                %get3A_483 = arith.constant 16 : index
                %get3A_484 = tpu.vector_load %arg9[%get3A_482, %get3A_483] {strides = array<i32>} : memref<448x64xf32, #tpu.memory_space<vmem>>, vector<16xf32>,
                %add3A_485 = arith.addf %add3A_461, %get3A_484 : vector<16xf32>
                %add3A_486 = arith.constant 5 : i32
                %add3A_487 = arith.addi %mul3A_321, %add3A_486 : i32
                %get3A_488 = arith.index_cast %add3A_487 : i32 to index
                %get3A_489 = arith.constant 32 : index
                %get3A_490 = tpu.vector_load %arg9[%get3A_488, %get3A_489] {strides = array<i32>} : memref<448x64xf32, #tpu.memory_space<vmem>>, vector<16xf32>,
                %add3A_491 = arith.addf %add3A_467, %get3A_490 : vector<16xf32>
                %add3A_492 = arith.constant 5 : i32
                %add3A_493 = arith.addi %mul3A_321, %add3A_492 : i32
                %get3A_494 = arith.index_cast %add3A_493 : i32 to index
                %get3A_495 = arith.constant 48 : index
                %get3A_496 = tpu.vector_load %arg9[%get3A_494, %get3A_495] {strides = array<i32>} : memref<448x64xf32, #tpu.memory_space<vmem>>, vector<16xf32>,
                %add3A_497 = arith.addf %add3A_473, %get3A_496 : vector<16xf32>
                %add3A_498 = arith.constant 6 : i32
                %add3A_499 = arith.addi %mul3A_321, %add3A_498 : i32
                %get3A_500 = arith.index_cast %add3A_499 : i32 to index
                %get3A_501 = arith.constant 0 : index
                %get3A_502 = tpu.vector_load %arg9[%get3A_500, %get3A_501] {strides = array<i32>} : memref<448x64xf32, #tpu.memory_space<vmem>>, vector<16xf32>,
                %add3A_503 = arith.addf %add3A_479, %get3A_502 : vector<16xf32>
                %add3A_504 = arith.constant 6 : i32
                %add3A_505 = arith.addi %mul3A_321, %add3A_504 : i32
                %get3A_506 = arith.index_cast %add3A_505 : i32 to index
                %get3A_507 = arith.constant 16 : index
                %get3A_508 = tpu.vector_load %arg9[%get3A_506, %get3A_507] {strides = array<i32>} : memref<448x64xf32, #tpu.memory_space<vmem>>, vector<16xf32>,
                %add3A_509 = arith.addf %add3A_485, %get3A_508 : vector<16xf32>
                %add3A_510 = arith.constant 6 : i32
                %add3A_511 = arith.addi %mul3A_321, %add3A_510 : i32
                %get3A_512 = arith.index_cast %add3A_511 : i32 to index
                %get3A_513 = arith.constant 32 : index
                %get3A_514 = tpu.vector_load %arg9[%get3A_512, %get3A_513] {strides = array<i32>} : memref<448x64xf32, #tpu.memory_space<vmem>>, vector<16xf32>,
                %add3A_515 = arith.addf %add3A_491, %get3A_514 : vector<16xf32>
                %add3A_516 = arith.constant 6 : i32
                %add3A_517 = arith.addi %mul3A_321, %add3A_516 : i32
                %get3A_518 = arith.index_cast %add3A_517 : i32 to index
                %get3A_519 = arith.constant 48 : index
                %get3A_520 = tpu.vector_load %arg9[%get3A_518, %get3A_519] {strides = array<i32>} : memref<448x64xf32, #tpu.memory_space<vmem>>, vector<16xf32>,
                %add3A_521 = arith.addf %add3A_497, %get3A_520 : vector<16xf32>
                %add3A_522 = arith.constant 7 : i32
                %add3A_523 = arith.addi %mul3A_321, %add3A_522 : i32
                %get3A_524 = arith.index_cast %add3A_523 : i32 to index
                %get3A_525 = arith.constant 0 : index
                %get3A_526 = tpu.vector_load %arg9[%get3A_524, %get3A_525] {strides = array<i32>} : memref<448x64xf32, #tpu.memory_space<vmem>>, vector<16xf32>,
                %add3A_527 = arith.addf %add3A_503, %get3A_526 : vector<16xf32>
                %add3A_528 = arith.constant 7 : i32
                %add3A_529 = arith.addi %mul3A_321, %add3A_528 : i32
                %get3A_530 = arith.index_cast %add3A_529 : i32 to index
                %get3A_531 = arith.constant 16 : index
                %get3A_532 = tpu.vector_load %arg9[%get3A_530, %get3A_531] {strides = array<i32>} : memref<448x64xf32, #tpu.memory_space<vmem>>, vector<16xf32>,
                %add3A_533 = arith.addf %add3A_509, %get3A_532 : vector<16xf32>
                %add3A_534 = arith.constant 7 : i32
                %add3A_535 = arith.addi %mul3A_321, %add3A_534 : i32
                %get3A_536 = arith.index_cast %add3A_535 : i32 to index
                %get3A_537 = arith.constant 32 : index
                %get3A_538 = tpu.vector_load %arg9[%get3A_536, %get3A_537] {strides = array<i32>} : memref<448x64xf32, #tpu.memory_space<vmem>>, vector<16xf32>,
                %add3A_539 = arith.addf %add3A_515, %get3A_538 : vector<16xf32>
                %add3A_540 = arith.constant 7 : i32
                %add3A_541 = arith.addi %mul3A_321, %add3A_540 : i32
                %get3A_542 = arith.index_cast %add3A_541 : i32 to index
                %get3A_543 = arith.constant 48 : index
                %get3A_544 = tpu.vector_load %arg9[%get3A_542, %get3A_543] {strides = array<i32>} : memref<448x64xf32, #tpu.memory_space<vmem>>, vector<16xf32>,
                %add3A_545 = arith.addf %add3A_521, %get3A_544 : vector<16xf32>
                %add3A_546 = arith.constant 0 : i32
                %add3A_547 = arith.addi %reduce_min3A_339, %add3A_546 : i32
                %broadcast_in_dim3A_548 = vector.broadcast %add3A_547 : i32 to vector<16xi32>
                %broadcast_in_dim3A_549 = arith.constant 8.000000e+00 : f32
                %broadcast_in_dim3A_550 = vector.broadcast %broadcast_in_dim3A_549 : f32 to vector<16xf32>
                %add3A_551 = arith.constant 0 : i32
                %add3A_552 = vector.broadcast %add3A_551 : i32 to vector<16xi32>
                %add3A_553 = arith.addi %add3A_552, %iota3A : vector<16xi32>
                tpu.vector_store_idx %arg12[%broadcast_in_dim3A_548, %add3A_553], %add3A_527 {add = true} : memref<32x80xf32, #tpu.memory_space<vmem>>[vector<16xi32>, vector<16xi32>], vector<16xf32>,
                %add3A_554 = arith.constant 16 : i32
                %add3A_555 = vector.broadcast %add3A_554 : i32 to vector<16xi32>
                %add3A_556 = arith.addi %add3A_555, %iota3A : vector<16xi32>
                tpu.vector_store_idx %arg12[%broadcast_in_dim3A_548, %add3A_556], %add3A_533 {add = true} : memref<32x80xf32, #tpu.memory_space<vmem>>[vector<16xi32>, vector<16xi32>], vector<16xf32>,
                %add3A_557 = arith.constant 32 : i32
                %add3A_558 = vector.broadcast %add3A_557 : i32 to vector<16xi32>
                %add3A_559 = arith.addi %add3A_558, %iota3A : vector<16xi32>
                tpu.vector_store_idx %arg12[%broadcast_in_dim3A_548, %add3A_559], %add3A_539 {add = true} : memref<32x80xf32, #tpu.memory_space<vmem>>[vector<16xi32>, vector<16xi32>], vector<16xf32>,
                %add3A_560 = arith.constant 48 : i32
                %add3A_561 = vector.broadcast %add3A_560 : i32 to vector<16xi32>
                %add3A_562 = arith.addi %add3A_561, %iota3A : vector<16xi32>
                tpu.vector_store_idx %arg12[%broadcast_in_dim3A_548, %add3A_562], %add3A_545 {add = true} : memref<32x80xf32, #tpu.memory_space<vmem>>[vector<16xi32>, vector<16xi32>], vector<16xf32>,
                %broadcast_in_dim3A_563 = arith.constant 64 : i32
                %broadcast_in_dim3A_564 = vector.broadcast %broadcast_in_dim3A_563 : i32 to vector<16xi32>
                tpu.vector_store_idx %arg12[%broadcast_in_dim3A_548, %broadcast_in_dim3A_564], %broadcast_in_dim3A_550 masked %eq3A_5 {add = true} : memref<32x80xf32, #tpu.memory_space<vmem>>[vector<16xi32>, vector<16xi32>], vector<16xf32>, vector<16xi1>
              } else {
                %max3A_354 = arith.maxsi %sub3A, %mul3A_321 : i32
                %add3A_355 = arith.constant 8 : i32
                %add3A_356 = arith.addi %mul3A_321, %add3A_355 : i32
                %while3A_357 = arith.constant 0 : i32
                %while3A_358 = arith.subi %add3A_356, %max3A_354 : i32
                %while3A_359 = arith.addi %max3A_354, %while3A_358 : i32
                %while3A_360 = arith.constant 1 : i32
                %while3A_361 = arith.divsi %while3A_358, %while3A_360 : i32
                %while3A_362 = arith.muli %while3A_361, %while3A_360 : i32
                %while3A_363 = arith.addi %max3A_354, %while3A_362 : i32
                %while3A_364 = arith.constant 1 : i32
                scf.for %while3A_366 = %max3A_354 to %while3A_363 step %while3A_364  : i32 {
                  %broadcast_in_dim3A_367 = vector.broadcast %while3A_366 : i32 to vector<16xi32>
                  %gather3A_368 = tpu.vector_load_idx %arg11[%broadcast_in_dim3A_367] : memref<464xi32, #tpu.memory_space<vmem>>[vector<16xi32>], vector<16xi32>,
                  %add3A_369 = arith.constant 0 : i32
                  %add3A_370 = vector.broadcast %add3A_369 : i32 to vector<16xi32>
                  %add3A_371 = arith.addi %gather3A_368, %add3A_370 : vector<16xi32>
                  %get3A_372 = arith.index_cast %while3A_366 : i32 to index
                  %get3A_373 = arith.constant 0 : index
                  %get3A_374 = tpu.vector_load %arg9[%get3A_372, %get3A_373] {strides = array<i32>} : memref<448x64xf32, #tpu.memory_space<vmem>>, vector<16xf32>,
                  %add3A_375 = arith.constant 0 : i32
                  %add3A_376 = vector.broadcast %add3A_375 : i32 to vector<16xi32>
                  %add3A_377 = arith.addi %add3A_376, %iota3A : vector<16xi32>
                  tpu.vector_store_idx %arg12[%add3A_371, %add3A_377], %get3A_374 {add = true} : memref<32x80xf32, #tpu.memory_space<vmem>>[vector<16xi32>, vector<16xi32>], vector<16xf32>,
                  %get3A_378 = arith.index_cast %while3A_366 : i32 to index
                  %get3A_379 = arith.constant 16 : index
                  %get3A_380 = tpu.vector_load %arg9[%get3A_378, %get3A_379] {strides = array<i32>} : memref<448x64xf32, #tpu.memory_space<vmem>>, vector<16xf32>,
                  %add3A_381 = arith.constant 16 : i32
                  %add3A_382 = vector.broadcast %add3A_381 : i32 to vector<16xi32>
                  %add3A_383 = arith.addi %add3A_382, %iota3A : vector<16xi32>
                  tpu.vector_store_idx %arg12[%add3A_371, %add3A_383], %get3A_380 {add = true} : memref<32x80xf32, #tpu.memory_space<vmem>>[vector<16xi32>, vector<16xi32>], vector<16xf32>,
                  %get3A_384 = arith.index_cast %while3A_366 : i32 to index
                  %get3A_385 = arith.constant 32 : index
                  %get3A_386 = tpu.vector_load %arg9[%get3A_384, %get3A_385] {strides = array<i32>} : memref<448x64xf32, #tpu.memory_space<vmem>>, vector<16xf32>,
                  %add3A_387 = arith.constant 32 : i32
                  %add3A_388 = vector.broadcast %add3A_387 : i32 to vector<16xi32>
                  %add3A_389 = arith.addi %add3A_388, %iota3A : vector<16xi32>
                  tpu.vector_store_idx %arg12[%add3A_371, %add3A_389], %get3A_386 {add = true} : memref<32x80xf32, #tpu.memory_space<vmem>>[vector<16xi32>, vector<16xi32>], vector<16xf32>,
                  %get3A_390 = arith.index_cast %while3A_366 : i32 to index
                  %get3A_391 = arith.constant 48 : index
                  %get3A_392 = tpu.vector_load %arg9[%get3A_390, %get3A_391] {strides = array<i32>} : memref<448x64xf32, #tpu.memory_space<vmem>>, vector<16xf32>,
                  %add3A_393 = arith.constant 48 : i32
                  %add3A_394 = vector.broadcast %add3A_393 : i32 to vector<16xi32>
                  %add3A_395 = arith.addi %add3A_394, %iota3A : vector<16xi32>
                  tpu.vector_store_idx %arg12[%add3A_371, %add3A_395], %get3A_392 {add = true} : memref<32x80xf32, #tpu.memory_space<vmem>>[vector<16xi32>, vector<16xi32>], vector<16xf32>,
                  %broadcast_in_dim3A_396 = arith.constant 64 : i32
                  %broadcast_in_dim3A_397 = vector.broadcast %broadcast_in_dim3A_396 : i32 to vector<16xi32>
                  tpu.vector_store_idx %arg12[%add3A_371, %broadcast_in_dim3A_397], %broadcast_in_dim3A_1 masked %eq3A_5 {add = true} : memref<32x80xf32, #tpu.memory_space<vmem>>[vector<16xi32>, vector<16xi32>], vector<16xf32>, vector<16xi1>
                }
                %while3A_365 = arith.constant 1 : i32
                scf.for %while3A_366 = %while3A_363 to %while3A_359 step %while3A_365  : i32 {
                  %broadcast_in_dim3A_367 = vector.broadcast %while3A_366 : i32 to vector<16xi32>
                  %gather3A_368 = tpu.vector_load_idx %arg11[%broadcast_in_dim3A_367] : memref<464xi32, #tpu.memory_space<vmem>>[vector<16xi32>], vector<16xi32>,
                  %add3A_369 = arith.constant 0 : i32
                  %add3A_370 = vector.broadcast %add3A_369 : i32 to vector<16xi32>
                  %add3A_371 = arith.addi %gather3A_368, %add3A_370 : vector<16xi32>
                  %get3A_372 = arith.index_cast %while3A_366 : i32 to index
                  %get3A_373 = arith.constant 0 : index
                  %get3A_374 = tpu.vector_load %arg9[%get3A_372, %get3A_373] {strides = array<i32>} : memref<448x64xf32, #tpu.memory_space<vmem>>, vector<16xf32>,
                  %add3A_375 = arith.constant 0 : i32
                  %add3A_376 = vector.broadcast %add3A_375 : i32 to vector<16xi32>
                  %add3A_377 = arith.addi %add3A_376, %iota3A : vector<16xi32>
                  tpu.vector_store_idx %arg12[%add3A_371, %add3A_377], %get3A_374 {add = true} : memref<32x80xf32, #tpu.memory_space<vmem>>[vector<16xi32>, vector<16xi32>], vector<16xf32>,
                  %get3A_378 = arith.index_cast %while3A_366 : i32 to index
                  %get3A_379 = arith.constant 16 : index
                  %get3A_380 = tpu.vector_load %arg9[%get3A_378, %get3A_379] {strides = array<i32>} : memref<448x64xf32, #tpu.memory_space<vmem>>, vector<16xf32>,
                  %add3A_381 = arith.constant 16 : i32
                  %add3A_382 = vector.broadcast %add3A_381 : i32 to vector<16xi32>
                  %add3A_383 = arith.addi %add3A_382, %iota3A : vector<16xi32>
                  tpu.vector_store_idx %arg12[%add3A_371, %add3A_383], %get3A_380 {add = true} : memref<32x80xf32, #tpu.memory_space<vmem>>[vector<16xi32>, vector<16xi32>], vector<16xf32>,
                  %get3A_384 = arith.index_cast %while3A_366 : i32 to index
                  %get3A_385 = arith.constant 32 : index
                  %get3A_386 = tpu.vector_load %arg9[%get3A_384, %get3A_385] {strides = array<i32>} : memref<448x64xf32, #tpu.memory_space<vmem>>, vector<16xf32>,
                  %add3A_387 = arith.constant 32 : i32
                  %add3A_388 = vector.broadcast %add3A_387 : i32 to vector<16xi32>
                  %add3A_389 = arith.addi %add3A_388, %iota3A : vector<16xi32>
                  tpu.vector_store_idx %arg12[%add3A_371, %add3A_389], %get3A_386 {add = true} : memref<32x80xf32, #tpu.memory_space<vmem>>[vector<16xi32>, vector<16xi32>], vector<16xf32>,
                  %get3A_390 = arith.index_cast %while3A_366 : i32 to index
                  %get3A_391 = arith.constant 48 : index
                  %get3A_392 = tpu.vector_load %arg9[%get3A_390, %get3A_391] {strides = array<i32>} : memref<448x64xf32, #tpu.memory_space<vmem>>, vector<16xf32>,
                  %add3A_393 = arith.constant 48 : i32
                  %add3A_394 = vector.broadcast %add3A_393 : i32 to vector<16xi32>
                  %add3A_395 = arith.addi %add3A_394, %iota3A : vector<16xi32>
                  tpu.vector_store_idx %arg12[%add3A_371, %add3A_395], %get3A_392 {add = true} : memref<32x80xf32, #tpu.memory_space<vmem>>[vector<16xi32>, vector<16xi32>], vector<16xf32>,
                  %broadcast_in_dim3A_396 = arith.constant 64 : i32
                  %broadcast_in_dim3A_397 = vector.broadcast %broadcast_in_dim3A_396 : i32 to vector<16xi32>
                  tpu.vector_store_idx %arg12[%add3A_371, %broadcast_in_dim3A_397], %broadcast_in_dim3A_1 masked %eq3A_5 {add = true} : memref<32x80xf32, #tpu.memory_space<vmem>>[vector<16xi32>, vector<16xi32>], vector<16xf32>, vector<16xi1>
                }
              }
            }
            %while3A_318 = arith.constant 1 : i32
            scf.for %while3A_319 = %while3A_316 to %while3A_312 step %while3A_318  : i32 {
              %mul3A_320 = arith.constant 8 : i32
              %mul3A_321 = arith.muli %while3A_319, %mul3A_320 : i32
              %get3A_322 = arith.index_cast %mul3A_321 : i32 to index
              %get3A_323 = tpu.vector_load %arg11[%get3A_322] {strides = array<i32>} : memref<464xi32, #tpu.memory_space<vmem>>, vector<16xi32>,
              %broadcast_in_dim3A_324 = arith.constant 1073741824 : i32
              %broadcast_in_dim3A_325 = vector.broadcast %broadcast_in_dim3A_324 : i32 to vector<16xi32>
              %broadcast_in_dim3A_326 = arith.constant -1073741824 : i32
              %broadcast_in_dim3A_327 = vector.broadcast %broadcast_in_dim3A_326 : i32 to vector<16xi32>
              %lt3A_328 = arith.constant 8 : i32
              %lt3A_329 = vector.broadcast %lt3A_328 : i32 to vector<16xi32>
              %lt3A_330 = arith.cmpi slt, %iota3A, %lt3A_329 : vector<16xi32>
              %select_n3A_331 = arith.select %lt3A_330, %get3A_323, %broadcast_in_dim3A_325 : vector<16xi1>, vector<16xi32>
              %reduce_min3A_332 = arith.constant true
              %reduce_min3A_333 = vector.broadcast %reduce_min3A_332 : i1 to vector<16xi1>
              %reduce_min3A_334 = arith.constant -2147483648 : i32
              %reduce_min3A_335 = vector.broadcast %reduce_min3A_334 : i32 to vector<16xi32>
              %reduce_min3A_336 = arith.xori %select_n3A_331, %reduce_min3A_335 : vector<16xi32>
              %reduce_min3A_337 = tpu.scan <min>, %reduce_min3A_336 masked %reduce_min3A_333 : vector<16xi32>, vector<16xi1> -> vector<16xi32>
              %reduce_min3A_338 = arith.xori %reduce_min3A_337, %reduce_min3A_335 : vector<16xi32>
              %reduce_min3A_339 = vector.extract %reduce_min3A_338[15] : i32 from vector<16xi32>
              %select_n3A_340 = arith.select %lt3A_330, %get3A_323, %broadcast_in_dim3A_327 : vector<16xi1>, vector<16xi32>
              %reduce_max3A_341 = arith.constant true
              %reduce_max3A_342 = vector.broadcast %reduce_max3A_341 : i1 to vector<16xi1>
              %reduce_max3A_343 = arith.constant -2147483648 : i32
              %reduce_max3A_344 = vector.broadcast %reduce_max3A_343 : i32 to vector<16xi32>
              %reduce_max3A_345 = arith.xori %select_n3A_340, %reduce_max3A_344 : vector<16xi32>
              %reduce_max3A_346 = tpu.scan <max>, %reduce_max3A_345 masked %reduce_max3A_342 : vector<16xi32>, vector<16xi1> -> vector<16xi32>
              %reduce_max3A_347 = arith.xori %reduce_max3A_346, %reduce_max3A_344 : vector<16xi32>
              %reduce_max3A_348 = vector.extract %reduce_max3A_347[15] : i32 from vector<16xi32>
              %eq3A_349 = arith.cmpi eq, %reduce_min3A_339, %reduce_max3A_348 : i32
              %ge3A = arith.cmpi sge, %mul3A_321, %sub3A : i32
              %and3A_350 = arith.andi %eq3A_349, %ge3A : i1
              %convert_element_type3A_351 = arith.extui %and3A_350 : i1 to i32
              %cond3A_352 = arith.constant 0 : i32
              %cond3A_353 = arith.cmpi ne, %convert_element_type3A_351, %cond3A_352 : i32
              scf.if %cond3A_353 {
                %add3A_354 = arith.constant 0 : i32
                %add3A_355 = arith.addi %mul3A_321, %add3A_354 : i32
                %get3A_356 = arith.index_cast %add3A_355 : i32 to index
                %get3A_357 = arith.constant 0 : index
                %get3A_358 = tpu.vector_load %arg9[%get3A_356, %get3A_357] {strides = array<i32>} : memref<448x64xf32, #tpu.memory_space<vmem>>, vector<16xf32>,
                %add3A_359 = arith.addf %broadcast_in_dim3A_3, %get3A_358 : vector<16xf32>
                %add3A_360 = arith.constant 0 : i32
                %add3A_361 = arith.addi %mul3A_321, %add3A_360 : i32
                %get3A_362 = arith.index_cast %add3A_361 : i32 to index
                %get3A_363 = arith.constant 16 : index
                %get3A_364 = tpu.vector_load %arg9[%get3A_362, %get3A_363] {strides = array<i32>} : memref<448x64xf32, #tpu.memory_space<vmem>>, vector<16xf32>,
                %add3A_365 = arith.addf %broadcast_in_dim3A_3, %get3A_364 : vector<16xf32>
                %add3A_366 = arith.constant 0 : i32
                %add3A_367 = arith.addi %mul3A_321, %add3A_366 : i32
                %get3A_368 = arith.index_cast %add3A_367 : i32 to index
                %get3A_369 = arith.constant 32 : index
                %get3A_370 = tpu.vector_load %arg9[%get3A_368, %get3A_369] {strides = array<i32>} : memref<448x64xf32, #tpu.memory_space<vmem>>, vector<16xf32>,
                %add3A_371 = arith.addf %broadcast_in_dim3A_3, %get3A_370 : vector<16xf32>
                %add3A_372 = arith.constant 0 : i32
                %add3A_373 = arith.addi %mul3A_321, %add3A_372 : i32
                %get3A_374 = arith.index_cast %add3A_373 : i32 to index
                %get3A_375 = arith.constant 48 : index
                %get3A_376 = tpu.vector_load %arg9[%get3A_374, %get3A_375] {strides = array<i32>} : memref<448x64xf32, #tpu.memory_space<vmem>>, vector<16xf32>,
                %add3A_377 = arith.addf %broadcast_in_dim3A_3, %get3A_376 : vector<16xf32>
                %add3A_378 = arith.constant 1 : i32
                %add3A_379 = arith.addi %mul3A_321, %add3A_378 : i32
                %get3A_380 = arith.index_cast %add3A_379 : i32 to index
                %get3A_381 = arith.constant 0 : index
                %get3A_382 = tpu.vector_load %arg9[%get3A_380, %get3A_381] {strides = array<i32>} : memref<448x64xf32, #tpu.memory_space<vmem>>, vector<16xf32>,
                %add3A_383 = arith.addf %add3A_359, %get3A_382 : vector<16xf32>
                %add3A_384 = arith.constant 1 : i32
                %add3A_385 = arith.addi %mul3A_321, %add3A_384 : i32
                %get3A_386 = arith.index_cast %add3A_385 : i32 to index
                %get3A_387 = arith.constant 16 : index
                %get3A_388 = tpu.vector_load %arg9[%get3A_386, %get3A_387] {strides = array<i32>} : memref<448x64xf32, #tpu.memory_space<vmem>>, vector<16xf32>,
                %add3A_389 = arith.addf %add3A_365, %get3A_388 : vector<16xf32>
                %add3A_390 = arith.constant 1 : i32
                %add3A_391 = arith.addi %mul3A_321, %add3A_390 : i32
                %get3A_392 = arith.index_cast %add3A_391 : i32 to index
                %get3A_393 = arith.constant 32 : index
                %get3A_394 = tpu.vector_load %arg9[%get3A_392, %get3A_393] {strides = array<i32>} : memref<448x64xf32, #tpu.memory_space<vmem>>, vector<16xf32>,
                %add3A_395 = arith.addf %add3A_371, %get3A_394 : vector<16xf32>
                %add3A_396 = arith.constant 1 : i32
                %add3A_397 = arith.addi %mul3A_321, %add3A_396 : i32
                %get3A_398 = arith.index_cast %add3A_397 : i32 to index
                %get3A_399 = arith.constant 48 : index
                %get3A_400 = tpu.vector_load %arg9[%get3A_398, %get3A_399] {strides = array<i32>} : memref<448x64xf32, #tpu.memory_space<vmem>>, vector<16xf32>,
                %add3A_401 = arith.addf %add3A_377, %get3A_400 : vector<16xf32>
                %add3A_402 = arith.constant 2 : i32
                %add3A_403 = arith.addi %mul3A_321, %add3A_402 : i32
                %get3A_404 = arith.index_cast %add3A_403 : i32 to index
                %get3A_405 = arith.constant 0 : index
                %get3A_406 = tpu.vector_load %arg9[%get3A_404, %get3A_405] {strides = array<i32>} : memref<448x64xf32, #tpu.memory_space<vmem>>, vector<16xf32>,
                %add3A_407 = arith.addf %add3A_383, %get3A_406 : vector<16xf32>
                %add3A_408 = arith.constant 2 : i32
                %add3A_409 = arith.addi %mul3A_321, %add3A_408 : i32
                %get3A_410 = arith.index_cast %add3A_409 : i32 to index
                %get3A_411 = arith.constant 16 : index
                %get3A_412 = tpu.vector_load %arg9[%get3A_410, %get3A_411] {strides = array<i32>} : memref<448x64xf32, #tpu.memory_space<vmem>>, vector<16xf32>,
                %add3A_413 = arith.addf %add3A_389, %get3A_412 : vector<16xf32>
                %add3A_414 = arith.constant 2 : i32
                %add3A_415 = arith.addi %mul3A_321, %add3A_414 : i32
                %get3A_416 = arith.index_cast %add3A_415 : i32 to index
                %get3A_417 = arith.constant 32 : index
                %get3A_418 = tpu.vector_load %arg9[%get3A_416, %get3A_417] {strides = array<i32>} : memref<448x64xf32, #tpu.memory_space<vmem>>, vector<16xf32>,
                %add3A_419 = arith.addf %add3A_395, %get3A_418 : vector<16xf32>
                %add3A_420 = arith.constant 2 : i32
                %add3A_421 = arith.addi %mul3A_321, %add3A_420 : i32
                %get3A_422 = arith.index_cast %add3A_421 : i32 to index
                %get3A_423 = arith.constant 48 : index
                %get3A_424 = tpu.vector_load %arg9[%get3A_422, %get3A_423] {strides = array<i32>} : memref<448x64xf32, #tpu.memory_space<vmem>>, vector<16xf32>,
                %add3A_425 = arith.addf %add3A_401, %get3A_424 : vector<16xf32>
                %add3A_426 = arith.constant 3 : i32
                %add3A_427 = arith.addi %mul3A_321, %add3A_426 : i32
                %get3A_428 = arith.index_cast %add3A_427 : i32 to index
                %get3A_429 = arith.constant 0 : index
                %get3A_430 = tpu.vector_load %arg9[%get3A_428, %get3A_429] {strides = array<i32>} : memref<448x64xf32, #tpu.memory_space<vmem>>, vector<16xf32>,
                %add3A_431 = arith.addf %add3A_407, %get3A_430 : vector<16xf32>
                %add3A_432 = arith.constant 3 : i32
                %add3A_433 = arith.addi %mul3A_321, %add3A_432 : i32
                %get3A_434 = arith.index_cast %add3A_433 : i32 to index
                %get3A_435 = arith.constant 16 : index
                %get3A_436 = tpu.vector_load %arg9[%get3A_434, %get3A_435] {strides = array<i32>} : memref<448x64xf32, #tpu.memory_space<vmem>>, vector<16xf32>,
                %add3A_437 = arith.addf %add3A_413, %get3A_436 : vector<16xf32>
                %add3A_438 = arith.constant 3 : i32
                %add3A_439 = arith.addi %mul3A_321, %add3A_438 : i32
                %get3A_440 = arith.index_cast %add3A_439 : i32 to index
                %get3A_441 = arith.constant 32 : index
                %get3A_442 = tpu.vector_load %arg9[%get3A_440, %get3A_441] {strides = array<i32>} : memref<448x64xf32, #tpu.memory_space<vmem>>, vector<16xf32>,
                %add3A_443 = arith.addf %add3A_419, %get3A_442 : vector<16xf32>
                %add3A_444 = arith.constant 3 : i32
                %add3A_445 = arith.addi %mul3A_321, %add3A_444 : i32
                %get3A_446 = arith.index_cast %add3A_445 : i32 to index
                %get3A_447 = arith.constant 48 : index
                %get3A_448 = tpu.vector_load %arg9[%get3A_446, %get3A_447] {strides = array<i32>} : memref<448x64xf32, #tpu.memory_space<vmem>>, vector<16xf32>,
                %add3A_449 = arith.addf %add3A_425, %get3A_448 : vector<16xf32>
                %add3A_450 = arith.constant 4 : i32
                %add3A_451 = arith.addi %mul3A_321, %add3A_450 : i32
                %get3A_452 = arith.index_cast %add3A_451 : i32 to index
                %get3A_453 = arith.constant 0 : index
                %get3A_454 = tpu.vector_load %arg9[%get3A_452, %get3A_453] {strides = array<i32>} : memref<448x64xf32, #tpu.memory_space<vmem>>, vector<16xf32>,
                %add3A_455 = arith.addf %add3A_431, %get3A_454 : vector<16xf32>
                %add3A_456 = arith.constant 4 : i32
                %add3A_457 = arith.addi %mul3A_321, %add3A_456 : i32
                %get3A_458 = arith.index_cast %add3A_457 : i32 to index
                %get3A_459 = arith.constant 16 : index
                %get3A_460 = tpu.vector_load %arg9[%get3A_458, %get3A_459] {strides = array<i32>} : memref<448x64xf32, #tpu.memory_space<vmem>>, vector<16xf32>,
                %add3A_461 = arith.addf %add3A_437, %get3A_460 : vector<16xf32>
                %add3A_462 = arith.constant 4 : i32
                %add3A_463 = arith.addi %mul3A_321, %add3A_462 : i32
                %get3A_464 = arith.index_cast %add3A_463 : i32 to index
                %get3A_465 = arith.constant 32 : index
                %get3A_466 = tpu.vector_load %arg9[%get3A_464, %get3A_465] {strides = array<i32>} : memref<448x64xf32, #tpu.memory_space<vmem>>, vector<16xf32>,
                %add3A_467 = arith.addf %add3A_443, %get3A_466 : vector<16xf32>
                %add3A_468 = arith.constant 4 : i32
                %add3A_469 = arith.addi %mul3A_321, %add3A_468 : i32
                %get3A_470 = arith.index_cast %add3A_469 : i32 to index
                %get3A_471 = arith.constant 48 : index
                %get3A_472 = tpu.vector_load %arg9[%get3A_470, %get3A_471] {strides = array<i32>} : memref<448x64xf32, #tpu.memory_space<vmem>>, vector<16xf32>,
                %add3A_473 = arith.addf %add3A_449, %get3A_472 : vector<16xf32>
                %add3A_474 = arith.constant 5 : i32
                %add3A_475 = arith.addi %mul3A_321, %add3A_474 : i32
                %get3A_476 = arith.index_cast %add3A_475 : i32 to index
                %get3A_477 = arith.constant 0 : index
                %get3A_478 = tpu.vector_load %arg9[%get3A_476, %get3A_477] {strides = array<i32>} : memref<448x64xf32, #tpu.memory_space<vmem>>, vector<16xf32>,
                %add3A_479 = arith.addf %add3A_455, %get3A_478 : vector<16xf32>
                %add3A_480 = arith.constant 5 : i32
                %add3A_481 = arith.addi %mul3A_321, %add3A_480 : i32
                %get3A_482 = arith.index_cast %add3A_481 : i32 to index
                %get3A_483 = arith.constant 16 : index
                %get3A_484 = tpu.vector_load %arg9[%get3A_482, %get3A_483] {strides = array<i32>} : memref<448x64xf32, #tpu.memory_space<vmem>>, vector<16xf32>,
                %add3A_485 = arith.addf %add3A_461, %get3A_484 : vector<16xf32>
                %add3A_486 = arith.constant 5 : i32
                %add3A_487 = arith.addi %mul3A_321, %add3A_486 : i32
                %get3A_488 = arith.index_cast %add3A_487 : i32 to index
                %get3A_489 = arith.constant 32 : index
                %get3A_490 = tpu.vector_load %arg9[%get3A_488, %get3A_489] {strides = array<i32>} : memref<448x64xf32, #tpu.memory_space<vmem>>, vector<16xf32>,
                %add3A_491 = arith.addf %add3A_467, %get3A_490 : vector<16xf32>
                %add3A_492 = arith.constant 5 : i32
                %add3A_493 = arith.addi %mul3A_321, %add3A_492 : i32
                %get3A_494 = arith.index_cast %add3A_493 : i32 to index
                %get3A_495 = arith.constant 48 : index
                %get3A_496 = tpu.vector_load %arg9[%get3A_494, %get3A_495] {strides = array<i32>} : memref<448x64xf32, #tpu.memory_space<vmem>>, vector<16xf32>,
                %add3A_497 = arith.addf %add3A_473, %get3A_496 : vector<16xf32>
                %add3A_498 = arith.constant 6 : i32
                %add3A_499 = arith.addi %mul3A_321, %add3A_498 : i32
                %get3A_500 = arith.index_cast %add3A_499 : i32 to index
                %get3A_501 = arith.constant 0 : index
                %get3A_502 = tpu.vector_load %arg9[%get3A_500, %get3A_501] {strides = array<i32>} : memref<448x64xf32, #tpu.memory_space<vmem>>, vector<16xf32>,
                %add3A_503 = arith.addf %add3A_479, %get3A_502 : vector<16xf32>
                %add3A_504 = arith.constant 6 : i32
                %add3A_505 = arith.addi %mul3A_321, %add3A_504 : i32
                %get3A_506 = arith.index_cast %add3A_505 : i32 to index
                %get3A_507 = arith.constant 16 : index
                %get3A_508 = tpu.vector_load %arg9[%get3A_506, %get3A_507] {strides = array<i32>} : memref<448x64xf32, #tpu.memory_space<vmem>>, vector<16xf32>,
                %add3A_509 = arith.addf %add3A_485, %get3A_508 : vector<16xf32>
                %add3A_510 = arith.constant 6 : i32
                %add3A_511 = arith.addi %mul3A_321, %add3A_510 : i32
                %get3A_512 = arith.index_cast %add3A_511 : i32 to index
                %get3A_513 = arith.constant 32 : index
                %get3A_514 = tpu.vector_load %arg9[%get3A_512, %get3A_513] {strides = array<i32>} : memref<448x64xf32, #tpu.memory_space<vmem>>, vector<16xf32>,
                %add3A_515 = arith.addf %add3A_491, %get3A_514 : vector<16xf32>
                %add3A_516 = arith.constant 6 : i32
                %add3A_517 = arith.addi %mul3A_321, %add3A_516 : i32
                %get3A_518 = arith.index_cast %add3A_517 : i32 to index
                %get3A_519 = arith.constant 48 : index
                %get3A_520 = tpu.vector_load %arg9[%get3A_518, %get3A_519] {strides = array<i32>} : memref<448x64xf32, #tpu.memory_space<vmem>>, vector<16xf32>,
                %add3A_521 = arith.addf %add3A_497, %get3A_520 : vector<16xf32>
                %add3A_522 = arith.constant 7 : i32
                %add3A_523 = arith.addi %mul3A_321, %add3A_522 : i32
                %get3A_524 = arith.index_cast %add3A_523 : i32 to index
                %get3A_525 = arith.constant 0 : index
                %get3A_526 = tpu.vector_load %arg9[%get3A_524, %get3A_525] {strides = array<i32>} : memref<448x64xf32, #tpu.memory_space<vmem>>, vector<16xf32>,
                %add3A_527 = arith.addf %add3A_503, %get3A_526 : vector<16xf32>
                %add3A_528 = arith.constant 7 : i32
                %add3A_529 = arith.addi %mul3A_321, %add3A_528 : i32
                %get3A_530 = arith.index_cast %add3A_529 : i32 to index
                %get3A_531 = arith.constant 16 : index
                %get3A_532 = tpu.vector_load %arg9[%get3A_530, %get3A_531] {strides = array<i32>} : memref<448x64xf32, #tpu.memory_space<vmem>>, vector<16xf32>,
                %add3A_533 = arith.addf %add3A_509, %get3A_532 : vector<16xf32>
                %add3A_534 = arith.constant 7 : i32
                %add3A_535 = arith.addi %mul3A_321, %add3A_534 : i32
                %get3A_536 = arith.index_cast %add3A_535 : i32 to index
                %get3A_537 = arith.constant 32 : index
                %get3A_538 = tpu.vector_load %arg9[%get3A_536, %get3A_537] {strides = array<i32>} : memref<448x64xf32, #tpu.memory_space<vmem>>, vector<16xf32>,
                %add3A_539 = arith.addf %add3A_515, %get3A_538 : vector<16xf32>
                %add3A_540 = arith.constant 7 : i32
                %add3A_541 = arith.addi %mul3A_321, %add3A_540 : i32
                %get3A_542 = arith.index_cast %add3A_541 : i32 to index
                %get3A_543 = arith.constant 48 : index
                %get3A_544 = tpu.vector_load %arg9[%get3A_542, %get3A_543] {strides = array<i32>} : memref<448x64xf32, #tpu.memory_space<vmem>>, vector<16xf32>,
                %add3A_545 = arith.addf %add3A_521, %get3A_544 : vector<16xf32>
                %add3A_546 = arith.constant 0 : i32
                %add3A_547 = arith.addi %reduce_min3A_339, %add3A_546 : i32
                %broadcast_in_dim3A_548 = vector.broadcast %add3A_547 : i32 to vector<16xi32>
                %broadcast_in_dim3A_549 = arith.constant 8.000000e+00 : f32
                %broadcast_in_dim3A_550 = vector.broadcast %broadcast_in_dim3A_549 : f32 to vector<16xf32>
                %add3A_551 = arith.constant 0 : i32
                %add3A_552 = vector.broadcast %add3A_551 : i32 to vector<16xi32>
                %add3A_553 = arith.addi %add3A_552, %iota3A : vector<16xi32>
                tpu.vector_store_idx %arg12[%broadcast_in_dim3A_548, %add3A_553], %add3A_527 {add = true} : memref<32x80xf32, #tpu.memory_space<vmem>>[vector<16xi32>, vector<16xi32>], vector<16xf32>,
                %add3A_554 = arith.constant 16 : i32
                %add3A_555 = vector.broadcast %add3A_554 : i32 to vector<16xi32>
                %add3A_556 = arith.addi %add3A_555, %iota3A : vector<16xi32>
                tpu.vector_store_idx %arg12[%broadcast_in_dim3A_548, %add3A_556], %add3A_533 {add = true} : memref<32x80xf32, #tpu.memory_space<vmem>>[vector<16xi32>, vector<16xi32>], vector<16xf32>,
                %add3A_557 = arith.constant 32 : i32
                %add3A_558 = vector.broadcast %add3A_557 : i32 to vector<16xi32>
                %add3A_559 = arith.addi %add3A_558, %iota3A : vector<16xi32>
                tpu.vector_store_idx %arg12[%broadcast_in_dim3A_548, %add3A_559], %add3A_539 {add = true} : memref<32x80xf32, #tpu.memory_space<vmem>>[vector<16xi32>, vector<16xi32>], vector<16xf32>,
                %add3A_560 = arith.constant 48 : i32
                %add3A_561 = vector.broadcast %add3A_560 : i32 to vector<16xi32>
                %add3A_562 = arith.addi %add3A_561, %iota3A : vector<16xi32>
                tpu.vector_store_idx %arg12[%broadcast_in_dim3A_548, %add3A_562], %add3A_545 {add = true} : memref<32x80xf32, #tpu.memory_space<vmem>>[vector<16xi32>, vector<16xi32>], vector<16xf32>,
                %broadcast_in_dim3A_563 = arith.constant 64 : i32
                %broadcast_in_dim3A_564 = vector.broadcast %broadcast_in_dim3A_563 : i32 to vector<16xi32>
                tpu.vector_store_idx %arg12[%broadcast_in_dim3A_548, %broadcast_in_dim3A_564], %broadcast_in_dim3A_550 masked %eq3A_5 {add = true} : memref<32x80xf32, #tpu.memory_space<vmem>>[vector<16xi32>, vector<16xi32>], vector<16xf32>, vector<16xi1>
              } else {
                %max3A_354 = arith.maxsi %sub3A, %mul3A_321 : i32
                %add3A_355 = arith.constant 8 : i32
                %add3A_356 = arith.addi %mul3A_321, %add3A_355 : i32
                %while3A_357 = arith.constant 0 : i32
                %while3A_358 = arith.subi %add3A_356, %max3A_354 : i32
                %while3A_359 = arith.addi %max3A_354, %while3A_358 : i32
                %while3A_360 = arith.constant 1 : i32
                %while3A_361 = arith.divsi %while3A_358, %while3A_360 : i32
                %while3A_362 = arith.muli %while3A_361, %while3A_360 : i32
                %while3A_363 = arith.addi %max3A_354, %while3A_362 : i32
                %while3A_364 = arith.constant 1 : i32
                scf.for %while3A_366 = %max3A_354 to %while3A_363 step %while3A_364  : i32 {
                  %broadcast_in_dim3A_367 = vector.broadcast %while3A_366 : i32 to vector<16xi32>
                  %gather3A_368 = tpu.vector_load_idx %arg11[%broadcast_in_dim3A_367] : memref<464xi32, #tpu.memory_space<vmem>>[vector<16xi32>], vector<16xi32>,
                  %add3A_369 = arith.constant 0 : i32
                  %add3A_370 = vector.broadcast %add3A_369 : i32 to vector<16xi32>
                  %add3A_371 = arith.addi %gather3A_368, %add3A_370 : vector<16xi32>
                  %get3A_372 = arith.index_cast %while3A_366 : i32 to index
                  %get3A_373 = arith.constant 0 : index
                  %get3A_374 = tpu.vector_load %arg9[%get3A_372, %get3A_373] {strides = array<i32>} : memref<448x64xf32, #tpu.memory_space<vmem>>, vector<16xf32>,
                  %add3A_375 = arith.constant 0 : i32
                  %add3A_376 = vector.broadcast %add3A_375 : i32 to vector<16xi32>
                  %add3A_377 = arith.addi %add3A_376, %iota3A : vector<16xi32>
                  tpu.vector_store_idx %arg12[%add3A_371, %add3A_377], %get3A_374 {add = true} : memref<32x80xf32, #tpu.memory_space<vmem>>[vector<16xi32>, vector<16xi32>], vector<16xf32>,
                  %get3A_378 = arith.index_cast %while3A_366 : i32 to index
                  %get3A_379 = arith.constant 16 : index
                  %get3A_380 = tpu.vector_load %arg9[%get3A_378, %get3A_379] {strides = array<i32>} : memref<448x64xf32, #tpu.memory_space<vmem>>, vector<16xf32>,
                  %add3A_381 = arith.constant 16 : i32
                  %add3A_382 = vector.broadcast %add3A_381 : i32 to vector<16xi32>
                  %add3A_383 = arith.addi %add3A_382, %iota3A : vector<16xi32>
                  tpu.vector_store_idx %arg12[%add3A_371, %add3A_383], %get3A_380 {add = true} : memref<32x80xf32, #tpu.memory_space<vmem>>[vector<16xi32>, vector<16xi32>], vector<16xf32>,
                  %get3A_384 = arith.index_cast %while3A_366 : i32 to index
                  %get3A_385 = arith.constant 32 : index
                  %get3A_386 = tpu.vector_load %arg9[%get3A_384, %get3A_385] {strides = array<i32>} : memref<448x64xf32, #tpu.memory_space<vmem>>, vector<16xf32>,
                  %add3A_387 = arith.constant 32 : i32
                  %add3A_388 = vector.broadcast %add3A_387 : i32 to vector<16xi32>
                  %add3A_389 = arith.addi %add3A_388, %iota3A : vector<16xi32>
                  tpu.vector_store_idx %arg12[%add3A_371, %add3A_389], %get3A_386 {add = true} : memref<32x80xf32, #tpu.memory_space<vmem>>[vector<16xi32>, vector<16xi32>], vector<16xf32>,
                  %get3A_390 = arith.index_cast %while3A_366 : i32 to index
                  %get3A_391 = arith.constant 48 : index
                  %get3A_392 = tpu.vector_load %arg9[%get3A_390, %get3A_391] {strides = array<i32>} : memref<448x64xf32, #tpu.memory_space<vmem>>, vector<16xf32>,
                  %add3A_393 = arith.constant 48 : i32
                  %add3A_394 = vector.broadcast %add3A_393 : i32 to vector<16xi32>
                  %add3A_395 = arith.addi %add3A_394, %iota3A : vector<16xi32>
                  tpu.vector_store_idx %arg12[%add3A_371, %add3A_395], %get3A_392 {add = true} : memref<32x80xf32, #tpu.memory_space<vmem>>[vector<16xi32>, vector<16xi32>], vector<16xf32>,
                  %broadcast_in_dim3A_396 = arith.constant 64 : i32
                  %broadcast_in_dim3A_397 = vector.broadcast %broadcast_in_dim3A_396 : i32 to vector<16xi32>
                  tpu.vector_store_idx %arg12[%add3A_371, %broadcast_in_dim3A_397], %broadcast_in_dim3A_1 masked %eq3A_5 {add = true} : memref<32x80xf32, #tpu.memory_space<vmem>>[vector<16xi32>, vector<16xi32>], vector<16xf32>, vector<16xi1>
                }
                %while3A_365 = arith.constant 1 : i32
                scf.for %while3A_366 = %while3A_363 to %while3A_359 step %while3A_365  : i32 {
                  %broadcast_in_dim3A_367 = vector.broadcast %while3A_366 : i32 to vector<16xi32>
                  %gather3A_368 = tpu.vector_load_idx %arg11[%broadcast_in_dim3A_367] : memref<464xi32, #tpu.memory_space<vmem>>[vector<16xi32>], vector<16xi32>,
                  %add3A_369 = arith.constant 0 : i32
                  %add3A_370 = vector.broadcast %add3A_369 : i32 to vector<16xi32>
                  %add3A_371 = arith.addi %gather3A_368, %add3A_370 : vector<16xi32>
                  %get3A_372 = arith.index_cast %while3A_366 : i32 to index
                  %get3A_373 = arith.constant 0 : index
                  %get3A_374 = tpu.vector_load %arg9[%get3A_372, %get3A_373] {strides = array<i32>} : memref<448x64xf32, #tpu.memory_space<vmem>>, vector<16xf32>,
                  %add3A_375 = arith.constant 0 : i32
                  %add3A_376 = vector.broadcast %add3A_375 : i32 to vector<16xi32>
                  %add3A_377 = arith.addi %add3A_376, %iota3A : vector<16xi32>
                  tpu.vector_store_idx %arg12[%add3A_371, %add3A_377], %get3A_374 {add = true} : memref<32x80xf32, #tpu.memory_space<vmem>>[vector<16xi32>, vector<16xi32>], vector<16xf32>,
                  %get3A_378 = arith.index_cast %while3A_366 : i32 to index
                  %get3A_379 = arith.constant 16 : index
                  %get3A_380 = tpu.vector_load %arg9[%get3A_378, %get3A_379] {strides = array<i32>} : memref<448x64xf32, #tpu.memory_space<vmem>>, vector<16xf32>,
                  %add3A_381 = arith.constant 16 : i32
                  %add3A_382 = vector.broadcast %add3A_381 : i32 to vector<16xi32>
                  %add3A_383 = arith.addi %add3A_382, %iota3A : vector<16xi32>
                  tpu.vector_store_idx %arg12[%add3A_371, %add3A_383], %get3A_380 {add = true} : memref<32x80xf32, #tpu.memory_space<vmem>>[vector<16xi32>, vector<16xi32>], vector<16xf32>,
                  %get3A_384 = arith.index_cast %while3A_366 : i32 to index
                  %get3A_385 = arith.constant 32 : index
                  %get3A_386 = tpu.vector_load %arg9[%get3A_384, %get3A_385] {strides = array<i32>} : memref<448x64xf32, #tpu.memory_space<vmem>>, vector<16xf32>,
                  %add3A_387 = arith.constant 32 : i32
                  %add3A_388 = vector.broadcast %add3A_387 : i32 to vector<16xi32>
                  %add3A_389 = arith.addi %add3A_388, %iota3A : vector<16xi32>
                  tpu.vector_store_idx %arg12[%add3A_371, %add3A_389], %get3A_386 {add = true} : memref<32x80xf32, #tpu.memory_space<vmem>>[vector<16xi32>, vector<16xi32>], vector<16xf32>,
                  %get3A_390 = arith.index_cast %while3A_366 : i32 to index
                  %get3A_391 = arith.constant 48 : index
                  %get3A_392 = tpu.vector_load %arg9[%get3A_390, %get3A_391] {strides = array<i32>} : memref<448x64xf32, #tpu.memory_space<vmem>>, vector<16xf32>,
                  %add3A_393 = arith.constant 48 : i32
                  %add3A_394 = vector.broadcast %add3A_393 : i32 to vector<16xi32>
                  %add3A_395 = arith.addi %add3A_394, %iota3A : vector<16xi32>
                  tpu.vector_store_idx %arg12[%add3A_371, %add3A_395], %get3A_392 {add = true} : memref<32x80xf32, #tpu.memory_space<vmem>>[vector<16xi32>, vector<16xi32>], vector<16xf32>,
                  %broadcast_in_dim3A_396 = arith.constant 64 : i32
                  %broadcast_in_dim3A_397 = vector.broadcast %broadcast_in_dim3A_396 : i32 to vector<16xi32>
                  tpu.vector_store_idx %arg12[%add3A_371, %broadcast_in_dim3A_397], %broadcast_in_dim3A_1 masked %eq3A_5 {add = true} : memref<32x80xf32, #tpu.memory_space<vmem>>[vector<16xi32>, vector<16xi32>], vector<16xf32>, vector<16xi1>
                }
              }
            }
          }
        } else {
        }
      }
    }
    %scan3A_37 = arith.constant 14 : i32
    %mul3A_38 = arith.constant 448 : i32
    %mul3A_39 = arith.muli %arg1, %mul3A_38 : i32
    %min3A_40 = arith.constant 49552 : i32
    %min3A_41 = arith.minsi %mul3A_39, %min3A_40 : i32
    %dma_start3A_42 = tpu.memref_slice %arg4[%min3A_41, %mul3A_0] : memref<50000x128xf32, #tpu.memory_space<hbm>> -> memref<448x64xf32, #tpu.memory_space<hbm>>
    %dma_start3A_43 = tpu.memref_slice %arg4[%min3A_41, %mul3A_0] : memref<50000x128xf32, #tpu.memory_space<hbm>> -> memref<448x64xf32, #tpu.memory_space<hbm>>
    tpu.enqueue_dma source(%dma_start3A_43 : memref<448x64xf32, #tpu.memory_space<hbm>>) target(%arg8 : memref<448x64xf32, #tpu.memory_space<vmem>>) target_semaphore(%arg18 : memref<!tpu.dma_semaphore, #tpu.memory_space<semaphore_mem>>)
    %dma_start3A_44 = arith.constant 0 : i32
    %dma_start3A_45 = tpu.memref_slice %arg10[%dma_start3A_44] : memref<464xi32, #tpu.memory_space<vmem>> -> memref<448xi32, #tpu.memory_space<vmem>>
    %dma_start3A_46 = tpu.memref_slice %arg5[%min3A_41] : memref<50000xi32, #tpu.memory_space<hbm>> -> memref<448xi32, #tpu.memory_space<hbm>>
    %dma_start3A_47 = arith.constant 0 : i32
    %dma_start3A_48 = tpu.memref_slice %arg10[%dma_start3A_47] : memref<464xi32, #tpu.memory_space<vmem>> -> memref<448xi32, #tpu.memory_space<vmem>>
    %dma_start3A_49 = tpu.memref_slice %arg5[%min3A_41] : memref<50000xi32, #tpu.memory_space<hbm>> -> memref<448xi32, #tpu.memory_space<hbm>>
    tpu.enqueue_dma source(%dma_start3A_49 : memref<448xi32, #tpu.memory_space<hbm>>) target(%dma_start3A_48 : memref<448xi32, #tpu.memory_space<vmem>>) target_semaphore(%arg18 : memref<!tpu.dma_semaphore, #tpu.memory_space<semaphore_mem>>)
    %scan3A_50 = arith.constant 0 : i32
    %scan3A_51 = arith.constant 0 : i32
    %scan3A_52 = arith.constant 7 : i32
    %scan3A_53 = arith.addi %scan3A_51, %scan3A_52 : i32
    %scan3A_54 = arith.constant 1 : i32
    scf.for %scan3A_105 = %scan3A_51 to %scan3A_53 step %scan3A_54  : i32 {
      %mul3A_106 = arith.constant 16 : i32
      %mul3A_107 = arith.muli %scan3A_105, %mul3A_106 : i32
      %add3A = arith.addi %arg1, %mul3A_107 : i32
      %jit3A = arith.constant 2 : i32
      %eq3A_108 = arith.constant 0 : i32
      %eq3A_109 = arith.cmpi eq, %jit3A, %eq3A_108 : i32
      %jit3A_110 = arith.constant 1 : i32
      %select_n3A = arith.select %eq3A_109, %jit3A_110, %jit3A : i32
      %rem3A = arith.remsi %scan3A_105, %select_n3A : i32
      %ne3A = arith.constant 0 : i32
      %ne3A_111 = arith.cmpi ne, %rem3A, %ne3A : i32
      %lt3A = arith.constant 0 : i32
      %lt3A_112 = arith.cmpi slt, %rem3A, %lt3A : i32
      %lt3A_113 = arith.constant 0 : i32
      %lt3A_114 = arith.cmpi slt, %select_n3A, %lt3A_113 : i32
      %ne3A_115 = arith.xori %lt3A_112, %lt3A_114 : i1
      %and3A = arith.andi %ne3A_115, %ne3A_111 : i1
      %add3A_116 = arith.addi %rem3A, %select_n3A : i32
      %select_n3A_117 = arith.select %and3A, %add3A_116, %rem3A : i32
      %eq3A_118 = arith.constant 0 : i32
      %eq3A_119 = arith.cmpi eq, %select_n3A_117, %eq3A_118 : i32
      %convert_element_type3A = arith.extui %eq3A_119 : i1 to i32
      %cond3A = arith.constant 0 : i32
      %cond3A_120 = arith.cmpi ne, %convert_element_type3A, %cond3A : i32
      scf.if %cond3A_120 {
        %add3A_121 = arith.constant 1 : i32
        %add3A_122 = arith.addi %scan3A_105, %add3A_121 : i32
        %lt3A_123 = arith.constant 7 : i32
        %lt3A_124 = arith.cmpi slt, %add3A_122, %lt3A_123 : i32
        %convert_element_type3A_125 = arith.extui %lt3A_124 : i1 to i32
        %cond3A_126 = arith.constant 0 : i32
        %cond3A_127 = arith.cmpi ne, %convert_element_type3A_125, %cond3A_126 : i32
        scf.if %cond3A_127 {
          %add3A_150 = arith.constant 16 : i32
          %add3A_151 = arith.addi %add3A, %add3A_150 : i32
          %mul3A_152 = arith.constant 448 : i32
          %mul3A_153 = arith.muli %add3A_151, %mul3A_152 : i32
          %min3A_154 = arith.constant 49552 : i32
          %min3A_155 = arith.minsi %mul3A_153, %min3A_154 : i32
          %dma_start3A_156 = tpu.memref_slice %arg4[%min3A_155, %mul3A_0] : memref<50000x128xf32, #tpu.memory_space<hbm>> -> memref<448x64xf32, #tpu.memory_space<hbm>>
          %dma_start3A_157 = tpu.memref_slice %arg4[%min3A_155, %mul3A_0] : memref<50000x128xf32, #tpu.memory_space<hbm>> -> memref<448x64xf32, #tpu.memory_space<hbm>>
          tpu.enqueue_dma source(%dma_start3A_157 : memref<448x64xf32, #tpu.memory_space<hbm>>) target(%arg9 : memref<448x64xf32, #tpu.memory_space<vmem>>) target_semaphore(%arg19 : memref<!tpu.dma_semaphore, #tpu.memory_space<semaphore_mem>>)
          %dma_start3A_158 = arith.constant 0 : i32
          %dma_start3A_159 = tpu.memref_slice %arg11[%dma_start3A_158] : memref<464xi32, #tpu.memory_space<vmem>> -> memref<448xi32, #tpu.memory_space<vmem>>
          %dma_start3A_160 = tpu.memref_slice %arg5[%min3A_155] : memref<50000xi32, #tpu.memory_space<hbm>> -> memref<448xi32, #tpu.memory_space<hbm>>
          %dma_start3A_161 = arith.constant 0 : i32
          %dma_start3A_162 = tpu.memref_slice %arg11[%dma_start3A_161] : memref<464xi32, #tpu.memory_space<vmem>> -> memref<448xi32, #tpu.memory_space<vmem>>
          %dma_start3A_163 = tpu.memref_slice %arg5[%min3A_155] : memref<50000xi32, #tpu.memory_space<hbm>> -> memref<448xi32, #tpu.memory_space<hbm>>
          tpu.enqueue_dma source(%dma_start3A_163 : memref<448xi32, #tpu.memory_space<hbm>>) target(%dma_start3A_162 : memref<448xi32, #tpu.memory_space<vmem>>) target_semaphore(%arg19 : memref<!tpu.dma_semaphore, #tpu.memory_space<semaphore_mem>>)
        } else {
        }
        %dma_wait3A = arith.constant 0 : i32
        %dma_wait3A_128 = arith.constant 0 : i32
        %dma_wait3A_129 = tpu.memref_slice %arg4[%dma_wait3A, %dma_wait3A_128] : memref<50000x128xf32, #tpu.memory_space<hbm>> -> memref<448x64xf32, #tpu.memory_space<hbm>>
        %dma_wait3A_130 = arith.constant 0 : i32
        %dma_wait3A_131 = arith.constant 0 : i32
        %dma_wait3A_132 = tpu.memref_slice %arg4[%dma_wait3A_130, %dma_wait3A_131] : memref<50000x128xf32, #tpu.memory_space<hbm>> -> memref<448x64xf32, #tpu.memory_space<hbm>>
        tpu.wait_dma2 semaphore(%arg18 : memref<!tpu.dma_semaphore, #tpu.memory_space<semaphore_mem>>) src(%dma_wait3A_132 : memref<448x64xf32, #tpu.memory_space<hbm>>) dst(%arg8 : memref<448x64xf32, #tpu.memory_space<vmem>>)
        %dma_wait3A_133 = arith.constant 0 : i32
        %dma_wait3A_134 = tpu.memref_slice %arg10[%dma_wait3A_133] : memref<464xi32, #tpu.memory_space<vmem>> -> memref<448xi32, #tpu.memory_space<vmem>>
        %dma_wait3A_135 = arith.constant 0 : i32
        %dma_wait3A_136 = tpu.memref_slice %arg5[%dma_wait3A_135] : memref<50000xi32, #tpu.memory_space<hbm>> -> memref<448xi32, #tpu.memory_space<hbm>>
        %dma_wait3A_137 = arith.constant 0 : i32
        %dma_wait3A_138 = tpu.memref_slice %arg10[%dma_wait3A_137] : memref<464xi32, #tpu.memory_space<vmem>> -> memref<448xi32, #tpu.memory_space<vmem>>
        %dma_wait3A_139 = arith.constant 0 : i32
        %dma_wait3A_140 = tpu.memref_slice %arg5[%dma_wait3A_139] : memref<50000xi32, #tpu.memory_space<hbm>> -> memref<448xi32, #tpu.memory_space<hbm>>
        tpu.wait_dma2 semaphore(%arg18 : memref<!tpu.dma_semaphore, #tpu.memory_space<semaphore_mem>>) src(%dma_wait3A_140 : memref<448xi32, #tpu.memory_space<hbm>>) dst(%dma_wait3A_138 : memref<448xi32, #tpu.memory_space<vmem>>)
        %get3A_141 = arith.constant 432 : index
        %get3A_142 = tpu.vector_load %arg10[%get3A_141] {strides = array<i32>} : memref<464xi32, #tpu.memory_space<vmem>>, vector<16xi32>,
        %swap3A_143 = arith.constant 448 : index
        %swap3A_144 = tpu.vector_load %arg10[%swap3A_143] {strides = array<i32>} : memref<464xi32, #tpu.memory_space<vmem>>, vector<16xi32>,
        tpu.vector_store %arg10[%swap3A_143], %get3A_142 {strides = array<i32>} : memref<464xi32, #tpu.memory_space<vmem>>, vector<16xi32>,
        %lt3A_145 = arith.constant 112 : i32
        %lt3A_146 = arith.cmpi slt, %add3A, %lt3A_145 : i32
        %convert_element_type3A_147 = arith.extui %lt3A_146 : i1 to i32
        %cond3A_148 = arith.constant 0 : i32
        %cond3A_149 = arith.cmpi ne, %convert_element_type3A_147, %cond3A_148 : i32
        scf.if %cond3A_149 {
          %mul3A_150 = arith.constant 448 : i32
          %mul3A_151 = arith.muli %add3A, %mul3A_150 : i32
          %min3A_152 = arith.constant 49552 : i32
          %min3A_153 = arith.minsi %mul3A_151, %min3A_152 : i32
          %mul3A_154 = arith.constant 448 : i32
          %mul3A_155 = arith.muli %add3A, %mul3A_154 : i32
          %sub3A = arith.subi %mul3A_155, %min3A_153 : i32
          %get3A_156 = arith.constant 0 : index
          %get3A_157 = tpu.vector_load %arg10[%get3A_156] {strides = array<i32>} : memref<464xi32, #tpu.memory_space<vmem>>, vector<16xi32>,
          %get3A_158 = arith.constant 16 : index
          %get3A_159 = tpu.vector_load %arg10[%get3A_158] {strides = array<i32>} : memref<464xi32, #tpu.memory_space<vmem>>, vector<16xi32>,
          %min3A_160 = arith.minsi %get3A_157, %get3A_159 : vector<16xi32>
          %max3A_161 = arith.maxsi %get3A_157, %get3A_159 : vector<16xi32>
          %get3A_162 = arith.constant 32 : index
          %get3A_163 = tpu.vector_load %arg10[%get3A_162] {strides = array<i32>} : memref<464xi32, #tpu.memory_space<vmem>>, vector<16xi32>,
          %min3A_164 = arith.minsi %min3A_160, %get3A_163 : vector<16xi32>
          %max3A_165 = arith.maxsi %max3A_161, %get3A_163 : vector<16xi32>
          %get3A_166 = arith.constant 48 : index
          %get3A_167 = tpu.vector_load %arg10[%get3A_166] {strides = array<i32>} : memref<464xi32, #tpu.memory_space<vmem>>, vector<16xi32>,
          %min3A_168 = arith.minsi %min3A_164, %get3A_167 : vector<16xi32>
          %max3A_169 = arith.maxsi %max3A_165, %get3A_167 : vector<16xi32>
          %get3A_170 = arith.constant 64 : index
          %get3A_171 = tpu.vector_load %arg10[%get3A_170] {strides = array<i32>} : memref<464xi32, #tpu.memory_space<vmem>>, vector<16xi32>,
          %min3A_172 = arith.minsi %min3A_168, %get3A_171 : vector<16xi32>
          %max3A_173 = arith.maxsi %max3A_169, %get3A_171 : vector<16xi32>
          %get3A_174 = arith.constant 80 : index
          %get3A_175 = tpu.vector_load %arg10[%get3A_174] {strides = array<i32>} : memref<464xi32, #tpu.memory_space<vmem>>, vector<16xi32>,
          %min3A_176 = arith.minsi %min3A_172, %get3A_175 : vector<16xi32>
          %max3A_177 = arith.maxsi %max3A_173, %get3A_175 : vector<16xi32>
          %get3A_178 = arith.constant 96 : index
          %get3A_179 = tpu.vector_load %arg10[%get3A_178] {strides = array<i32>} : memref<464xi32, #tpu.memory_space<vmem>>, vector<16xi32>,
          %min3A_180 = arith.minsi %min3A_176, %get3A_179 : vector<16xi32>
          %max3A_181 = arith.maxsi %max3A_177, %get3A_179 : vector<16xi32>
          %get3A_182 = arith.constant 112 : index
          %get3A_183 = tpu.vector_load %arg10[%get3A_182] {strides = array<i32>} : memref<464xi32, #tpu.memory_space<vmem>>, vector<16xi32>,
          %min3A_184 = arith.minsi %min3A_180, %get3A_183 : vector<16xi32>
          %max3A_185 = arith.maxsi %max3A_181, %get3A_183 : vector<16xi32>
          %get3A_186 = arith.constant 128 : index
          %get3A_187 = tpu.vector_load %arg10[%get3A_186] {strides = array<i32>} : memref<464xi32, #tpu.memory_space<vmem>>, vector<16xi32>,
          %min3A_188 = arith.minsi %min3A_184, %get3A_187 : vector<16xi32>
          %max3A_189 = arith.maxsi %max3A_185, %get3A_187 : vector<16xi32>
          %get3A_190 = arith.constant 144 : index
          %get3A_191 = tpu.vector_load %arg10[%get3A_190] {strides = array<i32>} : memref<464xi32, #tpu.memory_space<vmem>>, vector<16xi32>,
          %min3A_192 = arith.minsi %min3A_188, %get3A_191 : vector<16xi32>
          %max3A_193 = arith.maxsi %max3A_189, %get3A_191 : vector<16xi32>
          %get3A_194 = arith.constant 160 : index
          %get3A_195 = tpu.vector_load %arg10[%get3A_194] {strides = array<i32>} : memref<464xi32, #tpu.memory_space<vmem>>, vector<16xi32>,
          %min3A_196 = arith.minsi %min3A_192, %get3A_195 : vector<16xi32>
          %max3A_197 = arith.maxsi %max3A_193, %get3A_195 : vector<16xi32>
          %get3A_198 = arith.constant 176 : index
          %get3A_199 = tpu.vector_load %arg10[%get3A_198] {strides = array<i32>} : memref<464xi32, #tpu.memory_space<vmem>>, vector<16xi32>,
          %min3A_200 = arith.minsi %min3A_196, %get3A_199 : vector<16xi32>
          %max3A_201 = arith.maxsi %max3A_197, %get3A_199 : vector<16xi32>
          %get3A_202 = arith.constant 192 : index
          %get3A_203 = tpu.vector_load %arg10[%get3A_202] {strides = array<i32>} : memref<464xi32, #tpu.memory_space<vmem>>, vector<16xi32>,
          %min3A_204 = arith.minsi %min3A_200, %get3A_203 : vector<16xi32>
          %max3A_205 = arith.maxsi %max3A_201, %get3A_203 : vector<16xi32>
          %get3A_206 = arith.constant 208 : index
          %get3A_207 = tpu.vector_load %arg10[%get3A_206] {strides = array<i32>} : memref<464xi32, #tpu.memory_space<vmem>>, vector<16xi32>,
          %min3A_208 = arith.minsi %min3A_204, %get3A_207 : vector<16xi32>
          %max3A_209 = arith.maxsi %max3A_205, %get3A_207 : vector<16xi32>
          %get3A_210 = arith.constant 224 : index
          %get3A_211 = tpu.vector_load %arg10[%get3A_210] {strides = array<i32>} : memref<464xi32, #tpu.memory_space<vmem>>, vector<16xi32>,
          %min3A_212 = arith.minsi %min3A_208, %get3A_211 : vector<16xi32>
          %max3A_213 = arith.maxsi %max3A_209, %get3A_211 : vector<16xi32>
          %get3A_214 = arith.constant 240 : index
          %get3A_215 = tpu.vector_load %arg10[%get3A_214] {strides = array<i32>} : memref<464xi32, #tpu.memory_space<vmem>>, vector<16xi32>,
          %min3A_216 = arith.minsi %min3A_212, %get3A_215 : vector<16xi32>
          %max3A_217 = arith.maxsi %max3A_213, %get3A_215 : vector<16xi32>
          %get3A_218 = arith.constant 256 : index
          %get3A_219 = tpu.vector_load %arg10[%get3A_218] {strides = array<i32>} : memref<464xi32, #tpu.memory_space<vmem>>, vector<16xi32>,
          %min3A_220 = arith.minsi %min3A_216, %get3A_219 : vector<16xi32>
          %max3A_221 = arith.maxsi %max3A_217, %get3A_219 : vector<16xi32>
          %get3A_222 = arith.constant 272 : index
          %get3A_223 = tpu.vector_load %arg10[%get3A_222] {strides = array<i32>} : memref<464xi32, #tpu.memory_space<vmem>>, vector<16xi32>,
          %min3A_224 = arith.minsi %min3A_220, %get3A_223 : vector<16xi32>
          %max3A_225 = arith.maxsi %max3A_221, %get3A_223 : vector<16xi32>
          %get3A_226 = arith.constant 288 : index
          %get3A_227 = tpu.vector_load %arg10[%get3A_226] {strides = array<i32>} : memref<464xi32, #tpu.memory_space<vmem>>, vector<16xi32>,
          %min3A_228 = arith.minsi %min3A_224, %get3A_227 : vector<16xi32>
          %max3A_229 = arith.maxsi %max3A_225, %get3A_227 : vector<16xi32>
          %get3A_230 = arith.constant 304 : index
          %get3A_231 = tpu.vector_load %arg10[%get3A_230] {strides = array<i32>} : memref<464xi32, #tpu.memory_space<vmem>>, vector<16xi32>,
          %min3A_232 = arith.minsi %min3A_228, %get3A_231 : vector<16xi32>
          %max3A_233 = arith.maxsi %max3A_229, %get3A_231 : vector<16xi32>
          %get3A_234 = arith.constant 320 : index
          %get3A_235 = tpu.vector_load %arg10[%get3A_234] {strides = array<i32>} : memref<464xi32, #tpu.memory_space<vmem>>, vector<16xi32>,
          %min3A_236 = arith.minsi %min3A_232, %get3A_235 : vector<16xi32>
          %max3A_237 = arith.maxsi %max3A_233, %get3A_235 : vector<16xi32>
          %get3A_238 = arith.constant 336 : index
          %get3A_239 = tpu.vector_load %arg10[%get3A_238] {strides = array<i32>} : memref<464xi32, #tpu.memory_space<vmem>>, vector<16xi32>,
          %min3A_240 = arith.minsi %min3A_236, %get3A_239 : vector<16xi32>
          %max3A_241 = arith.maxsi %max3A_237, %get3A_239 : vector<16xi32>
          %get3A_242 = arith.constant 352 : index
          %get3A_243 = tpu.vector_load %arg10[%get3A_242] {strides = array<i32>} : memref<464xi32, #tpu.memory_space<vmem>>, vector<16xi32>,
          %min3A_244 = arith.minsi %min3A_240, %get3A_243 : vector<16xi32>
          %max3A_245 = arith.maxsi %max3A_241, %get3A_243 : vector<16xi32>
          %get3A_246 = arith.constant 368 : index
          %get3A_247 = tpu.vector_load %arg10[%get3A_246] {strides = array<i32>} : memref<464xi32, #tpu.memory_space<vmem>>, vector<16xi32>,
          %min3A_248 = arith.minsi %min3A_244, %get3A_247 : vector<16xi32>
          %max3A_249 = arith.maxsi %max3A_245, %get3A_247 : vector<16xi32>
          %get3A_250 = arith.constant 384 : index
          %get3A_251 = tpu.vector_load %arg10[%get3A_250] {strides = array<i32>} : memref<464xi32, #tpu.memory_space<vmem>>, vector<16xi32>,
          %min3A_252 = arith.minsi %min3A_248, %get3A_251 : vector<16xi32>
          %max3A_253 = arith.maxsi %max3A_249, %get3A_251 : vector<16xi32>
          %get3A_254 = arith.constant 400 : index
          %get3A_255 = tpu.vector_load %arg10[%get3A_254] {strides = array<i32>} : memref<464xi32, #tpu.memory_space<vmem>>, vector<16xi32>,
          %min3A_256 = arith.minsi %min3A_252, %get3A_255 : vector<16xi32>
          %max3A_257 = arith.maxsi %max3A_253, %get3A_255 : vector<16xi32>
          %get3A_258 = arith.constant 416 : index
          %get3A_259 = tpu.vector_load %arg10[%get3A_258] {strides = array<i32>} : memref<464xi32, #tpu.memory_space<vmem>>, vector<16xi32>,
          %min3A_260 = arith.minsi %min3A_256, %get3A_259 : vector<16xi32>
          %max3A_261 = arith.maxsi %max3A_257, %get3A_259 : vector<16xi32>
          %get3A_262 = arith.constant 432 : index
          %get3A_263 = tpu.vector_load %arg10[%get3A_262] {strides = array<i32>} : memref<464xi32, #tpu.memory_space<vmem>>, vector<16xi32>,
          %min3A_264 = arith.minsi %min3A_260, %get3A_263 : vector<16xi32>
          %max3A_265 = arith.maxsi %max3A_261, %get3A_263 : vector<16xi32>
          %reduce_min3A = arith.constant true
          %reduce_min3A_266 = vector.broadcast %reduce_min3A : i1 to vector<16xi1>
          %reduce_min3A_267 = arith.constant -2147483648 : i32
          %reduce_min3A_268 = vector.broadcast %reduce_min3A_267 : i32 to vector<16xi32>
          %reduce_min3A_269 = arith.xori %min3A_264, %reduce_min3A_268 : vector<16xi32>
          %reduce_min3A_270 = tpu.scan <min>, %reduce_min3A_269 masked %reduce_min3A_266 : vector<16xi32>, vector<16xi1> -> vector<16xi32>
          %reduce_min3A_271 = arith.xori %reduce_min3A_270, %reduce_min3A_268 : vector<16xi32>
          %reduce_min3A_272 = vector.extract %reduce_min3A_271[15] : i32 from vector<16xi32>
          %reduce_max3A = arith.constant true
          %reduce_max3A_273 = vector.broadcast %reduce_max3A : i1 to vector<16xi1>
          %reduce_max3A_274 = arith.constant -2147483648 : i32
          %reduce_max3A_275 = vector.broadcast %reduce_max3A_274 : i32 to vector<16xi32>
          %reduce_max3A_276 = arith.xori %max3A_265, %reduce_max3A_275 : vector<16xi32>
          %reduce_max3A_277 = tpu.scan <max>, %reduce_max3A_276 masked %reduce_max3A_273 : vector<16xi32>, vector<16xi1> -> vector<16xi32>
          %reduce_max3A_278 = arith.xori %reduce_max3A_277, %reduce_max3A_275 : vector<16xi32>
          %reduce_max3A_279 = vector.extract %reduce_max3A_278[15] : i32 from vector<16xi32>
          %eq3A_280 = arith.constant 0 : i32
          %eq3A_281 = arith.cmpi eq, %sub3A, %eq3A_280 : i32
          %eq3A_282 = arith.cmpi eq, %reduce_min3A_272, %reduce_max3A_279 : i32
          %and3A_283 = arith.andi %eq3A_281, %eq3A_282 : i1
          %convert_element_type3A_284 = arith.extui %and3A_283 : i1 to i32
          %cond3A_285 = arith.constant 0 : i32
          %cond3A_286 = arith.cmpi ne, %convert_element_type3A_284, %cond3A_285 : i32
          scf.if %cond3A_286 {
            %scan3A_287 = arith.constant 0 : i32
            %scan3A_288 = arith.constant 56 : i32
            %scan3A_289 = arith.addi %scan3A_287, %scan3A_288 : i32
            %scan3A_290 = arith.constant 1 : i32
            %scan3A_291:4 = scf.for %scan3A_312 = %scan3A_287 to %scan3A_289 step %scan3A_290 iter_args(%scan3A_313 = %broadcast_in_dim3A_3, %scan3A_314 = %broadcast_in_dim3A_3, %scan3A_315 = %broadcast_in_dim3A_3, %scan3A_316 = %broadcast_in_dim3A_3) -> (vector<16xf32>, vector<16xf32>, vector<16xf32>, vector<16xf32>)  : i32 {
              %mul3A_317 = arith.constant 8 : i32
              %mul3A_318 = arith.muli %scan3A_312, %mul3A_317 : i32
              %add3A_319 = arith.constant 0 : i32
              %add3A_320 = arith.addi %mul3A_318, %add3A_319 : i32
              %get3A_321 = arith.index_cast %add3A_320 : i32 to index
              %get3A_322 = arith.constant 0 : index
              %get3A_323 = tpu.vector_load %arg8[%get3A_321, %get3A_322] {strides = array<i32>} : memref<448x64xf32, #tpu.memory_space<vmem>>, vector<16xf32>,
              %add3A_324 = arith.addf %scan3A_313, %get3A_323 : vector<16xf32>
              %add3A_325 = arith.constant 0 : i32
              %add3A_326 = arith.addi %mul3A_318, %add3A_325 : i32
              %get3A_327 = arith.index_cast %add3A_326 : i32 to index
              %get3A_328 = arith.constant 16 : index
              %get3A_329 = tpu.vector_load %arg8[%get3A_327, %get3A_328] {strides = array<i32>} : memref<448x64xf32, #tpu.memory_space<vmem>>, vector<16xf32>,
              %add3A_330 = arith.addf %scan3A_314, %get3A_329 : vector<16xf32>
              %add3A_331 = arith.constant 0 : i32
              %add3A_332 = arith.addi %mul3A_318, %add3A_331 : i32
              %get3A_333 = arith.index_cast %add3A_332 : i32 to index
              %get3A_334 = arith.constant 32 : index
              %get3A_335 = tpu.vector_load %arg8[%get3A_333, %get3A_334] {strides = array<i32>} : memref<448x64xf32, #tpu.memory_space<vmem>>, vector<16xf32>,
              %add3A_336 = arith.addf %scan3A_315, %get3A_335 : vector<16xf32>
              %add3A_337 = arith.constant 0 : i32
              %add3A_338 = arith.addi %mul3A_318, %add3A_337 : i32
              %get3A_339 = arith.index_cast %add3A_338 : i32 to index
              %get3A_340 = arith.constant 48 : index
              %get3A_341 = tpu.vector_load %arg8[%get3A_339, %get3A_340] {strides = array<i32>} : memref<448x64xf32, #tpu.memory_space<vmem>>, vector<16xf32>,
              %add3A_342 = arith.addf %scan3A_316, %get3A_341 : vector<16xf32>
              %add3A_343 = arith.constant 1 : i32
              %add3A_344 = arith.addi %mul3A_318, %add3A_343 : i32
              %get3A_345 = arith.index_cast %add3A_344 : i32 to index
              %get3A_346 = arith.constant 0 : index
              %get3A_347 = tpu.vector_load %arg8[%get3A_345, %get3A_346] {strides = array<i32>} : memref<448x64xf32, #tpu.memory_space<vmem>>, vector<16xf32>,
              %add3A_348 = arith.addf %add3A_324, %get3A_347 : vector<16xf32>
              %add3A_349 = arith.constant 1 : i32
              %add3A_350 = arith.addi %mul3A_318, %add3A_349 : i32
              %get3A_351 = arith.index_cast %add3A_350 : i32 to index
              %get3A_352 = arith.constant 16 : index
              %get3A_353 = tpu.vector_load %arg8[%get3A_351, %get3A_352] {strides = array<i32>} : memref<448x64xf32, #tpu.memory_space<vmem>>, vector<16xf32>,
              %add3A_354 = arith.addf %add3A_330, %get3A_353 : vector<16xf32>
              %add3A_355 = arith.constant 1 : i32
              %add3A_356 = arith.addi %mul3A_318, %add3A_355 : i32
              %get3A_357 = arith.index_cast %add3A_356 : i32 to index
              %get3A_358 = arith.constant 32 : index
              %get3A_359 = tpu.vector_load %arg8[%get3A_357, %get3A_358] {strides = array<i32>} : memref<448x64xf32, #tpu.memory_space<vmem>>, vector<16xf32>,
              %add3A_360 = arith.addf %add3A_336, %get3A_359 : vector<16xf32>
              %add3A_361 = arith.constant 1 : i32
              %add3A_362 = arith.addi %mul3A_318, %add3A_361 : i32
              %get3A_363 = arith.index_cast %add3A_362 : i32 to index
              %get3A_364 = arith.constant 48 : index
              %get3A_365 = tpu.vector_load %arg8[%get3A_363, %get3A_364] {strides = array<i32>} : memref<448x64xf32, #tpu.memory_space<vmem>>, vector<16xf32>,
              %add3A_366 = arith.addf %add3A_342, %get3A_365 : vector<16xf32>
              %add3A_367 = arith.constant 2 : i32
              %add3A_368 = arith.addi %mul3A_318, %add3A_367 : i32
              %get3A_369 = arith.index_cast %add3A_368 : i32 to index
              %get3A_370 = arith.constant 0 : index
              %get3A_371 = tpu.vector_load %arg8[%get3A_369, %get3A_370] {strides = array<i32>} : memref<448x64xf32, #tpu.memory_space<vmem>>, vector<16xf32>,
              %add3A_372 = arith.addf %add3A_348, %get3A_371 : vector<16xf32>
              %add3A_373 = arith.constant 2 : i32
              %add3A_374 = arith.addi %mul3A_318, %add3A_373 : i32
              %get3A_375 = arith.index_cast %add3A_374 : i32 to index
              %get3A_376 = arith.constant 16 : index
              %get3A_377 = tpu.vector_load %arg8[%get3A_375, %get3A_376] {strides = array<i32>} : memref<448x64xf32, #tpu.memory_space<vmem>>, vector<16xf32>,
              %add3A_378 = arith.addf %add3A_354, %get3A_377 : vector<16xf32>
              %add3A_379 = arith.constant 2 : i32
              %add3A_380 = arith.addi %mul3A_318, %add3A_379 : i32
              %get3A_381 = arith.index_cast %add3A_380 : i32 to index
              %get3A_382 = arith.constant 32 : index
              %get3A_383 = tpu.vector_load %arg8[%get3A_381, %get3A_382] {strides = array<i32>} : memref<448x64xf32, #tpu.memory_space<vmem>>, vector<16xf32>,
              %add3A_384 = arith.addf %add3A_360, %get3A_383 : vector<16xf32>
              %add3A_385 = arith.constant 2 : i32
              %add3A_386 = arith.addi %mul3A_318, %add3A_385 : i32
              %get3A_387 = arith.index_cast %add3A_386 : i32 to index
              %get3A_388 = arith.constant 48 : index
              %get3A_389 = tpu.vector_load %arg8[%get3A_387, %get3A_388] {strides = array<i32>} : memref<448x64xf32, #tpu.memory_space<vmem>>, vector<16xf32>,
              %add3A_390 = arith.addf %add3A_366, %get3A_389 : vector<16xf32>
              %add3A_391 = arith.constant 3 : i32
              %add3A_392 = arith.addi %mul3A_318, %add3A_391 : i32
              %get3A_393 = arith.index_cast %add3A_392 : i32 to index
              %get3A_394 = arith.constant 0 : index
              %get3A_395 = tpu.vector_load %arg8[%get3A_393, %get3A_394] {strides = array<i32>} : memref<448x64xf32, #tpu.memory_space<vmem>>, vector<16xf32>,
              %add3A_396 = arith.addf %add3A_372, %get3A_395 : vector<16xf32>
              %add3A_397 = arith.constant 3 : i32
              %add3A_398 = arith.addi %mul3A_318, %add3A_397 : i32
              %get3A_399 = arith.index_cast %add3A_398 : i32 to index
              %get3A_400 = arith.constant 16 : index
              %get3A_401 = tpu.vector_load %arg8[%get3A_399, %get3A_400] {strides = array<i32>} : memref<448x64xf32, #tpu.memory_space<vmem>>, vector<16xf32>,
              %add3A_402 = arith.addf %add3A_378, %get3A_401 : vector<16xf32>
              %add3A_403 = arith.constant 3 : i32
              %add3A_404 = arith.addi %mul3A_318, %add3A_403 : i32
              %get3A_405 = arith.index_cast %add3A_404 : i32 to index
              %get3A_406 = arith.constant 32 : index
              %get3A_407 = tpu.vector_load %arg8[%get3A_405, %get3A_406] {strides = array<i32>} : memref<448x64xf32, #tpu.memory_space<vmem>>, vector<16xf32>,
              %add3A_408 = arith.addf %add3A_384, %get3A_407 : vector<16xf32>
              %add3A_409 = arith.constant 3 : i32
              %add3A_410 = arith.addi %mul3A_318, %add3A_409 : i32
              %get3A_411 = arith.index_cast %add3A_410 : i32 to index
              %get3A_412 = arith.constant 48 : index
              %get3A_413 = tpu.vector_load %arg8[%get3A_411, %get3A_412] {strides = array<i32>} : memref<448x64xf32, #tpu.memory_space<vmem>>, vector<16xf32>,
              %add3A_414 = arith.addf %add3A_390, %get3A_413 : vector<16xf32>
              %add3A_415 = arith.constant 4 : i32
              %add3A_416 = arith.addi %mul3A_318, %add3A_415 : i32
              %get3A_417 = arith.index_cast %add3A_416 : i32 to index
              %get3A_418 = arith.constant 0 : index
              %get3A_419 = tpu.vector_load %arg8[%get3A_417, %get3A_418] {strides = array<i32>} : memref<448x64xf32, #tpu.memory_space<vmem>>, vector<16xf32>,
              %add3A_420 = arith.addf %add3A_396, %get3A_419 : vector<16xf32>
              %add3A_421 = arith.constant 4 : i32
              %add3A_422 = arith.addi %mul3A_318, %add3A_421 : i32
              %get3A_423 = arith.index_cast %add3A_422 : i32 to index
              %get3A_424 = arith.constant 16 : index
              %get3A_425 = tpu.vector_load %arg8[%get3A_423, %get3A_424] {strides = array<i32>} : memref<448x64xf32, #tpu.memory_space<vmem>>, vector<16xf32>,
              %add3A_426 = arith.addf %add3A_402, %get3A_425 : vector<16xf32>
              %add3A_427 = arith.constant 4 : i32
              %add3A_428 = arith.addi %mul3A_318, %add3A_427 : i32
              %get3A_429 = arith.index_cast %add3A_428 : i32 to index
              %get3A_430 = arith.constant 32 : index
              %get3A_431 = tpu.vector_load %arg8[%get3A_429, %get3A_430] {strides = array<i32>} : memref<448x64xf32, #tpu.memory_space<vmem>>, vector<16xf32>,
              %add3A_432 = arith.addf %add3A_408, %get3A_431 : vector<16xf32>
              %add3A_433 = arith.constant 4 : i32
              %add3A_434 = arith.addi %mul3A_318, %add3A_433 : i32
              %get3A_435 = arith.index_cast %add3A_434 : i32 to index
              %get3A_436 = arith.constant 48 : index
              %get3A_437 = tpu.vector_load %arg8[%get3A_435, %get3A_436] {strides = array<i32>} : memref<448x64xf32, #tpu.memory_space<vmem>>, vector<16xf32>,
              %add3A_438 = arith.addf %add3A_414, %get3A_437 : vector<16xf32>
              %add3A_439 = arith.constant 5 : i32
              %add3A_440 = arith.addi %mul3A_318, %add3A_439 : i32
              %get3A_441 = arith.index_cast %add3A_440 : i32 to index
              %get3A_442 = arith.constant 0 : index
              %get3A_443 = tpu.vector_load %arg8[%get3A_441, %get3A_442] {strides = array<i32>} : memref<448x64xf32, #tpu.memory_space<vmem>>, vector<16xf32>,
              %add3A_444 = arith.addf %add3A_420, %get3A_443 : vector<16xf32>
              %add3A_445 = arith.constant 5 : i32
              %add3A_446 = arith.addi %mul3A_318, %add3A_445 : i32
              %get3A_447 = arith.index_cast %add3A_446 : i32 to index
              %get3A_448 = arith.constant 16 : index
              %get3A_449 = tpu.vector_load %arg8[%get3A_447, %get3A_448] {strides = array<i32>} : memref<448x64xf32, #tpu.memory_space<vmem>>, vector<16xf32>,
              %add3A_450 = arith.addf %add3A_426, %get3A_449 : vector<16xf32>
              %add3A_451 = arith.constant 5 : i32
              %add3A_452 = arith.addi %mul3A_318, %add3A_451 : i32
              %get3A_453 = arith.index_cast %add3A_452 : i32 to index
              %get3A_454 = arith.constant 32 : index
              %get3A_455 = tpu.vector_load %arg8[%get3A_453, %get3A_454] {strides = array<i32>} : memref<448x64xf32, #tpu.memory_space<vmem>>, vector<16xf32>,
              %add3A_456 = arith.addf %add3A_432, %get3A_455 : vector<16xf32>
              %add3A_457 = arith.constant 5 : i32
              %add3A_458 = arith.addi %mul3A_318, %add3A_457 : i32
              %get3A_459 = arith.index_cast %add3A_458 : i32 to index
              %get3A_460 = arith.constant 48 : index
              %get3A_461 = tpu.vector_load %arg8[%get3A_459, %get3A_460] {strides = array<i32>} : memref<448x64xf32, #tpu.memory_space<vmem>>, vector<16xf32>,
              %add3A_462 = arith.addf %add3A_438, %get3A_461 : vector<16xf32>
              %add3A_463 = arith.constant 6 : i32
              %add3A_464 = arith.addi %mul3A_318, %add3A_463 : i32
              %get3A_465 = arith.index_cast %add3A_464 : i32 to index
              %get3A_466 = arith.constant 0 : index
              %get3A_467 = tpu.vector_load %arg8[%get3A_465, %get3A_466] {strides = array<i32>} : memref<448x64xf32, #tpu.memory_space<vmem>>, vector<16xf32>,
              %add3A_468 = arith.addf %add3A_444, %get3A_467 : vector<16xf32>
              %add3A_469 = arith.constant 6 : i32
              %add3A_470 = arith.addi %mul3A_318, %add3A_469 : i32
              %get3A_471 = arith.index_cast %add3A_470 : i32 to index
              %get3A_472 = arith.constant 16 : index
              %get3A_473 = tpu.vector_load %arg8[%get3A_471, %get3A_472] {strides = array<i32>} : memref<448x64xf32, #tpu.memory_space<vmem>>, vector<16xf32>,
              %add3A_474 = arith.addf %add3A_450, %get3A_473 : vector<16xf32>
              %add3A_475 = arith.constant 6 : i32
              %add3A_476 = arith.addi %mul3A_318, %add3A_475 : i32
              %get3A_477 = arith.index_cast %add3A_476 : i32 to index
              %get3A_478 = arith.constant 32 : index
              %get3A_479 = tpu.vector_load %arg8[%get3A_477, %get3A_478] {strides = array<i32>} : memref<448x64xf32, #tpu.memory_space<vmem>>, vector<16xf32>,
              %add3A_480 = arith.addf %add3A_456, %get3A_479 : vector<16xf32>
              %add3A_481 = arith.constant 6 : i32
              %add3A_482 = arith.addi %mul3A_318, %add3A_481 : i32
              %get3A_483 = arith.index_cast %add3A_482 : i32 to index
              %get3A_484 = arith.constant 48 : index
              %get3A_485 = tpu.vector_load %arg8[%get3A_483, %get3A_484] {strides = array<i32>} : memref<448x64xf32, #tpu.memory_space<vmem>>, vector<16xf32>,
              %add3A_486 = arith.addf %add3A_462, %get3A_485 : vector<16xf32>
              %add3A_487 = arith.constant 7 : i32
              %add3A_488 = arith.addi %mul3A_318, %add3A_487 : i32
              %get3A_489 = arith.index_cast %add3A_488 : i32 to index
              %get3A_490 = arith.constant 0 : index
              %get3A_491 = tpu.vector_load %arg8[%get3A_489, %get3A_490] {strides = array<i32>} : memref<448x64xf32, #tpu.memory_space<vmem>>, vector<16xf32>,
              %add3A_492 = arith.addf %add3A_468, %get3A_491 : vector<16xf32>
              %add3A_493 = arith.constant 7 : i32
              %add3A_494 = arith.addi %mul3A_318, %add3A_493 : i32
              %get3A_495 = arith.index_cast %add3A_494 : i32 to index
              %get3A_496 = arith.constant 16 : index
              %get3A_497 = tpu.vector_load %arg8[%get3A_495, %get3A_496] {strides = array<i32>} : memref<448x64xf32, #tpu.memory_space<vmem>>, vector<16xf32>,
              %add3A_498 = arith.addf %add3A_474, %get3A_497 : vector<16xf32>
              %add3A_499 = arith.constant 7 : i32
              %add3A_500 = arith.addi %mul3A_318, %add3A_499 : i32
              %get3A_501 = arith.index_cast %add3A_500 : i32 to index
              %get3A_502 = arith.constant 32 : index
              %get3A_503 = tpu.vector_load %arg8[%get3A_501, %get3A_502] {strides = array<i32>} : memref<448x64xf32, #tpu.memory_space<vmem>>, vector<16xf32>,
              %add3A_504 = arith.addf %add3A_480, %get3A_503 : vector<16xf32>
              %add3A_505 = arith.constant 7 : i32
              %add3A_506 = arith.addi %mul3A_318, %add3A_505 : i32
              %get3A_507 = arith.index_cast %add3A_506 : i32 to index
              %get3A_508 = arith.constant 48 : index
              %get3A_509 = tpu.vector_load %arg8[%get3A_507, %get3A_508] {strides = array<i32>} : memref<448x64xf32, #tpu.memory_space<vmem>>, vector<16xf32>,
              %add3A_510 = arith.addf %add3A_486, %get3A_509 : vector<16xf32>
              scf.yield %add3A_492, %add3A_498, %add3A_504, %add3A_510 : vector<16xf32>, vector<16xf32>, vector<16xf32>, vector<16xf32>
            }
            %scan3A_292 = arith.constant 56 : i32
            %add3A_293 = arith.constant 16 : i32
            %add3A_294 = arith.addi %reduce_min3A_272, %add3A_293 : i32
            %broadcast_in_dim3A_295 = vector.broadcast %add3A_294 : i32 to vector<16xi32>
            %broadcast_in_dim3A_296 = arith.constant 4.480000e+02 : f32
            %broadcast_in_dim3A_297 = vector.broadcast %broadcast_in_dim3A_296 : f32 to vector<16xf32>
            %add3A_298 = arith.constant 0 : i32
            %add3A_299 = vector.broadcast %add3A_298 : i32 to vector<16xi32>
            %add3A_300 = arith.addi %add3A_299, %iota3A : vector<16xi32>
            tpu.vector_store_idx %arg12[%broadcast_in_dim3A_295, %add3A_300], %scan3A_291#0 {add = true} : memref<32x80xf32, #tpu.memory_space<vmem>>[vector<16xi32>, vector<16xi32>], vector<16xf32>,
            %add3A_301 = arith.constant 16 : i32
            %add3A_302 = vector.broadcast %add3A_301 : i32 to vector<16xi32>
            %add3A_303 = arith.addi %add3A_302, %iota3A : vector<16xi32>
            tpu.vector_store_idx %arg12[%broadcast_in_dim3A_295, %add3A_303], %scan3A_291#1 {add = true} : memref<32x80xf32, #tpu.memory_space<vmem>>[vector<16xi32>, vector<16xi32>], vector<16xf32>,
            %add3A_304 = arith.constant 32 : i32
            %add3A_305 = vector.broadcast %add3A_304 : i32 to vector<16xi32>
            %add3A_306 = arith.addi %add3A_305, %iota3A : vector<16xi32>
            tpu.vector_store_idx %arg12[%broadcast_in_dim3A_295, %add3A_306], %scan3A_291#2 {add = true} : memref<32x80xf32, #tpu.memory_space<vmem>>[vector<16xi32>, vector<16xi32>], vector<16xf32>,
            %add3A_307 = arith.constant 48 : i32
            %add3A_308 = vector.broadcast %add3A_307 : i32 to vector<16xi32>
            %add3A_309 = arith.addi %add3A_308, %iota3A : vector<16xi32>
            tpu.vector_store_idx %arg12[%broadcast_in_dim3A_295, %add3A_309], %scan3A_291#3 {add = true} : memref<32x80xf32, #tpu.memory_space<vmem>>[vector<16xi32>, vector<16xi32>], vector<16xf32>,
            %broadcast_in_dim3A_310 = arith.constant 64 : i32
            %broadcast_in_dim3A_311 = vector.broadcast %broadcast_in_dim3A_310 : i32 to vector<16xi32>
            tpu.vector_store_idx %arg12[%broadcast_in_dim3A_295, %broadcast_in_dim3A_311], %broadcast_in_dim3A_297 masked %eq3A_5 {add = true} : memref<32x80xf32, #tpu.memory_space<vmem>>[vector<16xi32>, vector<16xi32>], vector<16xf32>, vector<16xi1>
          } else {
            %jit3A_287 = arith.constant 8 : i32
            %div3A_288 = arith.divsi %sub3A, %jit3A_287 : i32
            %sign3A = arith.constant 0 : i32
            %sign3A_289 = arith.cmpi sgt, %sub3A, %sign3A : i32
            %sign3A_290 = arith.extui %sign3A_289 : i1 to i32
            %sign3A_291 = arith.constant 0 : i32
            %sign3A_292 = arith.cmpi slt, %sub3A, %sign3A_291 : i32
            %sign3A_293 = arith.extui %sign3A_292 : i1 to i32
            %sign3A_294 = arith.subi %sign3A_290, %sign3A_293 : i32
            %sign3A_295 = arith.constant 0 : i32
            %sign3A_296 = arith.cmpi sgt, %jit3A_287, %sign3A_295 : i32
            %sign3A_297 = arith.extui %sign3A_296 : i1 to i32
            %sign3A_298 = arith.constant 0 : i32
            %sign3A_299 = arith.cmpi slt, %jit3A_287, %sign3A_298 : i32
            %sign3A_300 = arith.extui %sign3A_299 : i1 to i32
            %sign3A_301 = arith.subi %sign3A_297, %sign3A_300 : i32
            %ne3A_302 = arith.cmpi ne, %sign3A_294, %sign3A_301 : i32
            %rem3A_303 = arith.remsi %sub3A, %jit3A_287 : i32
            %ne3A_304 = arith.constant 0 : i32
            %ne3A_305 = arith.cmpi ne, %rem3A_303, %ne3A_304 : i32
            %and3A_306 = arith.andi %ne3A_302, %ne3A_305 : i1
            %sub3A_307 = arith.constant 1 : i32
            %sub3A_308 = arith.subi %div3A_288, %sub3A_307 : i32
            %select_n3A_309 = arith.select %and3A_306, %sub3A_308, %div3A_288 : i32
            %while3A = arith.constant 0 : i32
            %while3A_310 = arith.constant 56 : i32
            %while3A_311 = arith.subi %while3A_310, %select_n3A_309 : i32
            %while3A_312 = arith.addi %select_n3A_309, %while3A_311 : i32
            %while3A_313 = arith.constant 1 : i32
            %while3A_314 = arith.divsi %while3A_311, %while3A_313 : i32
            %while3A_315 = arith.muli %while3A_314, %while3A_313 : i32
            %while3A_316 = arith.addi %select_n3A_309, %while3A_315 : i32
            %while3A_317 = arith.constant 1 : i32
            scf.for %while3A_319 = %select_n3A_309 to %while3A_316 step %while3A_317  : i32 {
              %mul3A_320 = arith.constant 8 : i32
              %mul3A_321 = arith.muli %while3A_319, %mul3A_320 : i32
              %get3A_322 = arith.index_cast %mul3A_321 : i32 to index
              %get3A_323 = tpu.vector_load %arg10[%get3A_322] {strides = array<i32>} : memref<464xi32, #tpu.memory_space<vmem>>, vector<16xi32>,
              %broadcast_in_dim3A_324 = arith.constant 1073741824 : i32
              %broadcast_in_dim3A_325 = vector.broadcast %broadcast_in_dim3A_324 : i32 to vector<16xi32>
              %broadcast_in_dim3A_326 = arith.constant -1073741824 : i32
              %broadcast_in_dim3A_327 = vector.broadcast %broadcast_in_dim3A_326 : i32 to vector<16xi32>
              %lt3A_328 = arith.constant 8 : i32
              %lt3A_329 = vector.broadcast %lt3A_328 : i32 to vector<16xi32>
              %lt3A_330 = arith.cmpi slt, %iota3A, %lt3A_329 : vector<16xi32>
              %select_n3A_331 = arith.select %lt3A_330, %get3A_323, %broadcast_in_dim3A_325 : vector<16xi1>, vector<16xi32>
              %reduce_min3A_332 = arith.constant true
              %reduce_min3A_333 = vector.broadcast %reduce_min3A_332 : i1 to vector<16xi1>
              %reduce_min3A_334 = arith.constant -2147483648 : i32
              %reduce_min3A_335 = vector.broadcast %reduce_min3A_334 : i32 to vector<16xi32>
              %reduce_min3A_336 = arith.xori %select_n3A_331, %reduce_min3A_335 : vector<16xi32>
              %reduce_min3A_337 = tpu.scan <min>, %reduce_min3A_336 masked %reduce_min3A_333 : vector<16xi32>, vector<16xi1> -> vector<16xi32>
              %reduce_min3A_338 = arith.xori %reduce_min3A_337, %reduce_min3A_335 : vector<16xi32>
              %reduce_min3A_339 = vector.extract %reduce_min3A_338[15] : i32 from vector<16xi32>
              %select_n3A_340 = arith.select %lt3A_330, %get3A_323, %broadcast_in_dim3A_327 : vector<16xi1>, vector<16xi32>
              %reduce_max3A_341 = arith.constant true
              %reduce_max3A_342 = vector.broadcast %reduce_max3A_341 : i1 to vector<16xi1>
              %reduce_max3A_343 = arith.constant -2147483648 : i32
              %reduce_max3A_344 = vector.broadcast %reduce_max3A_343 : i32 to vector<16xi32>
              %reduce_max3A_345 = arith.xori %select_n3A_340, %reduce_max3A_344 : vector<16xi32>
              %reduce_max3A_346 = tpu.scan <max>, %reduce_max3A_345 masked %reduce_max3A_342 : vector<16xi32>, vector<16xi1> -> vector<16xi32>
              %reduce_max3A_347 = arith.xori %reduce_max3A_346, %reduce_max3A_344 : vector<16xi32>
              %reduce_max3A_348 = vector.extract %reduce_max3A_347[15] : i32 from vector<16xi32>
              %eq3A_349 = arith.cmpi eq, %reduce_min3A_339, %reduce_max3A_348 : i32
              %ge3A = arith.cmpi sge, %mul3A_321, %sub3A : i32
              %and3A_350 = arith.andi %eq3A_349, %ge3A : i1
              %convert_element_type3A_351 = arith.extui %and3A_350 : i1 to i32
              %cond3A_352 = arith.constant 0 : i32
              %cond3A_353 = arith.cmpi ne, %convert_element_type3A_351, %cond3A_352 : i32
              scf.if %cond3A_353 {
                %add3A_354 = arith.constant 0 : i32
                %add3A_355 = arith.addi %mul3A_321, %add3A_354 : i32
                %get3A_356 = arith.index_cast %add3A_355 : i32 to index
                %get3A_357 = arith.constant 0 : index
                %get3A_358 = tpu.vector_load %arg8[%get3A_356, %get3A_357] {strides = array<i32>} : memref<448x64xf32, #tpu.memory_space<vmem>>, vector<16xf32>,
                %add3A_359 = arith.addf %broadcast_in_dim3A_3, %get3A_358 : vector<16xf32>
                %add3A_360 = arith.constant 0 : i32
                %add3A_361 = arith.addi %mul3A_321, %add3A_360 : i32
                %get3A_362 = arith.index_cast %add3A_361 : i32 to index
                %get3A_363 = arith.constant 16 : index
                %get3A_364 = tpu.vector_load %arg8[%get3A_362, %get3A_363] {strides = array<i32>} : memref<448x64xf32, #tpu.memory_space<vmem>>, vector<16xf32>,
                %add3A_365 = arith.addf %broadcast_in_dim3A_3, %get3A_364 : vector<16xf32>
                %add3A_366 = arith.constant 0 : i32
                %add3A_367 = arith.addi %mul3A_321, %add3A_366 : i32
                %get3A_368 = arith.index_cast %add3A_367 : i32 to index
                %get3A_369 = arith.constant 32 : index
                %get3A_370 = tpu.vector_load %arg8[%get3A_368, %get3A_369] {strides = array<i32>} : memref<448x64xf32, #tpu.memory_space<vmem>>, vector<16xf32>,
                %add3A_371 = arith.addf %broadcast_in_dim3A_3, %get3A_370 : vector<16xf32>
                %add3A_372 = arith.constant 0 : i32
                %add3A_373 = arith.addi %mul3A_321, %add3A_372 : i32
                %get3A_374 = arith.index_cast %add3A_373 : i32 to index
                %get3A_375 = arith.constant 48 : index
                %get3A_376 = tpu.vector_load %arg8[%get3A_374, %get3A_375] {strides = array<i32>} : memref<448x64xf32, #tpu.memory_space<vmem>>, vector<16xf32>,
                %add3A_377 = arith.addf %broadcast_in_dim3A_3, %get3A_376 : vector<16xf32>
                %add3A_378 = arith.constant 1 : i32
                %add3A_379 = arith.addi %mul3A_321, %add3A_378 : i32
                %get3A_380 = arith.index_cast %add3A_379 : i32 to index
                %get3A_381 = arith.constant 0 : index
                %get3A_382 = tpu.vector_load %arg8[%get3A_380, %get3A_381] {strides = array<i32>} : memref<448x64xf32, #tpu.memory_space<vmem>>, vector<16xf32>,
                %add3A_383 = arith.addf %add3A_359, %get3A_382 : vector<16xf32>
                %add3A_384 = arith.constant 1 : i32
                %add3A_385 = arith.addi %mul3A_321, %add3A_384 : i32
                %get3A_386 = arith.index_cast %add3A_385 : i32 to index
                %get3A_387 = arith.constant 16 : index
                %get3A_388 = tpu.vector_load %arg8[%get3A_386, %get3A_387] {strides = array<i32>} : memref<448x64xf32, #tpu.memory_space<vmem>>, vector<16xf32>,
                %add3A_389 = arith.addf %add3A_365, %get3A_388 : vector<16xf32>
                %add3A_390 = arith.constant 1 : i32
                %add3A_391 = arith.addi %mul3A_321, %add3A_390 : i32
                %get3A_392 = arith.index_cast %add3A_391 : i32 to index
                %get3A_393 = arith.constant 32 : index
                %get3A_394 = tpu.vector_load %arg8[%get3A_392, %get3A_393] {strides = array<i32>} : memref<448x64xf32, #tpu.memory_space<vmem>>, vector<16xf32>,
                %add3A_395 = arith.addf %add3A_371, %get3A_394 : vector<16xf32>
                %add3A_396 = arith.constant 1 : i32
                %add3A_397 = arith.addi %mul3A_321, %add3A_396 : i32
                %get3A_398 = arith.index_cast %add3A_397 : i32 to index
                %get3A_399 = arith.constant 48 : index
                %get3A_400 = tpu.vector_load %arg8[%get3A_398, %get3A_399] {strides = array<i32>} : memref<448x64xf32, #tpu.memory_space<vmem>>, vector<16xf32>,
                %add3A_401 = arith.addf %add3A_377, %get3A_400 : vector<16xf32>
                %add3A_402 = arith.constant 2 : i32
                %add3A_403 = arith.addi %mul3A_321, %add3A_402 : i32
                %get3A_404 = arith.index_cast %add3A_403 : i32 to index
                %get3A_405 = arith.constant 0 : index
                %get3A_406 = tpu.vector_load %arg8[%get3A_404, %get3A_405] {strides = array<i32>} : memref<448x64xf32, #tpu.memory_space<vmem>>, vector<16xf32>,
                %add3A_407 = arith.addf %add3A_383, %get3A_406 : vector<16xf32>
                %add3A_408 = arith.constant 2 : i32
                %add3A_409 = arith.addi %mul3A_321, %add3A_408 : i32
                %get3A_410 = arith.index_cast %add3A_409 : i32 to index
                %get3A_411 = arith.constant 16 : index
                %get3A_412 = tpu.vector_load %arg8[%get3A_410, %get3A_411] {strides = array<i32>} : memref<448x64xf32, #tpu.memory_space<vmem>>, vector<16xf32>,
                %add3A_413 = arith.addf %add3A_389, %get3A_412 : vector<16xf32>
                %add3A_414 = arith.constant 2 : i32
                %add3A_415 = arith.addi %mul3A_321, %add3A_414 : i32
                %get3A_416 = arith.index_cast %add3A_415 : i32 to index
                %get3A_417 = arith.constant 32 : index
                %get3A_418 = tpu.vector_load %arg8[%get3A_416, %get3A_417] {strides = array<i32>} : memref<448x64xf32, #tpu.memory_space<vmem>>, vector<16xf32>,
                %add3A_419 = arith.addf %add3A_395, %get3A_418 : vector<16xf32>
                %add3A_420 = arith.constant 2 : i32
                %add3A_421 = arith.addi %mul3A_321, %add3A_420 : i32
                %get3A_422 = arith.index_cast %add3A_421 : i32 to index
                %get3A_423 = arith.constant 48 : index
                %get3A_424 = tpu.vector_load %arg8[%get3A_422, %get3A_423] {strides = array<i32>} : memref<448x64xf32, #tpu.memory_space<vmem>>, vector<16xf32>,
                %add3A_425 = arith.addf %add3A_401, %get3A_424 : vector<16xf32>
                %add3A_426 = arith.constant 3 : i32
                %add3A_427 = arith.addi %mul3A_321, %add3A_426 : i32
                %get3A_428 = arith.index_cast %add3A_427 : i32 to index
                %get3A_429 = arith.constant 0 : index
                %get3A_430 = tpu.vector_load %arg8[%get3A_428, %get3A_429] {strides = array<i32>} : memref<448x64xf32, #tpu.memory_space<vmem>>, vector<16xf32>,
                %add3A_431 = arith.addf %add3A_407, %get3A_430 : vector<16xf32>
                %add3A_432 = arith.constant 3 : i32
                %add3A_433 = arith.addi %mul3A_321, %add3A_432 : i32
                %get3A_434 = arith.index_cast %add3A_433 : i32 to index
                %get3A_435 = arith.constant 16 : index
                %get3A_436 = tpu.vector_load %arg8[%get3A_434, %get3A_435] {strides = array<i32>} : memref<448x64xf32, #tpu.memory_space<vmem>>, vector<16xf32>,
                %add3A_437 = arith.addf %add3A_413, %get3A_436 : vector<16xf32>
                %add3A_438 = arith.constant 3 : i32
                %add3A_439 = arith.addi %mul3A_321, %add3A_438 : i32
                %get3A_440 = arith.index_cast %add3A_439 : i32 to index
                %get3A_441 = arith.constant 32 : index
                %get3A_442 = tpu.vector_load %arg8[%get3A_440, %get3A_441] {strides = array<i32>} : memref<448x64xf32, #tpu.memory_space<vmem>>, vector<16xf32>,
                %add3A_443 = arith.addf %add3A_419, %get3A_442 : vector<16xf32>
                %add3A_444 = arith.constant 3 : i32
                %add3A_445 = arith.addi %mul3A_321, %add3A_444 : i32
                %get3A_446 = arith.index_cast %add3A_445 : i32 to index
                %get3A_447 = arith.constant 48 : index
                %get3A_448 = tpu.vector_load %arg8[%get3A_446, %get3A_447] {strides = array<i32>} : memref<448x64xf32, #tpu.memory_space<vmem>>, vector<16xf32>,
                %add3A_449 = arith.addf %add3A_425, %get3A_448 : vector<16xf32>
                %add3A_450 = arith.constant 4 : i32
                %add3A_451 = arith.addi %mul3A_321, %add3A_450 : i32
                %get3A_452 = arith.index_cast %add3A_451 : i32 to index
                %get3A_453 = arith.constant 0 : index
                %get3A_454 = tpu.vector_load %arg8[%get3A_452, %get3A_453] {strides = array<i32>} : memref<448x64xf32, #tpu.memory_space<vmem>>, vector<16xf32>,
                %add3A_455 = arith.addf %add3A_431, %get3A_454 : vector<16xf32>
                %add3A_456 = arith.constant 4 : i32
                %add3A_457 = arith.addi %mul3A_321, %add3A_456 : i32
                %get3A_458 = arith.index_cast %add3A_457 : i32 to index
                %get3A_459 = arith.constant 16 : index
                %get3A_460 = tpu.vector_load %arg8[%get3A_458, %get3A_459] {strides = array<i32>} : memref<448x64xf32, #tpu.memory_space<vmem>>, vector<16xf32>,
                %add3A_461 = arith.addf %add3A_437, %get3A_460 : vector<16xf32>
                %add3A_462 = arith.constant 4 : i32
                %add3A_463 = arith.addi %mul3A_321, %add3A_462 : i32
                %get3A_464 = arith.index_cast %add3A_463 : i32 to index
                %get3A_465 = arith.constant 32 : index
                %get3A_466 = tpu.vector_load %arg8[%get3A_464, %get3A_465] {strides = array<i32>} : memref<448x64xf32, #tpu.memory_space<vmem>>, vector<16xf32>,
                %add3A_467 = arith.addf %add3A_443, %get3A_466 : vector<16xf32>
                %add3A_468 = arith.constant 4 : i32
                %add3A_469 = arith.addi %mul3A_321, %add3A_468 : i32
                %get3A_470 = arith.index_cast %add3A_469 : i32 to index
                %get3A_471 = arith.constant 48 : index
                %get3A_472 = tpu.vector_load %arg8[%get3A_470, %get3A_471] {strides = array<i32>} : memref<448x64xf32, #tpu.memory_space<vmem>>, vector<16xf32>,
                %add3A_473 = arith.addf %add3A_449, %get3A_472 : vector<16xf32>
                %add3A_474 = arith.constant 5 : i32
                %add3A_475 = arith.addi %mul3A_321, %add3A_474 : i32
                %get3A_476 = arith.index_cast %add3A_475 : i32 to index
                %get3A_477 = arith.constant 0 : index
                %get3A_478 = tpu.vector_load %arg8[%get3A_476, %get3A_477] {strides = array<i32>} : memref<448x64xf32, #tpu.memory_space<vmem>>, vector<16xf32>,
                %add3A_479 = arith.addf %add3A_455, %get3A_478 : vector<16xf32>
                %add3A_480 = arith.constant 5 : i32
                %add3A_481 = arith.addi %mul3A_321, %add3A_480 : i32
                %get3A_482 = arith.index_cast %add3A_481 : i32 to index
                %get3A_483 = arith.constant 16 : index
                %get3A_484 = tpu.vector_load %arg8[%get3A_482, %get3A_483] {strides = array<i32>} : memref<448x64xf32, #tpu.memory_space<vmem>>, vector<16xf32>,
                %add3A_485 = arith.addf %add3A_461, %get3A_484 : vector<16xf32>
                %add3A_486 = arith.constant 5 : i32
                %add3A_487 = arith.addi %mul3A_321, %add3A_486 : i32
                %get3A_488 = arith.index_cast %add3A_487 : i32 to index
                %get3A_489 = arith.constant 32 : index
                %get3A_490 = tpu.vector_load %arg8[%get3A_488, %get3A_489] {strides = array<i32>} : memref<448x64xf32, #tpu.memory_space<vmem>>, vector<16xf32>,
                %add3A_491 = arith.addf %add3A_467, %get3A_490 : vector<16xf32>
                %add3A_492 = arith.constant 5 : i32
                %add3A_493 = arith.addi %mul3A_321, %add3A_492 : i32
                %get3A_494 = arith.index_cast %add3A_493 : i32 to index
                %get3A_495 = arith.constant 48 : index
                %get3A_496 = tpu.vector_load %arg8[%get3A_494, %get3A_495] {strides = array<i32>} : memref<448x64xf32, #tpu.memory_space<vmem>>, vector<16xf32>,
                %add3A_497 = arith.addf %add3A_473, %get3A_496 : vector<16xf32>
                %add3A_498 = arith.constant 6 : i32
                %add3A_499 = arith.addi %mul3A_321, %add3A_498 : i32
                %get3A_500 = arith.index_cast %add3A_499 : i32 to index
                %get3A_501 = arith.constant 0 : index
                %get3A_502 = tpu.vector_load %arg8[%get3A_500, %get3A_501] {strides = array<i32>} : memref<448x64xf32, #tpu.memory_space<vmem>>, vector<16xf32>,
                %add3A_503 = arith.addf %add3A_479, %get3A_502 : vector<16xf32>
                %add3A_504 = arith.constant 6 : i32
                %add3A_505 = arith.addi %mul3A_321, %add3A_504 : i32
                %get3A_506 = arith.index_cast %add3A_505 : i32 to index
                %get3A_507 = arith.constant 16 : index
                %get3A_508 = tpu.vector_load %arg8[%get3A_506, %get3A_507] {strides = array<i32>} : memref<448x64xf32, #tpu.memory_space<vmem>>, vector<16xf32>,
                %add3A_509 = arith.addf %add3A_485, %get3A_508 : vector<16xf32>
                %add3A_510 = arith.constant 6 : i32
                %add3A_511 = arith.addi %mul3A_321, %add3A_510 : i32
                %get3A_512 = arith.index_cast %add3A_511 : i32 to index
                %get3A_513 = arith.constant 32 : index
                %get3A_514 = tpu.vector_load %arg8[%get3A_512, %get3A_513] {strides = array<i32>} : memref<448x64xf32, #tpu.memory_space<vmem>>, vector<16xf32>,
                %add3A_515 = arith.addf %add3A_491, %get3A_514 : vector<16xf32>
                %add3A_516 = arith.constant 6 : i32
                %add3A_517 = arith.addi %mul3A_321, %add3A_516 : i32
                %get3A_518 = arith.index_cast %add3A_517 : i32 to index
                %get3A_519 = arith.constant 48 : index
                %get3A_520 = tpu.vector_load %arg8[%get3A_518, %get3A_519] {strides = array<i32>} : memref<448x64xf32, #tpu.memory_space<vmem>>, vector<16xf32>,
                %add3A_521 = arith.addf %add3A_497, %get3A_520 : vector<16xf32>
                %add3A_522 = arith.constant 7 : i32
                %add3A_523 = arith.addi %mul3A_321, %add3A_522 : i32
                %get3A_524 = arith.index_cast %add3A_523 : i32 to index
                %get3A_525 = arith.constant 0 : index
                %get3A_526 = tpu.vector_load %arg8[%get3A_524, %get3A_525] {strides = array<i32>} : memref<448x64xf32, #tpu.memory_space<vmem>>, vector<16xf32>,
                %add3A_527 = arith.addf %add3A_503, %get3A_526 : vector<16xf32>
                %add3A_528 = arith.constant 7 : i32
                %add3A_529 = arith.addi %mul3A_321, %add3A_528 : i32
                %get3A_530 = arith.index_cast %add3A_529 : i32 to index
                %get3A_531 = arith.constant 16 : index
                %get3A_532 = tpu.vector_load %arg8[%get3A_530, %get3A_531] {strides = array<i32>} : memref<448x64xf32, #tpu.memory_space<vmem>>, vector<16xf32>,
                %add3A_533 = arith.addf %add3A_509, %get3A_532 : vector<16xf32>
                %add3A_534 = arith.constant 7 : i32
                %add3A_535 = arith.addi %mul3A_321, %add3A_534 : i32
                %get3A_536 = arith.index_cast %add3A_535 : i32 to index
                %get3A_537 = arith.constant 32 : index
                %get3A_538 = tpu.vector_load %arg8[%get3A_536, %get3A_537] {strides = array<i32>} : memref<448x64xf32, #tpu.memory_space<vmem>>, vector<16xf32>,
                %add3A_539 = arith.addf %add3A_515, %get3A_538 : vector<16xf32>
                %add3A_540 = arith.constant 7 : i32
                %add3A_541 = arith.addi %mul3A_321, %add3A_540 : i32
                %get3A_542 = arith.index_cast %add3A_541 : i32 to index
                %get3A_543 = arith.constant 48 : index
                %get3A_544 = tpu.vector_load %arg8[%get3A_542, %get3A_543] {strides = array<i32>} : memref<448x64xf32, #tpu.memory_space<vmem>>, vector<16xf32>,
                %add3A_545 = arith.addf %add3A_521, %get3A_544 : vector<16xf32>
                %add3A_546 = arith.constant 16 : i32
                %add3A_547 = arith.addi %reduce_min3A_339, %add3A_546 : i32
                %broadcast_in_dim3A_548 = vector.broadcast %add3A_547 : i32 to vector<16xi32>
                %broadcast_in_dim3A_549 = arith.constant 8.000000e+00 : f32
                %broadcast_in_dim3A_550 = vector.broadcast %broadcast_in_dim3A_549 : f32 to vector<16xf32>
                %add3A_551 = arith.constant 0 : i32
                %add3A_552 = vector.broadcast %add3A_551 : i32 to vector<16xi32>
                %add3A_553 = arith.addi %add3A_552, %iota3A : vector<16xi32>
                tpu.vector_store_idx %arg12[%broadcast_in_dim3A_548, %add3A_553], %add3A_527 {add = true} : memref<32x80xf32, #tpu.memory_space<vmem>>[vector<16xi32>, vector<16xi32>], vector<16xf32>,
                %add3A_554 = arith.constant 16 : i32
                %add3A_555 = vector.broadcast %add3A_554 : i32 to vector<16xi32>
                %add3A_556 = arith.addi %add3A_555, %iota3A : vector<16xi32>
                tpu.vector_store_idx %arg12[%broadcast_in_dim3A_548, %add3A_556], %add3A_533 {add = true} : memref<32x80xf32, #tpu.memory_space<vmem>>[vector<16xi32>, vector<16xi32>], vector<16xf32>,
                %add3A_557 = arith.constant 32 : i32
                %add3A_558 = vector.broadcast %add3A_557 : i32 to vector<16xi32>
                %add3A_559 = arith.addi %add3A_558, %iota3A : vector<16xi32>
                tpu.vector_store_idx %arg12[%broadcast_in_dim3A_548, %add3A_559], %add3A_539 {add = true} : memref<32x80xf32, #tpu.memory_space<vmem>>[vector<16xi32>, vector<16xi32>], vector<16xf32>,
                %add3A_560 = arith.constant 48 : i32
                %add3A_561 = vector.broadcast %add3A_560 : i32 to vector<16xi32>
                %add3A_562 = arith.addi %add3A_561, %iota3A : vector<16xi32>
                tpu.vector_store_idx %arg12[%broadcast_in_dim3A_548, %add3A_562], %add3A_545 {add = true} : memref<32x80xf32, #tpu.memory_space<vmem>>[vector<16xi32>, vector<16xi32>], vector<16xf32>,
                %broadcast_in_dim3A_563 = arith.constant 64 : i32
                %broadcast_in_dim3A_564 = vector.broadcast %broadcast_in_dim3A_563 : i32 to vector<16xi32>
                tpu.vector_store_idx %arg12[%broadcast_in_dim3A_548, %broadcast_in_dim3A_564], %broadcast_in_dim3A_550 masked %eq3A_5 {add = true} : memref<32x80xf32, #tpu.memory_space<vmem>>[vector<16xi32>, vector<16xi32>], vector<16xf32>, vector<16xi1>
              } else {
                %max3A_354 = arith.maxsi %sub3A, %mul3A_321 : i32
                %add3A_355 = arith.constant 8 : i32
                %add3A_356 = arith.addi %mul3A_321, %add3A_355 : i32
                %while3A_357 = arith.constant 0 : i32
                %while3A_358 = arith.subi %add3A_356, %max3A_354 : i32
                %while3A_359 = arith.addi %max3A_354, %while3A_358 : i32
                %while3A_360 = arith.constant 1 : i32
                %while3A_361 = arith.divsi %while3A_358, %while3A_360 : i32
                %while3A_362 = arith.muli %while3A_361, %while3A_360 : i32
                %while3A_363 = arith.addi %max3A_354, %while3A_362 : i32
                %while3A_364 = arith.constant 1 : i32
                scf.for %while3A_366 = %max3A_354 to %while3A_363 step %while3A_364  : i32 {
                  %broadcast_in_dim3A_367 = vector.broadcast %while3A_366 : i32 to vector<16xi32>
                  %gather3A_368 = tpu.vector_load_idx %arg10[%broadcast_in_dim3A_367] : memref<464xi32, #tpu.memory_space<vmem>>[vector<16xi32>], vector<16xi32>,
                  %add3A_369 = arith.constant 16 : i32
                  %add3A_370 = vector.broadcast %add3A_369 : i32 to vector<16xi32>
                  %add3A_371 = arith.addi %gather3A_368, %add3A_370 : vector<16xi32>
                  %get3A_372 = arith.index_cast %while3A_366 : i32 to index
                  %get3A_373 = arith.constant 0 : index
                  %get3A_374 = tpu.vector_load %arg8[%get3A_372, %get3A_373] {strides = array<i32>} : memref<448x64xf32, #tpu.memory_space<vmem>>, vector<16xf32>,
                  %add3A_375 = arith.constant 0 : i32
                  %add3A_376 = vector.broadcast %add3A_375 : i32 to vector<16xi32>
                  %add3A_377 = arith.addi %add3A_376, %iota3A : vector<16xi32>
                  tpu.vector_store_idx %arg12[%add3A_371, %add3A_377], %get3A_374 {add = true} : memref<32x80xf32, #tpu.memory_space<vmem>>[vector<16xi32>, vector<16xi32>], vector<16xf32>,
                  %get3A_378 = arith.index_cast %while3A_366 : i32 to index
                  %get3A_379 = arith.constant 16 : index
                  %get3A_380 = tpu.vector_load %arg8[%get3A_378, %get3A_379] {strides = array<i32>} : memref<448x64xf32, #tpu.memory_space<vmem>>, vector<16xf32>,
                  %add3A_381 = arith.constant 16 : i32
                  %add3A_382 = vector.broadcast %add3A_381 : i32 to vector<16xi32>
                  %add3A_383 = arith.addi %add3A_382, %iota3A : vector<16xi32>
                  tpu.vector_store_idx %arg12[%add3A_371, %add3A_383], %get3A_380 {add = true} : memref<32x80xf32, #tpu.memory_space<vmem>>[vector<16xi32>, vector<16xi32>], vector<16xf32>,
                  %get3A_384 = arith.index_cast %while3A_366 : i32 to index
                  %get3A_385 = arith.constant 32 : index
                  %get3A_386 = tpu.vector_load %arg8[%get3A_384, %get3A_385] {strides = array<i32>} : memref<448x64xf32, #tpu.memory_space<vmem>>, vector<16xf32>,
                  %add3A_387 = arith.constant 32 : i32
                  %add3A_388 = vector.broadcast %add3A_387 : i32 to vector<16xi32>
                  %add3A_389 = arith.addi %add3A_388, %iota3A : vector<16xi32>
                  tpu.vector_store_idx %arg12[%add3A_371, %add3A_389], %get3A_386 {add = true} : memref<32x80xf32, #tpu.memory_space<vmem>>[vector<16xi32>, vector<16xi32>], vector<16xf32>,
                  %get3A_390 = arith.index_cast %while3A_366 : i32 to index
                  %get3A_391 = arith.constant 48 : index
                  %get3A_392 = tpu.vector_load %arg8[%get3A_390, %get3A_391] {strides = array<i32>} : memref<448x64xf32, #tpu.memory_space<vmem>>, vector<16xf32>,
                  %add3A_393 = arith.constant 48 : i32
                  %add3A_394 = vector.broadcast %add3A_393 : i32 to vector<16xi32>
                  %add3A_395 = arith.addi %add3A_394, %iota3A : vector<16xi32>
                  tpu.vector_store_idx %arg12[%add3A_371, %add3A_395], %get3A_392 {add = true} : memref<32x80xf32, #tpu.memory_space<vmem>>[vector<16xi32>, vector<16xi32>], vector<16xf32>,
                  %broadcast_in_dim3A_396 = arith.constant 64 : i32
                  %broadcast_in_dim3A_397 = vector.broadcast %broadcast_in_dim3A_396 : i32 to vector<16xi32>
                  tpu.vector_store_idx %arg12[%add3A_371, %broadcast_in_dim3A_397], %broadcast_in_dim3A_1 masked %eq3A_5 {add = true} : memref<32x80xf32, #tpu.memory_space<vmem>>[vector<16xi32>, vector<16xi32>], vector<16xf32>, vector<16xi1>
                }
                %while3A_365 = arith.constant 1 : i32
                scf.for %while3A_366 = %while3A_363 to %while3A_359 step %while3A_365  : i32 {
                  %broadcast_in_dim3A_367 = vector.broadcast %while3A_366 : i32 to vector<16xi32>
                  %gather3A_368 = tpu.vector_load_idx %arg10[%broadcast_in_dim3A_367] : memref<464xi32, #tpu.memory_space<vmem>>[vector<16xi32>], vector<16xi32>,
                  %add3A_369 = arith.constant 16 : i32
                  %add3A_370 = vector.broadcast %add3A_369 : i32 to vector<16xi32>
                  %add3A_371 = arith.addi %gather3A_368, %add3A_370 : vector<16xi32>
                  %get3A_372 = arith.index_cast %while3A_366 : i32 to index
                  %get3A_373 = arith.constant 0 : index
                  %get3A_374 = tpu.vector_load %arg8[%get3A_372, %get3A_373] {strides = array<i32>} : memref<448x64xf32, #tpu.memory_space<vmem>>, vector<16xf32>,
                  %add3A_375 = arith.constant 0 : i32
                  %add3A_376 = vector.broadcast %add3A_375 : i32 to vector<16xi32>
                  %add3A_377 = arith.addi %add3A_376, %iota3A : vector<16xi32>
                  tpu.vector_store_idx %arg12[%add3A_371, %add3A_377], %get3A_374 {add = true} : memref<32x80xf32, #tpu.memory_space<vmem>>[vector<16xi32>, vector<16xi32>], vector<16xf32>,
                  %get3A_378 = arith.index_cast %while3A_366 : i32 to index
                  %get3A_379 = arith.constant 16 : index
                  %get3A_380 = tpu.vector_load %arg8[%get3A_378, %get3A_379] {strides = array<i32>} : memref<448x64xf32, #tpu.memory_space<vmem>>, vector<16xf32>,
                  %add3A_381 = arith.constant 16 : i32
                  %add3A_382 = vector.broadcast %add3A_381 : i32 to vector<16xi32>
                  %add3A_383 = arith.addi %add3A_382, %iota3A : vector<16xi32>
                  tpu.vector_store_idx %arg12[%add3A_371, %add3A_383], %get3A_380 {add = true} : memref<32x80xf32, #tpu.memory_space<vmem>>[vector<16xi32>, vector<16xi32>], vector<16xf32>,
                  %get3A_384 = arith.index_cast %while3A_366 : i32 to index
                  %get3A_385 = arith.constant 32 : index
                  %get3A_386 = tpu.vector_load %arg8[%get3A_384, %get3A_385] {strides = array<i32>} : memref<448x64xf32, #tpu.memory_space<vmem>>, vector<16xf32>,
                  %add3A_387 = arith.constant 32 : i32
                  %add3A_388 = vector.broadcast %add3A_387 : i32 to vector<16xi32>
                  %add3A_389 = arith.addi %add3A_388, %iota3A : vector<16xi32>
                  tpu.vector_store_idx %arg12[%add3A_371, %add3A_389], %get3A_386 {add = true} : memref<32x80xf32, #tpu.memory_space<vmem>>[vector<16xi32>, vector<16xi32>], vector<16xf32>,
                  %get3A_390 = arith.index_cast %while3A_366 : i32 to index
                  %get3A_391 = arith.constant 48 : index
                  %get3A_392 = tpu.vector_load %arg8[%get3A_390, %get3A_391] {strides = array<i32>} : memref<448x64xf32, #tpu.memory_space<vmem>>, vector<16xf32>,
                  %add3A_393 = arith.constant 48 : i32
                  %add3A_394 = vector.broadcast %add3A_393 : i32 to vector<16xi32>
                  %add3A_395 = arith.addi %add3A_394, %iota3A : vector<16xi32>
                  tpu.vector_store_idx %arg12[%add3A_371, %add3A_395], %get3A_392 {add = true} : memref<32x80xf32, #tpu.memory_space<vmem>>[vector<16xi32>, vector<16xi32>], vector<16xf32>,
                  %broadcast_in_dim3A_396 = arith.constant 64 : i32
                  %broadcast_in_dim3A_397 = vector.broadcast %broadcast_in_dim3A_396 : i32 to vector<16xi32>
                  tpu.vector_store_idx %arg12[%add3A_371, %broadcast_in_dim3A_397], %broadcast_in_dim3A_1 masked %eq3A_5 {add = true} : memref<32x80xf32, #tpu.memory_space<vmem>>[vector<16xi32>, vector<16xi32>], vector<16xf32>, vector<16xi1>
                }
              }
            }
            %while3A_318 = arith.constant 1 : i32
            scf.for %while3A_319 = %while3A_316 to %while3A_312 step %while3A_318  : i32 {
              %mul3A_320 = arith.constant 8 : i32
              %mul3A_321 = arith.muli %while3A_319, %mul3A_320 : i32
              %get3A_322 = arith.index_cast %mul3A_321 : i32 to index
              %get3A_323 = tpu.vector_load %arg10[%get3A_322] {strides = array<i32>} : memref<464xi32, #tpu.memory_space<vmem>>, vector<16xi32>,
              %broadcast_in_dim3A_324 = arith.constant 1073741824 : i32
              %broadcast_in_dim3A_325 = vector.broadcast %broadcast_in_dim3A_324 : i32 to vector<16xi32>
              %broadcast_in_dim3A_326 = arith.constant -1073741824 : i32
              %broadcast_in_dim3A_327 = vector.broadcast %broadcast_in_dim3A_326 : i32 to vector<16xi32>
              %lt3A_328 = arith.constant 8 : i32
              %lt3A_329 = vector.broadcast %lt3A_328 : i32 to vector<16xi32>
              %lt3A_330 = arith.cmpi slt, %iota3A, %lt3A_329 : vector<16xi32>
              %select_n3A_331 = arith.select %lt3A_330, %get3A_323, %broadcast_in_dim3A_325 : vector<16xi1>, vector<16xi32>
              %reduce_min3A_332 = arith.constant true
              %reduce_min3A_333 = vector.broadcast %reduce_min3A_332 : i1 to vector<16xi1>
              %reduce_min3A_334 = arith.constant -2147483648 : i32
              %reduce_min3A_335 = vector.broadcast %reduce_min3A_334 : i32 to vector<16xi32>
              %reduce_min3A_336 = arith.xori %select_n3A_331, %reduce_min3A_335 : vector<16xi32>
              %reduce_min3A_337 = tpu.scan <min>, %reduce_min3A_336 masked %reduce_min3A_333 : vector<16xi32>, vector<16xi1> -> vector<16xi32>
              %reduce_min3A_338 = arith.xori %reduce_min3A_337, %reduce_min3A_335 : vector<16xi32>
              %reduce_min3A_339 = vector.extract %reduce_min3A_338[15] : i32 from vector<16xi32>
              %select_n3A_340 = arith.select %lt3A_330, %get3A_323, %broadcast_in_dim3A_327 : vector<16xi1>, vector<16xi32>
              %reduce_max3A_341 = arith.constant true
              %reduce_max3A_342 = vector.broadcast %reduce_max3A_341 : i1 to vector<16xi1>
              %reduce_max3A_343 = arith.constant -2147483648 : i32
              %reduce_max3A_344 = vector.broadcast %reduce_max3A_343 : i32 to vector<16xi32>
              %reduce_max3A_345 = arith.xori %select_n3A_340, %reduce_max3A_344 : vector<16xi32>
              %reduce_max3A_346 = tpu.scan <max>, %reduce_max3A_345 masked %reduce_max3A_342 : vector<16xi32>, vector<16xi1> -> vector<16xi32>
              %reduce_max3A_347 = arith.xori %reduce_max3A_346, %reduce_max3A_344 : vector<16xi32>
              %reduce_max3A_348 = vector.extract %reduce_max3A_347[15] : i32 from vector<16xi32>
              %eq3A_349 = arith.cmpi eq, %reduce_min3A_339, %reduce_max3A_348 : i32
              %ge3A = arith.cmpi sge, %mul3A_321, %sub3A : i32
              %and3A_350 = arith.andi %eq3A_349, %ge3A : i1
              %convert_element_type3A_351 = arith.extui %and3A_350 : i1 to i32
              %cond3A_352 = arith.constant 0 : i32
              %cond3A_353 = arith.cmpi ne, %convert_element_type3A_351, %cond3A_352 : i32
              scf.if %cond3A_353 {
                %add3A_354 = arith.constant 0 : i32
                %add3A_355 = arith.addi %mul3A_321, %add3A_354 : i32
                %get3A_356 = arith.index_cast %add3A_355 : i32 to index
                %get3A_357 = arith.constant 0 : index
                %get3A_358 = tpu.vector_load %arg8[%get3A_356, %get3A_357] {strides = array<i32>} : memref<448x64xf32, #tpu.memory_space<vmem>>, vector<16xf32>,
                %add3A_359 = arith.addf %broadcast_in_dim3A_3, %get3A_358 : vector<16xf32>
                %add3A_360 = arith.constant 0 : i32
                %add3A_361 = arith.addi %mul3A_321, %add3A_360 : i32
                %get3A_362 = arith.index_cast %add3A_361 : i32 to index
                %get3A_363 = arith.constant 16 : index
                %get3A_364 = tpu.vector_load %arg8[%get3A_362, %get3A_363] {strides = array<i32>} : memref<448x64xf32, #tpu.memory_space<vmem>>, vector<16xf32>,
                %add3A_365 = arith.addf %broadcast_in_dim3A_3, %get3A_364 : vector<16xf32>
                %add3A_366 = arith.constant 0 : i32
                %add3A_367 = arith.addi %mul3A_321, %add3A_366 : i32
                %get3A_368 = arith.index_cast %add3A_367 : i32 to index
                %get3A_369 = arith.constant 32 : index
                %get3A_370 = tpu.vector_load %arg8[%get3A_368, %get3A_369] {strides = array<i32>} : memref<448x64xf32, #tpu.memory_space<vmem>>, vector<16xf32>,
                %add3A_371 = arith.addf %broadcast_in_dim3A_3, %get3A_370 : vector<16xf32>
                %add3A_372 = arith.constant 0 : i32
                %add3A_373 = arith.addi %mul3A_321, %add3A_372 : i32
                %get3A_374 = arith.index_cast %add3A_373 : i32 to index
                %get3A_375 = arith.constant 48 : index
                %get3A_376 = tpu.vector_load %arg8[%get3A_374, %get3A_375] {strides = array<i32>} : memref<448x64xf32, #tpu.memory_space<vmem>>, vector<16xf32>,
                %add3A_377 = arith.addf %broadcast_in_dim3A_3, %get3A_376 : vector<16xf32>
                %add3A_378 = arith.constant 1 : i32
                %add3A_379 = arith.addi %mul3A_321, %add3A_378 : i32
                %get3A_380 = arith.index_cast %add3A_379 : i32 to index
                %get3A_381 = arith.constant 0 : index
                %get3A_382 = tpu.vector_load %arg8[%get3A_380, %get3A_381] {strides = array<i32>} : memref<448x64xf32, #tpu.memory_space<vmem>>, vector<16xf32>,
                %add3A_383 = arith.addf %add3A_359, %get3A_382 : vector<16xf32>
                %add3A_384 = arith.constant 1 : i32
                %add3A_385 = arith.addi %mul3A_321, %add3A_384 : i32
                %get3A_386 = arith.index_cast %add3A_385 : i32 to index
                %get3A_387 = arith.constant 16 : index
                %get3A_388 = tpu.vector_load %arg8[%get3A_386, %get3A_387] {strides = array<i32>} : memref<448x64xf32, #tpu.memory_space<vmem>>, vector<16xf32>,
                %add3A_389 = arith.addf %add3A_365, %get3A_388 : vector<16xf32>
                %add3A_390 = arith.constant 1 : i32
                %add3A_391 = arith.addi %mul3A_321, %add3A_390 : i32
                %get3A_392 = arith.index_cast %add3A_391 : i32 to index
                %get3A_393 = arith.constant 32 : index
                %get3A_394 = tpu.vector_load %arg8[%get3A_392, %get3A_393] {strides = array<i32>} : memref<448x64xf32, #tpu.memory_space<vmem>>, vector<16xf32>,
                %add3A_395 = arith.addf %add3A_371, %get3A_394 : vector<16xf32>
                %add3A_396 = arith.constant 1 : i32
                %add3A_397 = arith.addi %mul3A_321, %add3A_396 : i32
                %get3A_398 = arith.index_cast %add3A_397 : i32 to index
                %get3A_399 = arith.constant 48 : index
                %get3A_400 = tpu.vector_load %arg8[%get3A_398, %get3A_399] {strides = array<i32>} : memref<448x64xf32, #tpu.memory_space<vmem>>, vector<16xf32>,
                %add3A_401 = arith.addf %add3A_377, %get3A_400 : vector<16xf32>
                %add3A_402 = arith.constant 2 : i32
                %add3A_403 = arith.addi %mul3A_321, %add3A_402 : i32
                %get3A_404 = arith.index_cast %add3A_403 : i32 to index
                %get3A_405 = arith.constant 0 : index
                %get3A_406 = tpu.vector_load %arg8[%get3A_404, %get3A_405] {strides = array<i32>} : memref<448x64xf32, #tpu.memory_space<vmem>>, vector<16xf32>,
                %add3A_407 = arith.addf %add3A_383, %get3A_406 : vector<16xf32>
                %add3A_408 = arith.constant 2 : i32
                %add3A_409 = arith.addi %mul3A_321, %add3A_408 : i32
                %get3A_410 = arith.index_cast %add3A_409 : i32 to index
                %get3A_411 = arith.constant 16 : index
                %get3A_412 = tpu.vector_load %arg8[%get3A_410, %get3A_411] {strides = array<i32>} : memref<448x64xf32, #tpu.memory_space<vmem>>, vector<16xf32>,
                %add3A_413 = arith.addf %add3A_389, %get3A_412 : vector<16xf32>
                %add3A_414 = arith.constant 2 : i32
                %add3A_415 = arith.addi %mul3A_321, %add3A_414 : i32
                %get3A_416 = arith.index_cast %add3A_415 : i32 to index
                %get3A_417 = arith.constant 32 : index
                %get3A_418 = tpu.vector_load %arg8[%get3A_416, %get3A_417] {strides = array<i32>} : memref<448x64xf32, #tpu.memory_space<vmem>>, vector<16xf32>,
                %add3A_419 = arith.addf %add3A_395, %get3A_418 : vector<16xf32>
                %add3A_420 = arith.constant 2 : i32
                %add3A_421 = arith.addi %mul3A_321, %add3A_420 : i32
                %get3A_422 = arith.index_cast %add3A_421 : i32 to index
                %get3A_423 = arith.constant 48 : index
                %get3A_424 = tpu.vector_load %arg8[%get3A_422, %get3A_423] {strides = array<i32>} : memref<448x64xf32, #tpu.memory_space<vmem>>, vector<16xf32>,
                %add3A_425 = arith.addf %add3A_401, %get3A_424 : vector<16xf32>
                %add3A_426 = arith.constant 3 : i32
                %add3A_427 = arith.addi %mul3A_321, %add3A_426 : i32
                %get3A_428 = arith.index_cast %add3A_427 : i32 to index
                %get3A_429 = arith.constant 0 : index
                %get3A_430 = tpu.vector_load %arg8[%get3A_428, %get3A_429] {strides = array<i32>} : memref<448x64xf32, #tpu.memory_space<vmem>>, vector<16xf32>,
                %add3A_431 = arith.addf %add3A_407, %get3A_430 : vector<16xf32>
                %add3A_432 = arith.constant 3 : i32
                %add3A_433 = arith.addi %mul3A_321, %add3A_432 : i32
                %get3A_434 = arith.index_cast %add3A_433 : i32 to index
                %get3A_435 = arith.constant 16 : index
                %get3A_436 = tpu.vector_load %arg8[%get3A_434, %get3A_435] {strides = array<i32>} : memref<448x64xf32, #tpu.memory_space<vmem>>, vector<16xf32>,
                %add3A_437 = arith.addf %add3A_413, %get3A_436 : vector<16xf32>
                %add3A_438 = arith.constant 3 : i32
                %add3A_439 = arith.addi %mul3A_321, %add3A_438 : i32
                %get3A_440 = arith.index_cast %add3A_439 : i32 to index
                %get3A_441 = arith.constant 32 : index
                %get3A_442 = tpu.vector_load %arg8[%get3A_440, %get3A_441] {strides = array<i32>} : memref<448x64xf32, #tpu.memory_space<vmem>>, vector<16xf32>,
                %add3A_443 = arith.addf %add3A_419, %get3A_442 : vector<16xf32>
                %add3A_444 = arith.constant 3 : i32
                %add3A_445 = arith.addi %mul3A_321, %add3A_444 : i32
                %get3A_446 = arith.index_cast %add3A_445 : i32 to index
                %get3A_447 = arith.constant 48 : index
                %get3A_448 = tpu.vector_load %arg8[%get3A_446, %get3A_447] {strides = array<i32>} : memref<448x64xf32, #tpu.memory_space<vmem>>, vector<16xf32>,
                %add3A_449 = arith.addf %add3A_425, %get3A_448 : vector<16xf32>
                %add3A_450 = arith.constant 4 : i32
                %add3A_451 = arith.addi %mul3A_321, %add3A_450 : i32
                %get3A_452 = arith.index_cast %add3A_451 : i32 to index
                %get3A_453 = arith.constant 0 : index
                %get3A_454 = tpu.vector_load %arg8[%get3A_452, %get3A_453] {strides = array<i32>} : memref<448x64xf32, #tpu.memory_space<vmem>>, vector<16xf32>,
                %add3A_455 = arith.addf %add3A_431, %get3A_454 : vector<16xf32>
                %add3A_456 = arith.constant 4 : i32
                %add3A_457 = arith.addi %mul3A_321, %add3A_456 : i32
                %get3A_458 = arith.index_cast %add3A_457 : i32 to index
                %get3A_459 = arith.constant 16 : index
                %get3A_460 = tpu.vector_load %arg8[%get3A_458, %get3A_459] {strides = array<i32>} : memref<448x64xf32, #tpu.memory_space<vmem>>, vector<16xf32>,
                %add3A_461 = arith.addf %add3A_437, %get3A_460 : vector<16xf32>
                %add3A_462 = arith.constant 4 : i32
                %add3A_463 = arith.addi %mul3A_321, %add3A_462 : i32
                %get3A_464 = arith.index_cast %add3A_463 : i32 to index
                %get3A_465 = arith.constant 32 : index
                %get3A_466 = tpu.vector_load %arg8[%get3A_464, %get3A_465] {strides = array<i32>} : memref<448x64xf32, #tpu.memory_space<vmem>>, vector<16xf32>,
                %add3A_467 = arith.addf %add3A_443, %get3A_466 : vector<16xf32>
                %add3A_468 = arith.constant 4 : i32
                %add3A_469 = arith.addi %mul3A_321, %add3A_468 : i32
                %get3A_470 = arith.index_cast %add3A_469 : i32 to index
                %get3A_471 = arith.constant 48 : index
                %get3A_472 = tpu.vector_load %arg8[%get3A_470, %get3A_471] {strides = array<i32>} : memref<448x64xf32, #tpu.memory_space<vmem>>, vector<16xf32>,
                %add3A_473 = arith.addf %add3A_449, %get3A_472 : vector<16xf32>
                %add3A_474 = arith.constant 5 : i32
                %add3A_475 = arith.addi %mul3A_321, %add3A_474 : i32
                %get3A_476 = arith.index_cast %add3A_475 : i32 to index
                %get3A_477 = arith.constant 0 : index
                %get3A_478 = tpu.vector_load %arg8[%get3A_476, %get3A_477] {strides = array<i32>} : memref<448x64xf32, #tpu.memory_space<vmem>>, vector<16xf32>,
                %add3A_479 = arith.addf %add3A_455, %get3A_478 : vector<16xf32>
                %add3A_480 = arith.constant 5 : i32
                %add3A_481 = arith.addi %mul3A_321, %add3A_480 : i32
                %get3A_482 = arith.index_cast %add3A_481 : i32 to index
                %get3A_483 = arith.constant 16 : index
                %get3A_484 = tpu.vector_load %arg8[%get3A_482, %get3A_483] {strides = array<i32>} : memref<448x64xf32, #tpu.memory_space<vmem>>, vector<16xf32>,
                %add3A_485 = arith.addf %add3A_461, %get3A_484 : vector<16xf32>
                %add3A_486 = arith.constant 5 : i32
                %add3A_487 = arith.addi %mul3A_321, %add3A_486 : i32
                %get3A_488 = arith.index_cast %add3A_487 : i32 to index
                %get3A_489 = arith.constant 32 : index
                %get3A_490 = tpu.vector_load %arg8[%get3A_488, %get3A_489] {strides = array<i32>} : memref<448x64xf32, #tpu.memory_space<vmem>>, vector<16xf32>,
                %add3A_491 = arith.addf %add3A_467, %get3A_490 : vector<16xf32>
                %add3A_492 = arith.constant 5 : i32
                %add3A_493 = arith.addi %mul3A_321, %add3A_492 : i32
                %get3A_494 = arith.index_cast %add3A_493 : i32 to index
                %get3A_495 = arith.constant 48 : index
                %get3A_496 = tpu.vector_load %arg8[%get3A_494, %get3A_495] {strides = array<i32>} : memref<448x64xf32, #tpu.memory_space<vmem>>, vector<16xf32>,
                %add3A_497 = arith.addf %add3A_473, %get3A_496 : vector<16xf32>
                %add3A_498 = arith.constant 6 : i32
                %add3A_499 = arith.addi %mul3A_321, %add3A_498 : i32
                %get3A_500 = arith.index_cast %add3A_499 : i32 to index
                %get3A_501 = arith.constant 0 : index
                %get3A_502 = tpu.vector_load %arg8[%get3A_500, %get3A_501] {strides = array<i32>} : memref<448x64xf32, #tpu.memory_space<vmem>>, vector<16xf32>,
                %add3A_503 = arith.addf %add3A_479, %get3A_502 : vector<16xf32>
                %add3A_504 = arith.constant 6 : i32
                %add3A_505 = arith.addi %mul3A_321, %add3A_504 : i32
                %get3A_506 = arith.index_cast %add3A_505 : i32 to index
                %get3A_507 = arith.constant 16 : index
                %get3A_508 = tpu.vector_load %arg8[%get3A_506, %get3A_507] {strides = array<i32>} : memref<448x64xf32, #tpu.memory_space<vmem>>, vector<16xf32>,
                %add3A_509 = arith.addf %add3A_485, %get3A_508 : vector<16xf32>
                %add3A_510 = arith.constant 6 : i32
                %add3A_511 = arith.addi %mul3A_321, %add3A_510 : i32
                %get3A_512 = arith.index_cast %add3A_511 : i32 to index
                %get3A_513 = arith.constant 32 : index
                %get3A_514 = tpu.vector_load %arg8[%get3A_512, %get3A_513] {strides = array<i32>} : memref<448x64xf32, #tpu.memory_space<vmem>>, vector<16xf32>,
                %add3A_515 = arith.addf %add3A_491, %get3A_514 : vector<16xf32>
                %add3A_516 = arith.constant 6 : i32
                %add3A_517 = arith.addi %mul3A_321, %add3A_516 : i32
                %get3A_518 = arith.index_cast %add3A_517 : i32 to index
                %get3A_519 = arith.constant 48 : index
                %get3A_520 = tpu.vector_load %arg8[%get3A_518, %get3A_519] {strides = array<i32>} : memref<448x64xf32, #tpu.memory_space<vmem>>, vector<16xf32>,
                %add3A_521 = arith.addf %add3A_497, %get3A_520 : vector<16xf32>
                %add3A_522 = arith.constant 7 : i32
                %add3A_523 = arith.addi %mul3A_321, %add3A_522 : i32
                %get3A_524 = arith.index_cast %add3A_523 : i32 to index
                %get3A_525 = arith.constant 0 : index
                %get3A_526 = tpu.vector_load %arg8[%get3A_524, %get3A_525] {strides = array<i32>} : memref<448x64xf32, #tpu.memory_space<vmem>>, vector<16xf32>,
                %add3A_527 = arith.addf %add3A_503, %get3A_526 : vector<16xf32>
                %add3A_528 = arith.constant 7 : i32
                %add3A_529 = arith.addi %mul3A_321, %add3A_528 : i32
                %get3A_530 = arith.index_cast %add3A_529 : i32 to index
                %get3A_531 = arith.constant 16 : index
                %get3A_532 = tpu.vector_load %arg8[%get3A_530, %get3A_531] {strides = array<i32>} : memref<448x64xf32, #tpu.memory_space<vmem>>, vector<16xf32>,
                %add3A_533 = arith.addf %add3A_509, %get3A_532 : vector<16xf32>
                %add3A_534 = arith.constant 7 : i32
                %add3A_535 = arith.addi %mul3A_321, %add3A_534 : i32
                %get3A_536 = arith.index_cast %add3A_535 : i32 to index
                %get3A_537 = arith.constant 32 : index
                %get3A_538 = tpu.vector_load %arg8[%get3A_536, %get3A_537] {strides = array<i32>} : memref<448x64xf32, #tpu.memory_space<vmem>>, vector<16xf32>,
                %add3A_539 = arith.addf %add3A_515, %get3A_538 : vector<16xf32>
                %add3A_540 = arith.constant 7 : i32
                %add3A_541 = arith.addi %mul3A_321, %add3A_540 : i32
                %get3A_542 = arith.index_cast %add3A_541 : i32 to index
                %get3A_543 = arith.constant 48 : index
                %get3A_544 = tpu.vector_load %arg8[%get3A_542, %get3A_543] {strides = array<i32>} : memref<448x64xf32, #tpu.memory_space<vmem>>, vector<16xf32>,
                %add3A_545 = arith.addf %add3A_521, %get3A_544 : vector<16xf32>
                %add3A_546 = arith.constant 16 : i32
                %add3A_547 = arith.addi %reduce_min3A_339, %add3A_546 : i32
                %broadcast_in_dim3A_548 = vector.broadcast %add3A_547 : i32 to vector<16xi32>
                %broadcast_in_dim3A_549 = arith.constant 8.000000e+00 : f32
                %broadcast_in_dim3A_550 = vector.broadcast %broadcast_in_dim3A_549 : f32 to vector<16xf32>
                %add3A_551 = arith.constant 0 : i32
                %add3A_552 = vector.broadcast %add3A_551 : i32 to vector<16xi32>
                %add3A_553 = arith.addi %add3A_552, %iota3A : vector<16xi32>
                tpu.vector_store_idx %arg12[%broadcast_in_dim3A_548, %add3A_553], %add3A_527 {add = true} : memref<32x80xf32, #tpu.memory_space<vmem>>[vector<16xi32>, vector<16xi32>], vector<16xf32>,
                %add3A_554 = arith.constant 16 : i32
                %add3A_555 = vector.broadcast %add3A_554 : i32 to vector<16xi32>
                %add3A_556 = arith.addi %add3A_555, %iota3A : vector<16xi32>
                tpu.vector_store_idx %arg12[%broadcast_in_dim3A_548, %add3A_556], %add3A_533 {add = true} : memref<32x80xf32, #tpu.memory_space<vmem>>[vector<16xi32>, vector<16xi32>], vector<16xf32>,
                %add3A_557 = arith.constant 32 : i32
                %add3A_558 = vector.broadcast %add3A_557 : i32 to vector<16xi32>
                %add3A_559 = arith.addi %add3A_558, %iota3A : vector<16xi32>
                tpu.vector_store_idx %arg12[%broadcast_in_dim3A_548, %add3A_559], %add3A_539 {add = true} : memref<32x80xf32, #tpu.memory_space<vmem>>[vector<16xi32>, vector<16xi32>], vector<16xf32>,
                %add3A_560 = arith.constant 48 : i32
                %add3A_561 = vector.broadcast %add3A_560 : i32 to vector<16xi32>
                %add3A_562 = arith.addi %add3A_561, %iota3A : vector<16xi32>
                tpu.vector_store_idx %arg12[%broadcast_in_dim3A_548, %add3A_562], %add3A_545 {add = true} : memref<32x80xf32, #tpu.memory_space<vmem>>[vector<16xi32>, vector<16xi32>], vector<16xf32>,
                %broadcast_in_dim3A_563 = arith.constant 64 : i32
                %broadcast_in_dim3A_564 = vector.broadcast %broadcast_in_dim3A_563 : i32 to vector<16xi32>
                tpu.vector_store_idx %arg12[%broadcast_in_dim3A_548, %broadcast_in_dim3A_564], %broadcast_in_dim3A_550 masked %eq3A_5 {add = true} : memref<32x80xf32, #tpu.memory_space<vmem>>[vector<16xi32>, vector<16xi32>], vector<16xf32>, vector<16xi1>
              } else {
                %max3A_354 = arith.maxsi %sub3A, %mul3A_321 : i32
                %add3A_355 = arith.constant 8 : i32
                %add3A_356 = arith.addi %mul3A_321, %add3A_355 : i32
                %while3A_357 = arith.constant 0 : i32
                %while3A_358 = arith.subi %add3A_356, %max3A_354 : i32
                %while3A_359 = arith.addi %max3A_354, %while3A_358 : i32
                %while3A_360 = arith.constant 1 : i32
                %while3A_361 = arith.divsi %while3A_358, %while3A_360 : i32
                %while3A_362 = arith.muli %while3A_361, %while3A_360 : i32
                %while3A_363 = arith.addi %max3A_354, %while3A_362 : i32
                %while3A_364 = arith.constant 1 : i32
                scf.for %while3A_366 = %max3A_354 to %while3A_363 step %while3A_364  : i32 {
                  %broadcast_in_dim3A_367 = vector.broadcast %while3A_366 : i32 to vector<16xi32>
                  %gather3A_368 = tpu.vector_load_idx %arg10[%broadcast_in_dim3A_367] : memref<464xi32, #tpu.memory_space<vmem>>[vector<16xi32>], vector<16xi32>,
                  %add3A_369 = arith.constant 16 : i32
                  %add3A_370 = vector.broadcast %add3A_369 : i32 to vector<16xi32>
                  %add3A_371 = arith.addi %gather3A_368, %add3A_370 : vector<16xi32>
                  %get3A_372 = arith.index_cast %while3A_366 : i32 to index
                  %get3A_373 = arith.constant 0 : index
                  %get3A_374 = tpu.vector_load %arg8[%get3A_372, %get3A_373] {strides = array<i32>} : memref<448x64xf32, #tpu.memory_space<vmem>>, vector<16xf32>,
                  %add3A_375 = arith.constant 0 : i32
                  %add3A_376 = vector.broadcast %add3A_375 : i32 to vector<16xi32>
                  %add3A_377 = arith.addi %add3A_376, %iota3A : vector<16xi32>
                  tpu.vector_store_idx %arg12[%add3A_371, %add3A_377], %get3A_374 {add = true} : memref<32x80xf32, #tpu.memory_space<vmem>>[vector<16xi32>, vector<16xi32>], vector<16xf32>,
                  %get3A_378 = arith.index_cast %while3A_366 : i32 to index
                  %get3A_379 = arith.constant 16 : index
                  %get3A_380 = tpu.vector_load %arg8[%get3A_378, %get3A_379] {strides = array<i32>} : memref<448x64xf32, #tpu.memory_space<vmem>>, vector<16xf32>,
                  %add3A_381 = arith.constant 16 : i32
                  %add3A_382 = vector.broadcast %add3A_381 : i32 to vector<16xi32>
                  %add3A_383 = arith.addi %add3A_382, %iota3A : vector<16xi32>
                  tpu.vector_store_idx %arg12[%add3A_371, %add3A_383], %get3A_380 {add = true} : memref<32x80xf32, #tpu.memory_space<vmem>>[vector<16xi32>, vector<16xi32>], vector<16xf32>,
                  %get3A_384 = arith.index_cast %while3A_366 : i32 to index
                  %get3A_385 = arith.constant 32 : index
                  %get3A_386 = tpu.vector_load %arg8[%get3A_384, %get3A_385] {strides = array<i32>} : memref<448x64xf32, #tpu.memory_space<vmem>>, vector<16xf32>,
                  %add3A_387 = arith.constant 32 : i32
                  %add3A_388 = vector.broadcast %add3A_387 : i32 to vector<16xi32>
                  %add3A_389 = arith.addi %add3A_388, %iota3A : vector<16xi32>
                  tpu.vector_store_idx %arg12[%add3A_371, %add3A_389], %get3A_386 {add = true} : memref<32x80xf32, #tpu.memory_space<vmem>>[vector<16xi32>, vector<16xi32>], vector<16xf32>,
                  %get3A_390 = arith.index_cast %while3A_366 : i32 to index
                  %get3A_391 = arith.constant 48 : index
                  %get3A_392 = tpu.vector_load %arg8[%get3A_390, %get3A_391] {strides = array<i32>} : memref<448x64xf32, #tpu.memory_space<vmem>>, vector<16xf32>,
                  %add3A_393 = arith.constant 48 : i32
                  %add3A_394 = vector.broadcast %add3A_393 : i32 to vector<16xi32>
                  %add3A_395 = arith.addi %add3A_394, %iota3A : vector<16xi32>
                  tpu.vector_store_idx %arg12[%add3A_371, %add3A_395], %get3A_392 {add = true} : memref<32x80xf32, #tpu.memory_space<vmem>>[vector<16xi32>, vector<16xi32>], vector<16xf32>,
                  %broadcast_in_dim3A_396 = arith.constant 64 : i32
                  %broadcast_in_dim3A_397 = vector.broadcast %broadcast_in_dim3A_396 : i32 to vector<16xi32>
                  tpu.vector_store_idx %arg12[%add3A_371, %broadcast_in_dim3A_397], %broadcast_in_dim3A_1 masked %eq3A_5 {add = true} : memref<32x80xf32, #tpu.memory_space<vmem>>[vector<16xi32>, vector<16xi32>], vector<16xf32>, vector<16xi1>
                }
                %while3A_365 = arith.constant 1 : i32
                scf.for %while3A_366 = %while3A_363 to %while3A_359 step %while3A_365  : i32 {
                  %broadcast_in_dim3A_367 = vector.broadcast %while3A_366 : i32 to vector<16xi32>
                  %gather3A_368 = tpu.vector_load_idx %arg10[%broadcast_in_dim3A_367] : memref<464xi32, #tpu.memory_space<vmem>>[vector<16xi32>], vector<16xi32>,
                  %add3A_369 = arith.constant 16 : i32
                  %add3A_370 = vector.broadcast %add3A_369 : i32 to vector<16xi32>
                  %add3A_371 = arith.addi %gather3A_368, %add3A_370 : vector<16xi32>
                  %get3A_372 = arith.index_cast %while3A_366 : i32 to index
                  %get3A_373 = arith.constant 0 : index
                  %get3A_374 = tpu.vector_load %arg8[%get3A_372, %get3A_373] {strides = array<i32>} : memref<448x64xf32, #tpu.memory_space<vmem>>, vector<16xf32>,
                  %add3A_375 = arith.constant 0 : i32
                  %add3A_376 = vector.broadcast %add3A_375 : i32 to vector<16xi32>
                  %add3A_377 = arith.addi %add3A_376, %iota3A : vector<16xi32>
                  tpu.vector_store_idx %arg12[%add3A_371, %add3A_377], %get3A_374 {add = true} : memref<32x80xf32, #tpu.memory_space<vmem>>[vector<16xi32>, vector<16xi32>], vector<16xf32>,
                  %get3A_378 = arith.index_cast %while3A_366 : i32 to index
                  %get3A_379 = arith.constant 16 : index
                  %get3A_380 = tpu.vector_load %arg8[%get3A_378, %get3A_379] {strides = array<i32>} : memref<448x64xf32, #tpu.memory_space<vmem>>, vector<16xf32>,
                  %add3A_381 = arith.constant 16 : i32
                  %add3A_382 = vector.broadcast %add3A_381 : i32 to vector<16xi32>
                  %add3A_383 = arith.addi %add3A_382, %iota3A : vector<16xi32>
                  tpu.vector_store_idx %arg12[%add3A_371, %add3A_383], %get3A_380 {add = true} : memref<32x80xf32, #tpu.memory_space<vmem>>[vector<16xi32>, vector<16xi32>], vector<16xf32>,
                  %get3A_384 = arith.index_cast %while3A_366 : i32 to index
                  %get3A_385 = arith.constant 32 : index
                  %get3A_386 = tpu.vector_load %arg8[%get3A_384, %get3A_385] {strides = array<i32>} : memref<448x64xf32, #tpu.memory_space<vmem>>, vector<16xf32>,
                  %add3A_387 = arith.constant 32 : i32
                  %add3A_388 = vector.broadcast %add3A_387 : i32 to vector<16xi32>
                  %add3A_389 = arith.addi %add3A_388, %iota3A : vector<16xi32>
                  tpu.vector_store_idx %arg12[%add3A_371, %add3A_389], %get3A_386 {add = true} : memref<32x80xf32, #tpu.memory_space<vmem>>[vector<16xi32>, vector<16xi32>], vector<16xf32>,
                  %get3A_390 = arith.index_cast %while3A_366 : i32 to index
                  %get3A_391 = arith.constant 48 : index
                  %get3A_392 = tpu.vector_load %arg8[%get3A_390, %get3A_391] {strides = array<i32>} : memref<448x64xf32, #tpu.memory_space<vmem>>, vector<16xf32>,
                  %add3A_393 = arith.constant 48 : i32
                  %add3A_394 = vector.broadcast %add3A_393 : i32 to vector<16xi32>
                  %add3A_395 = arith.addi %add3A_394, %iota3A : vector<16xi32>
                  tpu.vector_store_idx %arg12[%add3A_371, %add3A_395], %get3A_392 {add = true} : memref<32x80xf32, #tpu.memory_space<vmem>>[vector<16xi32>, vector<16xi32>], vector<16xf32>,
                  %broadcast_in_dim3A_396 = arith.constant 64 : i32
                  %broadcast_in_dim3A_397 = vector.broadcast %broadcast_in_dim3A_396 : i32 to vector<16xi32>
                  tpu.vector_store_idx %arg12[%add3A_371, %broadcast_in_dim3A_397], %broadcast_in_dim3A_1 masked %eq3A_5 {add = true} : memref<32x80xf32, #tpu.memory_space<vmem>>[vector<16xi32>, vector<16xi32>], vector<16xf32>, vector<16xi1>
                }
              }
            }
          }
        } else {
        }
      } else {
        %add3A_121 = arith.constant 1 : i32
        %add3A_122 = arith.addi %scan3A_105, %add3A_121 : i32
        %lt3A_123 = arith.constant 7 : i32
        %lt3A_124 = arith.cmpi slt, %add3A_122, %lt3A_123 : i32
        %convert_element_type3A_125 = arith.extui %lt3A_124 : i1 to i32
        %cond3A_126 = arith.constant 0 : i32
        %cond3A_127 = arith.cmpi ne, %convert_element_type3A_125, %cond3A_126 : i32
        scf.if %cond3A_127 {
          %add3A_150 = arith.constant 16 : i32
          %add3A_151 = arith.addi %add3A, %add3A_150 : i32
          %mul3A_152 = arith.constant 448 : i32
          %mul3A_153 = arith.muli %add3A_151, %mul3A_152 : i32
          %min3A_154 = arith.constant 49552 : i32
          %min3A_155 = arith.minsi %mul3A_153, %min3A_154 : i32
          %dma_start3A_156 = tpu.memref_slice %arg4[%min3A_155, %mul3A_0] : memref<50000x128xf32, #tpu.memory_space<hbm>> -> memref<448x64xf32, #tpu.memory_space<hbm>>
          %dma_start3A_157 = tpu.memref_slice %arg4[%min3A_155, %mul3A_0] : memref<50000x128xf32, #tpu.memory_space<hbm>> -> memref<448x64xf32, #tpu.memory_space<hbm>>
          tpu.enqueue_dma source(%dma_start3A_157 : memref<448x64xf32, #tpu.memory_space<hbm>>) target(%arg8 : memref<448x64xf32, #tpu.memory_space<vmem>>) target_semaphore(%arg18 : memref<!tpu.dma_semaphore, #tpu.memory_space<semaphore_mem>>)
          %dma_start3A_158 = arith.constant 0 : i32
          %dma_start3A_159 = tpu.memref_slice %arg10[%dma_start3A_158] : memref<464xi32, #tpu.memory_space<vmem>> -> memref<448xi32, #tpu.memory_space<vmem>>
          %dma_start3A_160 = tpu.memref_slice %arg5[%min3A_155] : memref<50000xi32, #tpu.memory_space<hbm>> -> memref<448xi32, #tpu.memory_space<hbm>>
          %dma_start3A_161 = arith.constant 0 : i32
          %dma_start3A_162 = tpu.memref_slice %arg10[%dma_start3A_161] : memref<464xi32, #tpu.memory_space<vmem>> -> memref<448xi32, #tpu.memory_space<vmem>>
          %dma_start3A_163 = tpu.memref_slice %arg5[%min3A_155] : memref<50000xi32, #tpu.memory_space<hbm>> -> memref<448xi32, #tpu.memory_space<hbm>>
          tpu.enqueue_dma source(%dma_start3A_163 : memref<448xi32, #tpu.memory_space<hbm>>) target(%dma_start3A_162 : memref<448xi32, #tpu.memory_space<vmem>>) target_semaphore(%arg18 : memref<!tpu.dma_semaphore, #tpu.memory_space<semaphore_mem>>)
        } else {
        }
        %dma_wait3A = arith.constant 0 : i32
        %dma_wait3A_128 = arith.constant 0 : i32
        %dma_wait3A_129 = tpu.memref_slice %arg4[%dma_wait3A, %dma_wait3A_128] : memref<50000x128xf32, #tpu.memory_space<hbm>> -> memref<448x64xf32, #tpu.memory_space<hbm>>
        %dma_wait3A_130 = arith.constant 0 : i32
        %dma_wait3A_131 = arith.constant 0 : i32
        %dma_wait3A_132 = tpu.memref_slice %arg4[%dma_wait3A_130, %dma_wait3A_131] : memref<50000x128xf32, #tpu.memory_space<hbm>> -> memref<448x64xf32, #tpu.memory_space<hbm>>
        tpu.wait_dma2 semaphore(%arg19 : memref<!tpu.dma_semaphore, #tpu.memory_space<semaphore_mem>>) src(%dma_wait3A_132 : memref<448x64xf32, #tpu.memory_space<hbm>>) dst(%arg9 : memref<448x64xf32, #tpu.memory_space<vmem>>)
        %dma_wait3A_133 = arith.constant 0 : i32
        %dma_wait3A_134 = tpu.memref_slice %arg11[%dma_wait3A_133] : memref<464xi32, #tpu.memory_space<vmem>> -> memref<448xi32, #tpu.memory_space<vmem>>
        %dma_wait3A_135 = arith.constant 0 : i32
        %dma_wait3A_136 = tpu.memref_slice %arg5[%dma_wait3A_135] : memref<50000xi32, #tpu.memory_space<hbm>> -> memref<448xi32, #tpu.memory_space<hbm>>
        %dma_wait3A_137 = arith.constant 0 : i32
        %dma_wait3A_138 = tpu.memref_slice %arg11[%dma_wait3A_137] : memref<464xi32, #tpu.memory_space<vmem>> -> memref<448xi32, #tpu.memory_space<vmem>>
        %dma_wait3A_139 = arith.constant 0 : i32
        %dma_wait3A_140 = tpu.memref_slice %arg5[%dma_wait3A_139] : memref<50000xi32, #tpu.memory_space<hbm>> -> memref<448xi32, #tpu.memory_space<hbm>>
        tpu.wait_dma2 semaphore(%arg19 : memref<!tpu.dma_semaphore, #tpu.memory_space<semaphore_mem>>) src(%dma_wait3A_140 : memref<448xi32, #tpu.memory_space<hbm>>) dst(%dma_wait3A_138 : memref<448xi32, #tpu.memory_space<vmem>>)
        %get3A_141 = arith.constant 432 : index
        %get3A_142 = tpu.vector_load %arg11[%get3A_141] {strides = array<i32>} : memref<464xi32, #tpu.memory_space<vmem>>, vector<16xi32>,
        %swap3A_143 = arith.constant 448 : index
        %swap3A_144 = tpu.vector_load %arg11[%swap3A_143] {strides = array<i32>} : memref<464xi32, #tpu.memory_space<vmem>>, vector<16xi32>,
        tpu.vector_store %arg11[%swap3A_143], %get3A_142 {strides = array<i32>} : memref<464xi32, #tpu.memory_space<vmem>>, vector<16xi32>,
        %lt3A_145 = arith.constant 112 : i32
        %lt3A_146 = arith.cmpi slt, %add3A, %lt3A_145 : i32
        %convert_element_type3A_147 = arith.extui %lt3A_146 : i1 to i32
        %cond3A_148 = arith.constant 0 : i32
        %cond3A_149 = arith.cmpi ne, %convert_element_type3A_147, %cond3A_148 : i32
        scf.if %cond3A_149 {
          %mul3A_150 = arith.constant 448 : i32
          %mul3A_151 = arith.muli %add3A, %mul3A_150 : i32
          %min3A_152 = arith.constant 49552 : i32
          %min3A_153 = arith.minsi %mul3A_151, %min3A_152 : i32
          %mul3A_154 = arith.constant 448 : i32
          %mul3A_155 = arith.muli %add3A, %mul3A_154 : i32
          %sub3A = arith.subi %mul3A_155, %min3A_153 : i32
          %get3A_156 = arith.constant 0 : index
          %get3A_157 = tpu.vector_load %arg11[%get3A_156] {strides = array<i32>} : memref<464xi32, #tpu.memory_space<vmem>>, vector<16xi32>,
          %get3A_158 = arith.constant 16 : index
          %get3A_159 = tpu.vector_load %arg11[%get3A_158] {strides = array<i32>} : memref<464xi32, #tpu.memory_space<vmem>>, vector<16xi32>,
          %min3A_160 = arith.minsi %get3A_157, %get3A_159 : vector<16xi32>
          %max3A_161 = arith.maxsi %get3A_157, %get3A_159 : vector<16xi32>
          %get3A_162 = arith.constant 32 : index
          %get3A_163 = tpu.vector_load %arg11[%get3A_162] {strides = array<i32>} : memref<464xi32, #tpu.memory_space<vmem>>, vector<16xi32>,
          %min3A_164 = arith.minsi %min3A_160, %get3A_163 : vector<16xi32>
          %max3A_165 = arith.maxsi %max3A_161, %get3A_163 : vector<16xi32>
          %get3A_166 = arith.constant 48 : index
          %get3A_167 = tpu.vector_load %arg11[%get3A_166] {strides = array<i32>} : memref<464xi32, #tpu.memory_space<vmem>>, vector<16xi32>,
          %min3A_168 = arith.minsi %min3A_164, %get3A_167 : vector<16xi32>
          %max3A_169 = arith.maxsi %max3A_165, %get3A_167 : vector<16xi32>
          %get3A_170 = arith.constant 64 : index
          %get3A_171 = tpu.vector_load %arg11[%get3A_170] {strides = array<i32>} : memref<464xi32, #tpu.memory_space<vmem>>, vector<16xi32>,
          %min3A_172 = arith.minsi %min3A_168, %get3A_171 : vector<16xi32>
          %max3A_173 = arith.maxsi %max3A_169, %get3A_171 : vector<16xi32>
          %get3A_174 = arith.constant 80 : index
          %get3A_175 = tpu.vector_load %arg11[%get3A_174] {strides = array<i32>} : memref<464xi32, #tpu.memory_space<vmem>>, vector<16xi32>,
          %min3A_176 = arith.minsi %min3A_172, %get3A_175 : vector<16xi32>
          %max3A_177 = arith.maxsi %max3A_173, %get3A_175 : vector<16xi32>
          %get3A_178 = arith.constant 96 : index
          %get3A_179 = tpu.vector_load %arg11[%get3A_178] {strides = array<i32>} : memref<464xi32, #tpu.memory_space<vmem>>, vector<16xi32>,
          %min3A_180 = arith.minsi %min3A_176, %get3A_179 : vector<16xi32>
          %max3A_181 = arith.maxsi %max3A_177, %get3A_179 : vector<16xi32>
          %get3A_182 = arith.constant 112 : index
          %get3A_183 = tpu.vector_load %arg11[%get3A_182] {strides = array<i32>} : memref<464xi32, #tpu.memory_space<vmem>>, vector<16xi32>,
          %min3A_184 = arith.minsi %min3A_180, %get3A_183 : vector<16xi32>
          %max3A_185 = arith.maxsi %max3A_181, %get3A_183 : vector<16xi32>
          %get3A_186 = arith.constant 128 : index
          %get3A_187 = tpu.vector_load %arg11[%get3A_186] {strides = array<i32>} : memref<464xi32, #tpu.memory_space<vmem>>, vector<16xi32>,
          %min3A_188 = arith.minsi %min3A_184, %get3A_187 : vector<16xi32>
          %max3A_189 = arith.maxsi %max3A_185, %get3A_187 : vector<16xi32>
          %get3A_190 = arith.constant 144 : index
          %get3A_191 = tpu.vector_load %arg11[%get3A_190] {strides = array<i32>} : memref<464xi32, #tpu.memory_space<vmem>>, vector<16xi32>,
          %min3A_192 = arith.minsi %min3A_188, %get3A_191 : vector<16xi32>
          %max3A_193 = arith.maxsi %max3A_189, %get3A_191 : vector<16xi32>
          %get3A_194 = arith.constant 160 : index
          %get3A_195 = tpu.vector_load %arg11[%get3A_194] {strides = array<i32>} : memref<464xi32, #tpu.memory_space<vmem>>, vector<16xi32>,
          %min3A_196 = arith.minsi %min3A_192, %get3A_195 : vector<16xi32>
          %max3A_197 = arith.maxsi %max3A_193, %get3A_195 : vector<16xi32>
          %get3A_198 = arith.constant 176 : index
          %get3A_199 = tpu.vector_load %arg11[%get3A_198] {strides = array<i32>} : memref<464xi32, #tpu.memory_space<vmem>>, vector<16xi32>,
          %min3A_200 = arith.minsi %min3A_196, %get3A_199 : vector<16xi32>
          %max3A_201 = arith.maxsi %max3A_197, %get3A_199 : vector<16xi32>
          %get3A_202 = arith.constant 192 : index
          %get3A_203 = tpu.vector_load %arg11[%get3A_202] {strides = array<i32>} : memref<464xi32, #tpu.memory_space<vmem>>, vector<16xi32>,
          %min3A_204 = arith.minsi %min3A_200, %get3A_203 : vector<16xi32>
          %max3A_205 = arith.maxsi %max3A_201, %get3A_203 : vector<16xi32>
          %get3A_206 = arith.constant 208 : index
          %get3A_207 = tpu.vector_load %arg11[%get3A_206] {strides = array<i32>} : memref<464xi32, #tpu.memory_space<vmem>>, vector<16xi32>,
          %min3A_208 = arith.minsi %min3A_204, %get3A_207 : vector<16xi32>
          %max3A_209 = arith.maxsi %max3A_205, %get3A_207 : vector<16xi32>
          %get3A_210 = arith.constant 224 : index
          %get3A_211 = tpu.vector_load %arg11[%get3A_210] {strides = array<i32>} : memref<464xi32, #tpu.memory_space<vmem>>, vector<16xi32>,
          %min3A_212 = arith.minsi %min3A_208, %get3A_211 : vector<16xi32>
          %max3A_213 = arith.maxsi %max3A_209, %get3A_211 : vector<16xi32>
          %get3A_214 = arith.constant 240 : index
          %get3A_215 = tpu.vector_load %arg11[%get3A_214] {strides = array<i32>} : memref<464xi32, #tpu.memory_space<vmem>>, vector<16xi32>,
          %min3A_216 = arith.minsi %min3A_212, %get3A_215 : vector<16xi32>
          %max3A_217 = arith.maxsi %max3A_213, %get3A_215 : vector<16xi32>
          %get3A_218 = arith.constant 256 : index
          %get3A_219 = tpu.vector_load %arg11[%get3A_218] {strides = array<i32>} : memref<464xi32, #tpu.memory_space<vmem>>, vector<16xi32>,
          %min3A_220 = arith.minsi %min3A_216, %get3A_219 : vector<16xi32>
          %max3A_221 = arith.maxsi %max3A_217, %get3A_219 : vector<16xi32>
          %get3A_222 = arith.constant 272 : index
          %get3A_223 = tpu.vector_load %arg11[%get3A_222] {strides = array<i32>} : memref<464xi32, #tpu.memory_space<vmem>>, vector<16xi32>,
          %min3A_224 = arith.minsi %min3A_220, %get3A_223 : vector<16xi32>
          %max3A_225 = arith.maxsi %max3A_221, %get3A_223 : vector<16xi32>
          %get3A_226 = arith.constant 288 : index
          %get3A_227 = tpu.vector_load %arg11[%get3A_226] {strides = array<i32>} : memref<464xi32, #tpu.memory_space<vmem>>, vector<16xi32>,
          %min3A_228 = arith.minsi %min3A_224, %get3A_227 : vector<16xi32>
          %max3A_229 = arith.maxsi %max3A_225, %get3A_227 : vector<16xi32>
          %get3A_230 = arith.constant 304 : index
          %get3A_231 = tpu.vector_load %arg11[%get3A_230] {strides = array<i32>} : memref<464xi32, #tpu.memory_space<vmem>>, vector<16xi32>,
          %min3A_232 = arith.minsi %min3A_228, %get3A_231 : vector<16xi32>
          %max3A_233 = arith.maxsi %max3A_229, %get3A_231 : vector<16xi32>
          %get3A_234 = arith.constant 320 : index
          %get3A_235 = tpu.vector_load %arg11[%get3A_234] {strides = array<i32>} : memref<464xi32, #tpu.memory_space<vmem>>, vector<16xi32>,
          %min3A_236 = arith.minsi %min3A_232, %get3A_235 : vector<16xi32>
          %max3A_237 = arith.maxsi %max3A_233, %get3A_235 : vector<16xi32>
          %get3A_238 = arith.constant 336 : index
          %get3A_239 = tpu.vector_load %arg11[%get3A_238] {strides = array<i32>} : memref<464xi32, #tpu.memory_space<vmem>>, vector<16xi32>,
          %min3A_240 = arith.minsi %min3A_236, %get3A_239 : vector<16xi32>
          %max3A_241 = arith.maxsi %max3A_237, %get3A_239 : vector<16xi32>
          %get3A_242 = arith.constant 352 : index
          %get3A_243 = tpu.vector_load %arg11[%get3A_242] {strides = array<i32>} : memref<464xi32, #tpu.memory_space<vmem>>, vector<16xi32>,
          %min3A_244 = arith.minsi %min3A_240, %get3A_243 : vector<16xi32>
          %max3A_245 = arith.maxsi %max3A_241, %get3A_243 : vector<16xi32>
          %get3A_246 = arith.constant 368 : index
          %get3A_247 = tpu.vector_load %arg11[%get3A_246] {strides = array<i32>} : memref<464xi32, #tpu.memory_space<vmem>>, vector<16xi32>,
          %min3A_248 = arith.minsi %min3A_244, %get3A_247 : vector<16xi32>
          %max3A_249 = arith.maxsi %max3A_245, %get3A_247 : vector<16xi32>
          %get3A_250 = arith.constant 384 : index
          %get3A_251 = tpu.vector_load %arg11[%get3A_250] {strides = array<i32>} : memref<464xi32, #tpu.memory_space<vmem>>, vector<16xi32>,
          %min3A_252 = arith.minsi %min3A_248, %get3A_251 : vector<16xi32>
          %max3A_253 = arith.maxsi %max3A_249, %get3A_251 : vector<16xi32>
          %get3A_254 = arith.constant 400 : index
          %get3A_255 = tpu.vector_load %arg11[%get3A_254] {strides = array<i32>} : memref<464xi32, #tpu.memory_space<vmem>>, vector<16xi32>,
          %min3A_256 = arith.minsi %min3A_252, %get3A_255 : vector<16xi32>
          %max3A_257 = arith.maxsi %max3A_253, %get3A_255 : vector<16xi32>
          %get3A_258 = arith.constant 416 : index
          %get3A_259 = tpu.vector_load %arg11[%get3A_258] {strides = array<i32>} : memref<464xi32, #tpu.memory_space<vmem>>, vector<16xi32>,
          %min3A_260 = arith.minsi %min3A_256, %get3A_259 : vector<16xi32>
          %max3A_261 = arith.maxsi %max3A_257, %get3A_259 : vector<16xi32>
          %get3A_262 = arith.constant 432 : index
          %get3A_263 = tpu.vector_load %arg11[%get3A_262] {strides = array<i32>} : memref<464xi32, #tpu.memory_space<vmem>>, vector<16xi32>,
          %min3A_264 = arith.minsi %min3A_260, %get3A_263 : vector<16xi32>
          %max3A_265 = arith.maxsi %max3A_261, %get3A_263 : vector<16xi32>
          %reduce_min3A = arith.constant true
          %reduce_min3A_266 = vector.broadcast %reduce_min3A : i1 to vector<16xi1>
          %reduce_min3A_267 = arith.constant -2147483648 : i32
          %reduce_min3A_268 = vector.broadcast %reduce_min3A_267 : i32 to vector<16xi32>
          %reduce_min3A_269 = arith.xori %min3A_264, %reduce_min3A_268 : vector<16xi32>
          %reduce_min3A_270 = tpu.scan <min>, %reduce_min3A_269 masked %reduce_min3A_266 : vector<16xi32>, vector<16xi1> -> vector<16xi32>
          %reduce_min3A_271 = arith.xori %reduce_min3A_270, %reduce_min3A_268 : vector<16xi32>
          %reduce_min3A_272 = vector.extract %reduce_min3A_271[15] : i32 from vector<16xi32>
          %reduce_max3A = arith.constant true
          %reduce_max3A_273 = vector.broadcast %reduce_max3A : i1 to vector<16xi1>
          %reduce_max3A_274 = arith.constant -2147483648 : i32
          %reduce_max3A_275 = vector.broadcast %reduce_max3A_274 : i32 to vector<16xi32>
          %reduce_max3A_276 = arith.xori %max3A_265, %reduce_max3A_275 : vector<16xi32>
          %reduce_max3A_277 = tpu.scan <max>, %reduce_max3A_276 masked %reduce_max3A_273 : vector<16xi32>, vector<16xi1> -> vector<16xi32>
          %reduce_max3A_278 = arith.xori %reduce_max3A_277, %reduce_max3A_275 : vector<16xi32>
          %reduce_max3A_279 = vector.extract %reduce_max3A_278[15] : i32 from vector<16xi32>
          %eq3A_280 = arith.constant 0 : i32
          %eq3A_281 = arith.cmpi eq, %sub3A, %eq3A_280 : i32
          %eq3A_282 = arith.cmpi eq, %reduce_min3A_272, %reduce_max3A_279 : i32
          %and3A_283 = arith.andi %eq3A_281, %eq3A_282 : i1
          %convert_element_type3A_284 = arith.extui %and3A_283 : i1 to i32
          %cond3A_285 = arith.constant 0 : i32
          %cond3A_286 = arith.cmpi ne, %convert_element_type3A_284, %cond3A_285 : i32
          scf.if %cond3A_286 {
            %scan3A_287 = arith.constant 0 : i32
            %scan3A_288 = arith.constant 56 : i32
            %scan3A_289 = arith.addi %scan3A_287, %scan3A_288 : i32
            %scan3A_290 = arith.constant 1 : i32
            %scan3A_291:4 = scf.for %scan3A_312 = %scan3A_287 to %scan3A_289 step %scan3A_290 iter_args(%scan3A_313 = %broadcast_in_dim3A_3, %scan3A_314 = %broadcast_in_dim3A_3, %scan3A_315 = %broadcast_in_dim3A_3, %scan3A_316 = %broadcast_in_dim3A_3) -> (vector<16xf32>, vector<16xf32>, vector<16xf32>, vector<16xf32>)  : i32 {
              %mul3A_317 = arith.constant 8 : i32
              %mul3A_318 = arith.muli %scan3A_312, %mul3A_317 : i32
              %add3A_319 = arith.constant 0 : i32
              %add3A_320 = arith.addi %mul3A_318, %add3A_319 : i32
              %get3A_321 = arith.index_cast %add3A_320 : i32 to index
              %get3A_322 = arith.constant 0 : index
              %get3A_323 = tpu.vector_load %arg9[%get3A_321, %get3A_322] {strides = array<i32>} : memref<448x64xf32, #tpu.memory_space<vmem>>, vector<16xf32>,
              %add3A_324 = arith.addf %scan3A_313, %get3A_323 : vector<16xf32>
              %add3A_325 = arith.constant 0 : i32
              %add3A_326 = arith.addi %mul3A_318, %add3A_325 : i32
              %get3A_327 = arith.index_cast %add3A_326 : i32 to index
              %get3A_328 = arith.constant 16 : index
              %get3A_329 = tpu.vector_load %arg9[%get3A_327, %get3A_328] {strides = array<i32>} : memref<448x64xf32, #tpu.memory_space<vmem>>, vector<16xf32>,
              %add3A_330 = arith.addf %scan3A_314, %get3A_329 : vector<16xf32>
              %add3A_331 = arith.constant 0 : i32
              %add3A_332 = arith.addi %mul3A_318, %add3A_331 : i32
              %get3A_333 = arith.index_cast %add3A_332 : i32 to index
              %get3A_334 = arith.constant 32 : index
              %get3A_335 = tpu.vector_load %arg9[%get3A_333, %get3A_334] {strides = array<i32>} : memref<448x64xf32, #tpu.memory_space<vmem>>, vector<16xf32>,
              %add3A_336 = arith.addf %scan3A_315, %get3A_335 : vector<16xf32>
              %add3A_337 = arith.constant 0 : i32
              %add3A_338 = arith.addi %mul3A_318, %add3A_337 : i32
              %get3A_339 = arith.index_cast %add3A_338 : i32 to index
              %get3A_340 = arith.constant 48 : index
              %get3A_341 = tpu.vector_load %arg9[%get3A_339, %get3A_340] {strides = array<i32>} : memref<448x64xf32, #tpu.memory_space<vmem>>, vector<16xf32>,
              %add3A_342 = arith.addf %scan3A_316, %get3A_341 : vector<16xf32>
              %add3A_343 = arith.constant 1 : i32
              %add3A_344 = arith.addi %mul3A_318, %add3A_343 : i32
              %get3A_345 = arith.index_cast %add3A_344 : i32 to index
              %get3A_346 = arith.constant 0 : index
              %get3A_347 = tpu.vector_load %arg9[%get3A_345, %get3A_346] {strides = array<i32>} : memref<448x64xf32, #tpu.memory_space<vmem>>, vector<16xf32>,
              %add3A_348 = arith.addf %add3A_324, %get3A_347 : vector<16xf32>
              %add3A_349 = arith.constant 1 : i32
              %add3A_350 = arith.addi %mul3A_318, %add3A_349 : i32
              %get3A_351 = arith.index_cast %add3A_350 : i32 to index
              %get3A_352 = arith.constant 16 : index
              %get3A_353 = tpu.vector_load %arg9[%get3A_351, %get3A_352] {strides = array<i32>} : memref<448x64xf32, #tpu.memory_space<vmem>>, vector<16xf32>,
              %add3A_354 = arith.addf %add3A_330, %get3A_353 : vector<16xf32>
              %add3A_355 = arith.constant 1 : i32
              %add3A_356 = arith.addi %mul3A_318, %add3A_355 : i32
              %get3A_357 = arith.index_cast %add3A_356 : i32 to index
              %get3A_358 = arith.constant 32 : index
              %get3A_359 = tpu.vector_load %arg9[%get3A_357, %get3A_358] {strides = array<i32>} : memref<448x64xf32, #tpu.memory_space<vmem>>, vector<16xf32>,
              %add3A_360 = arith.addf %add3A_336, %get3A_359 : vector<16xf32>
              %add3A_361 = arith.constant 1 : i32
              %add3A_362 = arith.addi %mul3A_318, %add3A_361 : i32
              %get3A_363 = arith.index_cast %add3A_362 : i32 to index
              %get3A_364 = arith.constant 48 : index
              %get3A_365 = tpu.vector_load %arg9[%get3A_363, %get3A_364] {strides = array<i32>} : memref<448x64xf32, #tpu.memory_space<vmem>>, vector<16xf32>,
              %add3A_366 = arith.addf %add3A_342, %get3A_365 : vector<16xf32>
              %add3A_367 = arith.constant 2 : i32
              %add3A_368 = arith.addi %mul3A_318, %add3A_367 : i32
              %get3A_369 = arith.index_cast %add3A_368 : i32 to index
              %get3A_370 = arith.constant 0 : index
              %get3A_371 = tpu.vector_load %arg9[%get3A_369, %get3A_370] {strides = array<i32>} : memref<448x64xf32, #tpu.memory_space<vmem>>, vector<16xf32>,
              %add3A_372 = arith.addf %add3A_348, %get3A_371 : vector<16xf32>
              %add3A_373 = arith.constant 2 : i32
              %add3A_374 = arith.addi %mul3A_318, %add3A_373 : i32
              %get3A_375 = arith.index_cast %add3A_374 : i32 to index
              %get3A_376 = arith.constant 16 : index
              %get3A_377 = tpu.vector_load %arg9[%get3A_375, %get3A_376] {strides = array<i32>} : memref<448x64xf32, #tpu.memory_space<vmem>>, vector<16xf32>,
              %add3A_378 = arith.addf %add3A_354, %get3A_377 : vector<16xf32>
              %add3A_379 = arith.constant 2 : i32
              %add3A_380 = arith.addi %mul3A_318, %add3A_379 : i32
              %get3A_381 = arith.index_cast %add3A_380 : i32 to index
              %get3A_382 = arith.constant 32 : index
              %get3A_383 = tpu.vector_load %arg9[%get3A_381, %get3A_382] {strides = array<i32>} : memref<448x64xf32, #tpu.memory_space<vmem>>, vector<16xf32>,
              %add3A_384 = arith.addf %add3A_360, %get3A_383 : vector<16xf32>
              %add3A_385 = arith.constant 2 : i32
              %add3A_386 = arith.addi %mul3A_318, %add3A_385 : i32
              %get3A_387 = arith.index_cast %add3A_386 : i32 to index
              %get3A_388 = arith.constant 48 : index
              %get3A_389 = tpu.vector_load %arg9[%get3A_387, %get3A_388] {strides = array<i32>} : memref<448x64xf32, #tpu.memory_space<vmem>>, vector<16xf32>,
              %add3A_390 = arith.addf %add3A_366, %get3A_389 : vector<16xf32>
              %add3A_391 = arith.constant 3 : i32
              %add3A_392 = arith.addi %mul3A_318, %add3A_391 : i32
              %get3A_393 = arith.index_cast %add3A_392 : i32 to index
              %get3A_394 = arith.constant 0 : index
              %get3A_395 = tpu.vector_load %arg9[%get3A_393, %get3A_394] {strides = array<i32>} : memref<448x64xf32, #tpu.memory_space<vmem>>, vector<16xf32>,
              %add3A_396 = arith.addf %add3A_372, %get3A_395 : vector<16xf32>
              %add3A_397 = arith.constant 3 : i32
              %add3A_398 = arith.addi %mul3A_318, %add3A_397 : i32
              %get3A_399 = arith.index_cast %add3A_398 : i32 to index
              %get3A_400 = arith.constant 16 : index
              %get3A_401 = tpu.vector_load %arg9[%get3A_399, %get3A_400] {strides = array<i32>} : memref<448x64xf32, #tpu.memory_space<vmem>>, vector<16xf32>,
              %add3A_402 = arith.addf %add3A_378, %get3A_401 : vector<16xf32>
              %add3A_403 = arith.constant 3 : i32
              %add3A_404 = arith.addi %mul3A_318, %add3A_403 : i32
              %get3A_405 = arith.index_cast %add3A_404 : i32 to index
              %get3A_406 = arith.constant 32 : index
              %get3A_407 = tpu.vector_load %arg9[%get3A_405, %get3A_406] {strides = array<i32>} : memref<448x64xf32, #tpu.memory_space<vmem>>, vector<16xf32>,
              %add3A_408 = arith.addf %add3A_384, %get3A_407 : vector<16xf32>
              %add3A_409 = arith.constant 3 : i32
              %add3A_410 = arith.addi %mul3A_318, %add3A_409 : i32
              %get3A_411 = arith.index_cast %add3A_410 : i32 to index
              %get3A_412 = arith.constant 48 : index
              %get3A_413 = tpu.vector_load %arg9[%get3A_411, %get3A_412] {strides = array<i32>} : memref<448x64xf32, #tpu.memory_space<vmem>>, vector<16xf32>,
              %add3A_414 = arith.addf %add3A_390, %get3A_413 : vector<16xf32>
              %add3A_415 = arith.constant 4 : i32
              %add3A_416 = arith.addi %mul3A_318, %add3A_415 : i32
              %get3A_417 = arith.index_cast %add3A_416 : i32 to index
              %get3A_418 = arith.constant 0 : index
              %get3A_419 = tpu.vector_load %arg9[%get3A_417, %get3A_418] {strides = array<i32>} : memref<448x64xf32, #tpu.memory_space<vmem>>, vector<16xf32>,
              %add3A_420 = arith.addf %add3A_396, %get3A_419 : vector<16xf32>
              %add3A_421 = arith.constant 4 : i32
              %add3A_422 = arith.addi %mul3A_318, %add3A_421 : i32
              %get3A_423 = arith.index_cast %add3A_422 : i32 to index
              %get3A_424 = arith.constant 16 : index
              %get3A_425 = tpu.vector_load %arg9[%get3A_423, %get3A_424] {strides = array<i32>} : memref<448x64xf32, #tpu.memory_space<vmem>>, vector<16xf32>,
              %add3A_426 = arith.addf %add3A_402, %get3A_425 : vector<16xf32>
              %add3A_427 = arith.constant 4 : i32
              %add3A_428 = arith.addi %mul3A_318, %add3A_427 : i32
              %get3A_429 = arith.index_cast %add3A_428 : i32 to index
              %get3A_430 = arith.constant 32 : index
              %get3A_431 = tpu.vector_load %arg9[%get3A_429, %get3A_430] {strides = array<i32>} : memref<448x64xf32, #tpu.memory_space<vmem>>, vector<16xf32>,
              %add3A_432 = arith.addf %add3A_408, %get3A_431 : vector<16xf32>
              %add3A_433 = arith.constant 4 : i32
              %add3A_434 = arith.addi %mul3A_318, %add3A_433 : i32
              %get3A_435 = arith.index_cast %add3A_434 : i32 to index
              %get3A_436 = arith.constant 48 : index
              %get3A_437 = tpu.vector_load %arg9[%get3A_435, %get3A_436] {strides = array<i32>} : memref<448x64xf32, #tpu.memory_space<vmem>>, vector<16xf32>,
              %add3A_438 = arith.addf %add3A_414, %get3A_437 : vector<16xf32>
              %add3A_439 = arith.constant 5 : i32
              %add3A_440 = arith.addi %mul3A_318, %add3A_439 : i32
              %get3A_441 = arith.index_cast %add3A_440 : i32 to index
              %get3A_442 = arith.constant 0 : index
              %get3A_443 = tpu.vector_load %arg9[%get3A_441, %get3A_442] {strides = array<i32>} : memref<448x64xf32, #tpu.memory_space<vmem>>, vector<16xf32>,
              %add3A_444 = arith.addf %add3A_420, %get3A_443 : vector<16xf32>
              %add3A_445 = arith.constant 5 : i32
              %add3A_446 = arith.addi %mul3A_318, %add3A_445 : i32
              %get3A_447 = arith.index_cast %add3A_446 : i32 to index
              %get3A_448 = arith.constant 16 : index
              %get3A_449 = tpu.vector_load %arg9[%get3A_447, %get3A_448] {strides = array<i32>} : memref<448x64xf32, #tpu.memory_space<vmem>>, vector<16xf32>,
              %add3A_450 = arith.addf %add3A_426, %get3A_449 : vector<16xf32>
              %add3A_451 = arith.constant 5 : i32
              %add3A_452 = arith.addi %mul3A_318, %add3A_451 : i32
              %get3A_453 = arith.index_cast %add3A_452 : i32 to index
              %get3A_454 = arith.constant 32 : index
              %get3A_455 = tpu.vector_load %arg9[%get3A_453, %get3A_454] {strides = array<i32>} : memref<448x64xf32, #tpu.memory_space<vmem>>, vector<16xf32>,
              %add3A_456 = arith.addf %add3A_432, %get3A_455 : vector<16xf32>
              %add3A_457 = arith.constant 5 : i32
              %add3A_458 = arith.addi %mul3A_318, %add3A_457 : i32
              %get3A_459 = arith.index_cast %add3A_458 : i32 to index
              %get3A_460 = arith.constant 48 : index
              %get3A_461 = tpu.vector_load %arg9[%get3A_459, %get3A_460] {strides = array<i32>} : memref<448x64xf32, #tpu.memory_space<vmem>>, vector<16xf32>,
              %add3A_462 = arith.addf %add3A_438, %get3A_461 : vector<16xf32>
              %add3A_463 = arith.constant 6 : i32
              %add3A_464 = arith.addi %mul3A_318, %add3A_463 : i32
              %get3A_465 = arith.index_cast %add3A_464 : i32 to index
              %get3A_466 = arith.constant 0 : index
              %get3A_467 = tpu.vector_load %arg9[%get3A_465, %get3A_466] {strides = array<i32>} : memref<448x64xf32, #tpu.memory_space<vmem>>, vector<16xf32>,
              %add3A_468 = arith.addf %add3A_444, %get3A_467 : vector<16xf32>
              %add3A_469 = arith.constant 6 : i32
              %add3A_470 = arith.addi %mul3A_318, %add3A_469 : i32
              %get3A_471 = arith.index_cast %add3A_470 : i32 to index
              %get3A_472 = arith.constant 16 : index
              %get3A_473 = tpu.vector_load %arg9[%get3A_471, %get3A_472] {strides = array<i32>} : memref<448x64xf32, #tpu.memory_space<vmem>>, vector<16xf32>,
              %add3A_474 = arith.addf %add3A_450, %get3A_473 : vector<16xf32>
              %add3A_475 = arith.constant 6 : i32
              %add3A_476 = arith.addi %mul3A_318, %add3A_475 : i32
              %get3A_477 = arith.index_cast %add3A_476 : i32 to index
              %get3A_478 = arith.constant 32 : index
              %get3A_479 = tpu.vector_load %arg9[%get3A_477, %get3A_478] {strides = array<i32>} : memref<448x64xf32, #tpu.memory_space<vmem>>, vector<16xf32>,
              %add3A_480 = arith.addf %add3A_456, %get3A_479 : vector<16xf32>
              %add3A_481 = arith.constant 6 : i32
              %add3A_482 = arith.addi %mul3A_318, %add3A_481 : i32
              %get3A_483 = arith.index_cast %add3A_482 : i32 to index
              %get3A_484 = arith.constant 48 : index
              %get3A_485 = tpu.vector_load %arg9[%get3A_483, %get3A_484] {strides = array<i32>} : memref<448x64xf32, #tpu.memory_space<vmem>>, vector<16xf32>,
              %add3A_486 = arith.addf %add3A_462, %get3A_485 : vector<16xf32>
              %add3A_487 = arith.constant 7 : i32
              %add3A_488 = arith.addi %mul3A_318, %add3A_487 : i32
              %get3A_489 = arith.index_cast %add3A_488 : i32 to index
              %get3A_490 = arith.constant 0 : index
              %get3A_491 = tpu.vector_load %arg9[%get3A_489, %get3A_490] {strides = array<i32>} : memref<448x64xf32, #tpu.memory_space<vmem>>, vector<16xf32>,
              %add3A_492 = arith.addf %add3A_468, %get3A_491 : vector<16xf32>
              %add3A_493 = arith.constant 7 : i32
              %add3A_494 = arith.addi %mul3A_318, %add3A_493 : i32
              %get3A_495 = arith.index_cast %add3A_494 : i32 to index
              %get3A_496 = arith.constant 16 : index
              %get3A_497 = tpu.vector_load %arg9[%get3A_495, %get3A_496] {strides = array<i32>} : memref<448x64xf32, #tpu.memory_space<vmem>>, vector<16xf32>,
              %add3A_498 = arith.addf %add3A_474, %get3A_497 : vector<16xf32>
              %add3A_499 = arith.constant 7 : i32
              %add3A_500 = arith.addi %mul3A_318, %add3A_499 : i32
              %get3A_501 = arith.index_cast %add3A_500 : i32 to index
              %get3A_502 = arith.constant 32 : index
              %get3A_503 = tpu.vector_load %arg9[%get3A_501, %get3A_502] {strides = array<i32>} : memref<448x64xf32, #tpu.memory_space<vmem>>, vector<16xf32>,
              %add3A_504 = arith.addf %add3A_480, %get3A_503 : vector<16xf32>
              %add3A_505 = arith.constant 7 : i32
              %add3A_506 = arith.addi %mul3A_318, %add3A_505 : i32
              %get3A_507 = arith.index_cast %add3A_506 : i32 to index
              %get3A_508 = arith.constant 48 : index
              %get3A_509 = tpu.vector_load %arg9[%get3A_507, %get3A_508] {strides = array<i32>} : memref<448x64xf32, #tpu.memory_space<vmem>>, vector<16xf32>,
              %add3A_510 = arith.addf %add3A_486, %get3A_509 : vector<16xf32>
              scf.yield %add3A_492, %add3A_498, %add3A_504, %add3A_510 : vector<16xf32>, vector<16xf32>, vector<16xf32>, vector<16xf32>
            }
            %scan3A_292 = arith.constant 56 : i32
            %add3A_293 = arith.constant 16 : i32
            %add3A_294 = arith.addi %reduce_min3A_272, %add3A_293 : i32
            %broadcast_in_dim3A_295 = vector.broadcast %add3A_294 : i32 to vector<16xi32>
            %broadcast_in_dim3A_296 = arith.constant 4.480000e+02 : f32
            %broadcast_in_dim3A_297 = vector.broadcast %broadcast_in_dim3A_296 : f32 to vector<16xf32>
            %add3A_298 = arith.constant 0 : i32
            %add3A_299 = vector.broadcast %add3A_298 : i32 to vector<16xi32>
            %add3A_300 = arith.addi %add3A_299, %iota3A : vector<16xi32>
            tpu.vector_store_idx %arg12[%broadcast_in_dim3A_295, %add3A_300], %scan3A_291#0 {add = true} : memref<32x80xf32, #tpu.memory_space<vmem>>[vector<16xi32>, vector<16xi32>], vector<16xf32>,
            %add3A_301 = arith.constant 16 : i32
            %add3A_302 = vector.broadcast %add3A_301 : i32 to vector<16xi32>
            %add3A_303 = arith.addi %add3A_302, %iota3A : vector<16xi32>
            tpu.vector_store_idx %arg12[%broadcast_in_dim3A_295, %add3A_303], %scan3A_291#1 {add = true} : memref<32x80xf32, #tpu.memory_space<vmem>>[vector<16xi32>, vector<16xi32>], vector<16xf32>,
            %add3A_304 = arith.constant 32 : i32
            %add3A_305 = vector.broadcast %add3A_304 : i32 to vector<16xi32>
            %add3A_306 = arith.addi %add3A_305, %iota3A : vector<16xi32>
            tpu.vector_store_idx %arg12[%broadcast_in_dim3A_295, %add3A_306], %scan3A_291#2 {add = true} : memref<32x80xf32, #tpu.memory_space<vmem>>[vector<16xi32>, vector<16xi32>], vector<16xf32>,
            %add3A_307 = arith.constant 48 : i32
            %add3A_308 = vector.broadcast %add3A_307 : i32 to vector<16xi32>
            %add3A_309 = arith.addi %add3A_308, %iota3A : vector<16xi32>
            tpu.vector_store_idx %arg12[%broadcast_in_dim3A_295, %add3A_309], %scan3A_291#3 {add = true} : memref<32x80xf32, #tpu.memory_space<vmem>>[vector<16xi32>, vector<16xi32>], vector<16xf32>,
            %broadcast_in_dim3A_310 = arith.constant 64 : i32
            %broadcast_in_dim3A_311 = vector.broadcast %broadcast_in_dim3A_310 : i32 to vector<16xi32>
            tpu.vector_store_idx %arg12[%broadcast_in_dim3A_295, %broadcast_in_dim3A_311], %broadcast_in_dim3A_297 masked %eq3A_5 {add = true} : memref<32x80xf32, #tpu.memory_space<vmem>>[vector<16xi32>, vector<16xi32>], vector<16xf32>, vector<16xi1>
          } else {
            %jit3A_287 = arith.constant 8 : i32
            %div3A_288 = arith.divsi %sub3A, %jit3A_287 : i32
            %sign3A = arith.constant 0 : i32
            %sign3A_289 = arith.cmpi sgt, %sub3A, %sign3A : i32
            %sign3A_290 = arith.extui %sign3A_289 : i1 to i32
            %sign3A_291 = arith.constant 0 : i32
            %sign3A_292 = arith.cmpi slt, %sub3A, %sign3A_291 : i32
            %sign3A_293 = arith.extui %sign3A_292 : i1 to i32
            %sign3A_294 = arith.subi %sign3A_290, %sign3A_293 : i32
            %sign3A_295 = arith.constant 0 : i32
            %sign3A_296 = arith.cmpi sgt, %jit3A_287, %sign3A_295 : i32
            %sign3A_297 = arith.extui %sign3A_296 : i1 to i32
            %sign3A_298 = arith.constant 0 : i32
            %sign3A_299 = arith.cmpi slt, %jit3A_287, %sign3A_298 : i32
            %sign3A_300 = arith.extui %sign3A_299 : i1 to i32
            %sign3A_301 = arith.subi %sign3A_297, %sign3A_300 : i32
            %ne3A_302 = arith.cmpi ne, %sign3A_294, %sign3A_301 : i32
            %rem3A_303 = arith.remsi %sub3A, %jit3A_287 : i32
            %ne3A_304 = arith.constant 0 : i32
            %ne3A_305 = arith.cmpi ne, %rem3A_303, %ne3A_304 : i32
            %and3A_306 = arith.andi %ne3A_302, %ne3A_305 : i1
            %sub3A_307 = arith.constant 1 : i32
            %sub3A_308 = arith.subi %div3A_288, %sub3A_307 : i32
            %select_n3A_309 = arith.select %and3A_306, %sub3A_308, %div3A_288 : i32
            %while3A = arith.constant 0 : i32
            %while3A_310 = arith.constant 56 : i32
            %while3A_311 = arith.subi %while3A_310, %select_n3A_309 : i32
            %while3A_312 = arith.addi %select_n3A_309, %while3A_311 : i32
            %while3A_313 = arith.constant 1 : i32
            %while3A_314 = arith.divsi %while3A_311, %while3A_313 : i32
            %while3A_315 = arith.muli %while3A_314, %while3A_313 : i32
            %while3A_316 = arith.addi %select_n3A_309, %while3A_315 : i32
            %while3A_317 = arith.constant 1 : i32
            scf.for %while3A_319 = %select_n3A_309 to %while3A_316 step %while3A_317  : i32 {
              %mul3A_320 = arith.constant 8 : i32
              %mul3A_321 = arith.muli %while3A_319, %mul3A_320 : i32
              %get3A_322 = arith.index_cast %mul3A_321 : i32 to index
              %get3A_323 = tpu.vector_load %arg11[%get3A_322] {strides = array<i32>} : memref<464xi32, #tpu.memory_space<vmem>>, vector<16xi32>,
              %broadcast_in_dim3A_324 = arith.constant 1073741824 : i32
              %broadcast_in_dim3A_325 = vector.broadcast %broadcast_in_dim3A_324 : i32 to vector<16xi32>
              %broadcast_in_dim3A_326 = arith.constant -1073741824 : i32
              %broadcast_in_dim3A_327 = vector.broadcast %broadcast_in_dim3A_326 : i32 to vector<16xi32>
              %lt3A_328 = arith.constant 8 : i32
              %lt3A_329 = vector.broadcast %lt3A_328 : i32 to vector<16xi32>
              %lt3A_330 = arith.cmpi slt, %iota3A, %lt3A_329 : vector<16xi32>
              %select_n3A_331 = arith.select %lt3A_330, %get3A_323, %broadcast_in_dim3A_325 : vector<16xi1>, vector<16xi32>
              %reduce_min3A_332 = arith.constant true
              %reduce_min3A_333 = vector.broadcast %reduce_min3A_332 : i1 to vector<16xi1>
              %reduce_min3A_334 = arith.constant -2147483648 : i32
              %reduce_min3A_335 = vector.broadcast %reduce_min3A_334 : i32 to vector<16xi32>
              %reduce_min3A_336 = arith.xori %select_n3A_331, %reduce_min3A_335 : vector<16xi32>
              %reduce_min3A_337 = tpu.scan <min>, %reduce_min3A_336 masked %reduce_min3A_333 : vector<16xi32>, vector<16xi1> -> vector<16xi32>
              %reduce_min3A_338 = arith.xori %reduce_min3A_337, %reduce_min3A_335 : vector<16xi32>
              %reduce_min3A_339 = vector.extract %reduce_min3A_338[15] : i32 from vector<16xi32>
              %select_n3A_340 = arith.select %lt3A_330, %get3A_323, %broadcast_in_dim3A_327 : vector<16xi1>, vector<16xi32>
              %reduce_max3A_341 = arith.constant true
              %reduce_max3A_342 = vector.broadcast %reduce_max3A_341 : i1 to vector<16xi1>
              %reduce_max3A_343 = arith.constant -2147483648 : i32
              %reduce_max3A_344 = vector.broadcast %reduce_max3A_343 : i32 to vector<16xi32>
              %reduce_max3A_345 = arith.xori %select_n3A_340, %reduce_max3A_344 : vector<16xi32>
              %reduce_max3A_346 = tpu.scan <max>, %reduce_max3A_345 masked %reduce_max3A_342 : vector<16xi32>, vector<16xi1> -> vector<16xi32>
              %reduce_max3A_347 = arith.xori %reduce_max3A_346, %reduce_max3A_344 : vector<16xi32>
              %reduce_max3A_348 = vector.extract %reduce_max3A_347[15] : i32 from vector<16xi32>
              %eq3A_349 = arith.cmpi eq, %reduce_min3A_339, %reduce_max3A_348 : i32
              %ge3A = arith.cmpi sge, %mul3A_321, %sub3A : i32
              %and3A_350 = arith.andi %eq3A_349, %ge3A : i1
              %convert_element_type3A_351 = arith.extui %and3A_350 : i1 to i32
              %cond3A_352 = arith.constant 0 : i32
              %cond3A_353 = arith.cmpi ne, %convert_element_type3A_351, %cond3A_352 : i32
              scf.if %cond3A_353 {
                %add3A_354 = arith.constant 0 : i32
                %add3A_355 = arith.addi %mul3A_321, %add3A_354 : i32
                %get3A_356 = arith.index_cast %add3A_355 : i32 to index
                %get3A_357 = arith.constant 0 : index
                %get3A_358 = tpu.vector_load %arg9[%get3A_356, %get3A_357] {strides = array<i32>} : memref<448x64xf32, #tpu.memory_space<vmem>>, vector<16xf32>,
                %add3A_359 = arith.addf %broadcast_in_dim3A_3, %get3A_358 : vector<16xf32>
                %add3A_360 = arith.constant 0 : i32
                %add3A_361 = arith.addi %mul3A_321, %add3A_360 : i32
                %get3A_362 = arith.index_cast %add3A_361 : i32 to index
                %get3A_363 = arith.constant 16 : index
                %get3A_364 = tpu.vector_load %arg9[%get3A_362, %get3A_363] {strides = array<i32>} : memref<448x64xf32, #tpu.memory_space<vmem>>, vector<16xf32>,
                %add3A_365 = arith.addf %broadcast_in_dim3A_3, %get3A_364 : vector<16xf32>
                %add3A_366 = arith.constant 0 : i32
                %add3A_367 = arith.addi %mul3A_321, %add3A_366 : i32
                %get3A_368 = arith.index_cast %add3A_367 : i32 to index
                %get3A_369 = arith.constant 32 : index
                %get3A_370 = tpu.vector_load %arg9[%get3A_368, %get3A_369] {strides = array<i32>} : memref<448x64xf32, #tpu.memory_space<vmem>>, vector<16xf32>,
                %add3A_371 = arith.addf %broadcast_in_dim3A_3, %get3A_370 : vector<16xf32>
                %add3A_372 = arith.constant 0 : i32
                %add3A_373 = arith.addi %mul3A_321, %add3A_372 : i32
                %get3A_374 = arith.index_cast %add3A_373 : i32 to index
                %get3A_375 = arith.constant 48 : index
                %get3A_376 = tpu.vector_load %arg9[%get3A_374, %get3A_375] {strides = array<i32>} : memref<448x64xf32, #tpu.memory_space<vmem>>, vector<16xf32>,
                %add3A_377 = arith.addf %broadcast_in_dim3A_3, %get3A_376 : vector<16xf32>
                %add3A_378 = arith.constant 1 : i32
                %add3A_379 = arith.addi %mul3A_321, %add3A_378 : i32
                %get3A_380 = arith.index_cast %add3A_379 : i32 to index
                %get3A_381 = arith.constant 0 : index
                %get3A_382 = tpu.vector_load %arg9[%get3A_380, %get3A_381] {strides = array<i32>} : memref<448x64xf32, #tpu.memory_space<vmem>>, vector<16xf32>,
                %add3A_383 = arith.addf %add3A_359, %get3A_382 : vector<16xf32>
                %add3A_384 = arith.constant 1 : i32
                %add3A_385 = arith.addi %mul3A_321, %add3A_384 : i32
                %get3A_386 = arith.index_cast %add3A_385 : i32 to index
                %get3A_387 = arith.constant 16 : index
                %get3A_388 = tpu.vector_load %arg9[%get3A_386, %get3A_387] {strides = array<i32>} : memref<448x64xf32, #tpu.memory_space<vmem>>, vector<16xf32>,
                %add3A_389 = arith.addf %add3A_365, %get3A_388 : vector<16xf32>
                %add3A_390 = arith.constant 1 : i32
                %add3A_391 = arith.addi %mul3A_321, %add3A_390 : i32
                %get3A_392 = arith.index_cast %add3A_391 : i32 to index
                %get3A_393 = arith.constant 32 : index
                %get3A_394 = tpu.vector_load %arg9[%get3A_392, %get3A_393] {strides = array<i32>} : memref<448x64xf32, #tpu.memory_space<vmem>>, vector<16xf32>,
                %add3A_395 = arith.addf %add3A_371, %get3A_394 : vector<16xf32>
                %add3A_396 = arith.constant 1 : i32
                %add3A_397 = arith.addi %mul3A_321, %add3A_396 : i32
                %get3A_398 = arith.index_cast %add3A_397 : i32 to index
                %get3A_399 = arith.constant 48 : index
                %get3A_400 = tpu.vector_load %arg9[%get3A_398, %get3A_399] {strides = array<i32>} : memref<448x64xf32, #tpu.memory_space<vmem>>, vector<16xf32>,
                %add3A_401 = arith.addf %add3A_377, %get3A_400 : vector<16xf32>
                %add3A_402 = arith.constant 2 : i32
                %add3A_403 = arith.addi %mul3A_321, %add3A_402 : i32
                %get3A_404 = arith.index_cast %add3A_403 : i32 to index
                %get3A_405 = arith.constant 0 : index
                %get3A_406 = tpu.vector_load %arg9[%get3A_404, %get3A_405] {strides = array<i32>} : memref<448x64xf32, #tpu.memory_space<vmem>>, vector<16xf32>,
                %add3A_407 = arith.addf %add3A_383, %get3A_406 : vector<16xf32>
                %add3A_408 = arith.constant 2 : i32
                %add3A_409 = arith.addi %mul3A_321, %add3A_408 : i32
                %get3A_410 = arith.index_cast %add3A_409 : i32 to index
                %get3A_411 = arith.constant 16 : index
                %get3A_412 = tpu.vector_load %arg9[%get3A_410, %get3A_411] {strides = array<i32>} : memref<448x64xf32, #tpu.memory_space<vmem>>, vector<16xf32>,
                %add3A_413 = arith.addf %add3A_389, %get3A_412 : vector<16xf32>
                %add3A_414 = arith.constant 2 : i32
                %add3A_415 = arith.addi %mul3A_321, %add3A_414 : i32
                %get3A_416 = arith.index_cast %add3A_415 : i32 to index
                %get3A_417 = arith.constant 32 : index
                %get3A_418 = tpu.vector_load %arg9[%get3A_416, %get3A_417] {strides = array<i32>} : memref<448x64xf32, #tpu.memory_space<vmem>>, vector<16xf32>,
                %add3A_419 = arith.addf %add3A_395, %get3A_418 : vector<16xf32>
                %add3A_420 = arith.constant 2 : i32
                %add3A_421 = arith.addi %mul3A_321, %add3A_420 : i32
                %get3A_422 = arith.index_cast %add3A_421 : i32 to index
                %get3A_423 = arith.constant 48 : index
                %get3A_424 = tpu.vector_load %arg9[%get3A_422, %get3A_423] {strides = array<i32>} : memref<448x64xf32, #tpu.memory_space<vmem>>, vector<16xf32>,
                %add3A_425 = arith.addf %add3A_401, %get3A_424 : vector<16xf32>
                %add3A_426 = arith.constant 3 : i32
                %add3A_427 = arith.addi %mul3A_321, %add3A_426 : i32
                %get3A_428 = arith.index_cast %add3A_427 : i32 to index
                %get3A_429 = arith.constant 0 : index
                %get3A_430 = tpu.vector_load %arg9[%get3A_428, %get3A_429] {strides = array<i32>} : memref<448x64xf32, #tpu.memory_space<vmem>>, vector<16xf32>,
                %add3A_431 = arith.addf %add3A_407, %get3A_430 : vector<16xf32>
                %add3A_432 = arith.constant 3 : i32
                %add3A_433 = arith.addi %mul3A_321, %add3A_432 : i32
                %get3A_434 = arith.index_cast %add3A_433 : i32 to index
                %get3A_435 = arith.constant 16 : index
                %get3A_436 = tpu.vector_load %arg9[%get3A_434, %get3A_435] {strides = array<i32>} : memref<448x64xf32, #tpu.memory_space<vmem>>, vector<16xf32>,
                %add3A_437 = arith.addf %add3A_413, %get3A_436 : vector<16xf32>
                %add3A_438 = arith.constant 3 : i32
                %add3A_439 = arith.addi %mul3A_321, %add3A_438 : i32
                %get3A_440 = arith.index_cast %add3A_439 : i32 to index
                %get3A_441 = arith.constant 32 : index
                %get3A_442 = tpu.vector_load %arg9[%get3A_440, %get3A_441] {strides = array<i32>} : memref<448x64xf32, #tpu.memory_space<vmem>>, vector<16xf32>,
                %add3A_443 = arith.addf %add3A_419, %get3A_442 : vector<16xf32>
                %add3A_444 = arith.constant 3 : i32
                %add3A_445 = arith.addi %mul3A_321, %add3A_444 : i32
                %get3A_446 = arith.index_cast %add3A_445 : i32 to index
                %get3A_447 = arith.constant 48 : index
                %get3A_448 = tpu.vector_load %arg9[%get3A_446, %get3A_447] {strides = array<i32>} : memref<448x64xf32, #tpu.memory_space<vmem>>, vector<16xf32>,
                %add3A_449 = arith.addf %add3A_425, %get3A_448 : vector<16xf32>
                %add3A_450 = arith.constant 4 : i32
                %add3A_451 = arith.addi %mul3A_321, %add3A_450 : i32
                %get3A_452 = arith.index_cast %add3A_451 : i32 to index
                %get3A_453 = arith.constant 0 : index
                %get3A_454 = tpu.vector_load %arg9[%get3A_452, %get3A_453] {strides = array<i32>} : memref<448x64xf32, #tpu.memory_space<vmem>>, vector<16xf32>,
                %add3A_455 = arith.addf %add3A_431, %get3A_454 : vector<16xf32>
                %add3A_456 = arith.constant 4 : i32
                %add3A_457 = arith.addi %mul3A_321, %add3A_456 : i32
                %get3A_458 = arith.index_cast %add3A_457 : i32 to index
                %get3A_459 = arith.constant 16 : index
                %get3A_460 = tpu.vector_load %arg9[%get3A_458, %get3A_459] {strides = array<i32>} : memref<448x64xf32, #tpu.memory_space<vmem>>, vector<16xf32>,
                %add3A_461 = arith.addf %add3A_437, %get3A_460 : vector<16xf32>
                %add3A_462 = arith.constant 4 : i32
                %add3A_463 = arith.addi %mul3A_321, %add3A_462 : i32
                %get3A_464 = arith.index_cast %add3A_463 : i32 to index
                %get3A_465 = arith.constant 32 : index
                %get3A_466 = tpu.vector_load %arg9[%get3A_464, %get3A_465] {strides = array<i32>} : memref<448x64xf32, #tpu.memory_space<vmem>>, vector<16xf32>,
                %add3A_467 = arith.addf %add3A_443, %get3A_466 : vector<16xf32>
                %add3A_468 = arith.constant 4 : i32
                %add3A_469 = arith.addi %mul3A_321, %add3A_468 : i32
                %get3A_470 = arith.index_cast %add3A_469 : i32 to index
                %get3A_471 = arith.constant 48 : index
                %get3A_472 = tpu.vector_load %arg9[%get3A_470, %get3A_471] {strides = array<i32>} : memref<448x64xf32, #tpu.memory_space<vmem>>, vector<16xf32>,
                %add3A_473 = arith.addf %add3A_449, %get3A_472 : vector<16xf32>
                %add3A_474 = arith.constant 5 : i32
                %add3A_475 = arith.addi %mul3A_321, %add3A_474 : i32
                %get3A_476 = arith.index_cast %add3A_475 : i32 to index
                %get3A_477 = arith.constant 0 : index
                %get3A_478 = tpu.vector_load %arg9[%get3A_476, %get3A_477] {strides = array<i32>} : memref<448x64xf32, #tpu.memory_space<vmem>>, vector<16xf32>,
                %add3A_479 = arith.addf %add3A_455, %get3A_478 : vector<16xf32>
                %add3A_480 = arith.constant 5 : i32
                %add3A_481 = arith.addi %mul3A_321, %add3A_480 : i32
                %get3A_482 = arith.index_cast %add3A_481 : i32 to index
                %get3A_483 = arith.constant 16 : index
                %get3A_484 = tpu.vector_load %arg9[%get3A_482, %get3A_483] {strides = array<i32>} : memref<448x64xf32, #tpu.memory_space<vmem>>, vector<16xf32>,
                %add3A_485 = arith.addf %add3A_461, %get3A_484 : vector<16xf32>
                %add3A_486 = arith.constant 5 : i32
                %add3A_487 = arith.addi %mul3A_321, %add3A_486 : i32
                %get3A_488 = arith.index_cast %add3A_487 : i32 to index
                %get3A_489 = arith.constant 32 : index
                %get3A_490 = tpu.vector_load %arg9[%get3A_488, %get3A_489] {strides = array<i32>} : memref<448x64xf32, #tpu.memory_space<vmem>>, vector<16xf32>,
                %add3A_491 = arith.addf %add3A_467, %get3A_490 : vector<16xf32>
                %add3A_492 = arith.constant 5 : i32
                %add3A_493 = arith.addi %mul3A_321, %add3A_492 : i32
                %get3A_494 = arith.index_cast %add3A_493 : i32 to index
                %get3A_495 = arith.constant 48 : index
                %get3A_496 = tpu.vector_load %arg9[%get3A_494, %get3A_495] {strides = array<i32>} : memref<448x64xf32, #tpu.memory_space<vmem>>, vector<16xf32>,
                %add3A_497 = arith.addf %add3A_473, %get3A_496 : vector<16xf32>
                %add3A_498 = arith.constant 6 : i32
                %add3A_499 = arith.addi %mul3A_321, %add3A_498 : i32
                %get3A_500 = arith.index_cast %add3A_499 : i32 to index
                %get3A_501 = arith.constant 0 : index
                %get3A_502 = tpu.vector_load %arg9[%get3A_500, %get3A_501] {strides = array<i32>} : memref<448x64xf32, #tpu.memory_space<vmem>>, vector<16xf32>,
                %add3A_503 = arith.addf %add3A_479, %get3A_502 : vector<16xf32>
                %add3A_504 = arith.constant 6 : i32
                %add3A_505 = arith.addi %mul3A_321, %add3A_504 : i32
                %get3A_506 = arith.index_cast %add3A_505 : i32 to index
                %get3A_507 = arith.constant 16 : index
                %get3A_508 = tpu.vector_load %arg9[%get3A_506, %get3A_507] {strides = array<i32>} : memref<448x64xf32, #tpu.memory_space<vmem>>, vector<16xf32>,
                %add3A_509 = arith.addf %add3A_485, %get3A_508 : vector<16xf32>
                %add3A_510 = arith.constant 6 : i32
                %add3A_511 = arith.addi %mul3A_321, %add3A_510 : i32
                %get3A_512 = arith.index_cast %add3A_511 : i32 to index
                %get3A_513 = arith.constant 32 : index
                %get3A_514 = tpu.vector_load %arg9[%get3A_512, %get3A_513] {strides = array<i32>} : memref<448x64xf32, #tpu.memory_space<vmem>>, vector<16xf32>,
                %add3A_515 = arith.addf %add3A_491, %get3A_514 : vector<16xf32>
                %add3A_516 = arith.constant 6 : i32
                %add3A_517 = arith.addi %mul3A_321, %add3A_516 : i32
                %get3A_518 = arith.index_cast %add3A_517 : i32 to index
                %get3A_519 = arith.constant 48 : index
                %get3A_520 = tpu.vector_load %arg9[%get3A_518, %get3A_519] {strides = array<i32>} : memref<448x64xf32, #tpu.memory_space<vmem>>, vector<16xf32>,
                %add3A_521 = arith.addf %add3A_497, %get3A_520 : vector<16xf32>
                %add3A_522 = arith.constant 7 : i32
                %add3A_523 = arith.addi %mul3A_321, %add3A_522 : i32
                %get3A_524 = arith.index_cast %add3A_523 : i32 to index
                %get3A_525 = arith.constant 0 : index
                %get3A_526 = tpu.vector_load %arg9[%get3A_524, %get3A_525] {strides = array<i32>} : memref<448x64xf32, #tpu.memory_space<vmem>>, vector<16xf32>,
                %add3A_527 = arith.addf %add3A_503, %get3A_526 : vector<16xf32>
                %add3A_528 = arith.constant 7 : i32
                %add3A_529 = arith.addi %mul3A_321, %add3A_528 : i32
                %get3A_530 = arith.index_cast %add3A_529 : i32 to index
                %get3A_531 = arith.constant 16 : index
                %get3A_532 = tpu.vector_load %arg9[%get3A_530, %get3A_531] {strides = array<i32>} : memref<448x64xf32, #tpu.memory_space<vmem>>, vector<16xf32>,
                %add3A_533 = arith.addf %add3A_509, %get3A_532 : vector<16xf32>
                %add3A_534 = arith.constant 7 : i32
                %add3A_535 = arith.addi %mul3A_321, %add3A_534 : i32
                %get3A_536 = arith.index_cast %add3A_535 : i32 to index
                %get3A_537 = arith.constant 32 : index
                %get3A_538 = tpu.vector_load %arg9[%get3A_536, %get3A_537] {strides = array<i32>} : memref<448x64xf32, #tpu.memory_space<vmem>>, vector<16xf32>,
                %add3A_539 = arith.addf %add3A_515, %get3A_538 : vector<16xf32>
                %add3A_540 = arith.constant 7 : i32
                %add3A_541 = arith.addi %mul3A_321, %add3A_540 : i32
                %get3A_542 = arith.index_cast %add3A_541 : i32 to index
                %get3A_543 = arith.constant 48 : index
                %get3A_544 = tpu.vector_load %arg9[%get3A_542, %get3A_543] {strides = array<i32>} : memref<448x64xf32, #tpu.memory_space<vmem>>, vector<16xf32>,
                %add3A_545 = arith.addf %add3A_521, %get3A_544 : vector<16xf32>
                %add3A_546 = arith.constant 16 : i32
                %add3A_547 = arith.addi %reduce_min3A_339, %add3A_546 : i32
                %broadcast_in_dim3A_548 = vector.broadcast %add3A_547 : i32 to vector<16xi32>
                %broadcast_in_dim3A_549 = arith.constant 8.000000e+00 : f32
                %broadcast_in_dim3A_550 = vector.broadcast %broadcast_in_dim3A_549 : f32 to vector<16xf32>
                %add3A_551 = arith.constant 0 : i32
                %add3A_552 = vector.broadcast %add3A_551 : i32 to vector<16xi32>
                %add3A_553 = arith.addi %add3A_552, %iota3A : vector<16xi32>
                tpu.vector_store_idx %arg12[%broadcast_in_dim3A_548, %add3A_553], %add3A_527 {add = true} : memref<32x80xf32, #tpu.memory_space<vmem>>[vector<16xi32>, vector<16xi32>], vector<16xf32>,
                %add3A_554 = arith.constant 16 : i32
                %add3A_555 = vector.broadcast %add3A_554 : i32 to vector<16xi32>
                %add3A_556 = arith.addi %add3A_555, %iota3A : vector<16xi32>
                tpu.vector_store_idx %arg12[%broadcast_in_dim3A_548, %add3A_556], %add3A_533 {add = true} : memref<32x80xf32, #tpu.memory_space<vmem>>[vector<16xi32>, vector<16xi32>], vector<16xf32>,
                %add3A_557 = arith.constant 32 : i32
                %add3A_558 = vector.broadcast %add3A_557 : i32 to vector<16xi32>
                %add3A_559 = arith.addi %add3A_558, %iota3A : vector<16xi32>
                tpu.vector_store_idx %arg12[%broadcast_in_dim3A_548, %add3A_559], %add3A_539 {add = true} : memref<32x80xf32, #tpu.memory_space<vmem>>[vector<16xi32>, vector<16xi32>], vector<16xf32>,
                %add3A_560 = arith.constant 48 : i32
                %add3A_561 = vector.broadcast %add3A_560 : i32 to vector<16xi32>
                %add3A_562 = arith.addi %add3A_561, %iota3A : vector<16xi32>
                tpu.vector_store_idx %arg12[%broadcast_in_dim3A_548, %add3A_562], %add3A_545 {add = true} : memref<32x80xf32, #tpu.memory_space<vmem>>[vector<16xi32>, vector<16xi32>], vector<16xf32>,
                %broadcast_in_dim3A_563 = arith.constant 64 : i32
                %broadcast_in_dim3A_564 = vector.broadcast %broadcast_in_dim3A_563 : i32 to vector<16xi32>
                tpu.vector_store_idx %arg12[%broadcast_in_dim3A_548, %broadcast_in_dim3A_564], %broadcast_in_dim3A_550 masked %eq3A_5 {add = true} : memref<32x80xf32, #tpu.memory_space<vmem>>[vector<16xi32>, vector<16xi32>], vector<16xf32>, vector<16xi1>
              } else {
                %max3A_354 = arith.maxsi %sub3A, %mul3A_321 : i32
                %add3A_355 = arith.constant 8 : i32
                %add3A_356 = arith.addi %mul3A_321, %add3A_355 : i32
                %while3A_357 = arith.constant 0 : i32
                %while3A_358 = arith.subi %add3A_356, %max3A_354 : i32
                %while3A_359 = arith.addi %max3A_354, %while3A_358 : i32
                %while3A_360 = arith.constant 1 : i32
                %while3A_361 = arith.divsi %while3A_358, %while3A_360 : i32
                %while3A_362 = arith.muli %while3A_361, %while3A_360 : i32
                %while3A_363 = arith.addi %max3A_354, %while3A_362 : i32
                %while3A_364 = arith.constant 1 : i32
                scf.for %while3A_366 = %max3A_354 to %while3A_363 step %while3A_364  : i32 {
                  %broadcast_in_dim3A_367 = vector.broadcast %while3A_366 : i32 to vector<16xi32>
                  %gather3A_368 = tpu.vector_load_idx %arg11[%broadcast_in_dim3A_367] : memref<464xi32, #tpu.memory_space<vmem>>[vector<16xi32>], vector<16xi32>,
                  %add3A_369 = arith.constant 16 : i32
                  %add3A_370 = vector.broadcast %add3A_369 : i32 to vector<16xi32>
                  %add3A_371 = arith.addi %gather3A_368, %add3A_370 : vector<16xi32>
                  %get3A_372 = arith.index_cast %while3A_366 : i32 to index
                  %get3A_373 = arith.constant 0 : index
                  %get3A_374 = tpu.vector_load %arg9[%get3A_372, %get3A_373] {strides = array<i32>} : memref<448x64xf32, #tpu.memory_space<vmem>>, vector<16xf32>,
                  %add3A_375 = arith.constant 0 : i32
                  %add3A_376 = vector.broadcast %add3A_375 : i32 to vector<16xi32>
                  %add3A_377 = arith.addi %add3A_376, %iota3A : vector<16xi32>
                  tpu.vector_store_idx %arg12[%add3A_371, %add3A_377], %get3A_374 {add = true} : memref<32x80xf32, #tpu.memory_space<vmem>>[vector<16xi32>, vector<16xi32>], vector<16xf32>,
                  %get3A_378 = arith.index_cast %while3A_366 : i32 to index
                  %get3A_379 = arith.constant 16 : index
                  %get3A_380 = tpu.vector_load %arg9[%get3A_378, %get3A_379] {strides = array<i32>} : memref<448x64xf32, #tpu.memory_space<vmem>>, vector<16xf32>,
                  %add3A_381 = arith.constant 16 : i32
                  %add3A_382 = vector.broadcast %add3A_381 : i32 to vector<16xi32>
                  %add3A_383 = arith.addi %add3A_382, %iota3A : vector<16xi32>
                  tpu.vector_store_idx %arg12[%add3A_371, %add3A_383], %get3A_380 {add = true} : memref<32x80xf32, #tpu.memory_space<vmem>>[vector<16xi32>, vector<16xi32>], vector<16xf32>,
                  %get3A_384 = arith.index_cast %while3A_366 : i32 to index
                  %get3A_385 = arith.constant 32 : index
                  %get3A_386 = tpu.vector_load %arg9[%get3A_384, %get3A_385] {strides = array<i32>} : memref<448x64xf32, #tpu.memory_space<vmem>>, vector<16xf32>,
                  %add3A_387 = arith.constant 32 : i32
                  %add3A_388 = vector.broadcast %add3A_387 : i32 to vector<16xi32>
                  %add3A_389 = arith.addi %add3A_388, %iota3A : vector<16xi32>
                  tpu.vector_store_idx %arg12[%add3A_371, %add3A_389], %get3A_386 {add = true} : memref<32x80xf32, #tpu.memory_space<vmem>>[vector<16xi32>, vector<16xi32>], vector<16xf32>,
                  %get3A_390 = arith.index_cast %while3A_366 : i32 to index
                  %get3A_391 = arith.constant 48 : index
                  %get3A_392 = tpu.vector_load %arg9[%get3A_390, %get3A_391] {strides = array<i32>} : memref<448x64xf32, #tpu.memory_space<vmem>>, vector<16xf32>,
                  %add3A_393 = arith.constant 48 : i32
                  %add3A_394 = vector.broadcast %add3A_393 : i32 to vector<16xi32>
                  %add3A_395 = arith.addi %add3A_394, %iota3A : vector<16xi32>
                  tpu.vector_store_idx %arg12[%add3A_371, %add3A_395], %get3A_392 {add = true} : memref<32x80xf32, #tpu.memory_space<vmem>>[vector<16xi32>, vector<16xi32>], vector<16xf32>,
                  %broadcast_in_dim3A_396 = arith.constant 64 : i32
                  %broadcast_in_dim3A_397 = vector.broadcast %broadcast_in_dim3A_396 : i32 to vector<16xi32>
                  tpu.vector_store_idx %arg12[%add3A_371, %broadcast_in_dim3A_397], %broadcast_in_dim3A_1 masked %eq3A_5 {add = true} : memref<32x80xf32, #tpu.memory_space<vmem>>[vector<16xi32>, vector<16xi32>], vector<16xf32>, vector<16xi1>
                }
                %while3A_365 = arith.constant 1 : i32
                scf.for %while3A_366 = %while3A_363 to %while3A_359 step %while3A_365  : i32 {
                  %broadcast_in_dim3A_367 = vector.broadcast %while3A_366 : i32 to vector<16xi32>
                  %gather3A_368 = tpu.vector_load_idx %arg11[%broadcast_in_dim3A_367] : memref<464xi32, #tpu.memory_space<vmem>>[vector<16xi32>], vector<16xi32>,
                  %add3A_369 = arith.constant 16 : i32
                  %add3A_370 = vector.broadcast %add3A_369 : i32 to vector<16xi32>
                  %add3A_371 = arith.addi %gather3A_368, %add3A_370 : vector<16xi32>
                  %get3A_372 = arith.index_cast %while3A_366 : i32 to index
                  %get3A_373 = arith.constant 0 : index
                  %get3A_374 = tpu.vector_load %arg9[%get3A_372, %get3A_373] {strides = array<i32>} : memref<448x64xf32, #tpu.memory_space<vmem>>, vector<16xf32>,
                  %add3A_375 = arith.constant 0 : i32
                  %add3A_376 = vector.broadcast %add3A_375 : i32 to vector<16xi32>
                  %add3A_377 = arith.addi %add3A_376, %iota3A : vector<16xi32>
                  tpu.vector_store_idx %arg12[%add3A_371, %add3A_377], %get3A_374 {add = true} : memref<32x80xf32, #tpu.memory_space<vmem>>[vector<16xi32>, vector<16xi32>], vector<16xf32>,
                  %get3A_378 = arith.index_cast %while3A_366 : i32 to index
                  %get3A_379 = arith.constant 16 : index
                  %get3A_380 = tpu.vector_load %arg9[%get3A_378, %get3A_379] {strides = array<i32>} : memref<448x64xf32, #tpu.memory_space<vmem>>, vector<16xf32>,
                  %add3A_381 = arith.constant 16 : i32
                  %add3A_382 = vector.broadcast %add3A_381 : i32 to vector<16xi32>
                  %add3A_383 = arith.addi %add3A_382, %iota3A : vector<16xi32>
                  tpu.vector_store_idx %arg12[%add3A_371, %add3A_383], %get3A_380 {add = true} : memref<32x80xf32, #tpu.memory_space<vmem>>[vector<16xi32>, vector<16xi32>], vector<16xf32>,
                  %get3A_384 = arith.index_cast %while3A_366 : i32 to index
                  %get3A_385 = arith.constant 32 : index
                  %get3A_386 = tpu.vector_load %arg9[%get3A_384, %get3A_385] {strides = array<i32>} : memref<448x64xf32, #tpu.memory_space<vmem>>, vector<16xf32>,
                  %add3A_387 = arith.constant 32 : i32
                  %add3A_388 = vector.broadcast %add3A_387 : i32 to vector<16xi32>
                  %add3A_389 = arith.addi %add3A_388, %iota3A : vector<16xi32>
                  tpu.vector_store_idx %arg12[%add3A_371, %add3A_389], %get3A_386 {add = true} : memref<32x80xf32, #tpu.memory_space<vmem>>[vector<16xi32>, vector<16xi32>], vector<16xf32>,
                  %get3A_390 = arith.index_cast %while3A_366 : i32 to index
                  %get3A_391 = arith.constant 48 : index
                  %get3A_392 = tpu.vector_load %arg9[%get3A_390, %get3A_391] {strides = array<i32>} : memref<448x64xf32, #tpu.memory_space<vmem>>, vector<16xf32>,
                  %add3A_393 = arith.constant 48 : i32
                  %add3A_394 = vector.broadcast %add3A_393 : i32 to vector<16xi32>
                  %add3A_395 = arith.addi %add3A_394, %iota3A : vector<16xi32>
                  tpu.vector_store_idx %arg12[%add3A_371, %add3A_395], %get3A_392 {add = true} : memref<32x80xf32, #tpu.memory_space<vmem>>[vector<16xi32>, vector<16xi32>], vector<16xf32>,
                  %broadcast_in_dim3A_396 = arith.constant 64 : i32
                  %broadcast_in_dim3A_397 = vector.broadcast %broadcast_in_dim3A_396 : i32 to vector<16xi32>
                  tpu.vector_store_idx %arg12[%add3A_371, %broadcast_in_dim3A_397], %broadcast_in_dim3A_1 masked %eq3A_5 {add = true} : memref<32x80xf32, #tpu.memory_space<vmem>>[vector<16xi32>, vector<16xi32>], vector<16xf32>, vector<16xi1>
                }
              }
            }
            %while3A_318 = arith.constant 1 : i32
            scf.for %while3A_319 = %while3A_316 to %while3A_312 step %while3A_318  : i32 {
              %mul3A_320 = arith.constant 8 : i32
              %mul3A_321 = arith.muli %while3A_319, %mul3A_320 : i32
              %get3A_322 = arith.index_cast %mul3A_321 : i32 to index
              %get3A_323 = tpu.vector_load %arg11[%get3A_322] {strides = array<i32>} : memref<464xi32, #tpu.memory_space<vmem>>, vector<16xi32>,
              %broadcast_in_dim3A_324 = arith.constant 1073741824 : i32
              %broadcast_in_dim3A_325 = vector.broadcast %broadcast_in_dim3A_324 : i32 to vector<16xi32>
              %broadcast_in_dim3A_326 = arith.constant -1073741824 : i32
              %broadcast_in_dim3A_327 = vector.broadcast %broadcast_in_dim3A_326 : i32 to vector<16xi32>
              %lt3A_328 = arith.constant 8 : i32
              %lt3A_329 = vector.broadcast %lt3A_328 : i32 to vector<16xi32>
              %lt3A_330 = arith.cmpi slt, %iota3A, %lt3A_329 : vector<16xi32>
              %select_n3A_331 = arith.select %lt3A_330, %get3A_323, %broadcast_in_dim3A_325 : vector<16xi1>, vector<16xi32>
              %reduce_min3A_332 = arith.constant true
              %reduce_min3A_333 = vector.broadcast %reduce_min3A_332 : i1 to vector<16xi1>
              %reduce_min3A_334 = arith.constant -2147483648 : i32
              %reduce_min3A_335 = vector.broadcast %reduce_min3A_334 : i32 to vector<16xi32>
              %reduce_min3A_336 = arith.xori %select_n3A_331, %reduce_min3A_335 : vector<16xi32>
              %reduce_min3A_337 = tpu.scan <min>, %reduce_min3A_336 masked %reduce_min3A_333 : vector<16xi32>, vector<16xi1> -> vector<16xi32>
              %reduce_min3A_338 = arith.xori %reduce_min3A_337, %reduce_min3A_335 : vector<16xi32>
              %reduce_min3A_339 = vector.extract %reduce_min3A_338[15] : i32 from vector<16xi32>
              %select_n3A_340 = arith.select %lt3A_330, %get3A_323, %broadcast_in_dim3A_327 : vector<16xi1>, vector<16xi32>
              %reduce_max3A_341 = arith.constant true
              %reduce_max3A_342 = vector.broadcast %reduce_max3A_341 : i1 to vector<16xi1>
              %reduce_max3A_343 = arith.constant -2147483648 : i32
              %reduce_max3A_344 = vector.broadcast %reduce_max3A_343 : i32 to vector<16xi32>
              %reduce_max3A_345 = arith.xori %select_n3A_340, %reduce_max3A_344 : vector<16xi32>
              %reduce_max3A_346 = tpu.scan <max>, %reduce_max3A_345 masked %reduce_max3A_342 : vector<16xi32>, vector<16xi1> -> vector<16xi32>
              %reduce_max3A_347 = arith.xori %reduce_max3A_346, %reduce_max3A_344 : vector<16xi32>
              %reduce_max3A_348 = vector.extract %reduce_max3A_347[15] : i32 from vector<16xi32>
              %eq3A_349 = arith.cmpi eq, %reduce_min3A_339, %reduce_max3A_348 : i32
              %ge3A = arith.cmpi sge, %mul3A_321, %sub3A : i32
              %and3A_350 = arith.andi %eq3A_349, %ge3A : i1
              %convert_element_type3A_351 = arith.extui %and3A_350 : i1 to i32
              %cond3A_352 = arith.constant 0 : i32
              %cond3A_353 = arith.cmpi ne, %convert_element_type3A_351, %cond3A_352 : i32
              scf.if %cond3A_353 {
                %add3A_354 = arith.constant 0 : i32
                %add3A_355 = arith.addi %mul3A_321, %add3A_354 : i32
                %get3A_356 = arith.index_cast %add3A_355 : i32 to index
                %get3A_357 = arith.constant 0 : index
                %get3A_358 = tpu.vector_load %arg9[%get3A_356, %get3A_357] {strides = array<i32>} : memref<448x64xf32, #tpu.memory_space<vmem>>, vector<16xf32>,
                %add3A_359 = arith.addf %broadcast_in_dim3A_3, %get3A_358 : vector<16xf32>
                %add3A_360 = arith.constant 0 : i32
                %add3A_361 = arith.addi %mul3A_321, %add3A_360 : i32
                %get3A_362 = arith.index_cast %add3A_361 : i32 to index
                %get3A_363 = arith.constant 16 : index
                %get3A_364 = tpu.vector_load %arg9[%get3A_362, %get3A_363] {strides = array<i32>} : memref<448x64xf32, #tpu.memory_space<vmem>>, vector<16xf32>,
                %add3A_365 = arith.addf %broadcast_in_dim3A_3, %get3A_364 : vector<16xf32>
                %add3A_366 = arith.constant 0 : i32
                %add3A_367 = arith.addi %mul3A_321, %add3A_366 : i32
                %get3A_368 = arith.index_cast %add3A_367 : i32 to index
                %get3A_369 = arith.constant 32 : index
                %get3A_370 = tpu.vector_load %arg9[%get3A_368, %get3A_369] {strides = array<i32>} : memref<448x64xf32, #tpu.memory_space<vmem>>, vector<16xf32>,
                %add3A_371 = arith.addf %broadcast_in_dim3A_3, %get3A_370 : vector<16xf32>
                %add3A_372 = arith.constant 0 : i32
                %add3A_373 = arith.addi %mul3A_321, %add3A_372 : i32
                %get3A_374 = arith.index_cast %add3A_373 : i32 to index
                %get3A_375 = arith.constant 48 : index
                %get3A_376 = tpu.vector_load %arg9[%get3A_374, %get3A_375] {strides = array<i32>} : memref<448x64xf32, #tpu.memory_space<vmem>>, vector<16xf32>,
                %add3A_377 = arith.addf %broadcast_in_dim3A_3, %get3A_376 : vector<16xf32>
                %add3A_378 = arith.constant 1 : i32
                %add3A_379 = arith.addi %mul3A_321, %add3A_378 : i32
                %get3A_380 = arith.index_cast %add3A_379 : i32 to index
                %get3A_381 = arith.constant 0 : index
                %get3A_382 = tpu.vector_load %arg9[%get3A_380, %get3A_381] {strides = array<i32>} : memref<448x64xf32, #tpu.memory_space<vmem>>, vector<16xf32>,
                %add3A_383 = arith.addf %add3A_359, %get3A_382 : vector<16xf32>
                %add3A_384 = arith.constant 1 : i32
                %add3A_385 = arith.addi %mul3A_321, %add3A_384 : i32
                %get3A_386 = arith.index_cast %add3A_385 : i32 to index
                %get3A_387 = arith.constant 16 : index
                %get3A_388 = tpu.vector_load %arg9[%get3A_386, %get3A_387] {strides = array<i32>} : memref<448x64xf32, #tpu.memory_space<vmem>>, vector<16xf32>,
                %add3A_389 = arith.addf %add3A_365, %get3A_388 : vector<16xf32>
                %add3A_390 = arith.constant 1 : i32
                %add3A_391 = arith.addi %mul3A_321, %add3A_390 : i32
                %get3A_392 = arith.index_cast %add3A_391 : i32 to index
                %get3A_393 = arith.constant 32 : index
                %get3A_394 = tpu.vector_load %arg9[%get3A_392, %get3A_393] {strides = array<i32>} : memref<448x64xf32, #tpu.memory_space<vmem>>, vector<16xf32>,
                %add3A_395 = arith.addf %add3A_371, %get3A_394 : vector<16xf32>
                %add3A_396 = arith.constant 1 : i32
                %add3A_397 = arith.addi %mul3A_321, %add3A_396 : i32
                %get3A_398 = arith.index_cast %add3A_397 : i32 to index
                %get3A_399 = arith.constant 48 : index
                %get3A_400 = tpu.vector_load %arg9[%get3A_398, %get3A_399] {strides = array<i32>} : memref<448x64xf32, #tpu.memory_space<vmem>>, vector<16xf32>,
                %add3A_401 = arith.addf %add3A_377, %get3A_400 : vector<16xf32>
                %add3A_402 = arith.constant 2 : i32
                %add3A_403 = arith.addi %mul3A_321, %add3A_402 : i32
                %get3A_404 = arith.index_cast %add3A_403 : i32 to index
                %get3A_405 = arith.constant 0 : index
                %get3A_406 = tpu.vector_load %arg9[%get3A_404, %get3A_405] {strides = array<i32>} : memref<448x64xf32, #tpu.memory_space<vmem>>, vector<16xf32>,
                %add3A_407 = arith.addf %add3A_383, %get3A_406 : vector<16xf32>
                %add3A_408 = arith.constant 2 : i32
                %add3A_409 = arith.addi %mul3A_321, %add3A_408 : i32
                %get3A_410 = arith.index_cast %add3A_409 : i32 to index
                %get3A_411 = arith.constant 16 : index
                %get3A_412 = tpu.vector_load %arg9[%get3A_410, %get3A_411] {strides = array<i32>} : memref<448x64xf32, #tpu.memory_space<vmem>>, vector<16xf32>,
                %add3A_413 = arith.addf %add3A_389, %get3A_412 : vector<16xf32>
                %add3A_414 = arith.constant 2 : i32
                %add3A_415 = arith.addi %mul3A_321, %add3A_414 : i32
                %get3A_416 = arith.index_cast %add3A_415 : i32 to index
                %get3A_417 = arith.constant 32 : index
                %get3A_418 = tpu.vector_load %arg9[%get3A_416, %get3A_417] {strides = array<i32>} : memref<448x64xf32, #tpu.memory_space<vmem>>, vector<16xf32>,
                %add3A_419 = arith.addf %add3A_395, %get3A_418 : vector<16xf32>
                %add3A_420 = arith.constant 2 : i32
                %add3A_421 = arith.addi %mul3A_321, %add3A_420 : i32
                %get3A_422 = arith.index_cast %add3A_421 : i32 to index
                %get3A_423 = arith.constant 48 : index
                %get3A_424 = tpu.vector_load %arg9[%get3A_422, %get3A_423] {strides = array<i32>} : memref<448x64xf32, #tpu.memory_space<vmem>>, vector<16xf32>,
                %add3A_425 = arith.addf %add3A_401, %get3A_424 : vector<16xf32>
                %add3A_426 = arith.constant 3 : i32
                %add3A_427 = arith.addi %mul3A_321, %add3A_426 : i32
                %get3A_428 = arith.index_cast %add3A_427 : i32 to index
                %get3A_429 = arith.constant 0 : index
                %get3A_430 = tpu.vector_load %arg9[%get3A_428, %get3A_429] {strides = array<i32>} : memref<448x64xf32, #tpu.memory_space<vmem>>, vector<16xf32>,
                %add3A_431 = arith.addf %add3A_407, %get3A_430 : vector<16xf32>
                %add3A_432 = arith.constant 3 : i32
                %add3A_433 = arith.addi %mul3A_321, %add3A_432 : i32
                %get3A_434 = arith.index_cast %add3A_433 : i32 to index
                %get3A_435 = arith.constant 16 : index
                %get3A_436 = tpu.vector_load %arg9[%get3A_434, %get3A_435] {strides = array<i32>} : memref<448x64xf32, #tpu.memory_space<vmem>>, vector<16xf32>,
                %add3A_437 = arith.addf %add3A_413, %get3A_436 : vector<16xf32>
                %add3A_438 = arith.constant 3 : i32
                %add3A_439 = arith.addi %mul3A_321, %add3A_438 : i32
                %get3A_440 = arith.index_cast %add3A_439 : i32 to index
                %get3A_441 = arith.constant 32 : index
                %get3A_442 = tpu.vector_load %arg9[%get3A_440, %get3A_441] {strides = array<i32>} : memref<448x64xf32, #tpu.memory_space<vmem>>, vector<16xf32>,
                %add3A_443 = arith.addf %add3A_419, %get3A_442 : vector<16xf32>
                %add3A_444 = arith.constant 3 : i32
                %add3A_445 = arith.addi %mul3A_321, %add3A_444 : i32
                %get3A_446 = arith.index_cast %add3A_445 : i32 to index
                %get3A_447 = arith.constant 48 : index
                %get3A_448 = tpu.vector_load %arg9[%get3A_446, %get3A_447] {strides = array<i32>} : memref<448x64xf32, #tpu.memory_space<vmem>>, vector<16xf32>,
                %add3A_449 = arith.addf %add3A_425, %get3A_448 : vector<16xf32>
                %add3A_450 = arith.constant 4 : i32
                %add3A_451 = arith.addi %mul3A_321, %add3A_450 : i32
                %get3A_452 = arith.index_cast %add3A_451 : i32 to index
                %get3A_453 = arith.constant 0 : index
                %get3A_454 = tpu.vector_load %arg9[%get3A_452, %get3A_453] {strides = array<i32>} : memref<448x64xf32, #tpu.memory_space<vmem>>, vector<16xf32>,
                %add3A_455 = arith.addf %add3A_431, %get3A_454 : vector<16xf32>
                %add3A_456 = arith.constant 4 : i32
                %add3A_457 = arith.addi %mul3A_321, %add3A_456 : i32
                %get3A_458 = arith.index_cast %add3A_457 : i32 to index
                %get3A_459 = arith.constant 16 : index
                %get3A_460 = tpu.vector_load %arg9[%get3A_458, %get3A_459] {strides = array<i32>} : memref<448x64xf32, #tpu.memory_space<vmem>>, vector<16xf32>,
                %add3A_461 = arith.addf %add3A_437, %get3A_460 : vector<16xf32>
                %add3A_462 = arith.constant 4 : i32
                %add3A_463 = arith.addi %mul3A_321, %add3A_462 : i32
                %get3A_464 = arith.index_cast %add3A_463 : i32 to index
                %get3A_465 = arith.constant 32 : index
                %get3A_466 = tpu.vector_load %arg9[%get3A_464, %get3A_465] {strides = array<i32>} : memref<448x64xf32, #tpu.memory_space<vmem>>, vector<16xf32>,
                %add3A_467 = arith.addf %add3A_443, %get3A_466 : vector<16xf32>
                %add3A_468 = arith.constant 4 : i32
                %add3A_469 = arith.addi %mul3A_321, %add3A_468 : i32
                %get3A_470 = arith.index_cast %add3A_469 : i32 to index
                %get3A_471 = arith.constant 48 : index
                %get3A_472 = tpu.vector_load %arg9[%get3A_470, %get3A_471] {strides = array<i32>} : memref<448x64xf32, #tpu.memory_space<vmem>>, vector<16xf32>,
                %add3A_473 = arith.addf %add3A_449, %get3A_472 : vector<16xf32>
                %add3A_474 = arith.constant 5 : i32
                %add3A_475 = arith.addi %mul3A_321, %add3A_474 : i32
                %get3A_476 = arith.index_cast %add3A_475 : i32 to index
                %get3A_477 = arith.constant 0 : index
                %get3A_478 = tpu.vector_load %arg9[%get3A_476, %get3A_477] {strides = array<i32>} : memref<448x64xf32, #tpu.memory_space<vmem>>, vector<16xf32>,
                %add3A_479 = arith.addf %add3A_455, %get3A_478 : vector<16xf32>
                %add3A_480 = arith.constant 5 : i32
                %add3A_481 = arith.addi %mul3A_321, %add3A_480 : i32
                %get3A_482 = arith.index_cast %add3A_481 : i32 to index
                %get3A_483 = arith.constant 16 : index
                %get3A_484 = tpu.vector_load %arg9[%get3A_482, %get3A_483] {strides = array<i32>} : memref<448x64xf32, #tpu.memory_space<vmem>>, vector<16xf32>,
                %add3A_485 = arith.addf %add3A_461, %get3A_484 : vector<16xf32>
                %add3A_486 = arith.constant 5 : i32
                %add3A_487 = arith.addi %mul3A_321, %add3A_486 : i32
                %get3A_488 = arith.index_cast %add3A_487 : i32 to index
                %get3A_489 = arith.constant 32 : index
                %get3A_490 = tpu.vector_load %arg9[%get3A_488, %get3A_489] {strides = array<i32>} : memref<448x64xf32, #tpu.memory_space<vmem>>, vector<16xf32>,
                %add3A_491 = arith.addf %add3A_467, %get3A_490 : vector<16xf32>
                %add3A_492 = arith.constant 5 : i32
                %add3A_493 = arith.addi %mul3A_321, %add3A_492 : i32
                %get3A_494 = arith.index_cast %add3A_493 : i32 to index
                %get3A_495 = arith.constant 48 : index
                %get3A_496 = tpu.vector_load %arg9[%get3A_494, %get3A_495] {strides = array<i32>} : memref<448x64xf32, #tpu.memory_space<vmem>>, vector<16xf32>,
                %add3A_497 = arith.addf %add3A_473, %get3A_496 : vector<16xf32>
                %add3A_498 = arith.constant 6 : i32
                %add3A_499 = arith.addi %mul3A_321, %add3A_498 : i32
                %get3A_500 = arith.index_cast %add3A_499 : i32 to index
                %get3A_501 = arith.constant 0 : index
                %get3A_502 = tpu.vector_load %arg9[%get3A_500, %get3A_501] {strides = array<i32>} : memref<448x64xf32, #tpu.memory_space<vmem>>, vector<16xf32>,
                %add3A_503 = arith.addf %add3A_479, %get3A_502 : vector<16xf32>
                %add3A_504 = arith.constant 6 : i32
                %add3A_505 = arith.addi %mul3A_321, %add3A_504 : i32
                %get3A_506 = arith.index_cast %add3A_505 : i32 to index
                %get3A_507 = arith.constant 16 : index
                %get3A_508 = tpu.vector_load %arg9[%get3A_506, %get3A_507] {strides = array<i32>} : memref<448x64xf32, #tpu.memory_space<vmem>>, vector<16xf32>,
                %add3A_509 = arith.addf %add3A_485, %get3A_508 : vector<16xf32>
                %add3A_510 = arith.constant 6 : i32
                %add3A_511 = arith.addi %mul3A_321, %add3A_510 : i32
                %get3A_512 = arith.index_cast %add3A_511 : i32 to index
                %get3A_513 = arith.constant 32 : index
                %get3A_514 = tpu.vector_load %arg9[%get3A_512, %get3A_513] {strides = array<i32>} : memref<448x64xf32, #tpu.memory_space<vmem>>, vector<16xf32>,
                %add3A_515 = arith.addf %add3A_491, %get3A_514 : vector<16xf32>
                %add3A_516 = arith.constant 6 : i32
                %add3A_517 = arith.addi %mul3A_321, %add3A_516 : i32
                %get3A_518 = arith.index_cast %add3A_517 : i32 to index
                %get3A_519 = arith.constant 48 : index
                %get3A_520 = tpu.vector_load %arg9[%get3A_518, %get3A_519] {strides = array<i32>} : memref<448x64xf32, #tpu.memory_space<vmem>>, vector<16xf32>,
                %add3A_521 = arith.addf %add3A_497, %get3A_520 : vector<16xf32>
                %add3A_522 = arith.constant 7 : i32
                %add3A_523 = arith.addi %mul3A_321, %add3A_522 : i32
                %get3A_524 = arith.index_cast %add3A_523 : i32 to index
                %get3A_525 = arith.constant 0 : index
                %get3A_526 = tpu.vector_load %arg9[%get3A_524, %get3A_525] {strides = array<i32>} : memref<448x64xf32, #tpu.memory_space<vmem>>, vector<16xf32>,
                %add3A_527 = arith.addf %add3A_503, %get3A_526 : vector<16xf32>
                %add3A_528 = arith.constant 7 : i32
                %add3A_529 = arith.addi %mul3A_321, %add3A_528 : i32
                %get3A_530 = arith.index_cast %add3A_529 : i32 to index
                %get3A_531 = arith.constant 16 : index
                %get3A_532 = tpu.vector_load %arg9[%get3A_530, %get3A_531] {strides = array<i32>} : memref<448x64xf32, #tpu.memory_space<vmem>>, vector<16xf32>,
                %add3A_533 = arith.addf %add3A_509, %get3A_532 : vector<16xf32>
                %add3A_534 = arith.constant 7 : i32
                %add3A_535 = arith.addi %mul3A_321, %add3A_534 : i32
                %get3A_536 = arith.index_cast %add3A_535 : i32 to index
                %get3A_537 = arith.constant 32 : index
                %get3A_538 = tpu.vector_load %arg9[%get3A_536, %get3A_537] {strides = array<i32>} : memref<448x64xf32, #tpu.memory_space<vmem>>, vector<16xf32>,
                %add3A_539 = arith.addf %add3A_515, %get3A_538 : vector<16xf32>
                %add3A_540 = arith.constant 7 : i32
                %add3A_541 = arith.addi %mul3A_321, %add3A_540 : i32
                %get3A_542 = arith.index_cast %add3A_541 : i32 to index
                %get3A_543 = arith.constant 48 : index
                %get3A_544 = tpu.vector_load %arg9[%get3A_542, %get3A_543] {strides = array<i32>} : memref<448x64xf32, #tpu.memory_space<vmem>>, vector<16xf32>,
                %add3A_545 = arith.addf %add3A_521, %get3A_544 : vector<16xf32>
                %add3A_546 = arith.constant 16 : i32
                %add3A_547 = arith.addi %reduce_min3A_339, %add3A_546 : i32
                %broadcast_in_dim3A_548 = vector.broadcast %add3A_547 : i32 to vector<16xi32>
                %broadcast_in_dim3A_549 = arith.constant 8.000000e+00 : f32
                %broadcast_in_dim3A_550 = vector.broadcast %broadcast_in_dim3A_549 : f32 to vector<16xf32>
                %add3A_551 = arith.constant 0 : i32
                %add3A_552 = vector.broadcast %add3A_551 : i32 to vector<16xi32>
                %add3A_553 = arith.addi %add3A_552, %iota3A : vector<16xi32>
                tpu.vector_store_idx %arg12[%broadcast_in_dim3A_548, %add3A_553], %add3A_527 {add = true} : memref<32x80xf32, #tpu.memory_space<vmem>>[vector<16xi32>, vector<16xi32>], vector<16xf32>,
                %add3A_554 = arith.constant 16 : i32
                %add3A_555 = vector.broadcast %add3A_554 : i32 to vector<16xi32>
                %add3A_556 = arith.addi %add3A_555, %iota3A : vector<16xi32>
                tpu.vector_store_idx %arg12[%broadcast_in_dim3A_548, %add3A_556], %add3A_533 {add = true} : memref<32x80xf32, #tpu.memory_space<vmem>>[vector<16xi32>, vector<16xi32>], vector<16xf32>,
                %add3A_557 = arith.constant 32 : i32
                %add3A_558 = vector.broadcast %add3A_557 : i32 to vector<16xi32>
                %add3A_559 = arith.addi %add3A_558, %iota3A : vector<16xi32>
                tpu.vector_store_idx %arg12[%broadcast_in_dim3A_548, %add3A_559], %add3A_539 {add = true} : memref<32x80xf32, #tpu.memory_space<vmem>>[vector<16xi32>, vector<16xi32>], vector<16xf32>,
                %add3A_560 = arith.constant 48 : i32
                %add3A_561 = vector.broadcast %add3A_560 : i32 to vector<16xi32>
                %add3A_562 = arith.addi %add3A_561, %iota3A : vector<16xi32>
                tpu.vector_store_idx %arg12[%broadcast_in_dim3A_548, %add3A_562], %add3A_545 {add = true} : memref<32x80xf32, #tpu.memory_space<vmem>>[vector<16xi32>, vector<16xi32>], vector<16xf32>,
                %broadcast_in_dim3A_563 = arith.constant 64 : i32
                %broadcast_in_dim3A_564 = vector.broadcast %broadcast_in_dim3A_563 : i32 to vector<16xi32>
                tpu.vector_store_idx %arg12[%broadcast_in_dim3A_548, %broadcast_in_dim3A_564], %broadcast_in_dim3A_550 masked %eq3A_5 {add = true} : memref<32x80xf32, #tpu.memory_space<vmem>>[vector<16xi32>, vector<16xi32>], vector<16xf32>, vector<16xi1>
              } else {
                %max3A_354 = arith.maxsi %sub3A, %mul3A_321 : i32
                %add3A_355 = arith.constant 8 : i32
                %add3A_356 = arith.addi %mul3A_321, %add3A_355 : i32
                %while3A_357 = arith.constant 0 : i32
                %while3A_358 = arith.subi %add3A_356, %max3A_354 : i32
                %while3A_359 = arith.addi %max3A_354, %while3A_358 : i32
                %while3A_360 = arith.constant 1 : i32
                %while3A_361 = arith.divsi %while3A_358, %while3A_360 : i32
                %while3A_362 = arith.muli %while3A_361, %while3A_360 : i32
                %while3A_363 = arith.addi %max3A_354, %while3A_362 : i32
                %while3A_364 = arith.constant 1 : i32
                scf.for %while3A_366 = %max3A_354 to %while3A_363 step %while3A_364  : i32 {
                  %broadcast_in_dim3A_367 = vector.broadcast %while3A_366 : i32 to vector<16xi32>
                  %gather3A_368 = tpu.vector_load_idx %arg11[%broadcast_in_dim3A_367] : memref<464xi32, #tpu.memory_space<vmem>>[vector<16xi32>], vector<16xi32>,
                  %add3A_369 = arith.constant 16 : i32
                  %add3A_370 = vector.broadcast %add3A_369 : i32 to vector<16xi32>
                  %add3A_371 = arith.addi %gather3A_368, %add3A_370 : vector<16xi32>
                  %get3A_372 = arith.index_cast %while3A_366 : i32 to index
                  %get3A_373 = arith.constant 0 : index
                  %get3A_374 = tpu.vector_load %arg9[%get3A_372, %get3A_373] {strides = array<i32>} : memref<448x64xf32, #tpu.memory_space<vmem>>, vector<16xf32>,
                  %add3A_375 = arith.constant 0 : i32
                  %add3A_376 = vector.broadcast %add3A_375 : i32 to vector<16xi32>
                  %add3A_377 = arith.addi %add3A_376, %iota3A : vector<16xi32>
                  tpu.vector_store_idx %arg12[%add3A_371, %add3A_377], %get3A_374 {add = true} : memref<32x80xf32, #tpu.memory_space<vmem>>[vector<16xi32>, vector<16xi32>], vector<16xf32>,
                  %get3A_378 = arith.index_cast %while3A_366 : i32 to index
                  %get3A_379 = arith.constant 16 : index
                  %get3A_380 = tpu.vector_load %arg9[%get3A_378, %get3A_379] {strides = array<i32>} : memref<448x64xf32, #tpu.memory_space<vmem>>, vector<16xf32>,
                  %add3A_381 = arith.constant 16 : i32
                  %add3A_382 = vector.broadcast %add3A_381 : i32 to vector<16xi32>
                  %add3A_383 = arith.addi %add3A_382, %iota3A : vector<16xi32>
                  tpu.vector_store_idx %arg12[%add3A_371, %add3A_383], %get3A_380 {add = true} : memref<32x80xf32, #tpu.memory_space<vmem>>[vector<16xi32>, vector<16xi32>], vector<16xf32>,
                  %get3A_384 = arith.index_cast %while3A_366 : i32 to index
                  %get3A_385 = arith.constant 32 : index
                  %get3A_386 = tpu.vector_load %arg9[%get3A_384, %get3A_385] {strides = array<i32>} : memref<448x64xf32, #tpu.memory_space<vmem>>, vector<16xf32>,
                  %add3A_387 = arith.constant 32 : i32
                  %add3A_388 = vector.broadcast %add3A_387 : i32 to vector<16xi32>
                  %add3A_389 = arith.addi %add3A_388, %iota3A : vector<16xi32>
                  tpu.vector_store_idx %arg12[%add3A_371, %add3A_389], %get3A_386 {add = true} : memref<32x80xf32, #tpu.memory_space<vmem>>[vector<16xi32>, vector<16xi32>], vector<16xf32>,
                  %get3A_390 = arith.index_cast %while3A_366 : i32 to index
                  %get3A_391 = arith.constant 48 : index
                  %get3A_392 = tpu.vector_load %arg9[%get3A_390, %get3A_391] {strides = array<i32>} : memref<448x64xf32, #tpu.memory_space<vmem>>, vector<16xf32>,
                  %add3A_393 = arith.constant 48 : i32
                  %add3A_394 = vector.broadcast %add3A_393 : i32 to vector<16xi32>
                  %add3A_395 = arith.addi %add3A_394, %iota3A : vector<16xi32>
                  tpu.vector_store_idx %arg12[%add3A_371, %add3A_395], %get3A_392 {add = true} : memref<32x80xf32, #tpu.memory_space<vmem>>[vector<16xi32>, vector<16xi32>], vector<16xf32>,
                  %broadcast_in_dim3A_396 = arith.constant 64 : i32
                  %broadcast_in_dim3A_397 = vector.broadcast %broadcast_in_dim3A_396 : i32 to vector<16xi32>
                  tpu.vector_store_idx %arg12[%add3A_371, %broadcast_in_dim3A_397], %broadcast_in_dim3A_1 masked %eq3A_5 {add = true} : memref<32x80xf32, #tpu.memory_space<vmem>>[vector<16xi32>, vector<16xi32>], vector<16xf32>, vector<16xi1>
                }
                %while3A_365 = arith.constant 1 : i32
                scf.for %while3A_366 = %while3A_363 to %while3A_359 step %while3A_365  : i32 {
                  %broadcast_in_dim3A_367 = vector.broadcast %while3A_366 : i32 to vector<16xi32>
                  %gather3A_368 = tpu.vector_load_idx %arg11[%broadcast_in_dim3A_367] : memref<464xi32, #tpu.memory_space<vmem>>[vector<16xi32>], vector<16xi32>,
                  %add3A_369 = arith.constant 16 : i32
                  %add3A_370 = vector.broadcast %add3A_369 : i32 to vector<16xi32>
                  %add3A_371 = arith.addi %gather3A_368, %add3A_370 : vector<16xi32>
                  %get3A_372 = arith.index_cast %while3A_366 : i32 to index
                  %get3A_373 = arith.constant 0 : index
                  %get3A_374 = tpu.vector_load %arg9[%get3A_372, %get3A_373] {strides = array<i32>} : memref<448x64xf32, #tpu.memory_space<vmem>>, vector<16xf32>,
                  %add3A_375 = arith.constant 0 : i32
                  %add3A_376 = vector.broadcast %add3A_375 : i32 to vector<16xi32>
                  %add3A_377 = arith.addi %add3A_376, %iota3A : vector<16xi32>
                  tpu.vector_store_idx %arg12[%add3A_371, %add3A_377], %get3A_374 {add = true} : memref<32x80xf32, #tpu.memory_space<vmem>>[vector<16xi32>, vector<16xi32>], vector<16xf32>,
                  %get3A_378 = arith.index_cast %while3A_366 : i32 to index
                  %get3A_379 = arith.constant 16 : index
                  %get3A_380 = tpu.vector_load %arg9[%get3A_378, %get3A_379] {strides = array<i32>} : memref<448x64xf32, #tpu.memory_space<vmem>>, vector<16xf32>,
                  %add3A_381 = arith.constant 16 : i32
                  %add3A_382 = vector.broadcast %add3A_381 : i32 to vector<16xi32>
                  %add3A_383 = arith.addi %add3A_382, %iota3A : vector<16xi32>
                  tpu.vector_store_idx %arg12[%add3A_371, %add3A_383], %get3A_380 {add = true} : memref<32x80xf32, #tpu.memory_space<vmem>>[vector<16xi32>, vector<16xi32>], vector<16xf32>,
                  %get3A_384 = arith.index_cast %while3A_366 : i32 to index
                  %get3A_385 = arith.constant 32 : index
                  %get3A_386 = tpu.vector_load %arg9[%get3A_384, %get3A_385] {strides = array<i32>} : memref<448x64xf32, #tpu.memory_space<vmem>>, vector<16xf32>,
                  %add3A_387 = arith.constant 32 : i32
                  %add3A_388 = vector.broadcast %add3A_387 : i32 to vector<16xi32>
                  %add3A_389 = arith.addi %add3A_388, %iota3A : vector<16xi32>
                  tpu.vector_store_idx %arg12[%add3A_371, %add3A_389], %get3A_386 {add = true} : memref<32x80xf32, #tpu.memory_space<vmem>>[vector<16xi32>, vector<16xi32>], vector<16xf32>,
                  %get3A_390 = arith.index_cast %while3A_366 : i32 to index
                  %get3A_391 = arith.constant 48 : index
                  %get3A_392 = tpu.vector_load %arg9[%get3A_390, %get3A_391] {strides = array<i32>} : memref<448x64xf32, #tpu.memory_space<vmem>>, vector<16xf32>,
                  %add3A_393 = arith.constant 48 : i32
                  %add3A_394 = vector.broadcast %add3A_393 : i32 to vector<16xi32>
                  %add3A_395 = arith.addi %add3A_394, %iota3A : vector<16xi32>
                  tpu.vector_store_idx %arg12[%add3A_371, %add3A_395], %get3A_392 {add = true} : memref<32x80xf32, #tpu.memory_space<vmem>>[vector<16xi32>, vector<16xi32>], vector<16xf32>,
                  %broadcast_in_dim3A_396 = arith.constant 64 : i32
                  %broadcast_in_dim3A_397 = vector.broadcast %broadcast_in_dim3A_396 : i32 to vector<16xi32>
                  tpu.vector_store_idx %arg12[%add3A_371, %broadcast_in_dim3A_397], %broadcast_in_dim3A_1 masked %eq3A_5 {add = true} : memref<32x80xf32, #tpu.memory_space<vmem>>[vector<16xi32>, vector<16xi32>], vector<16xf32>, vector<16xi1>
                }
              }
            }
          }
        } else {
        }
      }
    }
    %scan3A_55 = arith.constant 7 : i32
    "tpu.region"() ({
      %run_scoped3A = tpu.sem_alloc : memref<!tpu.dma_semaphore, #tpu.memory_space<semaphore_mem>>
      %dma_start3A_105 = arith.constant 0 : i32
      %dma_start3A_106 = arith.constant 0 : i32
      %dma_start3A_107 = tpu.memref_slice %arg12[%dma_start3A_105, %dma_start3A_106] : memref<32x80xf32, #tpu.memory_space<vmem>> -> memref<16x80xf32, #tpu.memory_space<vmem>>
      %dma_start3A_108 = arith.constant 0 : i32
      %dma_start3A_109 = arith.constant 0 : i32
      %dma_start3A_110 = tpu.memref_slice %arg16[%dma_start3A_108, %dma_start3A_109] : memref<16x80xf32, #tpu.memory_space<vmem_shared>> -> memref<16x80xf32, #tpu.memory_space<vmem_shared>>
      tpu.enqueue_indirect_dma source(%dma_start3A_107 : memref<16x80xf32, #tpu.memory_space<vmem>>) target(%dma_start3A_110 : memref<16x80xf32, #tpu.memory_space<vmem_shared>>) offsets(%arg13 : memref<16xi32, #tpu.memory_space<vmem>>) semaphore(%run_scoped3A : memref<!tpu.dma_semaphore, #tpu.memory_space<semaphore_mem>>) {add = true}
      %dma_wait3A = arith.constant 0 : i32
      %dma_wait3A_111 = arith.constant 0 : i32
      %dma_wait3A_112 = tpu.memref_slice %arg12[%dma_wait3A, %dma_wait3A_111] : memref<32x80xf32, #tpu.memory_space<vmem>> -> memref<16x80xf32, #tpu.memory_space<vmem>>
      %dma_wait3A_113 = arith.constant 0 : i32
      %dma_wait3A_114 = arith.constant 0 : i32
      %dma_wait3A_115 = tpu.memref_slice %arg16[%dma_wait3A_113, %dma_wait3A_114] : memref<16x80xf32, #tpu.memory_space<vmem_shared>> -> memref<16x80xf32, #tpu.memory_space<vmem_shared>>
      tpu.wait_indirect_dma semaphore(%run_scoped3A : memref<!tpu.dma_semaphore, #tpu.memory_space<semaphore_mem>>) src(%dma_wait3A_112 : memref<16x80xf32, #tpu.memory_space<vmem>>) dst(%dma_wait3A_115 : memref<16x80xf32, #tpu.memory_space<vmem_shared>>)
      tpu.yield
    }) : () -> ()
    "tpu.region"() ({
      %run_scoped3A = tpu.sem_alloc : memref<!tpu.dma_semaphore, #tpu.memory_space<semaphore_mem>>
      %dma_start3A_105 = arith.constant 16 : i32
      %dma_start3A_106 = arith.constant 0 : i32
      %dma_start3A_107 = tpu.memref_slice %arg12[%dma_start3A_105, %dma_start3A_106] : memref<32x80xf32, #tpu.memory_space<vmem>> -> memref<16x80xf32, #tpu.memory_space<vmem>>
      %dma_start3A_108 = arith.constant 0 : i32
      %dma_start3A_109 = arith.constant 0 : i32
      %dma_start3A_110 = tpu.memref_slice %arg17[%dma_start3A_108, %dma_start3A_109] : memref<16x80xf32, #tpu.memory_space<vmem_shared>> -> memref<16x80xf32, #tpu.memory_space<vmem_shared>>
      tpu.enqueue_indirect_dma source(%dma_start3A_107 : memref<16x80xf32, #tpu.memory_space<vmem>>) target(%dma_start3A_110 : memref<16x80xf32, #tpu.memory_space<vmem_shared>>) offsets(%arg13 : memref<16xi32, #tpu.memory_space<vmem>>) semaphore(%run_scoped3A : memref<!tpu.dma_semaphore, #tpu.memory_space<semaphore_mem>>) {add = true}
      %dma_wait3A = arith.constant 16 : i32
      %dma_wait3A_111 = arith.constant 0 : i32
      %dma_wait3A_112 = tpu.memref_slice %arg12[%dma_wait3A, %dma_wait3A_111] : memref<32x80xf32, #tpu.memory_space<vmem>> -> memref<16x80xf32, #tpu.memory_space<vmem>>
      %dma_wait3A_113 = arith.constant 0 : i32
      %dma_wait3A_114 = arith.constant 0 : i32
      %dma_wait3A_115 = tpu.memref_slice %arg17[%dma_wait3A_113, %dma_wait3A_114] : memref<16x80xf32, #tpu.memory_space<vmem_shared>> -> memref<16x80xf32, #tpu.memory_space<vmem_shared>>
      tpu.wait_indirect_dma semaphore(%run_scoped3A : memref<!tpu.dma_semaphore, #tpu.memory_space<semaphore_mem>>) src(%dma_wait3A_112 : memref<16x80xf32, #tpu.memory_space<vmem>>) dst(%dma_wait3A_115 : memref<16x80xf32, #tpu.memory_space<vmem_shared>>)
      tpu.yield
    }) : () -> ()
    %barrier3A_56 = arith.constant 0 : index
    tpu.barrier barrier_id(%barrier3A_56)
    "tpu.region"() ({
      %run_scoped3A = tpu.sem_alloc : memref<!tpu.dma_semaphore, #tpu.memory_space<semaphore_mem>>
      %dma_start3A_105 = arith.constant 0 : i32
      %dma_start3A_106 = tpu.memref_slice %arg16[%arg1, %dma_start3A_105] : memref<16x80xf32, #tpu.memory_space<vmem_shared>> -> memref<1x80xf32, #tpu.memory_space<vmem_shared>>
      %dma_start3A_107 = tpu.memref_squeeze %dma_start3A_106 : memref<1x80xf32, #tpu.memory_space<vmem_shared>> -> memref<80xf32, #tpu.memory_space<vmem_shared>>
      %dma_start3A_108 = arith.constant 0 : i32
      %dma_start3A_109 = tpu.memref_slice %arg16[%arg1, %dma_start3A_108] : memref<16x80xf32, #tpu.memory_space<vmem_shared>> -> memref<1x80xf32, #tpu.memory_space<vmem_shared>>
      %dma_start3A_110 = tpu.memref_squeeze %dma_start3A_109 : memref<1x80xf32, #tpu.memory_space<vmem_shared>> -> memref<80xf32, #tpu.memory_space<vmem_shared>>
      tpu.enqueue_dma source(%dma_start3A_110 : memref<80xf32, #tpu.memory_space<vmem_shared>>) target(%arg14 : memref<80xf32, #tpu.memory_space<vmem>>) target_semaphore(%run_scoped3A : memref<!tpu.dma_semaphore, #tpu.memory_space<semaphore_mem>>)
      %dma_wait3A = arith.constant 0 : i32
      %dma_wait3A_111 = tpu.memref_slice %arg16[%arg1, %dma_wait3A] : memref<16x80xf32, #tpu.memory_space<vmem_shared>> -> memref<1x80xf32, #tpu.memory_space<vmem_shared>>
      %dma_wait3A_112 = tpu.memref_squeeze %dma_wait3A_111 : memref<1x80xf32, #tpu.memory_space<vmem_shared>> -> memref<80xf32, #tpu.memory_space<vmem_shared>>
      %dma_wait3A_113 = arith.constant 0 : i32
      %dma_wait3A_114 = tpu.memref_slice %arg16[%arg1, %dma_wait3A_113] : memref<16x80xf32, #tpu.memory_space<vmem_shared>> -> memref<1x80xf32, #tpu.memory_space<vmem_shared>>
      %dma_wait3A_115 = tpu.memref_squeeze %dma_wait3A_114 : memref<1x80xf32, #tpu.memory_space<vmem_shared>> -> memref<80xf32, #tpu.memory_space<vmem_shared>>
      tpu.wait_dma2 semaphore(%run_scoped3A : memref<!tpu.dma_semaphore, #tpu.memory_space<semaphore_mem>>) src(%dma_wait3A_115 : memref<80xf32, #tpu.memory_space<vmem_shared>>) dst(%arg14 : memref<80xf32, #tpu.memory_space<vmem>>)
      tpu.yield
    }) : () -> ()
    %broadcast_in_dim3A_57 = arith.constant 64 : i32
    %broadcast_in_dim3A_58 = vector.broadcast %broadcast_in_dim3A_57 : i32 to vector<16xi32>
    %gather3A = tpu.vector_load_idx %arg14[%broadcast_in_dim3A_58] : memref<80xf32, #tpu.memory_space<vmem>>[vector<16xi32>], vector<16xf32>,
    %max3A = arith.constant 1.000000e+00 : f32
    %max3A_59 = vector.broadcast %max3A : f32 to vector<16xf32>
    %max3A_60 = arith.maximumf %gather3A, %max3A_59 : vector<16xf32>
    %get3A = arith.constant 0 : index
    %get3A_61 = tpu.vector_load %arg14[%get3A] {strides = array<i32>} : memref<80xf32, #tpu.memory_space<vmem>>, vector<16xf32>,
    %div3A = arith.divf %get3A_61, %max3A_60 : vector<16xf32>
    %swap3A_62 = arith.constant 0 : index
    %swap3A_63 = tpu.vector_load %arg15[%swap3A_62] {strides = array<i32>} : memref<64xf32, #tpu.memory_space<vmem>>, vector<16xf32>,
    tpu.vector_store %arg15[%swap3A_62], %div3A {strides = array<i32>} : memref<64xf32, #tpu.memory_space<vmem>>, vector<16xf32>,
    %get3A_64 = arith.constant 16 : index
    %get3A_65 = tpu.vector_load %arg14[%get3A_64] {strides = array<i32>} : memref<80xf32, #tpu.memory_space<vmem>>, vector<16xf32>,
    %div3A_66 = arith.divf %get3A_65, %max3A_60 : vector<16xf32>
    %swap3A_67 = arith.constant 16 : index
    %swap3A_68 = tpu.vector_load %arg15[%swap3A_67] {strides = array<i32>} : memref<64xf32, #tpu.memory_space<vmem>>, vector<16xf32>,
    tpu.vector_store %arg15[%swap3A_67], %div3A_66 {strides = array<i32>} : memref<64xf32, #tpu.memory_space<vmem>>, vector<16xf32>,
    %get3A_69 = arith.constant 32 : index
    %get3A_70 = tpu.vector_load %arg14[%get3A_69] {strides = array<i32>} : memref<80xf32, #tpu.memory_space<vmem>>, vector<16xf32>,
    %div3A_71 = arith.divf %get3A_70, %max3A_60 : vector<16xf32>
    %swap3A_72 = arith.constant 32 : index
    %swap3A_73 = tpu.vector_load %arg15[%swap3A_72] {strides = array<i32>} : memref<64xf32, #tpu.memory_space<vmem>>, vector<16xf32>,
    tpu.vector_store %arg15[%swap3A_72], %div3A_71 {strides = array<i32>} : memref<64xf32, #tpu.memory_space<vmem>>, vector<16xf32>,
    %get3A_74 = arith.constant 48 : index
    %get3A_75 = tpu.vector_load %arg14[%get3A_74] {strides = array<i32>} : memref<80xf32, #tpu.memory_space<vmem>>, vector<16xf32>,
    %div3A_76 = arith.divf %get3A_75, %max3A_60 : vector<16xf32>
    %swap3A_77 = arith.constant 48 : index
    %swap3A_78 = tpu.vector_load %arg15[%swap3A_77] {strides = array<i32>} : memref<64xf32, #tpu.memory_space<vmem>>, vector<16xf32>,
    tpu.vector_store %arg15[%swap3A_77], %div3A_76 {strides = array<i32>} : memref<64xf32, #tpu.memory_space<vmem>>, vector<16xf32>,
    "tpu.region"() ({
      %run_scoped3A = tpu.sem_alloc : memref<!tpu.dma_semaphore, #tpu.memory_space<semaphore_mem>>
      %dma_start3A_105 = tpu.memref_slice %arg6[%arg1, %mul3A_0] : memref<16x128xf32, #tpu.memory_space<hbm>> -> memref<1x64xf32, #tpu.memory_space<hbm>>
      %dma_start3A_106 = tpu.memref_squeeze %dma_start3A_105 : memref<1x64xf32, #tpu.memory_space<hbm>> -> memref<64xf32, #tpu.memory_space<hbm>>
      %dma_start3A_107 = tpu.memref_slice %arg6[%arg1, %mul3A_0] : memref<16x128xf32, #tpu.memory_space<hbm>> -> memref<1x64xf32, #tpu.memory_space<hbm>>
      %dma_start3A_108 = tpu.memref_squeeze %dma_start3A_107 : memref<1x64xf32, #tpu.memory_space<hbm>> -> memref<64xf32, #tpu.memory_space<hbm>>
      tpu.enqueue_dma source(%arg15 : memref<64xf32, #tpu.memory_space<vmem>>) target(%dma_start3A_108 : memref<64xf32, #tpu.memory_space<hbm>>) target_semaphore(%run_scoped3A : memref<!tpu.dma_semaphore, #tpu.memory_space<semaphore_mem>>)
      %dma_wait3A = tpu.memref_slice %arg6[%arg1, %mul3A_0] : memref<16x128xf32, #tpu.memory_space<hbm>> -> memref<1x64xf32, #tpu.memory_space<hbm>>
      %dma_wait3A_109 = tpu.memref_squeeze %dma_wait3A : memref<1x64xf32, #tpu.memory_space<hbm>> -> memref<64xf32, #tpu.memory_space<hbm>>
      %dma_wait3A_110 = tpu.memref_slice %arg6[%arg1, %mul3A_0] : memref<16x128xf32, #tpu.memory_space<hbm>> -> memref<1x64xf32, #tpu.memory_space<hbm>>
      %dma_wait3A_111 = tpu.memref_squeeze %dma_wait3A_110 : memref<1x64xf32, #tpu.memory_space<hbm>> -> memref<64xf32, #tpu.memory_space<hbm>>
      tpu.wait_dma2 semaphore(%run_scoped3A : memref<!tpu.dma_semaphore, #tpu.memory_space<semaphore_mem>>) src(%arg15 : memref<64xf32, #tpu.memory_space<vmem>>) dst(%dma_wait3A_111 : memref<64xf32, #tpu.memory_space<hbm>>)
      tpu.yield
    }) : () -> ()
    "tpu.region"() ({
      %run_scoped3A = tpu.sem_alloc : memref<!tpu.dma_semaphore, #tpu.memory_space<semaphore_mem>>
      %dma_start3A_105 = arith.constant 0 : i32
      %dma_start3A_106 = tpu.memref_slice %arg17[%arg1, %dma_start3A_105] : memref<16x80xf32, #tpu.memory_space<vmem_shared>> -> memref<1x80xf32, #tpu.memory_space<vmem_shared>>
      %dma_start3A_107 = tpu.memref_squeeze %dma_start3A_106 : memref<1x80xf32, #tpu.memory_space<vmem_shared>> -> memref<80xf32, #tpu.memory_space<vmem_shared>>
      %dma_start3A_108 = arith.constant 0 : i32
      %dma_start3A_109 = tpu.memref_slice %arg17[%arg1, %dma_start3A_108] : memref<16x80xf32, #tpu.memory_space<vmem_shared>> -> memref<1x80xf32, #tpu.memory_space<vmem_shared>>
      %dma_start3A_110 = tpu.memref_squeeze %dma_start3A_109 : memref<1x80xf32, #tpu.memory_space<vmem_shared>> -> memref<80xf32, #tpu.memory_space<vmem_shared>>
      tpu.enqueue_dma source(%dma_start3A_110 : memref<80xf32, #tpu.memory_space<vmem_shared>>) target(%arg14 : memref<80xf32, #tpu.memory_space<vmem>>) target_semaphore(%run_scoped3A : memref<!tpu.dma_semaphore, #tpu.memory_space<semaphore_mem>>)
      %dma_wait3A = arith.constant 0 : i32
      %dma_wait3A_111 = tpu.memref_slice %arg17[%arg1, %dma_wait3A] : memref<16x80xf32, #tpu.memory_space<vmem_shared>> -> memref<1x80xf32, #tpu.memory_space<vmem_shared>>
      %dma_wait3A_112 = tpu.memref_squeeze %dma_wait3A_111 : memref<1x80xf32, #tpu.memory_space<vmem_shared>> -> memref<80xf32, #tpu.memory_space<vmem_shared>>
      %dma_wait3A_113 = arith.constant 0 : i32
      %dma_wait3A_114 = tpu.memref_slice %arg17[%arg1, %dma_wait3A_113] : memref<16x80xf32, #tpu.memory_space<vmem_shared>> -> memref<1x80xf32, #tpu.memory_space<vmem_shared>>
      %dma_wait3A_115 = tpu.memref_squeeze %dma_wait3A_114 : memref<1x80xf32, #tpu.memory_space<vmem_shared>> -> memref<80xf32, #tpu.memory_space<vmem_shared>>
      tpu.wait_dma2 semaphore(%run_scoped3A : memref<!tpu.dma_semaphore, #tpu.memory_space<semaphore_mem>>) src(%dma_wait3A_115 : memref<80xf32, #tpu.memory_space<vmem_shared>>) dst(%arg14 : memref<80xf32, #tpu.memory_space<vmem>>)
      tpu.yield
    }) : () -> ()
    %broadcast_in_dim3A_79 = arith.constant 64 : i32
    %broadcast_in_dim3A_80 = vector.broadcast %broadcast_in_dim3A_79 : i32 to vector<16xi32>
    %gather3A_81 = tpu.vector_load_idx %arg14[%broadcast_in_dim3A_80] : memref<80xf32, #tpu.memory_space<vmem>>[vector<16xi32>], vector<16xf32>,
    %max3A_82 = arith.constant 1.000000e+00 : f32
    %max3A_83 = vector.broadcast %max3A_82 : f32 to vector<16xf32>
    %max3A_84 = arith.maximumf %gather3A_81, %max3A_83 : vector<16xf32>
    %get3A_85 = arith.constant 0 : index
    %get3A_86 = tpu.vector_load %arg14[%get3A_85] {strides = array<i32>} : memref<80xf32, #tpu.memory_space<vmem>>, vector<16xf32>,
    %div3A_87 = arith.divf %get3A_86, %max3A_84 : vector<16xf32>
    %swap3A_88 = arith.constant 0 : index
    %swap3A_89 = tpu.vector_load %arg15[%swap3A_88] {strides = array<i32>} : memref<64xf32, #tpu.memory_space<vmem>>, vector<16xf32>,
    tpu.vector_store %arg15[%swap3A_88], %div3A_87 {strides = array<i32>} : memref<64xf32, #tpu.memory_space<vmem>>, vector<16xf32>,
    %get3A_90 = arith.constant 16 : index
    %get3A_91 = tpu.vector_load %arg14[%get3A_90] {strides = array<i32>} : memref<80xf32, #tpu.memory_space<vmem>>, vector<16xf32>,
    %div3A_92 = arith.divf %get3A_91, %max3A_84 : vector<16xf32>
    %swap3A_93 = arith.constant 16 : index
    %swap3A_94 = tpu.vector_load %arg15[%swap3A_93] {strides = array<i32>} : memref<64xf32, #tpu.memory_space<vmem>>, vector<16xf32>,
    tpu.vector_store %arg15[%swap3A_93], %div3A_92 {strides = array<i32>} : memref<64xf32, #tpu.memory_space<vmem>>, vector<16xf32>,
    %get3A_95 = arith.constant 32 : index
    %get3A_96 = tpu.vector_load %arg14[%get3A_95] {strides = array<i32>} : memref<80xf32, #tpu.memory_space<vmem>>, vector<16xf32>,
    %div3A_97 = arith.divf %get3A_96, %max3A_84 : vector<16xf32>
    %swap3A_98 = arith.constant 32 : index
    %swap3A_99 = tpu.vector_load %arg15[%swap3A_98] {strides = array<i32>} : memref<64xf32, #tpu.memory_space<vmem>>, vector<16xf32>,
    tpu.vector_store %arg15[%swap3A_98], %div3A_97 {strides = array<i32>} : memref<64xf32, #tpu.memory_space<vmem>>, vector<16xf32>,
    %get3A_100 = arith.constant 48 : index
    %get3A_101 = tpu.vector_load %arg14[%get3A_100] {strides = array<i32>} : memref<80xf32, #tpu.memory_space<vmem>>, vector<16xf32>,
    %div3A_102 = arith.divf %get3A_101, %max3A_84 : vector<16xf32>
    %swap3A_103 = arith.constant 48 : index
    %swap3A_104 = tpu.vector_load %arg15[%swap3A_103] {strides = array<i32>} : memref<64xf32, #tpu.memory_space<vmem>>, vector<16xf32>,
    tpu.vector_store %arg15[%swap3A_103], %div3A_102 {strides = array<i32>} : memref<64xf32, #tpu.memory_space<vmem>>, vector<16xf32>,
    "tpu.region"() ({
      %run_scoped3A = tpu.sem_alloc : memref<!tpu.dma_semaphore, #tpu.memory_space<semaphore_mem>>
      %dma_start3A_105 = tpu.memref_slice %arg7[%arg1, %mul3A_0] : memref<16x128xf32, #tpu.memory_space<hbm>> -> memref<1x64xf32, #tpu.memory_space<hbm>>
      %dma_start3A_106 = tpu.memref_squeeze %dma_start3A_105 : memref<1x64xf32, #tpu.memory_space<hbm>> -> memref<64xf32, #tpu.memory_space<hbm>>
      %dma_start3A_107 = tpu.memref_slice %arg7[%arg1, %mul3A_0] : memref<16x128xf32, #tpu.memory_space<hbm>> -> memref<1x64xf32, #tpu.memory_space<hbm>>
      %dma_start3A_108 = tpu.memref_squeeze %dma_start3A_107 : memref<1x64xf32, #tpu.memory_space<hbm>> -> memref<64xf32, #tpu.memory_space<hbm>>
      tpu.enqueue_dma source(%arg15 : memref<64xf32, #tpu.memory_space<vmem>>) target(%dma_start3A_108 : memref<64xf32, #tpu.memory_space<hbm>>) target_semaphore(%run_scoped3A : memref<!tpu.dma_semaphore, #tpu.memory_space<semaphore_mem>>)
      %dma_wait3A = tpu.memref_slice %arg7[%arg1, %mul3A_0] : memref<16x128xf32, #tpu.memory_space<hbm>> -> memref<1x64xf32, #tpu.memory_space<hbm>>
      %dma_wait3A_109 = tpu.memref_squeeze %dma_wait3A : memref<1x64xf32, #tpu.memory_space<hbm>> -> memref<64xf32, #tpu.memory_space<hbm>>
      %dma_wait3A_110 = tpu.memref_slice %arg7[%arg1, %mul3A_0] : memref<16x128xf32, #tpu.memory_space<hbm>> -> memref<1x64xf32, #tpu.memory_space<hbm>>
      %dma_wait3A_111 = tpu.memref_squeeze %dma_wait3A_110 : memref<1x64xf32, #tpu.memory_space<hbm>> -> memref<64xf32, #tpu.memory_space<hbm>>
      tpu.wait_dma2 semaphore(%run_scoped3A : memref<!tpu.dma_semaphore, #tpu.memory_space<semaphore_mem>>) src(%arg15 : memref<64xf32, #tpu.memory_space<vmem>>) dst(%dma_wait3A_111 : memref<64xf32, #tpu.memory_space<hbm>>)
      tpu.yield
    }) : () -> ()
    return
  }
}

module attributes {stable_mosaic.version = 14 : i64} {
  func.func @_gene_body(%arg0: i32, %arg1: memref<1x1x2000xi32, #tpu.memory_space<vmem>>, %arg2: memref<2000x128xf32, #tpu.memory_space<vmem>>, %arg3: memref<128x128xf32, #tpu.memory_space<vmem>>, %arg4: memref<128x128xf32, #tpu.memory_space<vmem>>, %arg5: memref<1x128xf32, #tpu.memory_space<vmem>>, %arg6: memref<1x128xf32, #tpu.memory_space<vmem>>, %arg7: memref<16x128xf32, #tpu.memory_space<vmem>>, %arg8: memref<16x128xf32, #tpu.memory_space<vmem>>, %arg9: memref<16x128xf32, #tpu.memory_space<vmem>>, %arg10: memref<16x128xf32, #tpu.memory_space<vmem>>) attributes {dimension_semantics = [#tpu.dimension_semantics<arbitrary>], iteration_bounds = array<i64: 50>, scalar_prefetch = 0 : i64, scratch_operands = 2 : i64, tpu.core_type = #tpu.core_type<tc>, window_params = [{transform_indices = @transform_0, window_bounds = array<i64: 1, 1, 2000>}, {transform_indices = @transform_1, window_bounds = array<i64: 2000, 128>}, {pipeline_mode = #tpu.pipeline_mode<synchronous>, transform_indices = @transform_2, window_bounds = array<i64: 128, 128>}, {pipeline_mode = #tpu.pipeline_mode<synchronous>, transform_indices = @transform_3, window_bounds = array<i64: 128, 128>}, {pipeline_mode = #tpu.pipeline_mode<synchronous>, transform_indices = @transform_4, window_bounds = array<i64: 1, 128>}, {pipeline_mode = #tpu.pipeline_mode<synchronous>, transform_indices = @transform_5, window_bounds = array<i64: 1, 128>}, {pipeline_mode = #tpu.pipeline_mode<synchronous>, transform_indices = @transform_6, window_bounds = array<i64: 16, 128>}, {pipeline_mode = #tpu.pipeline_mode<synchronous>, transform_indices = @transform_7, window_bounds = array<i64: 16, 128>}]} {
    %eq3A = arith.constant 0 : i32
    %eq3A_0 = arith.cmpi eq, %arg0, %eq3A : i32
    %convert_element_type3A = arith.extui %eq3A_0 : i1 to i32
    %cond3A = arith.constant 0 : i32
    %cond3A_1 = arith.cmpi ne, %convert_element_type3A, %cond3A : i32
    scf.if %cond3A_1 {
      %broadcast_in_dim3A_33 = arith.constant 0.000000e+00 : f32
      %broadcast_in_dim3A_34 = vector.broadcast %broadcast_in_dim3A_33 : f32 to vector<16x128xf32>
      %swap3A_35 = arith.constant 0 : index
      %swap3A_36 = arith.constant 0 : index
      %swap3A_37 = vector.load %arg9[%swap3A_35, %swap3A_36] : memref<16x128xf32, #tpu.memory_space<vmem>>, vector<16x128xf32>
      tpu.vector_store %arg9[%swap3A_35, %swap3A_36], %broadcast_in_dim3A_34 {strides = array<i32>} : memref<16x128xf32, #tpu.memory_space<vmem>>, vector<16x128xf32>,
      %broadcast_in_dim3A_38 = arith.constant 0.000000e+00 : f32
      %broadcast_in_dim3A_39 = vector.broadcast %broadcast_in_dim3A_38 : f32 to vector<16x128xf32>
      %swap3A_40 = arith.constant 0 : index
      %swap3A_41 = arith.constant 0 : index
      %swap3A_42 = vector.load %arg10[%swap3A_40, %swap3A_41] : memref<16x128xf32, #tpu.memory_space<vmem>>, vector<16x128xf32>
      tpu.vector_store %arg10[%swap3A_40, %swap3A_41], %broadcast_in_dim3A_39 {strides = array<i32>} : memref<16x128xf32, #tpu.memory_space<vmem>>, vector<16x128xf32>,
    } else {
    }
    %iota3A = tpu.iota {dimensions = array<i32: 0>} : vector<16x2000xi32>
    %get3A = arith.constant 0 : index
    %get3A_2 = arith.constant 0 : index
    %get3A_3 = arith.constant 0 : index
    %get3A_4 = vector.load %arg1[%get3A, %get3A_2, %get3A_3] : memref<1x1x2000xi32, #tpu.memory_space<vmem>>, vector<1x1x2000xi32>
    %get3A_5 = vector.shape_cast %get3A_4 : vector<1x1x2000xi32> to vector<1x2000xi32>
    %eq3A_6 = vector.broadcast %get3A_5 : vector<1x2000xi32> to vector<16x2000xi32>
    %eq3A_7 = arith.cmpi eq, %iota3A, %eq3A_6 : vector<16x2000xi32>
    %convert_element_type3A_8 = arith.extui %eq3A_7 : vector<16x2000xi1> to vector<16x2000xi32>
    %convert_element_type3A_9 = arith.sitofp %convert_element_type3A_8 : vector<16x2000xi32> to vector<16x2000xf32>
    %get3A_10 = arith.constant 0 : index
    %get3A_11 = arith.constant 0 : index
    %get3A_12 = vector.load %arg9[%get3A_10, %get3A_11] : memref<16x128xf32, #tpu.memory_space<vmem>>, vector<16x128xf32>
    %get3A_13 = arith.constant 0 : index
    %get3A_14 = arith.constant 0 : index
    %get3A_15 = vector.load %arg2[%get3A_13, %get3A_14] : memref<2000x128xf32, #tpu.memory_space<vmem>>, vector<2000x128xf32>
    %dot_general3A = arith.constant dense<0.000000e+00> : vector<16x128xf32>
    %dot_general3A_16 = tpu.matmul %convert_element_type3A_9, %get3A_15, %dot_general3A {dimension_numbers = #tpu.dot_dimension_numbers<[1], [0], [0], [1], [0, 0, 1, 1], [], []>, transpose_lhs_hint = false} : vector<16x2000xf32>, vector<2000x128xf32>, vector<16x128xf32> -> vector<16x128xf32>
    %add3A = arith.addf %get3A_12, %dot_general3A_16 : vector<16x128xf32>
    %swap3A = arith.constant 0 : index
    %swap3A_17 = arith.constant 0 : index
    %swap3A_18 = vector.load %arg9[%swap3A, %swap3A_17] : memref<16x128xf32, #tpu.memory_space<vmem>>, vector<16x128xf32>
    tpu.vector_store %arg9[%swap3A, %swap3A_17], %add3A {strides = array<i32>} : memref<16x128xf32, #tpu.memory_space<vmem>>, vector<16x128xf32>,
    %get3A_19 = arith.constant 0 : index
    %get3A_20 = arith.constant 0 : index
    %get3A_21 = vector.load %arg10[%get3A_19, %get3A_20] : memref<16x128xf32, #tpu.memory_space<vmem>>, vector<16x128xf32>
    %reduce_sum3A = arith.constant dense<0.000000e+00> : vector<16xf32>
    %reduce_sum3A_22 = vector.multi_reduction <add>, %convert_element_type3A_9, %reduce_sum3A [1] : vector<16x2000xf32> to vector<16xf32>
    %broadcast_in_dim3A = vector.shape_cast %reduce_sum3A_22 : vector<16xf32> to vector<16x1xf32>
    %add3A_23 = vector.broadcast %broadcast_in_dim3A : vector<16x1xf32> to vector<16x128xf32>
    %add3A_24 = arith.addf %get3A_21, %add3A_23 : vector<16x128xf32>
    %swap3A_25 = arith.constant 0 : index
    %swap3A_26 = arith.constant 0 : index
    %swap3A_27 = vector.load %arg10[%swap3A_25, %swap3A_26] : memref<16x128xf32, #tpu.memory_space<vmem>>, vector<16x128xf32>
    tpu.vector_store %arg10[%swap3A_25, %swap3A_26], %add3A_24 {strides = array<i32>} : memref<16x128xf32, #tpu.memory_space<vmem>>, vector<16x128xf32>,
    %eq3A_28 = arith.constant 49 : i32
    %eq3A_29 = arith.cmpi eq, %arg0, %eq3A_28 : i32
    %convert_element_type3A_30 = arith.extui %eq3A_29 : i1 to i32
    %cond3A_31 = arith.constant 0 : i32
    %cond3A_32 = arith.cmpi ne, %convert_element_type3A_30, %cond3A_31 : i32
    scf.if %cond3A_32 {
      %get3A_33 = arith.constant 0 : index
      %get3A_34 = arith.constant 0 : index
      %get3A_35 = vector.load %arg10[%get3A_33, %get3A_34] : memref<16x128xf32, #tpu.memory_space<vmem>>, vector<16x1xf32>
      %get3A_36 = arith.constant 0 : index
      %get3A_37 = arith.constant 0 : index
      %get3A_38 = vector.load %arg9[%get3A_36, %get3A_37] : memref<16x128xf32, #tpu.memory_space<vmem>>, vector<16x128xf32>
      %max3A = arith.constant 1.000000e+00 : f32
      %max3A_39 = vector.broadcast %max3A : f32 to vector<16x1xf32>
      %max3A_40 = arith.maximumf %get3A_35, %max3A_39 : vector<16x1xf32>
      %div3A = vector.broadcast %max3A_40 : vector<16x1xf32> to vector<16x128xf32>
      %div3A_41 = arith.divf %get3A_38, %div3A : vector<16x128xf32>
      %gt3A = arith.constant 0.000000e+00 : f32
      %gt3A_42 = vector.broadcast %gt3A : f32 to vector<16x1xf32>
      %gt3A_43 = arith.cmpf ogt, %get3A_35, %gt3A_42 : vector<16x1xf32>
      %convert_element_type3A_44 = arith.extui %gt3A_43 : vector<16x1xi1> to vector<16x1xi32>
      %convert_element_type3A_45 = arith.sitofp %convert_element_type3A_44 : vector<16x1xi32> to vector<16x1xf32>
      %get3A_46 = arith.constant 0 : index
      %get3A_47 = arith.constant 0 : index
      %get3A_48 = vector.load %arg3[%get3A_46, %get3A_47] : memref<128x128xf32, #tpu.memory_space<vmem>>, vector<128x128xf32>
      %dot_general3A_49 = arith.constant dense<0.000000e+00> : vector<16x128xf32>
      %dot_general3A_50 = tpu.matmul %div3A_41, %get3A_48, %dot_general3A_49 {dimension_numbers = #tpu.dot_dimension_numbers<[1], [1], [0], [0], [0, 0, 1, 0], [], []>, transpose_lhs_hint = false} : vector<16x128xf32>, vector<128x128xf32>, vector<16x128xf32> -> vector<16x128xf32>
      %get3A_51 = arith.constant 0 : index
      %get3A_52 = arith.constant 0 : index
      %get3A_53 = vector.load %arg5[%get3A_51, %get3A_52] : memref<1x128xf32, #tpu.memory_space<vmem>>, vector<1x128xf32>
      %mul3A = vector.broadcast %get3A_53 : vector<1x128xf32> to vector<16x128xf32>
      %mul3A_54 = vector.broadcast %convert_element_type3A_45 : vector<16x1xf32> to vector<16x128xf32>
      %mul3A_55 = arith.mulf %mul3A, %mul3A_54 : vector<16x128xf32>
      %add3A_56 = arith.addf %dot_general3A_50, %mul3A_55 : vector<16x128xf32>
      %swap3A_57 = arith.constant 0 : index
      %swap3A_58 = arith.constant 0 : index
      %swap3A_59 = vector.load %arg7[%swap3A_57, %swap3A_58] : memref<16x128xf32, #tpu.memory_space<vmem>>, vector<16x128xf32>
      tpu.vector_store %arg7[%swap3A_57, %swap3A_58], %add3A_56 {strides = array<i32>} : memref<16x128xf32, #tpu.memory_space<vmem>>, vector<16x128xf32>,
      %get3A_60 = arith.constant 0 : index
      %get3A_61 = arith.constant 0 : index
      %get3A_62 = vector.load %arg4[%get3A_60, %get3A_61] : memref<128x128xf32, #tpu.memory_space<vmem>>, vector<128x128xf32>
      %dot_general3A_63 = arith.constant dense<0.000000e+00> : vector<16x128xf32>
      %dot_general3A_64 = tpu.matmul %div3A_41, %get3A_62, %dot_general3A_63 {dimension_numbers = #tpu.dot_dimension_numbers<[1], [1], [0], [0], [0, 0, 1, 0], [], []>, transpose_lhs_hint = false} : vector<16x128xf32>, vector<128x128xf32>, vector<16x128xf32> -> vector<16x128xf32>
      %get3A_65 = arith.constant 0 : index
      %get3A_66 = arith.constant 0 : index
      %get3A_67 = vector.load %arg6[%get3A_65, %get3A_66] : memref<1x128xf32, #tpu.memory_space<vmem>>, vector<1x128xf32>
      %mul3A_68 = vector.broadcast %get3A_67 : vector<1x128xf32> to vector<16x128xf32>
      %mul3A_69 = vector.broadcast %convert_element_type3A_45 : vector<16x1xf32> to vector<16x128xf32>
      %mul3A_70 = arith.mulf %mul3A_68, %mul3A_69 : vector<16x128xf32>
      %add3A_71 = arith.addf %dot_general3A_64, %mul3A_70 : vector<16x128xf32>
      %swap3A_72 = arith.constant 0 : index
      %swap3A_73 = arith.constant 0 : index
      %swap3A_74 = vector.load %arg8[%swap3A_72, %swap3A_73] : memref<16x128xf32, #tpu.memory_space<vmem>>, vector<16x128xf32>
      tpu.vector_store %arg8[%swap3A_72, %swap3A_73], %add3A_71 {strides = array<i32>} : memref<16x128xf32, #tpu.memory_space<vmem>>, vector<16x128xf32>,
    } else {
    }
    return
  }
  func.func @transform_0(%arg0: i32) -> (i32, i32, i32) {
    %c0_i32 = arith.constant 0 : i32
    %c0_i32_0 = arith.constant 0 : i32
    %c0_i32_1 = arith.constant 0 : i32
    return %arg0, %c0_i32, %c0_i32_0 : i32, i32, i32
  }
  func.func @transform_1(%arg0: i32) -> (i32, i32) {
    %c0_i32 = arith.constant 0 : i32
    %c0_i32_0 = arith.constant 0 : i32
    return %arg0, %c0_i32 : i32, i32
  }
  func.func @transform_2(%arg0: i32) -> (i32, i32) {
    %c0_i32 = arith.constant 0 : i32
    %c0_i32_0 = arith.constant 0 : i32
    %c0_i32_1 = arith.constant 0 : i32
    return %c0_i32, %c0_i32_0 : i32, i32
  }
  func.func @transform_3(%arg0: i32) -> (i32, i32) {
    %c0_i32 = arith.constant 0 : i32
    %c0_i32_0 = arith.constant 0 : i32
    %c0_i32_1 = arith.constant 0 : i32
    return %c0_i32, %c0_i32_0 : i32, i32
  }
  func.func @transform_4(%arg0: i32) -> (i32, i32) {
    %c0_i32 = arith.constant 0 : i32
    %c0_i32_0 = arith.constant 0 : i32
    %c0_i32_1 = arith.constant 0 : i32
    return %c0_i32, %c0_i32_0 : i32, i32
  }
  func.func @transform_5(%arg0: i32) -> (i32, i32) {
    %c0_i32 = arith.constant 0 : i32
    %c0_i32_0 = arith.constant 0 : i32
    %c0_i32_1 = arith.constant 0 : i32
    return %c0_i32, %c0_i32_0 : i32, i32
  }
  func.func @transform_6(%arg0: i32) -> (i32, i32) {
    %c0_i32 = arith.constant 0 : i32
    %c0_i32_0 = arith.constant 0 : i32
    %c0_i32_1 = arith.constant 0 : i32
    return %c0_i32, %c0_i32_0 : i32, i32
  }
  func.func @transform_7(%arg0: i32) -> (i32, i32) {
    %c0_i32 = arith.constant 0 : i32
    %c0_i32_0 = arith.constant 0 : i32
    %c0_i32_1 = arith.constant 0 : i32
    return %c0_i32, %c0_i32_0 : i32, i32
  }
}

</mosaic_0001>

<sc_bundles>
// kernel: kernel.4.cloned.1.call-start
scs
__scs_entry_jumppad:
0x0: {  	(pc) =	sbr.rel $0x88, $3  }
0x1: {  	(tag) =	ssettag $0x0;
	lr =	simm.s32 $0x1  }
0x2: {  	[smem:$0x3F97] =	sst lr;
	_ =	strace $0xD0000000  }
0x3: {  	_ = 	snop  }
0x4: {  	_ = 	snop  }
0x5: {  	_ = 	snop  }
0x6: {  	_ = 	snop  }
0x7: {  	_ = 	snop  }
__scs_overlays_trampoline_lowered:
0x8: {  	[smem:$0x3FA6] =	sst s0  }
0x9: {  	[smem:$0x3FA7] =	sst s1  }
0xa: {  	[smem:$0x3FA8] =	sst s2  }
0xb: {  	[smem:$0x3FA9] =	sst s3  }
0xc: {  	[smem:$0x3FAA] =	sst s4  }
0xd: {  	[smem:$0x3FAB] =	sst s5  }
0xe: {  	[smem:$0x3FAC] =	sst s6  }
0xf: {  	[smem:$0x3FAD] =	sst s7  }
0x10: {  	[smem:$0x3FAE] =	sst s8  }
0x11: {  	[smem:$0x3FAF] =	sst s9;
	s0 =	simm.s32 @!p0 $0x0  }
0x12: {  	s1 =	sld [smem:$0x3F95];
	s0 =	simm.s32 @p0 $0x1  }
0x13: {  	[smem:$0x3FB0] =	sst s0;
	s0 =	simm.s32 @!p1 $0x0  }
0x14: {  	s2 =	sld [smem:$0x3F94];
	s0 =	simm.s32 @p1 $0x1  }
0x15: {  	[smem:$0x3FB1] =	sst s0;
	s0 =	simm.s32 @!p2 $0x0  }
0x16: {  	s3 =	sld [smem:$0x3FDB];
	s0 =	simm.s32 @p2 $0x1  }
0x17: {  	s4 =	simm.s32 $0x1BF5;
	[smem:$0x3FB3] =	sst s0  }
0x18: {  	s0 =	sld [smem:$0x3F96];
	_ =	swait.ge [sflag:s4], $0x0  }
0x19: {  	s7 =	sld [smem:$0x3F97]  }
0x1a: {  	s8 =	sadd.s32 $0xFFFFE003, lr  }
0x1b: {  	s9 =	sadd.s32 $0xFFFFFEF7, lr;
	s5 =	simm.s32 $0xFFFFFFFF;
	p2 =	slt.u32 s8, $0xFFFFF086  }
0x1c: {  	p1 =	slt.u32 s9, $0xF7A;
	s5 =	simm.s32 @!p2 $0x0  }
0x1d: {  	s5 =	simm.s32 @p1 $0x1;
	p0 =	seq.s32 s7, s2  }
0x1e: {  	s7 =	smul.u32 @!p0 $0xF7A, s2;
	p2 =	seq.s32 @!p0 s5, $0x0  }
0x1f: {  	s9 =	smul.u32 $0xF7A, s1;
	s8 =	simm.s32 @!p0 $0x1BF5;
	p2 =	por !p2, p0  }
0x20: {  	[sflag:s8] =	ssyncset.s32 @!p0 $0xFFFFF086;
	s6 =	sadd.s32 @!p0 s3, s7;
	s7 =	simm.s32 @!p0 $0x108  }
0x21: {  	s3 =	sadd.s32 s3, s9;
	s6 =	sadd.s32 @!p0 $0x88, s6;
	s7 =	simm.s32 @p2 $0x1082  }
0x22: {  	[simem:s7], [sflag:s8] =	dma.local @!p0 [hbm:s6], $0xF7A  }
0x23: {  	s9 =	sor.u32 $0xD0000000, s2;
	s6 =	simm.s32 $0x108;
	_ =	swait.ge @!p0 [sflag:s8], $0x0  }
0x24: {  	s3 =	sadd.s32 $0x88, s3;
	s6 =	simm.s32 @!p1 $0x1082;
	[sflag:s4] =	ssyncset.s32 $0xFFFFF086  }
0x25: {  	[simem:s6], [sflag:s4] =	dma.local [hbm:s3], $0xF7A  }
0x26: {  	[smem:$0x3F97] =	sst s1;
	(tag) =	ssettag s2;
	_ =	strace s9  }
0x27: {  	s1 =	sld [smem:$0x3FA7]  }
0x28: {  	s2 =	sld [smem:$0x3FA8]  }
0x29: {  	s4 =	sld [smem:$0x3FAA]  }
0x2a: {  	p0 =	seq.s32 s5, $0x0;
	s5 =	sld [smem:$0x3FAB]  }
0x2b: {  	s6 =	sld [smem:$0x3FAC]  }
0x2c: {  	s7 =	sld [smem:$0x3FAD]  }
0x2d: {  	s3 =	simm.s32 $0x108;
	s8 =	sld [smem:$0x3FAE]  }
0x2e: {  	s3 =	simm.s32 @!p0 $0x1082;
	s9 =	sld [smem:$0x3FAF]  }
0x2f: {  	lr =	sadd.s32 s0, s3;
	s0 =	sld [smem:$0x3FA6]  }
0x30: {  	s3 =	sld [smem:$0x3FA9]  }
0x31: {  	[smem:$0x3FB2] =	sst s10  }
0x32: {  	s10 =	sld [smem:$0x3FB0];
	_ =	sdelay $0x3  }
0x33: {  	p0 =	seq.s32 s10, $0x1;
	s10 =	sld [smem:$0x3FB2];
	_ =	sdelay $0x3  }
0x34: {  	[smem:$0x3FB2] =	sst s10  }
0x35: {  	s10 =	sld [smem:$0x3FB1];
	_ =	sdelay $0x3  }
0x36: {  	p1 =	seq.s32 s10, $0x1;
	s10 =	sld [smem:$0x3FB2];
	_ =	sdelay $0x3  }
0x37: {  	[smem:$0x3FB2] =	sst s10  }
0x38: {  	s10 =	sld [smem:$0x3FB3]  }
0x39: {  	_ = 	snop;
	(pc) =	sbr.ind lr, $3  }
0x3a: {  	_ = 	snop  }
0x3b: {  	_ = 	snop  }
0x3c: {  	p2 =	seq.s32 s10, $0x1;
	s10 =	sld [smem:$0x3FB2]  }
0x3d: {  	_ =	shalt  }
0x3e: {  	_ =	shalt  }
0x3f: {  	_ =	shalt  }
0x40: {  	_ =	shalt  }
0x41: {  	_ =	shalt  }
0x42: {  	_ =	shalt  }
0x43: {  	_ =	shalt  }
0x44: {  	_ =	shalt  }
0x45: {  	_ =	shalt  }
0x46: {  	_ =	shalt  }
0x47: {  	_ =	shalt  }
0x48: {  	_ =	shalt  }
0x49: {  	_ =	shalt  }
0x4a: {  	_ =	shalt  }
0x4b: {  	_ =	shalt  }
0x4c: {  	_ =	shalt  }
0x4d: {  	_ =	shalt  }
0x4e: {  	_ =	shalt  }
0x4f: {  	_ =	shalt  }
0x50: {  	_ =	shalt  }
0x51: {  	_ =	shalt  }
0x52: {  	_ =	shalt  }
0x53: {  	_ =	shalt  }
0x54: {  	_ =	shalt  }
0x55: {  	_ =	shalt  }
0x56: {  	_ =	shalt  }
0x57: {  	_ =	shalt  }
0x58: {  	_ =	shalt  }
0x59: {  	_ =	shalt  }
0x5a: {  	_ =	shalt  }
0x5b: {  	_ =	shalt  }
0x5c: {  	_ =	shalt  }
0x5d: {  	_ =	shalt  }
0x5e: {  	_ =	shalt  }
0x5f: {  	_ =	shalt  }
0x60: {  	_ =	shalt  }
0x61: {  	_ =	shalt  }
0x62: {  	_ =	shalt  }
0x63: {  	_ =	shalt  }
0x64: {  	_ =	shalt  }
0x65: {  	_ =	shalt  }
0x66: {  	_ =	shalt  }
0x67: {  	_ =	shalt  }
0x68: {  	_ =	shalt  }
0x69: {  	_ =	shalt  }
0x6a: {  	_ =	shalt  }
0x6b: {  	_ =	shalt  }
0x6c: {  	_ =	shalt  }
0x6d: {  	_ =	shalt  }
0x6e: {  	_ =	shalt  }
0x6f: {  	_ =	shalt  }
0x70: {  	_ =	shalt  }
0x71: {  	_ =	shalt  }
0x72: {  	_ =	shalt  }
0x73: {  	_ =	shalt  }
0x74: {  	_ =	shalt  }
0x75: {  	_ =	shalt  }
0x76: {  	_ =	shalt  }
0x77: {  	_ =	shalt  }
0x78: {  	_ =	shalt  }
0x79: {  	_ =	shalt  }
0x7a: {  	_ =	shalt  }
0x7b: {  	_ =	shalt  }
0x7c: {  	_ =	shalt  }
0x7d: {  	_ =	shalt  }
0x7e: {  	_ =	shalt  }
0x7f: {  	_ =	shalt  }
0x80: {  	_ =	shalt  }
0x81: {  	_ =	shalt  }
0x82: {  	_ =	shalt  }
0x83: {  	_ =	shalt  }
0x84: {  	_ =	shalt  }
0x85: {  	_ =	shalt  }
0x86: {  	_ =	shalt  }
0x87: {  	_ =	shalt  }
.Lfunc_end0:
.L_simem_size_0:
called_computation_lowered:
.L_overlay_start_0:
0x88: {  	s2 =	sld [smem:$0x3FD9]  }
0x89: {  	s3 =	sld [smem:$0x3FFE];
	_ =	sdelay $0x1  }
0x8a: {  	s1 =	srdreg.scid  }
0x8b: {  	s0 =	sand.u32 $0x1, s1  }
0x8c: {  	s15 =	sshll.u32 s0, $0xA;
	s2 =	sadd.s32 s3, s2  }
0x8d: {  	s2 =	sadd.s32 s2, s15  }
0x8e: {  	[smem:$0x3FBE] =	sst s2  }
0x8f: {  	_ = 	snop  }
0x90: {  	s2 =	sld [smem:$0x3FC8]  }
0x91: {  	s16 =	sld [smem:$0x3FD0]  }
0x92: {  	s4 =	sld [smem:$0x3FC7]  }
0x93: {  	s5 =	sld [smem:$0x3FC5]  }
0x94: {  	s7 =	simm.s32 $0xA;
	s8 =	simm.s32 $0x10;
	s6 =	sld [smem:$0x3FC4]  }
0x95: {  	[smem:s8], [sflag:s7] =	dma.local [hbm:s16], $0x1  }
0x96: {  	_ =	swait.eq [sflag:s7], $0x1  }
0x97: {  	[sflag:s7] =	ssyncset.done $0x0  }
0x98: {  	s17 =	sld [smem:$0x12];
	[sflag:s7] =	ssyncadd.s32 $0xFFFFFFFF  }
0x99: {  	s18 =	sld [smem:$0x13];
	(tm) =	ssettm $0x1  }
0x9a: {  	s19 =	sld [smem:$0x3FFB];
	_ =	sdelay $0x3  }
0x9b: {  	_ =	strace s19  }
0x9c: {  	s8 =	sld [smem:$0x3FFC];
	_ =	sdelay $0x3  }
0x9d: {  	_ =	strace s8  }
0x9e: {  	s8 =	sld [smem:$0x3FFD];
	_ =	sdelay $0x3  }
0x9f: {  	_ =	strace s8  }
0xa0: {  	_ =	strace $0x8FFFFFFF  }
0xa1: {  	s20 =	sld [smem:$0x3FDB];
	_ =	sdelay $0x1  }
0xa2: {  	s9 =	simm.s32 $_scs_section_size  }
0xa3: {  	s10 =	simm.s32 $_size__tile_overlayer_lowered;
	s11 =	simm.s32 $_tile_overlayer_lowered  }
0xa4: {  	s23 =	simm.s32 $0x1BFF;
	s22 =	sshll.u32 s11, $0x1;
	s8 =	sadd.s32 s9, s20  }
0xa5: {  	s12 =	simm.s32 $0x0;
	s21 =	sshll.u32 s10, $0x1;
	s10 =	sadd.s32 s22, s8  }
0xa6: {  	[timem:s12], [sflag:s23] =	dma.local [hbm:s10], s21  }
0xa7: {  	_ =	swait.ge [sflag:s23], s21  }
0xa8: {  	s9 =	ssub.s32 $0x0, s21;
	[sflag:s23] =	ssyncset.done $0x0  }
0xa9: {  	[sflag:s23] =	ssyncadd.s32 s9;
	_ =	sdelay $0x1  }
0xaa: {  	s24 =	simm.s32 $0x1B8B  }
0xab: {  	_ =	swait.ge [sflag:s24], $0x1  }
0xac: {  	[sflag:s24] =	ssyncset.done $0x0  }
0xad: {  	s25 =	simm.s32 $0x1B8E;
	[sflag:s24] =	ssyncadd.s32 $0xFFFFFFFF  }
0xae: {  	s26 =	simm.s32 $execute0_lowered;
	[smem:$0x3FD2] =	sst s25  }
0xaf: {  	s9 =	sshll.u32 s26, $0x1;
	_ =	strace $0x80000046;
	[dreg:$0x1] =	wrdreg $0xFFFFFFFF  }
0xb0: {  	s28 =	simm.s32 $_size_execute0_lowered;
	s8 =	sadd.s32 s8, s9;
	[dreg:$0x0] =	wrdreg $0x0  }
0xb1: {  	s9 =	sshll.u32 s28, $0x1;
	[dreg:$0x2] =	wrdreg s8  }
0xb2: {  	[dreg:$0x3] =	wrdreg s9  }
0xb3: {  	[dreg:$0x4] =	wrdreg $0xC0  }
0xb4: {  	_ =	task [dreg:s12], $0x5FFFF  }
0xb5: {  	[dreg:$0x1] =	wrdreg $0xFFFFFFFF  }
0xb6: {  	[dreg:$0x0] =	wrdreg $0x60  }
0xb7: {  	[dreg:$0x2] =	wrdreg s2  }
0xb8: {  	[dreg:$0x3] =	wrdreg s5  }
0xb9: {  	[dreg:$0x4] =	wrdreg s4  }
0xba: {  	[dreg:$0x5] =	wrdreg s6  }
0xbb: {  	[dreg:$0x6] =	wrdreg s17  }
0xbc: {  	[dreg:$0x7] =	wrdreg s18  }
0xbd: {  	[dreg:$0x8] =	wrdreg $0xEE400  }
0xbe: {  	[dreg:$0x9] =	wrdreg $0xEE900  }
0xbf: {  	[dreg:$0xa] =	wrdreg $0x9  }
0xc0: {  	_ =	task.clear_ibuf [dreg:s12], $0xBFFFF;
	_ =	strace $0x90000046  }
0xc1: {  	s29 =	simm.s32 $0x9;
	_ =	strace $0x80000048  }
0xc2: {  	_ =	swait.ge [sflag:s29], $0x1  }
0xc3: {  	[sflag:s29] =	ssyncadd.s32 $0xFFFFFFFF  }
0xc4: {  	_ =	strace $0x90000048  }
0xc5: {  	_ =	sfence  }
0xc6: {  	s30 =	sld [smem:$0x0];
	_ =	sdelay $0x2  }
0xc7: {  	s31 =	sshll.u32 s1, $0xD;
	s1 =	sshrl.u32 s1, $0x2  }
0xc8: {  	s3 =	sand.u32 $0x4000, s31;
	s1 =	sadd.s32 s1, s30  }
0xc9: {  	s0 =	sor.u32 s3, s0;
	s1 =	sshll.u32 s1, $0x11  }
0xca: {  	s0 =	sor.u32 s1, s0  }
0xcb: {  	s0 =	sadd.s32 $0x8F2B, s0  }
0xcc: {  	[sflag:s0] =	ssyncadd.remote.s32 $0x1  }
0xcd: {  	_ =	sfence.sel $0xFFFF  }
0xce: {  	[dreg:$0x0] =	wrdreg $0xFFFFFFFF;
	(pc) =	sbr.abs _section_cstart, $3  }
0xcf: {  	[dreg:$0x1] =	wrdreg $0xFFFFFFFF  }
0xd0: {  	_ =	task.clear_ibuf [dreg:s12], $0x2FFFF;
	_ =	strace $0x9FFFFFFF  }
0xd1: {  	(tm) =	ssettm $0x7FFFFFFF  }
tec
execute0_lowered:
.L_overlay_start_1:
0x0: {  	(tag) =	ssettag $0x1  }
0x1: {  	s0 =	rddreg [dreg:$0x0]  }
0x2: {  	s1 =	rddreg [dreg:$0x1]  }
0x3: {  	s3 =	rddreg [dreg:$0x2]  }
0x4: {  	s4 =	rddreg [dreg:$0x3]  }
0x5: {  	s2 =	rddreg [dreg:$0x4]  }
0x6: {  	s6 =	rddreg [dreg:$0x5]  }
0x7: {  	s13 =	rddreg [dreg:$0x6]  }
0x8: {  	s14 =	rddreg [dreg:$0x7]  }
0x9: {  	s7 =	srdreg.scid;
	s5 =	stileid.u32;
	s15 =	simm.s32 $0x0  }
0xa: {  	s28 =	simm.s32 $0xE000;
	s29 =	simm.s32 $0x7000;
	s8 =	smul.u32 $0x50, s5  }
0xb: {  	s30 =	simm.s32 $0xE1D0;
	s7 =	sand.u32 $0x1, s7;
	s11 =	smul.u32 $0xE000, s5  }
0xc: {  	[smem:$0x7FF] =	sst s15;
	s25 =	smul.u32 $0x38, s5;
	s26 =	sshll.u32 s5, $0x7  }
0xd: {  	s20 =	smul.u32 $0x1C000, s5;
	s10 =	ssub.s32 $0x2, s7;
	_ =	strace $0x80000047  }
0xe: {  	s9 =	sshll.u32 s7, $0x6;
	s12 =	sshrl.u32 s10, $0x1;
	s17 =	sadd.s32 s8, s13  }
0xf: {  	s24 =	sor.u32 s9, s11;
	s18 =	sor.u32 s9, s26;
	s19 =	sadd.s32 s1, s25  }
0x10: {  	s21 =	sadd.s32 s4, s25;
	s26 =	smul.u32 $0x1C0, s5;
	[dreg:$0xa] =	wrdreg s19  }
0x11: {  	s23 =	ssub.s32 s10, s12;
	s10 =	sshrl.u32 s24, $0x3;
	[dreg:$0xc] =	wrdreg s21  }
0x12: {  	s11 =	sadd.s32 s8, s14;
	s16 =	sadd.s32 s0, s10;
	[dreg:$0x12] =	wrdreg s26  }
0x13: {  	s8 =	sshrl.u32 s18, $0x3;
	s10 =	sadd.s32 s3, s10;
	[dreg:$0x9] =	wrdreg s16  }
0x14: {  	s31 =	simm.s32 $0x1;
	s2 =	sadd.s32 s2, s8;
	[dreg:$0xb] =	wrdreg s10  }
0x15: {  	s24 =	sshrl.u32 s20, $0x2;
	s22 =	sadd.s32 s6, s8;
	[dreg:$0xd] =	wrdreg s2  }
.Ltmp0:
0x16: {  	s23 =	smax.u32 s23, $0x1;
	[dreg:$0xe] =	wrdreg s22;
	(pc) =	sbr.rel .LBB2_1-.Ltmp0, $4  }
0x17: {  	s25 =	sor.u32 $0x20, s24;
	s26 =	simm.s32 $0x80;
	[dreg:$0xf] =	wrdreg s23  }
0x18: {  	v0 =	vlaneseq.u32;
	s6 =	simm.s32 $0x0;
	[dreg:$0x10] =	wrdreg s25;
	s2 =	sadd.s32 $0x7020, s24  }
0x19: {  	v1 =	vimm.f32 $0.0e+00;
	vm0 =	vmmov $0xff;
	v2 =	vimm.f32 $8.000000000e+00;
	s22 =	simm.s32 $0xE3A0;
	s23 =	simm.s32 $0xEDB0;
	s24 =	simm.s32 $0x3  }
0x1a: {  	v3 =	vimm.f32 $1.000000000e+00;
	v4 =	vimm.f32 $4.480000000e+02;
	v5 =	vimm.s32 $0x40;
	s25 =	simm.s32 $0x40;
	[dreg:$0x11] =	wrdreg s2;
	s2 =	simm.s32 $0x2  }
.LBB2_63:
0x1b: {  	s7 =	rddreg [dreg:$0x6];
	s8 =	simm.s32 $0x10;
	s10 =	simm.s32 $0xEDA0  }
0x1c: {  	[spmem:s7] =	stream.indirect.scatter.add.f32 [tilespmem:s22], [sflag:$0x3], $0x50, s10, s8, $0xb8;
	[tilespmem:$0xEEE0] =	vst v63  }
0x1d: {  	_ =	swait.ge [sflag:s24], $0x500  }
0x1e: {  	[sflag:s24] =	ssyncset.done $0x0  }
0x1f: {  	[sflag:s24] =	ssyncadd.s32 $0xFFFFFB00  }
0x20: {  	s11 =	simm.s32 $0xE8A0;
	s17 =	rddreg [dreg:$0x7]  }
0x21: {  	[spmem:s17] =	stream.indirect.scatter.add.f32 [tilespmem:s11], [sflag:$0x3], $0x50, s10, s8, $0xb8;
	[tilespmem:$0xEEE0] =	vst v63  }
0x22: {  	_ =	swait.ge [sflag:s24], $0x500  }
0x23: {  	[sflag:s24] =	ssyncset.done $0x0  }
0x24: {  	[sflag:s24] =	ssyncadd.s32 $0xFFFFFB00  }
0x25: {  	[bflag:$0x0] =	sbarrier.arrive $0xFFFF  }
0x26: {  	[tilespmem:s23], [sflag:$0x3] =	stream.linear.gather [spmem:s14], $0x50, $0x38;
	[tilespmem:$0xEEE0] =	vst v63  }
0x27: {  	_ =	swait.ge [sflag:s24], $0x50  }
0x28: {  	[sflag:s24] =	ssyncset.done $0x0  }
0x29: {  	[sflag:s24] =	ssyncadd.s32 $0xFFFFFFB0  }
0x2a: {  	v6 =	vld.idx.msk [tilespmem:v5+s23+$0x0], $0xffff;
	_ =	sdelay $0x4  }
0x2b: {  	v6 =	vmax.f32 v6, $1.000000000e+00  }
0x2c: {  	(erf) = vrcp.f32 v6;
	_ =	sdelay $0x4  }
0x2d: {  	v6 =	vld [tilespmem:$0xEDB0]  }
0x2e: {  	v7 =	vld [tilespmem:$0xEDC0]  }
0x2f: {  	v8 =	vld [tilespmem:$0xEDD0]  }
0x30: {  	v9 =	vld [tilespmem:$0xEDE0]  }
0x31: {  	v10 =	vpop (erf)  }
0x32: {  	v6 =	vmul.f32 v10, v6  }
0x33: {  	v7 =	vmul.f32 v7, v10  }
0x34: {  	[tilespmem:$0xEE00] =	vst v6;
	v6 =	vmul.f32 v8, v10  }
0x35: {  	[tilespmem:$0xEE10] =	vst v7;
	v7 =	vmul.f32 v9, v10  }
0x36: {  	[tilespmem:$0xEE20] =	vst v6  }
0x37: {  	s15 =	simm.s32 $0x0;
	s19 =	simm.s32 $0xEE00;
	s18 =	rddreg [dreg:$0xd];
	[tilespmem:$0xEE30] =	vst v7  }
0x38: {  	[hbm4b:s18+s15] =	stream.linear.scatter [tilespmem:s19], [sflag:$0x3], $0x40, $0x38;
	[tilespmem:$0xEEE0] =	vst v63  }
0x39: {  	_ =	swait.ge [sflag:s24], $0x40  }
0x3a: {  	[sflag:s24] =	ssyncset.done $0x0  }
0x3b: {  	[sflag:s24] =	ssyncadd.s32 $0xFFFFFFC0  }
0x3c: {  	[tilespmem:s23], [sflag:$0x3] =	stream.linear.gather [spmem:s13], $0x50, $0x38;
	[tilespmem:$0xEEE0] =	vst v63  }
0x3d: {  	_ =	swait.ge [sflag:s24], $0x50  }
0x3e: {  	[sflag:s24] =	ssyncset.done $0x0  }
0x3f: {  	[sflag:s24] =	ssyncadd.s32 $0xFFFFFFB0  }
0x40: {  	v6 =	vld.idx.msk [tilespmem:v5+s23+$0x0], $0xffff;
	_ =	sdelay $0x4  }
0x41: {  	v6 =	vmax.f32 v6, $1.000000000e+00  }
0x42: {  	(erf) = vrcp.f32 v6;
	_ =	sdelay $0x4  }
0x43: {  	v6 =	vld [tilespmem:$0xEDB0]  }
0x44: {  	v7 =	vld [tilespmem:$0xEDC0]  }
0x45: {  	v61 =	vld [tilespmem:$0xEDD0]  }
0x46: {  	v62 =	vld [tilespmem:$0xEDE0]  }
0x47: {  	v63 =	vpop (erf)  }
0x48: {  	v6 =	vmul.f32 v63, v6  }
0x49: {  	v7 =	vmul.f32 v7, v63  }
0x4a: {  	[tilespmem:$0xEE00] =	vst v6;
	v6 =	vmul.f32 v61, v63  }
0x4b: {  	[tilespmem:$0xEE10] =	vst v7;
	v7 =	vmul.f32 v62, v63  }
0x4c: {  	[tilespmem:$0xEE20] =	vst v6  }
0x4d: {  	s20 =	rddreg [dreg:$0xe];
	[tilespmem:$0xEE30] =	vst v7  }
0x4e: {  	[hbm4b:s20+s15] =	stream.linear.scatter [tilespmem:s19], [sflag:$0x3], $0x40, $0x38;
	[tilespmem:$0xEEE0] =	vst v63  }
0x4f: {  	_ =	swait.ge [sflag:s24], $0x40  }
0x50: {  	s6 =	sadd.s32 $0x1, s6;
	s21 =	rddreg [dreg:$0xf]  }
0x51: {  	p0 =	sne.s32 s6, s21  }
.Ltmp1:
0x52: {  	_ = 	snop;
	(pc) =	sbr.rel @!p0 .LBB2_64-.Ltmp1, $3  }
0x53: {  	_ =	sdelay $0x1  }
0x54: {  	[sflag:s24] =	ssyncset.done $0x0  }
0x55: {  	s17 =	smov.u32 s14;
	s11 =	smov.u32 s13;
	[sflag:s24] =	ssyncadd.s32 $0xFFFFFFC0  }
.LBB2_1:
0x56: {  	s7 =	smul.u32 $0xCD, s15;
	_ =	sdelay $0x1  }
0x57: {  	s7 =	sshrl.u32 s7, $0xA  }
0x58: {  	s8 =	smul.u32 $0x5, s7  }
0x59: {  	s10 =	sand.u32 $0x3F, s7  }
0x5a: {  	s7 =	simm.s32 $0x1;
	v6 =	vmov s10;
	s8 =	ssub.s32 $0x0, s8  }
0x5b: {  	s20 =	smul.u32 $0xCD, s7;
	v6 =	vmul.u32 $0x50, v6;
	s8 =	sshll.u32 s8, $0x4  }
0x5c: {  	s8 =	sand.u32 $0xF0, s8  }
0x5d: {  	s21 =	sshrl.u32 s20, $0xA;
	v6 =	vadd.s32 s8, v6  }
0x5e: {  	[tilespmem:$0xEDA0] =	vst v0;
	s10 =	smul.u32 $0x5, s21;
	s15 =	sand.u32 $0x3F, s21;
	s8 =	simm.s32 $0x2;
	v6 =	vbroadcast v6, $0x0  }
.LBB2_2:
0x5f: {  	s16 =	smul.u32 $0xCD, s8  }
0x60: {  	s10 =	ssub.s32 s7, s10;
	v7 =	vmov s15;
	v8 =	vor.u32 v0, v6;
	s7 =	smov.u32 s8;
	p0 =	sne.s32 s8, $0x9F  }
.Ltmp2:
0x61: {  	s8 =	sadd.s32 $0x1, s8;
	s10 =	sshll.u32 s10, $0x4;
	v6 =	vmul.u32 $0x50, v7;
	(pc) =	sbr.rel @p0 .LBB2_2-.Ltmp2, $4  }
0x62: {  	s10 =	sand.u32 $0xF0, s10  }
0x63: {  	s15 =	sshrl.u32 s16, $0xA;
	v6 =	vadd.s32 s10, v6  }
0x64: {  	s10 =	smul.u32 $0x5, s15;
	v6 =	vbroadcast v6, $0x0  }
0x65: {  	s15 =	sand.u32 $0x3F, s15;
	[tilespmem:v8+s22+$0x0] =	vst.idx.msk $0xffff, v1  }
0x66: {  	s7 =	ssub.s32 s7, s10;
	v7 =	vmov s15  }
0x67: {  	s7 =	sshll.u32 s7, $0x4;
	v7 =	vmul.u32 $0x50, v7  }
0x68: {  	s7 =	sand.u32 $0xF0, s7  }
0x69: {  	v7 =	vadd.s32 s7, v7  }
0x6a: {  	v7 =	vbroadcast v7, $0x0  }
0x6b: {  	v6 =	vor.u32 v0, v6  }
0x6c: {  	v7 =	vor.u32 v0, v7;
	_ =	sdelay $0x3  }
0x6d: {  	[tilespmem:v6+s22+$0x0] =	vst.idx.msk $0xffff, v1  }
0x6e: {  	[tilespmem:v7+s22+$0x0] =	vst.idx.msk $0xffff, v1  }
0x6f: {  	[tilespmem:$0xEDB0] =	vst v1  }
0x70: {  	[tilespmem:$0xEDC0] =	vst v1  }
0x71: {  	[tilespmem:$0xEDD0] =	vst v1  }
0x72: {  	[tilespmem:$0xEDE0] =	vst v1  }
0x73: {  	[tilespmem:$0xEDF0] =	vst v1  }
0x74: {  	[spmem:s17] =	stream.linear.scatter [tilespmem:s23], [sflag:$0x3], $0x50, $0x38;
	[tilespmem:$0xEEE0] =	vst v63  }
0x75: {  	_ =	swait.ge [sflag:s24], $0x50  }
0x76: {  	[sflag:s24] =	ssyncset.done $0x0  }
0x77: {  	[sflag:s24] =	ssyncadd.s32 $0xFFFFFFB0  }
0x78: {  	[spmem:s11] =	stream.linear.scatter [tilespmem:s23], [sflag:$0x3], $0x50, $0x38;
	[tilespmem:$0xEEE0] =	vst v63  }
0x79: {  	_ =	swait.ge [sflag:s24], $0x50  }
0x7a: {  	[sflag:s24] =	ssyncset.done $0x0  }
0x7b: {  	[sflag:s24] =	ssyncadd.s32 $0xFFFFFFB0  }
0x7c: {  	[bflag:$0x0] =	sbarrier.arrive $0xFFFF  }
0x7d: {  	s8 =	rddreg [dreg:$0x9]  }
0x7e: {  	s21 =	rddreg [dreg:$0xa]  }
.Ltmp3:
0x7f: {  	s7 =	simm.s32 $0x0;
	s19 =	rddreg [dreg:$0x10];
	(pc) =	sbr.rel .LBB2_4-.Ltmp3, $4  }
0x80: {  	[tilespmem:s7], [sflag:$0x1] =	stream.strided.gather [hbm4b:s8+s25], $0x7000, s26, s25, $0x38;
	[tilespmem:$0xEEE0] =	vst v63  }
0x81: {  	s20 =	rddreg [dreg:$0x12]  }
0x82: {  	[tilespmem:s28], [sflag:$0x1] =	stream.linear.gather [hbm4b:s21+s7], $0x1C0, $0x38;
	[tilespmem:$0xEEE0] =	vst v63  }
0x83: {  	s14 =	smov.u32 s17;
	s13 =	smov.u32 s11;
	s21 =	rddreg [dreg:$0x11]  }
.LBB2_9:
0x84: {  	v10 =	vmov s15  }
0x85: {  	v10 =	vmul.u32 $0x50, v10;
	_ =	sdelay $0x1  }
0x86: {  	v10 =	vbroadcast v10, $0x0;
	_ =	sdelay $0x1  }
0x87: {  	v12 =	vor.u32 $0x10, v0;
	v11 =	vor.u32 v0, v10  }
0x88: {  	v13 =	vor.u32 $0x20, v0;
	v12 =	vadd.s32 v12, v10  }
0x89: {  	v14 =	vor.u32 $0x30, v0;
	v13 =	vadd.s32 v13, v10  }
0x8a: {  	v14 =	vadd.s32 v14, v10  }
0x8b: {  	v10 =	vadd.s32 $0x40, v10  }
0x8c: {  	[tilespmem:v11+s22+$0x0] =	vst.idx.add.f32.msk $0xffff, v6  }
0x8d: {  	[tilespmem:v12+s22+$0x0] =	vst.idx.add.f32.msk $0xffff, v7  }
0x8e: {  	[tilespmem:v13+s22+$0x0] =	vst.idx.add.f32.msk $0xffff, v8  }
0x8f: {  	[tilespmem:v14+s22+$0x0] =	vst.idx.add.f32.msk $0xffff, v9  }
0x90: {  	[tilespmem:v10+s22+$0x0] =	vst.idx.add.f32.msk $0x1, v4  }
.LBB2_32:
0x91: {  	s7 =	sadd.s32 $0x1, s7  }
0x92: {  	p0 =	sne.s32 s7, $0xE  }
.Ltmp4:
0x93: {  	_ = 	snop;
	(pc) =	sbr.rel @!p0 .LBB2_33-.Ltmp4, $2  }
0x94: {  	_ =	sdelay $0x2  }
0x95: {  	s21 =	sadd.s32 $0x70000, s21;
	s20 =	sadd.s32 $0x1C00, s20;
	s19 =	sadd.s32 $0x70000, s19  }
.LBB2_4:
0x96: {  	s15 =	sand.u32 $0x1, s7  }
0x97: {  	p0 =	seq.s32 s15, $0x1  }
.Ltmp5:
0x98: {  	_ = 	snop;
	(pc) =	sbr.rel @p0 .LBB2_19-.Ltmp5, $4  }
0x99: {  	s8 =	smin.u32 s20, $0x184E0  }
0x9a: {  	s10 =	sshll.u32 s7, $0x4;
	s8 =	sshll.u32 s8, $0x8  }
0x9b: {  	s18 =	sor.u32 s5, s10;
	s8 =	ssub.s32 $0x0, s8  }
0x9c: {  	s17 =	smul.u32 $0x1C0, s18;
	s16 =	sshra.s32 s8, $0x2  }
0x9d: {  	_ = 	snop  }
0x9e: {  	s8 =	smin.u32 s17, $0x168E0  }
0x9f: {  	s8 =	sadd.s32 $0x1C00, s8  }
0xa0: {  	s10 =	sshll.u32 s8, $0x7  }
0xa1: {  	s10 =	sor.u32 s9, s10  }
0xa2: {  	s10 =	sshrl.u32 s10, $0x3  }
0xa3: {  	s8 =	sshrl.u32 s8, $0x3;
	s10 =	sadd.s32 s0, s10  }
0xa4: {  	[tilespmem:s29], [sflag:$0x2] =	stream.strided.gather [hbm4b:s10+s25], $0x7000, s26, s25, $0x38;
	[tilespmem:$0xEEE0] =	vst v63  }
0xa5: {  	s15 =	simm.s32 $0x0;
	s8 =	sadd.s32 s1, s8  }
0xa6: {  	[tilespmem:s30], [sflag:$0x2] =	stream.linear.gather [hbm4b:s8+s15], $0x1C0, $0x38;
	[tilespmem:$0xEEE0] =	vst v63  }
0xa7: {  	_ =	swait.ge [sflag:s31], $0x7000  }
0xa8: {  	[sflag:s31] =	ssyncset.done $0x0  }
0xa9: {  	[sflag:s31] =	ssyncadd.s32 $0xFFFF9000  }
0xaa: {  	_ =	swait.ge [sflag:s31], $0x1C0  }
0xab: {  	[sflag:s31] =	ssyncset.done $0x0  }
0xac: {  	[sflag:s31] =	ssyncadd.s32 $0xFFFFFE40  }
0xad: {  	v6 =	vld [tilespmem:$0xE000]  }
0xae: {  	v7 =	vld [tilespmem:$0xE010];
	_ =	sdelay $0x1  }
0xaf: {  	v8 =	vld [tilespmem:$0xE020];
	_ =	sdelay $0x1  }
0xb0: {  	v9 =	vld [tilespmem:$0xE030]  }
0xb1: {  	vm1 =	vlt.s32 v6, v7  }
0xb2: {  	v11 =	vld [tilespmem:$0xE040];
	v10 =	vsel vm1, v6, v7  }
0xb3: {  	v6 =	vsel vm1, v7, v6;
	vm1 =	vlt.s32 v10, v8  }
0xb4: {  	v41 =	vld [tilespmem:$0xE050];
	v7 =	vsel vm1, v10, v8;
	vm1 =	vgt.s32 v6, v8  }
0xb5: {  	v6 =	vsel vm1, v6, v8;
	vm1 =	vlt.s32 v7, v9  }
0xb6: {  	v42 =	vld [tilespmem:$0xE060];
	v7 =	vsel vm1, v7, v9;
	vm1 =	vgt.s32 v6, v9  }
0xb7: {  	v6 =	vsel vm1, v6, v9;
	vm1 =	vlt.s32 v7, v11  }
0xb8: {  	v43 =	vld [tilespmem:$0xE070];
	v7 =	vsel vm1, v7, v11;
	vm1 =	vgt.s32 v6, v11  }
0xb9: {  	v6 =	vsel vm1, v6, v11;
	vm1 =	vlt.s32 v7, v41  }
0xba: {  	v44 =	vld [tilespmem:$0xE080];
	v7 =	vsel vm1, v7, v41;
	vm1 =	vgt.s32 v6, v41  }
0xbb: {  	v6 =	vsel vm1, v6, v41;
	vm1 =	vlt.s32 v7, v42  }
0xbc: {  	v45 =	vld [tilespmem:$0xE090];
	v7 =	vsel vm1, v7, v42;
	vm1 =	vgt.s32 v6, v42  }
0xbd: {  	v6 =	vsel vm1, v6, v42;
	vm1 =	vlt.s32 v7, v43  }
0xbe: {  	v46 =	vld [tilespmem:$0xE0A0];
	v7 =	vsel vm1, v7, v43;
	vm1 =	vgt.s32 v6, v43  }
0xbf: {  	v6 =	vsel vm1, v6, v43;
	vm1 =	vlt.s32 v7, v44  }
0xc0: {  	v47 =	vld [tilespmem:$0xE0B0];
	v7 =	vsel vm1, v7, v44;
	vm1 =	vgt.s32 v6, v44  }
0xc1: {  	v6 =	vsel vm1, v6, v44;
	vm1 =	vlt.s32 v7, v45  }
0xc2: {  	v48 =	vld [tilespmem:$0xE0C0];
	v7 =	vsel vm1, v7, v45;
	vm1 =	vgt.s32 v6, v45  }
0xc3: {  	v6 =	vsel vm1, v6, v45;
	vm1 =	vlt.s32 v7, v46  }
0xc4: {  	v49 =	vld [tilespmem:$0xE0D0];
	v7 =	vsel vm1, v7, v46;
	vm1 =	vgt.s32 v6, v46  }
0xc5: {  	v6 =	vsel vm1, v6, v46;
	vm1 =	vlt.s32 v7, v47  }
0xc6: {  	v50 =	vld [tilespmem:$0xE0E0];
	v7 =	vsel vm1, v7, v47;
	vm1 =	vgt.s32 v6, v47  }
0xc7: {  	v6 =	vsel vm1, v6, v47;
	vm1 =	vlt.s32 v7, v48  }
0xc8: {  	v51 =	vld [tilespmem:$0xE0F0];
	v7 =	vsel vm1, v7, v48;
	vm1 =	vgt.s32 v6, v48  }
0xc9: {  	v6 =	vsel vm1, v6, v48;
	vm1 =	vlt.s32 v7, v49  }
0xca: {  	v52 =	vld [tilespmem:$0xE100];
	v7 =	vsel vm1, v7, v49;
	vm1 =	vgt.s32 v6, v49  }
0xcb: {  	v6 =	vsel vm1, v6, v49;
	vm1 =	vlt.s32 v7, v50  }
0xcc: {  	v53 =	vld [tilespmem:$0xE110];
	v7 =	vsel vm1, v7, v50;
	vm1 =	vgt.s32 v6, v50  }
0xcd: {  	v6 =	vsel vm1, v6, v50;
	vm1 =	vlt.s32 v7, v51  }
0xce: {  	v54 =	vld [tilespmem:$0xE120];
	v7 =	vsel vm1, v7, v51;
	vm1 =	vgt.s32 v6, v51  }
0xcf: {  	v6 =	vsel vm1, v6, v51;
	vm1 =	vlt.s32 v7, v52  }
0xd0: {  	v55 =	vld [tilespmem:$0xE130];
	v7 =	vsel vm1, v7, v52;
	vm1 =	vgt.s32 v6, v52  }
0xd1: {  	v6 =	vsel vm1, v6, v52;
	vm1 =	vlt.s32 v7, v53  }
0xd2: {  	v56 =	vld [tilespmem:$0xE140];
	v7 =	vsel vm1, v7, v53;
	vm1 =	vgt.s32 v6, v53  }
0xd3: {  	v6 =	vsel vm1, v6, v53;
	vm1 =	vlt.s32 v7, v54  }
0xd4: {  	v57 =	vld [tilespmem:$0xE150];
	v7 =	vsel vm1, v7, v54;
	vm1 =	vgt.s32 v6, v54  }
0xd5: {  	v6 =	vsel vm1, v6, v54;
	vm1 =	vlt.s32 v7, v55  }
0xd6: {  	v58 =	vld [tilespmem:$0xE160];
	v7 =	vsel vm1, v7, v55;
	vm1 =	vgt.s32 v6, v55  }
0xd7: {  	v6 =	vsel vm1, v6, v55;
	vm1 =	vlt.s32 v7, v56  }
0xd8: {  	v59 =	vld [tilespmem:$0xE170];
	v7 =	vsel vm1, v7, v56;
	vm1 =	vgt.s32 v6, v56  }
0xd9: {  	v6 =	vsel vm1, v6, v56;
	vm1 =	vlt.s32 v7, v57  }
0xda: {  	v60 =	vld [tilespmem:$0xE180];
	v7 =	vsel vm1, v7, v57;
	vm1 =	vgt.s32 v6, v57  }
0xdb: {  	v6 =	vsel vm1, v6, v57;
	vm1 =	vlt.s32 v7, v58  }
0xdc: {  	v61 =	vld [tilespmem:$0xE190];
	v7 =	vsel vm1, v7, v58;
	vm1 =	vgt.s32 v6, v58  }
0xdd: {  	v6 =	vsel vm1, v6, v58;
	vm1 =	vlt.s32 v7, v59  }
0xde: {  	v62 =	vld [tilespmem:$0xE1A0];
	v7 =	vsel vm1, v7, v59;
	vm1 =	vgt.s32 v6, v59  }
0xdf: {  	v6 =	vsel vm1, v6, v59;
	vm1 =	vlt.s32 v7, v60  }
0xe0: {  	v63 =	vld [tilespmem:$0xE1B0];
	v7 =	vsel vm1, v7, v60;
	vm1 =	vgt.s32 v6, v60  }
0xe1: {  	v6 =	vsel vm1, v6, v60;
	vm1 =	vlt.s32 v7, v61  }
0xe2: {  	v7 =	vsel vm1, v7, v61;
	vm1 =	vgt.s32 v6, v61  }
0xe3: {  	v6 =	vsel vm1, v6, v61;
	vm1 =	vlt.s32 v7, v62  }
0xe4: {  	v7 =	vsel vm1, v7, v62;
	vm1 =	vgt.s32 v6, v62  }
0xe5: {  	v6 =	vsel vm1, v6, v62;
	vm1 =	vlt.s32 v7, v63  }
0xe6: {  	v7 =	vsel vm1, v7, v63;
	vm1 =	vgt.s32 v6, v63  }
0xe7: {  	v6 =	vsel vm1, v6, v63;
	v7 =	vxor.u32 $0x80000000, v7  }
0xe8: {  	(xrf0) =	vmin.scan.msk.u32 $0xffff, v7;
	v6 =	vxor.u32 $0x80000000, v6  }
0xe9: {  	(xrf0) =	vmax.scan.msk.u32 $0xffff, v6;
	_ =	sdelay $0x4  }
0xea: {  	v6, _, _ =	vpop (xrf0)  }
0xeb: {  	(v2sf) =	vpush v6, $0xF;
	v6, _, _ =	vpop (xrf0)  }
0xec: {  	(v2sf) =	vpush v6, $0xF;
	_ =	sdelay $0xd  }
0xed: {  	s15 =	spop (v2sf)  }
0xee: {  	p0 =	sgt.u32 s18, $0xDE;
	s8 =	spop (v2sf)  }
0xef: {  	p1 =	sne.s32 @!p0 s15, s8  }
0xf0: {  	p0 =	por p0, p1  }
.Ltmp6:
0xf1: {  	_ = 	snop;
	(pc) =	sbr.rel @p0 .LBB2_10-.Ltmp6, $2  }
0xf2: {  	_ =	sdelay $0x2  }
0xf3: {  	v16 =	vimm.f32 $0.0e+00;
	[tilespmem:$0xE1C0] =	vst v63  }
0xf4: {  	s16 =	simm.s32 $0x0  }
0xf5: {  	v6 =	vld [tilespmem:s16+$0x1C0]  }
0xf6: {  	v8 =	vld [tilespmem:s16+$0x1D0]  }
0xf7: {  	v7 =	vld [tilespmem:s16+$0x180]  }
0xf8: {  	v9 =	vld [tilespmem:s16+$0x190]  }
0xf9: {  	v10 =	vld [tilespmem:s16+$0x140]  }
0xfa: {  	v11 =	vld [tilespmem:s16+$0x150]  }
0xfb: {  	v12 =	vld [tilespmem:s16+$0x100]  }
0xfc: {  	v13 =	vld [tilespmem:s16+$0x110]  }
0xfd: {  	v14 =	vld [tilespmem:s16+$0xC0]  }
0xfe: {  	v15 =	vld [tilespmem:s16+$0xD0]  }
0xff: {  	v17 =	vld [tilespmem:s16+$0x80]  }
0x100: {  	v18 =	vld [tilespmem:s16+$0x90]  }
0x101: {  	v22 =	vld [tilespmem:s16+$0x40]  }
0x102: {  	v23 =	vld [tilespmem:s16+$0x50]  }
0x103: {  	v25 =	vld [tilespmem:s16+$0x0]  }
0x104: {  	v26 =	vld [tilespmem:s16+$0x10]  }
0x105: {  	s17 =	simm.s32 $0x800;
	v21 =	vimm.f32 $0.0e+00;
	v19 =	vimm.f32 $0.0e+00;
	v20 =	vimm.f32 $0.0e+00;
	v24 =	vld [tilespmem:s16+$0x20]  }
.LBB2_7:
0x106: {  	p0 =	seq.s32 s17, $0x1B800;
	v27 =	vld [tilespmem:s16+$0x30]  }
0x107: {  	v28 =	vld [tilespmem:s16+$0x60]  }
0x108: {  	v29 =	vld [tilespmem:s16+$0x70]  }
0x109: {  	v30 =	vld [tilespmem:s16+$0xA0]  }
0x10a: {  	v16 =	vadd.f32 v25, v16;
	v21 =	vadd.f32 v26, v21;
	v25 =	vld [tilespmem:s16+$0xB0]  }
0x10b: {  	v19 =	vadd.f32 v24, v19;
	v20 =	vadd.f32 v27, v20;
	v24 =	vld [tilespmem:s16+$0xE0]  }
0x10c: {  	v16 =	vadd.f32 v22, v16;
	v21 =	vadd.f32 v23, v21;
	v22 =	vld [tilespmem:s16+$0xF0]  }
0x10d: {  	v19 =	vadd.f32 v28, v19;
	v20 =	vadd.f32 v29, v20;
	v23 =	vld [tilespmem:s16+$0x120]  }
0x10e: {  	v16 =	vadd.f32 v17, v16;
	v17 =	vadd.f32 v18, v21;
	v18 =	vld [tilespmem:s16+$0x130]  }
0x10f: {  	v19 =	vadd.f32 v30, v19;
	v20 =	vadd.f32 v25, v20;
	v21 =	vld [tilespmem:s16+$0x160]  }
0x110: {  	v14 =	vadd.f32 v14, v16;
	v15 =	vadd.f32 v15, v17;
	v16 =	vld [tilespmem:s16+$0x170]  }
0x111: {  	v17 =	vadd.f32 v24, v19;
	v19 =	vadd.f32 v22, v20;
	v20 =	vld [tilespmem:s16+$0x1A0]  }
0x112: {  	v12 =	vadd.f32 v12, v14;
	v13 =	vadd.f32 v13, v15;
	v14 =	vld [tilespmem:s16+$0x1B0]  }
0x113: {  	v15 =	vadd.f32 v23, v17;
	v17 =	vadd.f32 v18, v19;
	v18 =	vld [tilespmem:s16+$0x1E0]  }
0x114: {  	v10 =	vadd.f32 v10, v12;
	v11 =	vadd.f32 v11, v13;
	v12 =	vld [tilespmem:s16+$0x1F0];
	s16 =	sshra.s32 s17, $0x2  }
0x115: {  	v15 =	vadd.f32 v21, v15;
	v13 =	vld [tilespmem:s16+$0x1C0];
	v16 =	vadd.f32 v16, v17  }
0x116: {  	v10 =	vadd.f32 v7, v10;
	v11 =	vadd.f32 v9, v11;
	v17 =	vld [tilespmem:s16+$0x1D0]  }
0x117: {  	v15 =	vadd.f32 v20, v15;
	v7 =	vld [tilespmem:s16+$0x180];
	v14 =	vadd.f32 v14, v16  }
0x118: {  	v16 =	vadd.f32 v6, v10;
	v21 =	vadd.f32 v8, v11;
	v9 =	vld [tilespmem:s16+$0x190]  }
0x119: {  	v19 =	vadd.f32 v18, v15;
	v10 =	vld [tilespmem:s16+$0x140];
	v20 =	vadd.f32 v12, v14  }
0x11a: {  	v11 =	vld [tilespmem:s16+$0x150];
	v6 =	vmov v13  }
0x11b: {  	v12 =	vld [tilespmem:s16+$0x100];
	v8 =	vmov v17  }
0x11c: {  	v13 =	vld [tilespmem:s16+$0x110]  }
0x11d: {  	v14 =	vld [tilespmem:s16+$0xC0]  }
0x11e: {  	v15 =	vld [tilespmem:s16+$0xD0]  }
0x11f: {  	v17 =	vld [tilespmem:s16+$0x80]  }
0x120: {  	v18 =	vld [tilespmem:s16+$0x90]  }
.Ltmp7:
0x121: {  	v22 =	vld [tilespmem:s16+$0x40];
	(pc) =	sbr.rel @!p0 .LBB2_7-.Ltmp7, $4  }
0x122: {  	v23 =	vld [tilespmem:s16+$0x50]  }
0x123: {  	v25 =	vld [tilespmem:s16+$0x0]  }
0x124: {  	v26 =	vld [tilespmem:s16+$0x10]  }
0x125: {  	s17 =	sadd.s32 $0x800, s17;
	v24 =	vld [tilespmem:s16+$0x20]  }
0x126: {  	v27 =	vld [tilespmem:s16+$0x30]  }
0x127: {  	v28 =	vld [tilespmem:s16+$0x60]  }
0x128: {  	v29 =	vld [tilespmem:s16+$0x70]  }
0x129: {  	v30 =	vld [tilespmem:s16+$0xA0]  }
0x12a: {  	v46 =	vld [tilespmem:s16+$0xB0];
	v16 =	vadd.f32 v25, v16;
	v21 =	vadd.f32 v26, v21  }
0x12b: {  	v47 =	vld [tilespmem:s16+$0xE0];
	v19 =	vadd.f32 v24, v19;
	v20 =	vadd.f32 v27, v20  }
0x12c: {  	v48 =	vld [tilespmem:s16+$0xF0];
	v16 =	vadd.f32 v22, v16;
	v21 =	vadd.f32 v23, v21  }
0x12d: {  	v49 =	vld [tilespmem:s16+$0x120];
	v19 =	vadd.f32 v28, v19;
	v20 =	vadd.f32 v29, v20  }
0x12e: {  	v51 =	vld [tilespmem:s16+$0x130];
	v16 =	vadd.f32 v17, v16;
	v50 =	vadd.f32 v18, v21  }
0x12f: {  	v52 =	vld [tilespmem:s16+$0x160];
	v19 =	vadd.f32 v30, v19;
	v20 =	vadd.f32 v46, v20  }
0x130: {  	v53 =	vld [tilespmem:s16+$0x170];
	v14 =	vadd.f32 v14, v16;
	v15 =	vadd.f32 v15, v50  }
0x131: {  	v56 =	vld [tilespmem:s16+$0x1A0];
	v54 =	vadd.f32 v47, v19;
	v55 =	vadd.f32 v48, v20  }
0x132: {  	v57 =	vld [tilespmem:s16+$0x1B0];
	v12 =	vadd.f32 v12, v14;
	v13 =	vadd.f32 v13, v15  }
0x133: {  	v60 =	vld [tilespmem:s16+$0x1E0];
	v58 =	vadd.f32 v49, v54;
	v59 =	vadd.f32 v51, v55  }
0x134: {  	v61 =	vld [tilespmem:s16+$0x1F0];
	v10 =	vadd.f32 v10, v12;
	v11 =	vadd.f32 v11, v13  }
.Ltmp8:
0x135: {  	v62 =	vadd.f32 v52, v58;
	v63 =	vadd.f32 v53, v59;
	(pc) =	sbr.rel .LBB2_9-.Ltmp8, $4  }
0x136: {  	v7 =	vadd.f32 v7, v10;
	v9 =	vadd.f32 v9, v11  }
0x137: {  	v10 =	vadd.f32 v56, v62;
	v11 =	vadd.f32 v57, v63  }
0x138: {  	v6 =	vadd.f32 v6, v7;
	v7 =	vadd.f32 v8, v9  }
0x139: {  	v8 =	vadd.f32 v60, v10;
	v9 =	vadd.f32 v61, v11  }
.LBB2_19:
0x13a: {  	p0 =	seq.s32 s7, $0xD  }
0x13b: {  	s8 =	smin.u32 @!p0 s17, $0x168E0  }
0x13c: {  	s8 =	sadd.s32 @!p0 $0x1C00, s8  }
0x13d: {  	s10 =	sshll.u32 @!p0 s8, $0x7  }
0x13e: {  	s10 =	sor.u32 @!p0 s9, s10  }
0x13f: {  	s15 =	simm.s32 @!p0 $0x40;
	s11 =	simm.s32 @!p0 $0x80;
	s10 =	sshrl.u32 @!p0 s10, $0x3  }
0x140: {  	s12 =	simm.s32 @!p0 $0x0;
	s8 =	sshrl.u32 @!p0 s8, $0x3;
	s10 =	sadd.s32 @!p0 s0, s10  }
0x141: {  	[tilespmem:s12], [sflag:$0x1] =	stream.strided.gather @!p0 [hbm4b:s10+s15], $0x7000, s11, s15, $0x38;
	[tilespmem:$0xEEE0] =	vst v63  }
0x142: {  	s8 =	sadd.s32 @!p0 s1, s8;
	s10 =	simm.s32 @!p0 $0xE000  }
0x143: {  	[tilespmem:s10], [sflag:$0x1] =	stream.linear.gather @!p0 [hbm4b:s8+s12], $0x1C0, $0x38;
	[tilespmem:$0xEEE0] =	vst v63  }
0x144: {  	_ =	swait.ge [sflag:s2], $0x7000  }
0x145: {  	[sflag:s2] =	ssyncset.done $0x0  }
0x146: {  	[sflag:s2] =	ssyncadd.s32 $0xFFFF9000  }
0x147: {  	_ =	swait.ge [sflag:s2], $0x1C0  }
0x148: {  	[sflag:s2] =	ssyncset.done $0x0  }
0x149: {  	[sflag:s2] =	ssyncadd.s32 $0xFFFFFE40  }
0x14a: {  	v6 =	vld [tilespmem:$0xE1D0]  }
0x14b: {  	v7 =	vld [tilespmem:$0xE1E0];
	_ =	sdelay $0x1  }
0x14c: {  	v8 =	vld [tilespmem:$0xE1F0];
	_ =	sdelay $0x1  }
0x14d: {  	v9 =	vld [tilespmem:$0xE200]  }
0x14e: {  	vm1 =	vlt.s32 v6, v7  }
0x14f: {  	v11 =	vld [tilespmem:$0xE210];
	v10 =	vsel vm1, v6, v7  }
0x150: {  	v6 =	vsel vm1, v7, v6;
	vm1 =	vlt.s32 v10, v8  }
0x151: {  	v41 =	vld [tilespmem:$0xE220];
	v7 =	vsel vm1, v10, v8;
	vm1 =	vgt.s32 v6, v8  }
0x152: {  	v6 =	vsel vm1, v6, v8;
	vm1 =	vlt.s32 v7, v9  }
0x153: {  	v42 =	vld [tilespmem:$0xE230];
	v7 =	vsel vm1, v7, v9;
	vm1 =	vgt.s32 v6, v9  }
0x154: {  	v6 =	vsel vm1, v6, v9;
	vm1 =	vlt.s32 v7, v11  }
0x155: {  	v43 =	vld [tilespmem:$0xE240];
	v7 =	vsel vm1, v7, v11;
	vm1 =	vgt.s32 v6, v11  }
0x156: {  	v6 =	vsel vm1, v6, v11;
	vm1 =	vlt.s32 v7, v41  }
0x157: {  	v44 =	vld [tilespmem:$0xE250];
	v7 =	vsel vm1, v7, v41;
	vm1 =	vgt.s32 v6, v41  }
0x158: {  	v6 =	vsel vm1, v6, v41;
	vm1 =	vlt.s32 v7, v42  }
0x159: {  	v45 =	vld [tilespmem:$0xE260];
	v7 =	vsel vm1, v7, v42;
	vm1 =	vgt.s32 v6, v42  }
0x15a: {  	v6 =	vsel vm1, v6, v42;
	vm1 =	vlt.s32 v7, v43  }
0x15b: {  	v46 =	vld [tilespmem:$0xE270];
	v7 =	vsel vm1, v7, v43;
	vm1 =	vgt.s32 v6, v43  }
0x15c: {  	v6 =	vsel vm1, v6, v43;
	vm1 =	vlt.s32 v7, v44  }
0x15d: {  	v47 =	vld [tilespmem:$0xE280];
	v7 =	vsel vm1, v7, v44;
	vm1 =	vgt.s32 v6, v44  }
0x15e: {  	v6 =	vsel vm1, v6, v44;
	vm1 =	vlt.s32 v7, v45  }
0x15f: {  	v48 =	vld [tilespmem:$0xE290];
	v7 =	vsel vm1, v7, v45;
	vm1 =	vgt.s32 v6, v45  }
0x160: {  	v6 =	vsel vm1, v6, v45;
	vm1 =	vlt.s32 v7, v46  }
0x161: {  	v49 =	vld [tilespmem:$0xE2A0];
	v7 =	vsel vm1, v7, v46;
	vm1 =	vgt.s32 v6, v46  }
0x162: {  	v6 =	vsel vm1, v6, v46;
	vm1 =	vlt.s32 v7, v47  }
0x163: {  	v50 =	vld [tilespmem:$0xE2B0];
	v7 =	vsel vm1, v7, v47;
	vm1 =	vgt.s32 v6, v47  }
0x164: {  	v6 =	vsel vm1, v6, v47;
	vm1 =	vlt.s32 v7, v48  }
0x165: {  	v51 =	vld [tilespmem:$0xE2C0];
	v7 =	vsel vm1, v7, v48;
	vm1 =	vgt.s32 v6, v48  }
0x166: {  	v6 =	vsel vm1, v6, v48;
	vm1 =	vlt.s32 v7, v49  }
0x167: {  	v52 =	vld [tilespmem:$0xE2D0];
	v7 =	vsel vm1, v7, v49;
	vm1 =	vgt.s32 v6, v49  }
0x168: {  	v6 =	vsel vm1, v6, v49;
	vm1 =	vlt.s32 v7, v50  }
0x169: {  	v53 =	vld [tilespmem:$0xE2E0];
	v7 =	vsel vm1, v7, v50;
	vm1 =	vgt.s32 v6, v50  }
0x16a: {  	v6 =	vsel vm1, v6, v50;
	vm1 =	vlt.s32 v7, v51  }
0x16b: {  	v54 =	vld [tilespmem:$0xE2F0];
	v7 =	vsel vm1, v7, v51;
	vm1 =	vgt.s32 v6, v51  }
0x16c: {  	v6 =	vsel vm1, v6, v51;
	vm1 =	vlt.s32 v7, v52  }
0x16d: {  	v55 =	vld [tilespmem:$0xE300];
	v7 =	vsel vm1, v7, v52;
	vm1 =	vgt.s32 v6, v52  }
0x16e: {  	v6 =	vsel vm1, v6, v52;
	vm1 =	vlt.s32 v7, v53  }
0x16f: {  	v56 =	vld [tilespmem:$0xE310];
	v7 =	vsel vm1, v7, v53;
	vm1 =	vgt.s32 v6, v53  }
0x170: {  	v6 =	vsel vm1, v6, v53;
	vm1 =	vlt.s32 v7, v54  }
0x171: {  	v57 =	vld [tilespmem:$0xE320];
	v7 =	vsel vm1, v7, v54;
	vm1 =	vgt.s32 v6, v54  }
0x172: {  	v6 =	vsel vm1, v6, v54;
	vm1 =	vlt.s32 v7, v55  }
0x173: {  	v58 =	vld [tilespmem:$0xE330];
	v7 =	vsel vm1, v7, v55;
	vm1 =	vgt.s32 v6, v55  }
0x174: {  	v6 =	vsel vm1, v6, v55;
	vm1 =	vlt.s32 v7, v56  }
0x175: {  	v59 =	vld [tilespmem:$0xE340];
	v7 =	vsel vm1, v7, v56;
	vm1 =	vgt.s32 v6, v56  }
0x176: {  	v6 =	vsel vm1, v6, v56;
	vm1 =	vlt.s32 v7, v57  }
0x177: {  	v60 =	vld [tilespmem:$0xE350];
	v7 =	vsel vm1, v7, v57;
	vm1 =	vgt.s32 v6, v57  }
0x178: {  	v6 =	vsel vm1, v6, v57;
	vm1 =	vlt.s32 v7, v58  }
0x179: {  	v61 =	vld [tilespmem:$0xE360];
	v7 =	vsel vm1, v7, v58;
	vm1 =	vgt.s32 v6, v58  }
0x17a: {  	v6 =	vsel vm1, v6, v58;
	vm1 =	vlt.s32 v7, v59  }
0x17b: {  	v62 =	vld [tilespmem:$0xE370];
	v7 =	vsel vm1, v7, v59;
	vm1 =	vgt.s32 v6, v59  }
0x17c: {  	v6 =	vsel vm1, v6, v59;
	vm1 =	vlt.s32 v7, v60  }
0x17d: {  	v63 =	vld [tilespmem:$0xE380];
	v7 =	vsel vm1, v7, v60;
	vm1 =	vgt.s32 v6, v60  }
0x17e: {  	v6 =	vsel vm1, v6, v60;
	vm1 =	vlt.s32 v7, v61  }
0x17f: {  	v7 =	vsel vm1, v7, v61;
	vm1 =	vgt.s32 v6, v61  }
0x180: {  	v6 =	vsel vm1, v6, v61;
	vm1 =	vlt.s32 v7, v62  }
0x181: {  	v7 =	vsel vm1, v7, v62;
	vm1 =	vgt.s32 v6, v62  }
0x182: {  	v6 =	vsel vm1, v6, v62;
	vm1 =	vlt.s32 v7, v63  }
0x183: {  	v7 =	vsel vm1, v7, v63;
	vm1 =	vgt.s32 v6, v63  }
0x184: {  	v6 =	vsel vm1, v6, v63;
	v7 =	vxor.u32 $0x80000000, v7  }
0x185: {  	(xrf0) =	vmin.scan.msk.u32 $0xffff, v7;
	v6 =	vxor.u32 $0x80000000, v6  }
0x186: {  	(xrf0) =	vmax.scan.msk.u32 $0xffff, v6;
	_ =	sdelay $0x4  }
0x187: {  	v6, _, _ =	vpop (xrf0)  }
0x188: {  	(v2sf) =	vpush v6, $0xF;
	v6, _, _ =	vpop (xrf0)  }
0x189: {  	(v2sf) =	vpush v6, $0xF;
	_ =	sdelay $0xd  }
0x18a: {  	s15 =	spop (v2sf)  }
0x18b: {  	p0 =	sgt.u32 s18, $0xDE;
	s8 =	spop (v2sf)  }
0x18c: {  	p1 =	sne.s32 @!p0 s15, s8  }
0x18d: {  	p0 =	por p0, p1  }
.Ltmp9:
0x18e: {  	_ = 	snop;
	(pc) =	sbr.rel @p0 .LBB2_23-.Ltmp9, $2  }
0x18f: {  	_ =	sdelay $0x2  }
0x190: {  	[tilespmem:$0xE390] =	vst v63  }
0x191: {  	s16 =	simm.s32 $0x0  }
0x192: {  	v6 =	vld [tilespmem:s16+$0x71C0]  }
0x193: {  	v8 =	vld [tilespmem:s16+$0x71D0]  }
0x194: {  	v7 =	vld [tilespmem:s16+$0x7180]  }
0x195: {  	v9 =	vld [tilespmem:s16+$0x7190]  }
0x196: {  	v10 =	vld [tilespmem:s16+$0x7140]  }
0x197: {  	v11 =	vld [tilespmem:s16+$0x7150]  }
0x198: {  	v12 =	vld [tilespmem:s16+$0x7100]  }
0x199: {  	v13 =	vld [tilespmem:s16+$0x7110]  }
0x19a: {  	v14 =	vld [tilespmem:s16+$0x70C0]  }
0x19b: {  	v15 =	vld [tilespmem:s16+$0x70D0]  }
0x19c: {  	v16 =	vld [tilespmem:s16+$0x7080]  }
0x19d: {  	v17 =	vld [tilespmem:s16+$0x7090]  }
0x19e: {  	v22 =	vld [tilespmem:s16+$0x7040]  }
0x19f: {  	v23 =	vld [tilespmem:s16+$0x7050]  }
0x1a0: {  	v24 =	vld [tilespmem:s16+$0x7000]  }
0x1a1: {  	v18 =	vimm.f32 $0.0e+00;
	v26 =	vld [tilespmem:s16+$0x7010]  }
0x1a2: {  	s17 =	simm.s32 $0x800;
	v21 =	vimm.f32 $0.0e+00;
	v19 =	vimm.f32 $0.0e+00;
	v20 =	vimm.f32 $0.0e+00;
	v25 =	vld [tilespmem:s16+$0x7020]  }
.LBB2_21:
0x1a3: {  	p0 =	seq.s32 s17, $0x1B800;
	v27 =	vld [tilespmem:s16+$0x7030]  }
0x1a4: {  	v28 =	vld [tilespmem:s16+$0x7060]  }
0x1a5: {  	v29 =	vld [tilespmem:s16+$0x7070]  }
0x1a6: {  	v30 =	vld [tilespmem:s16+$0x70A0]  }
0x1a7: {  	v18 =	vadd.f32 v24, v18;
	v21 =	vadd.f32 v26, v21;
	v24 =	vld [tilespmem:s16+$0x70B0]  }
0x1a8: {  	v19 =	vadd.f32 v25, v19;
	v20 =	vadd.f32 v27, v20;
	v25 =	vld [tilespmem:s16+$0x70E0]  }
0x1a9: {  	v18 =	vadd.f32 v22, v18;
	v21 =	vadd.f32 v23, v21;
	v22 =	vld [tilespmem:s16+$0x70F0]  }
0x1aa: {  	v19 =	vadd.f32 v28, v19;
	v20 =	vadd.f32 v29, v20;
	v23 =	vld [tilespmem:s16+$0x7120]  }
0x1ab: {  	v16 =	vadd.f32 v16, v18;
	v17 =	vadd.f32 v17, v21;
	v18 =	vld [tilespmem:s16+$0x7130]  }
0x1ac: {  	v19 =	vadd.f32 v30, v19;
	v20 =	vadd.f32 v24, v20;
	v21 =	vld [tilespmem:s16+$0x7160]  }
0x1ad: {  	v14 =	vadd.f32 v14, v16;
	v15 =	vadd.f32 v15, v17;
	v16 =	vld [tilespmem:s16+$0x7170]  }
0x1ae: {  	v17 =	vadd.f32 v25, v19;
	v19 =	vadd.f32 v22, v20;
	v20 =	vld [tilespmem:s16+$0x71A0]  }
0x1af: {  	v12 =	vadd.f32 v12, v14;
	v13 =	vadd.f32 v13, v15;
	v14 =	vld [tilespmem:s16+$0x71B0]  }
0x1b0: {  	v15 =	vadd.f32 v23, v17;
	v17 =	vadd.f32 v18, v19;
	v19 =	vld [tilespmem:s16+$0x71E0]  }
0x1b1: {  	v10 =	vadd.f32 v10, v12;
	v11 =	vadd.f32 v11, v13;
	v12 =	vld [tilespmem:s16+$0x71F0];
	s16 =	sshra.s32 s17, $0x2  }
0x1b2: {  	v15 =	vadd.f32 v21, v15;
	v13 =	vld [tilespmem:s16+$0x71C0];
	v16 =	vadd.f32 v16, v17  }
0x1b3: {  	v10 =	vadd.f32 v7, v10;
	v11 =	vadd.f32 v9, v11;
	v17 =	vld [tilespmem:s16+$0x71D0]  }
0x1b4: {  	v15 =	vadd.f32 v20, v15;
	v7 =	vld [tilespmem:s16+$0x7180];
	v14 =	vadd.f32 v14, v16  }
0x1b5: {  	v18 =	vadd.f32 v6, v10;
	v21 =	vadd.f32 v8, v11;
	v9 =	vld [tilespmem:s16+$0x7190]  }
0x1b6: {  	v19 =	vadd.f32 v19, v15;
	v10 =	vld [tilespmem:s16+$0x7140];
	v20 =	vadd.f32 v12, v14  }
0x1b7: {  	v11 =	vld [tilespmem:s16+$0x7150];
	v6 =	vmov v13  }
0x1b8: {  	v12 =	vld [tilespmem:s16+$0x7100];
	v8 =	vmov v17  }
0x1b9: {  	v13 =	vld [tilespmem:s16+$0x7110]  }
0x1ba: {  	v14 =	vld [tilespmem:s16+$0x70C0]  }
0x1bb: {  	v15 =	vld [tilespmem:s16+$0x70D0]  }
0x1bc: {  	v16 =	vld [tilespmem:s16+$0x7080]  }
0x1bd: {  	v17 =	vld [tilespmem:s16+$0x7090]  }
.Ltmp10:
0x1be: {  	v22 =	vld [tilespmem:s16+$0x7040];
	(pc) =	sbr.rel @!p0 .LBB2_21-.Ltmp10, $4  }
0x1bf: {  	v23 =	vld [tilespmem:s16+$0x7050]  }
0x1c0: {  	v24 =	vld [tilespmem:s16+$0x7000]  }
0x1c1: {  	v26 =	vld [tilespmem:s16+$0x7010]  }
0x1c2: {  	s17 =	sadd.s32 $0x800, s17;
	v25 =	vld [tilespmem:s16+$0x7020]  }
0x1c3: {  	v27 =	vld [tilespmem:s16+$0x7030]  }
0x1c4: {  	v28 =	vld [tilespmem:s16+$0x7060]  }
0x1c5: {  	v29 =	vld [tilespmem:s16+$0x7070]  }
0x1c6: {  	v30 =	vld [tilespmem:s16+$0x70A0]  }
0x1c7: {  	v47 =	vld [tilespmem:s16+$0x70B0];
	v18 =	vadd.f32 v24, v18;
	v21 =	vadd.f32 v26, v21  }
0x1c8: {  	v48 =	vld [tilespmem:s16+$0x70E0];
	v19 =	vadd.f32 v25, v19;
	v20 =	vadd.f32 v27, v20  }
0x1c9: {  	v49 =	vld [tilespmem:s16+$0x70F0];
	v18 =	vadd.f32 v22, v18;
	v21 =	vadd.f32 v23, v21  }
0x1ca: {  	v50 =	vld [tilespmem:s16+$0x7120];
	v19 =	vadd.f32 v28, v19;
	v20 =	vadd.f32 v29, v20  }
0x1cb: {  	v51 =	vld [tilespmem:s16+$0x7130];
	v16 =	vadd.f32 v16, v18;
	v17 =	vadd.f32 v17, v21  }
0x1cc: {  	v52 =	vld [tilespmem:s16+$0x7160];
	v19 =	vadd.f32 v30, v19;
	v20 =	vadd.f32 v47, v20  }
0x1cd: {  	v53 =	vld [tilespmem:s16+$0x7170];
	v14 =	vadd.f32 v14, v16;
	v15 =	vadd.f32 v15, v17  }
0x1ce: {  	v56 =	vld [tilespmem:s16+$0x71A0];
	v54 =	vadd.f32 v48, v19;
	v55 =	vadd.f32 v49, v20  }
0x1cf: {  	v57 =	vld [tilespmem:s16+$0x71B0];
	v12 =	vadd.f32 v12, v14;
	v13 =	vadd.f32 v13, v15  }
0x1d0: {  	v60 =	vld [tilespmem:s16+$0x71E0];
	v58 =	vadd.f32 v50, v54;
	v59 =	vadd.f32 v51, v55  }
0x1d1: {  	v61 =	vld [tilespmem:s16+$0x71F0];
	v10 =	vadd.f32 v10, v12;
	v11 =	vadd.f32 v11, v13  }
.Ltmp11:
0x1d2: {  	v62 =	vadd.f32 v52, v58;
	v63 =	vadd.f32 v53, v59;
	(pc) =	sbr.rel .LBB2_9-.Ltmp11, $4  }
0x1d3: {  	v7 =	vadd.f32 v7, v10;
	v9 =	vadd.f32 v9, v11  }
0x1d4: {  	v10 =	vadd.f32 v56, v62;
	v11 =	vadd.f32 v57, v63  }
0x1d5: {  	v6 =	vadd.f32 v6, v7;
	v7 =	vadd.f32 v8, v9  }
0x1d6: {  	v8 =	vadd.f32 v60, v10;
	v9 =	vadd.f32 v61, v11  }
.LBB2_10:
0x1d7: {  	s8 =	smax.u32 s17, $0x184E0  }
0x1d8: {  	s15 =	sadd.s32 $0xFFFE7B20, s8  }
0x1d9: {  	p0 =	sgt.u32 s15, $0x1BF  }
.Ltmp12:
0x1da: {  	_ = 	snop;
	(pc) =	sbr.rel @p0 .LBB2_32-.Ltmp12, $1  }
0x1db: {  	_ =	sdelay $0x3  }
.Ltmp13:
0x1dc: {  	(pc) =	sbr.rel .LBB2_12-.Ltmp13, $2  }
0x1dd: {  	_ =	sdelay $0x2  }
0x1de: {  	s10 =	sadd.s32 s16, s19;
	s17 =	sshrl.u32 s15, $0x3  }
.LBB2_13:
0x1df: {  	s16 =	sshll.u32 s17, $0x9  }
0x1e0: {  	s16 =	sand.u32 $0x3FFFFE00, s16  }
0x1e1: {  	v6 =	vld [tilespmem:s16+$0x0]  }
0x1e2: {  	v7 =	vld [tilespmem:s16+$0x10]  }
0x1e3: {  	v8 =	vld [tilespmem:s16+$0x20]  }
0x1e4: {  	v9 =	vld [tilespmem:s16+$0x30]  }
0x1e5: {  	v10 =	vld [tilespmem:s16+$0x40]  }
0x1e6: {  	v11 =	vld [tilespmem:s16+$0x50]  }
0x1e7: {  	v12 =	vld [tilespmem:s16+$0x60]  }
0x1e8: {  	v13 =	vld [tilespmem:s16+$0x70]  }
0x1e9: {  	v14 =	vld [tilespmem:s16+$0x80]  }
0x1ea: {  	v15 =	vld [tilespmem:s16+$0x90]  }
0x1eb: {  	v16 =	vld [tilespmem:s16+$0xA0]  }
0x1ec: {  	v17 =	vld [tilespmem:s16+$0xB0]  }
0x1ed: {  	v18 =	vld [tilespmem:s16+$0xC0]  }
0x1ee: {  	v19 =	vld [tilespmem:s16+$0xD0]  }
0x1ef: {  	v20 =	vld [tilespmem:s16+$0xE0]  }
0x1f0: {  	v21 =	vld [tilespmem:s16+$0xF0]  }
0x1f1: {  	v22 =	vld [tilespmem:s16+$0x100]  }
0x1f2: {  	v23 =	vld [tilespmem:s16+$0x110]  }
0x1f3: {  	v24 =	vld [tilespmem:s16+$0x120]  }
0x1f4: {  	v25 =	vld [tilespmem:s16+$0x130];
	v6 =	vadd.f32 $0.0e+00, v6  }
0x1f5: {  	v44 =	vld [tilespmem:s16+$0x140];
	v7 =	vadd.f32 $0.0e+00, v7  }
0x1f6: {  	v45 =	vld [tilespmem:s16+$0x150];
	v8 =	vadd.f32 $0.0e+00, v8;
	v6 =	vadd.f32 v10, v6  }
0x1f7: {  	v46 =	vld [tilespmem:s16+$0x160];
	v9 =	vadd.f32 $0.0e+00, v9;
	v7 =	vadd.f32 v11, v7  }
0x1f8: {  	v47 =	vld [tilespmem:s16+$0x170];
	v8 =	vadd.f32 v12, v8;
	v6 =	vadd.f32 v14, v6  }
0x1f9: {  	v50 =	vmov s8;
	v48 =	vld [tilespmem:s16+$0x180];
	v9 =	vadd.f32 v13, v9;
	v7 =	vadd.f32 v15, v7  }
0x1fa: {  	v57 =	vor.u32 $0x10, v0;
	v49 =	vld [tilespmem:s16+$0x190];
	v8 =	vadd.f32 v16, v8;
	v6 =	vadd.f32 v18, v6  }
0x1fb: {  	v51 =	vld [tilespmem:s16+$0x1A0];
	v9 =	vadd.f32 v17, v9;
	v16 =	vmul.u32 $0x50, v50;
	v7 =	vadd.f32 v19, v7  }
0x1fc: {  	v59 =	vor.u32 $0x20, v0;
	v52 =	vld [tilespmem:s16+$0x1B0];
	v8 =	vadd.f32 v20, v8;
	v6 =	vadd.f32 v22, v6  }
0x1fd: {  	v53 =	vld [tilespmem:s16+$0x1C0];
	v9 =	vadd.f32 v21, v9;
	v16 =	vbroadcast v16, $0x0;
	v7 =	vadd.f32 v23, v7  }
0x1fe: {  	v61 =	vor.u32 $0x30, v0;
	v54 =	vld [tilespmem:s16+$0x1D0];
	v8 =	vadd.f32 v24, v8;
	v6 =	vadd.f32 v44, v6  }
0x1ff: {  	v55 =	vld [tilespmem:s16+$0x1E0];
	v9 =	vadd.f32 v25, v9;
	v56 =	vor.u32 v0, v16;
	v7 =	vadd.f32 v45, v7  }
0x200: {  	v58 =	vld [tilespmem:s16+$0x1F0];
	v19 =	vadd.s32 v57, v16;
	v8 =	vadd.f32 v46, v8;
	v6 =	vadd.f32 v48, v6  }
0x201: {  	v60 =	vadd.s32 v59, v16;
	v9 =	vadd.f32 v47, v9;
	v7 =	vadd.f32 v49, v7  }
0x202: {  	v62 =	vadd.s32 v61, v16;
	v8 =	vadd.f32 v51, v8;
	v6 =	vadd.f32 v53, v6  }
0x203: {  	v63 =	vadd.s32 $0x40, v16;
	v9 =	vadd.f32 v52, v9;
	v7 =	vadd.f32 v54, v7  }
0x204: {  	[tilespmem:v56+s22+$0x0] =	vst.idx.add.f32.msk $0xffff, v6;
	v6 =	vadd.f32 v55, v8  }
0x205: {  	[tilespmem:v19+s22+$0x0] =	vst.idx.add.f32.msk $0xffff, v7;
	v7 =	vadd.f32 v58, v9  }
0x206: {  	[tilespmem:v60+s22+$0x0] =	vst.idx.add.f32.msk $0xffff, v6  }
0x207: {  	[tilespmem:v62+s22+$0x0] =	vst.idx.add.f32.msk $0xffff, v7  }
0x208: {  	[tilespmem:v63+s22+$0x0] =	vst.idx.add.f32.msk $0x1, v2  }
.LBB2_18:
0x209: {  	p0 =	slt.u32 s17, $0x37  }
.Ltmp14:
0x20a: {  	_ = 	snop;
	(pc) =	sbr.rel @!p0 .LBB2_32-.Ltmp14, $3  }
0x20b: {  	_ =	sdelay $0x1  }
0x20c: {  	s8 =	sadd.s32 $0x1, s17  }
0x20d: {  	s10 =	sadd.s32 $0x200, s10;
	s17 =	smov.u32 s8  }
.LBB2_12:
0x20e: {  	s16 =	sshll.u32 s17, $0x3  }
0x20f: {  	s8 =	sand.u32 $0x3FFFFFF8, s16  }
0x210: {  	v6 =	vld [tilespmem:s8+$0xE000];
	_ =	sdelay $0x4  }
0x211: {  	v7 =	vnsel vm0, $0x40000000, v6  }
0x212: {  	v6 =	vnsel vm0, $0xC0000000, v6;
	v7 =	vxor.u32 $0x80000000, v7  }
0x213: {  	v6 =	vxor.u32 $0x80000000, v6;
	(xrf0) =	vmin.scan.msk.u32 $0xffff, v7  }
0x214: {  	(xrf0) =	vmax.scan.msk.u32 $0xffff, v6;
	_ =	sdelay $0x4  }
0x215: {  	v6, _, _ =	vpop (xrf0)  }
0x216: {  	(v2sf) =	vpush v6, $0xF;
	v6, _, _ =	vpop (xrf0)  }
0x217: {  	(v2sf) =	vpush v6, $0xF;
	_ =	sdelay $0xd  }
0x218: {  	s8 =	spop (v2sf)  }
0x219: {  	p0 =	slt.u32 s16, s15;
	s18 =	spop (v2sf)  }
0x21a: {  	p1 =	sne.s32 @!p0 s8, s18  }
0x21b: {  	p0 =	por p0, p1  }
.Ltmp15:
0x21c: {  	_ = 	snop;
	(pc) =	sbr.rel @!p0 .LBB2_13-.Ltmp15, $1  }
0x21d: {  	_ =	sdelay $0x3  }
0x21e: {  	p0 =	sgt.u32 s15, s16  }
.Ltmp16:
0x21f: {  	_ = 	snop;
	(pc) =	sbr.rel @p0 .LBB2_18-.Ltmp16, $1  }
0x220: {  	_ =	sdelay $0x3  }
0x221: {  	v6 =	vmov s16;
	_ =	sdelay $0x4  }
0x222: {  	v6 =	vld.idx.msk [tilespmem:v6+s28+$0x0], $0xffff;
	_ =	sdelay $0x4  }
0x223: {  	v11 =	vmul.u32 $0x50, v6;
	_ =	sdelay $0x1  }
0x224: {  	v6 =	vld [tilespmem:s10+$0xFFFFFFE0];
	v7 =	vor.u32 v0, v11;
	_ =	sdelay $0x4  }
0x225: {  	[tilespmem:v7+s22+$0x0] =	vst.idx.add.f32.msk $0xffff, v6;
	v6 =	vor.u32 $0x10, v0  }
0x226: {  	v7 =	vld [tilespmem:s10+$0xFFFFFFF0];
	v8 =	vadd.s32 v6, v11;
	_ =	sdelay $0x4  }
0x227: {  	[tilespmem:v8+s22+$0x0] =	vst.idx.add.f32.msk $0xffff, v7;
	v7 =	vor.u32 $0x20, v0  }
0x228: {  	v8 =	vld [tilespmem:s10+$0x0];
	v9 =	vadd.s32 v7, v11  }
0x229: {  	s18 =	sadd.s32 $0x8, s16;
	s8 =	sadd.s32 $0x1, s16  }
0x22a: {  	p0 =	slt.u32 s8, s18  }
.Ltmp17:
0x22b: {  	_ = 	snop;
	(pc) =	sbr.rel @!p0 .LBB2_17-.Ltmp17, $4  }
0x22c: {  	_ = 	snop  }
0x22d: {  	[tilespmem:v9+s22+$0x0] =	vst.idx.add.f32.msk $0xffff, v8;
	v8 =	vor.u32 $0x30, v0  }
0x22e: {  	v9 =	vld [tilespmem:s10+$0x10];
	v10 =	vadd.s32 v8, v11  }
0x22f: {  	s16 =	smov.u32 s10;
	v11 =	vadd.s32 $0x40, v11  }
.LBB2_16:
0x230: {  	v12 =	vmov s8  }
0x231: {  	s8 =	sadd.s32 $0x1, s8  }
0x232: {  	p0 =	slt.u32 s8, s18  }
0x233: {  	[tilespmem:v10+s22+$0x0] =	vst.idx.add.f32.msk $0xffff, v9  }
0x234: {  	[tilespmem:v11+s22+$0x0] =	vst.idx.add.f32.msk $0x1, v3  }
0x235: {  	s16 =	sadd.s32 $0x40, s16;
	v9 =	vld.idx.msk [tilespmem:v12+s28+$0x0], $0xffff  }
0x236: {  	v10 =	vld [tilespmem:s16+$0xFFFFFFE0];
	_ =	sdelay $0x4  }
0x237: {  	v11 =	vmul.u32 $0x50, v9;
	_ =	sdelay $0x1  }
0x238: {  	v9 =	vor.u32 v0, v11;
	_ =	sdelay $0x4  }
0x239: {  	[tilespmem:v9+s22+$0x0] =	vst.idx.add.f32.msk $0xffff, v10  }
0x23a: {  	v10 =	vadd.s32 v6, v11;
	v9 =	vld [tilespmem:s16+$0xFFFFFFF0];
	_ =	sdelay $0x4  }
0x23b: {  	[tilespmem:v10+s22+$0x0] =	vst.idx.add.f32.msk $0xffff, v9  }
0x23c: {  	v10 =	vadd.s32 v7, v11;
	v9 =	vld [tilespmem:s16+$0x0];
	_ =	sdelay $0x2  }
.Ltmp18:
0x23d: {  	(pc) =	sbr.rel @p0 .LBB2_16-.Ltmp18, $4  }
0x23e: {  	_ = 	snop  }
0x23f: {  	[tilespmem:v10+s22+$0x0] =	vst.idx.add.f32.msk $0xffff, v9  }
0x240: {  	v10 =	vadd.s32 v8, v11;
	v9 =	vld [tilespmem:s16+$0x10]  }
0x241: {  	v11 =	vadd.s32 $0x40, v11  }
.LBB2_17:
0x242: {  	_ = 	snop  }
.Ltmp19:
0x243: {  	_ = 	snop;
	(pc) =	sbr.rel .LBB2_18-.Ltmp19, $3  }
0x244: {  	_ =	sdelay $0x1  }
0x245: {  	[tilespmem:v10+s22+$0x0] =	vst.idx.add.f32.msk $0xffff, v9  }
0x246: {  	[tilespmem:v11+s22+$0x0] =	vst.idx.add.f32.msk $0x1, v3  }
.LBB2_23:
0x247: {  	s8 =	smax.u32 s17, $0x184E0  }
0x248: {  	s15 =	sadd.s32 $0xFFFE7B20, s8  }
0x249: {  	p0 =	sgt.u32 s15, $0x1BF  }
.Ltmp20:
0x24a: {  	_ = 	snop;
	(pc) =	sbr.rel @p0 .LBB2_32-.Ltmp20, $1  }
0x24b: {  	_ =	sdelay $0x3  }
.Ltmp21:
0x24c: {  	(pc) =	sbr.rel .LBB2_25-.Ltmp21, $2  }
0x24d: {  	_ =	sdelay $0x2  }
0x24e: {  	s16 =	sadd.s32 s16, s21;
	s17 =	sshrl.u32 s15, $0x3  }
.LBB2_26:
0x24f: {  	s10 =	sshll.u32 s17, $0x9  }
0x250: {  	s10 =	sand.u32 $0x3FFFFE00, s10  }
0x251: {  	v6 =	vld [tilespmem:s10+$0x7000]  }
0x252: {  	v7 =	vld [tilespmem:s10+$0x7010]  }
0x253: {  	v8 =	vld [tilespmem:s10+$0x7020]  }
0x254: {  	v9 =	vld [tilespmem:s10+$0x7030]  }
0x255: {  	v10 =	vld [tilespmem:s10+$0x7040]  }
0x256: {  	v11 =	vld [tilespmem:s10+$0x7050]  }
0x257: {  	v12 =	vld [tilespmem:s10+$0x7060]  }
0x258: {  	v13 =	vld [tilespmem:s10+$0x7070]  }
0x259: {  	v14 =	vld [tilespmem:s10+$0x7080]  }
0x25a: {  	v15 =	vld [tilespmem:s10+$0x7090]  }
0x25b: {  	v16 =	vld [tilespmem:s10+$0x70A0]  }
0x25c: {  	v17 =	vld [tilespmem:s10+$0x70B0]  }
0x25d: {  	v18 =	vld [tilespmem:s10+$0x70C0]  }
0x25e: {  	v19 =	vld [tilespmem:s10+$0x70D0]  }
0x25f: {  	v20 =	vld [tilespmem:s10+$0x70E0]  }
0x260: {  	v21 =	vld [tilespmem:s10+$0x70F0]  }
0x261: {  	v22 =	vld [tilespmem:s10+$0x7100]  }
0x262: {  	v23 =	vld [tilespmem:s10+$0x7110]  }
0x263: {  	v24 =	vld [tilespmem:s10+$0x7120]  }
0x264: {  	v25 =	vld [tilespmem:s10+$0x7130];
	v6 =	vadd.f32 $0.0e+00, v6  }
0x265: {  	v44 =	vld [tilespmem:s10+$0x7140];
	v7 =	vadd.f32 $0.0e+00, v7  }
0x266: {  	v45 =	vld [tilespmem:s10+$0x7150];
	v8 =	vadd.f32 $0.0e+00, v8;
	v6 =	vadd.f32 v10, v6  }
0x267: {  	v46 =	vld [tilespmem:s10+$0x7160];
	v9 =	vadd.f32 $0.0e+00, v9;
	v7 =	vadd.f32 v11, v7  }
0x268: {  	v47 =	vld [tilespmem:s10+$0x7170];
	v8 =	vadd.f32 v12, v8;
	v6 =	vadd.f32 v14, v6  }
0x269: {  	v50 =	vmov s8;
	v48 =	vld [tilespmem:s10+$0x7180];
	v9 =	vadd.f32 v13, v9;
	v7 =	vadd.f32 v15, v7  }
0x26a: {  	v57 =	vor.u32 $0x10, v0;
	v49 =	vld [tilespmem:s10+$0x7190];
	v8 =	vadd.f32 v16, v8;
	v6 =	vadd.f32 v18, v6  }
0x26b: {  	v51 =	vld [tilespmem:s10+$0x71A0];
	v9 =	vadd.f32 v17, v9;
	v16 =	vmul.u32 $0x50, v50;
	v7 =	vadd.f32 v19, v7  }
0x26c: {  	v59 =	vor.u32 $0x20, v0;
	v52 =	vld [tilespmem:s10+$0x71B0];
	v8 =	vadd.f32 v20, v8;
	v6 =	vadd.f32 v22, v6  }
0x26d: {  	v53 =	vld [tilespmem:s10+$0x71C0];
	v9 =	vadd.f32 v21, v9;
	v16 =	vbroadcast v16, $0x0;
	v7 =	vadd.f32 v23, v7  }
0x26e: {  	v61 =	vor.u32 $0x30, v0;
	v54 =	vld [tilespmem:s10+$0x71D0];
	v8 =	vadd.f32 v24, v8;
	v6 =	vadd.f32 v44, v6  }
0x26f: {  	v55 =	vld [tilespmem:s10+$0x71E0];
	v9 =	vadd.f32 v25, v9;
	v56 =	vor.u32 v0, v16;
	v7 =	vadd.f32 v45, v7  }
0x270: {  	v58 =	vld [tilespmem:s10+$0x71F0];
	v19 =	vadd.s32 v57, v16;
	v8 =	vadd.f32 v46, v8;
	v6 =	vadd.f32 v48, v6  }
0x271: {  	v60 =	vadd.s32 v59, v16;
	v9 =	vadd.f32 v47, v9;
	v7 =	vadd.f32 v49, v7  }
0x272: {  	v62 =	vadd.s32 v61, v16;
	v8 =	vadd.f32 v51, v8;
	v6 =	vadd.f32 v53, v6  }
0x273: {  	v63 =	vadd.s32 $0x40, v16;
	v9 =	vadd.f32 v52, v9;
	v7 =	vadd.f32 v54, v7  }
0x274: {  	[tilespmem:v56+s22+$0x0] =	vst.idx.add.f32.msk $0xffff, v6;
	v6 =	vadd.f32 v55, v8  }
0x275: {  	[tilespmem:v19+s22+$0x0] =	vst.idx.add.f32.msk $0xffff, v7;
	v7 =	vadd.f32 v58, v9  }
0x276: {  	[tilespmem:v60+s22+$0x0] =	vst.idx.add.f32.msk $0xffff, v6  }
0x277: {  	[tilespmem:v62+s22+$0x0] =	vst.idx.add.f32.msk $0xffff, v7  }
0x278: {  	[tilespmem:v63+s22+$0x0] =	vst.idx.add.f32.msk $0x1, v2  }
.LBB2_31:
0x279: {  	p0 =	slt.u32 s17, $0x37  }
.Ltmp22:
0x27a: {  	_ = 	snop;
	(pc) =	sbr.rel @!p0 .LBB2_32-.Ltmp22, $3  }
0x27b: {  	_ =	sdelay $0x1  }
0x27c: {  	s8 =	sadd.s32 $0x1, s17  }
0x27d: {  	s16 =	sadd.s32 $0x200, s16;
	s17 =	smov.u32 s8  }
.LBB2_25:
0x27e: {  	s10 =	sshll.u32 s17, $0x3  }
0x27f: {  	s8 =	sand.u32 $0x3FFFFFF8, s10  }
0x280: {  	v6 =	vld [tilespmem:s8+$0xE1D0];
	_ =	sdelay $0x4  }
0x281: {  	v7 =	vnsel vm0, $0x40000000, v6  }
0x282: {  	v6 =	vnsel vm0, $0xC0000000, v6;
	v7 =	vxor.u32 $0x80000000, v7  }
0x283: {  	v6 =	vxor.u32 $0x80000000, v6;
	(xrf0) =	vmin.scan.msk.u32 $0xffff, v7  }
0x284: {  	(xrf0) =	vmax.scan.msk.u32 $0xffff, v6;
	_ =	sdelay $0x4  }
0x285: {  	v6, _, _ =	vpop (xrf0)  }
0x286: {  	(v2sf) =	vpush v6, $0xF;
	v6, _, _ =	vpop (xrf0)  }
0x287: {  	(v2sf) =	vpush v6, $0xF;
	_ =	sdelay $0xd  }
0x288: {  	s8 =	spop (v2sf)  }
0x289: {  	p0 =	slt.u32 s10, s15;
	s11 =	spop (v2sf)  }
0x28a: {  	p1 =	sne.s32 @!p0 s8, s11  }
0x28b: {  	p0 =	por p0, p1  }
.Ltmp23:
0x28c: {  	_ = 	snop;
	(pc) =	sbr.rel @!p0 .LBB2_26-.Ltmp23, $1  }
0x28d: {  	_ =	sdelay $0x3  }
0x28e: {  	p0 =	sgt.u32 s15, s10  }
.Ltmp24:
0x28f: {  	_ = 	snop;
	(pc) =	sbr.rel @p0 .LBB2_31-.Ltmp24, $1  }
0x290: {  	_ =	sdelay $0x3  }
0x291: {  	v6 =	vmov s10;
	_ =	sdelay $0x4  }
0x292: {  	v6 =	vld.idx.msk [tilespmem:v6+s30+$0x0], $0xffff;
	_ =	sdelay $0x4  }
0x293: {  	v11 =	vmul.u32 $0x50, v6;
	_ =	sdelay $0x1  }
0x294: {  	v6 =	vld [tilespmem:s16+$0xFFFFFFE0];
	v7 =	vor.u32 v0, v11;
	_ =	sdelay $0x4  }
0x295: {  	[tilespmem:v7+s22+$0x0] =	vst.idx.add.f32.msk $0xffff, v6;
	v6 =	vor.u32 $0x10, v0  }
0x296: {  	v7 =	vld [tilespmem:s16+$0xFFFFFFF0];
	v8 =	vadd.s32 v6, v11;
	_ =	sdelay $0x4  }
0x297: {  	[tilespmem:v8+s22+$0x0] =	vst.idx.add.f32.msk $0xffff, v7;
	v7 =	vor.u32 $0x20, v0  }
0x298: {  	v8 =	vld [tilespmem:s16+$0x0];
	v9 =	vadd.s32 v7, v11  }
0x299: {  	s18 =	sadd.s32 $0x8, s10;
	s8 =	sadd.s32 $0x1, s10  }
0x29a: {  	p0 =	slt.u32 s8, s18  }
.Ltmp25:
0x29b: {  	_ = 	snop;
	(pc) =	sbr.rel @!p0 .LBB2_30-.Ltmp25, $4  }
0x29c: {  	_ = 	snop  }
0x29d: {  	[tilespmem:v9+s22+$0x0] =	vst.idx.add.f32.msk $0xffff, v8;
	v8 =	vor.u32 $0x30, v0  }
0x29e: {  	v9 =	vld [tilespmem:s16+$0x10];
	v10 =	vadd.s32 v8, v11  }
0x29f: {  	s10 =	smov.u32 s16;
	v11 =	vadd.s32 $0x40, v11  }
.LBB2_29:
0x2a0: {  	v12 =	vmov s8  }
0x2a1: {  	s8 =	sadd.s32 $0x1, s8  }
0x2a2: {  	p0 =	slt.u32 s8, s18  }
0x2a3: {  	[tilespmem:v10+s22+$0x0] =	vst.idx.add.f32.msk $0xffff, v9  }
0x2a4: {  	[tilespmem:v11+s22+$0x0] =	vst.idx.add.f32.msk $0x1, v3  }
0x2a5: {  	s10 =	sadd.s32 $0x40, s10;
	v9 =	vld.idx.msk [tilespmem:v12+s30+$0x0], $0xffff  }
0x2a6: {  	v10 =	vld [tilespmem:s10+$0xFFFFFFE0];
	_ =	sdelay $0x4  }
0x2a7: {  	v11 =	vmul.u32 $0x50, v9;
	_ =	sdelay $0x1  }
0x2a8: {  	v9 =	vor.u32 v0, v11;
	_ =	sdelay $0x4  }
0x2a9: {  	[tilespmem:v9+s22+$0x0] =	vst.idx.add.f32.msk $0xffff, v10  }
0x2aa: {  	v10 =	vadd.s32 v6, v11;
	v9 =	vld [tilespmem:s10+$0xFFFFFFF0];
	_ =	sdelay $0x4  }
0x2ab: {  	[tilespmem:v10+s22+$0x0] =	vst.idx.add.f32.msk $0xffff, v9  }
0x2ac: {  	v10 =	vadd.s32 v7, v11;
	v9 =	vld [tilespmem:s10+$0x0];
	_ =	sdelay $0x2  }
.Ltmp26:
0x2ad: {  	(pc) =	sbr.rel @p0 .LBB2_29-.Ltmp26, $4  }
0x2ae: {  	_ = 	snop  }
0x2af: {  	[tilespmem:v10+s22+$0x0] =	vst.idx.add.f32.msk $0xffff, v9  }
0x2b0: {  	v10 =	vadd.s32 v8, v11;
	v9 =	vld [tilespmem:s10+$0x10]  }
0x2b1: {  	v11 =	vadd.s32 $0x40, v11  }
.LBB2_30:
0x2b2: {  	_ = 	snop  }
.Ltmp27:
0x2b3: {  	_ = 	snop;
	(pc) =	sbr.rel .LBB2_31-.Ltmp27, $3  }
0x2b4: {  	_ =	sdelay $0x1  }
0x2b5: {  	[tilespmem:v10+s22+$0x0] =	vst.idx.add.f32.msk $0xffff, v9  }
0x2b6: {  	[tilespmem:v11+s22+$0x0] =	vst.idx.add.f32.msk $0x1, v3  }
.LBB2_33:
0x2b7: {  	s8 =	rddreg [dreg:$0xb]  }
0x2b8: {  	s21 =	rddreg [dreg:$0xc]  }
.Ltmp28:
0x2b9: {  	s7 =	simm.s32 $0x0;
	s19 =	rddreg [dreg:$0x10];
	(pc) =	sbr.rel .LBB2_34-.Ltmp28, $4  }
0x2ba: {  	[tilespmem:s7], [sflag:$0x1] =	stream.strided.gather [hbm4b:s8+s25], $0x7000, s26, s25, $0x38;
	[tilespmem:$0xEEE0] =	vst v63  }
0x2bb: {  	s20 =	rddreg [dreg:$0x11]  }
0x2bc: {  	[tilespmem:s28], [sflag:$0x1] =	stream.linear.gather [hbm4b:s21+s7], $0x1C0, $0x38;
	[tilespmem:$0xEEE0] =	vst v63  }
0x2bd: {  	s21 =	rddreg [dreg:$0x12]  }
.LBB2_39:
0x2be: {  	s8 =	sadd.s32 $0x80000010, s15  }
0x2bf: {  	v10 =	vmov s8  }
0x2c0: {  	v10 =	vmul.u32 $0x50, v10;
	_ =	sdelay $0x1  }
0x2c1: {  	v10 =	vbroadcast v10, $0x0;
	_ =	sdelay $0x1  }
0x2c2: {  	v12 =	vor.u32 $0x10, v0;
	v11 =	vor.u32 v0, v10  }
0x2c3: {  	v13 =	vor.u32 $0x20, v0;
	v12 =	vadd.s32 v12, v10  }
0x2c4: {  	v14 =	vor.u32 $0x30, v0;
	v13 =	vadd.s32 v13, v10  }
0x2c5: {  	v14 =	vadd.s32 v14, v10  }
0x2c6: {  	v10 =	vadd.s32 $0x40, v10  }
0x2c7: {  	[tilespmem:v11+s22+$0x0] =	vst.idx.add.f32.msk $0xffff, v6  }
0x2c8: {  	[tilespmem:v12+s22+$0x0] =	vst.idx.add.f32.msk $0xffff, v7  }
0x2c9: {  	[tilespmem:v13+s22+$0x0] =	vst.idx.add.f32.msk $0xffff, v8  }
0x2ca: {  	[tilespmem:v14+s22+$0x0] =	vst.idx.add.f32.msk $0xffff, v9  }
0x2cb: {  	[tilespmem:v10+s22+$0x0] =	vst.idx.add.f32.msk $0x1, v4  }
.LBB2_62:
0x2cc: {  	s7 =	sadd.s32 $0x1, s7  }
0x2cd: {  	p0 =	sne.s32 s7, $0x7  }
.Ltmp29:
0x2ce: {  	_ = 	snop;
	(pc) =	sbr.rel @!p0 .LBB2_63-.Ltmp29, $2  }
0x2cf: {  	_ =	sdelay $0x2  }
0x2d0: {  	s20 =	sadd.s32 $0x70000, s20;
	s21 =	sadd.s32 $0x1C00, s21;
	s19 =	sadd.s32 $0x70000, s19  }
.LBB2_34:
0x2d1: {  	s11 =	sand.u32 $0x1, s7  }
0x2d2: {  	p0 =	seq.s32 s11, $0x1  }
.Ltmp30:
0x2d3: {  	_ = 	snop;
	(pc) =	sbr.rel @p0 .LBB2_49-.Ltmp30, $4  }
0x2d4: {  	s8 =	smin.u32 s21, $0xC190  }
0x2d5: {  	s10 =	sshll.u32 s7, $0x4;
	s8 =	sshll.u32 s8, $0x8  }
0x2d6: {  	s18 =	sor.u32 s5, s10;
	s8 =	ssub.s32 $0x0, s8  }
0x2d7: {  	s17 =	smul.u32 $0x1C0, s18;
	s16 =	sshra.s32 s8, $0x2  }
0x2d8: {  	p0 =	seq.s32 s7, $0x6  }
0x2d9: {  	s8 =	smin.u32 @!p0 s17, $0xA590  }
0x2da: {  	s8 =	sadd.s32 @!p0 $0x1C00, s8  }
0x2db: {  	s10 =	sshll.u32 @!p0 s8, $0x7  }
0x2dc: {  	s10 =	sor.u32 @!p0 s9, s10  }
0x2dd: {  	s11 =	simm.s32 @!p0 $0x40;
	s12 =	simm.s32 @!p0 $0x80;
	s10 =	sshrl.u32 @!p0 s10, $0x3  }
0x2de: {  	s15 =	simm.s32 @!p0 $0x7000;
	s8 =	sshrl.u32 @!p0 s8, $0x3;
	s10 =	sadd.s32 @!p0 s3, s10  }
0x2df: {  	[tilespmem:s15], [sflag:$0x2] =	stream.strided.gather @!p0 [hbm4b:s10+s11], $0x7000, s12, s11, $0x38;
	[tilespmem:$0xEEE0] =	vst v63  }
0x2e0: {  	s8 =	sadd.s32 @!p0 s4, s8;
	s10 =	simm.s32 @!p0 $0x0;
	s11 =	simm.s32 @!p0 $0xE1D0  }
0x2e1: {  	[tilespmem:s11], [sflag:$0x2] =	stream.linear.gather @!p0 [hbm4b:s8+s10], $0x1C0, $0x38;
	[tilespmem:$0xEEE0] =	vst v63  }
0x2e2: {  	_ =	swait.ge [sflag:s31], $0x7000  }
0x2e3: {  	[sflag:s31] =	ssyncset.done $0x0  }
0x2e4: {  	[sflag:s31] =	ssyncadd.s32 $0xFFFF9000  }
0x2e5: {  	_ =	swait.ge [sflag:s31], $0x1C0  }
0x2e6: {  	[sflag:s31] =	ssyncset.done $0x0  }
0x2e7: {  	[sflag:s31] =	ssyncadd.s32 $0xFFFFFE40  }
0x2e8: {  	v6 =	vld [tilespmem:$0xE000]  }
0x2e9: {  	v7 =	vld [tilespmem:$0xE010];
	_ =	sdelay $0x1  }
0x2ea: {  	v8 =	vld [tilespmem:$0xE020];
	_ =	sdelay $0x1  }
0x2eb: {  	v9 =	vld [tilespmem:$0xE030]  }
0x2ec: {  	vm1 =	vlt.s32 v6, v7  }
0x2ed: {  	v11 =	vld [tilespmem:$0xE040];
	v10 =	vsel vm1, v6, v7  }
0x2ee: {  	v6 =	vsel vm1, v7, v6;
	vm1 =	vlt.s32 v10, v8  }
0x2ef: {  	v41 =	vld [tilespmem:$0xE050];
	v7 =	vsel vm1, v10, v8;
	vm1 =	vgt.s32 v6, v8  }
0x2f0: {  	v6 =	vsel vm1, v6, v8;
	vm1 =	vlt.s32 v7, v9  }
0x2f1: {  	v42 =	vld [tilespmem:$0xE060];
	v7 =	vsel vm1, v7, v9;
	vm1 =	vgt.s32 v6, v9  }
0x2f2: {  	v6 =	vsel vm1, v6, v9;
	vm1 =	vlt.s32 v7, v11  }
0x2f3: {  	v43 =	vld [tilespmem:$0xE070];
	v7 =	vsel vm1, v7, v11;
	vm1 =	vgt.s32 v6, v11  }
0x2f4: {  	v6 =	vsel vm1, v6, v11;
	vm1 =	vlt.s32 v7, v41  }
0x2f5: {  	v44 =	vld [tilespmem:$0xE080];
	v7 =	vsel vm1, v7, v41;
	vm1 =	vgt.s32 v6, v41  }
0x2f6: {  	v6 =	vsel vm1, v6, v41;
	vm1 =	vlt.s32 v7, v42  }
0x2f7: {  	v45 =	vld [tilespmem:$0xE090];
	v7 =	vsel vm1, v7, v42;
	vm1 =	vgt.s32 v6, v42  }
0x2f8: {  	v6 =	vsel vm1, v6, v42;
	vm1 =	vlt.s32 v7, v43  }
0x2f9: {  	v46 =	vld [tilespmem:$0xE0A0];
	v7 =	vsel vm1, v7, v43;
	vm1 =	vgt.s32 v6, v43  }
0x2fa: {  	v6 =	vsel vm1, v6, v43;
	vm1 =	vlt.s32 v7, v44  }
0x2fb: {  	v47 =	vld [tilespmem:$0xE0B0];
	v7 =	vsel vm1, v7, v44;
	vm1 =	vgt.s32 v6, v44  }
0x2fc: {  	v6 =	vsel vm1, v6, v44;
	vm1 =	vlt.s32 v7, v45  }
0x2fd: {  	v48 =	vld [tilespmem:$0xE0C0];
	v7 =	vsel vm1, v7, v45;
	vm1 =	vgt.s32 v6, v45  }
0x2fe: {  	v6 =	vsel vm1, v6, v45;
	vm1 =	vlt.s32 v7, v46  }
0x2ff: {  	v49 =	vld [tilespmem:$0xE0D0];
	v7 =	vsel vm1, v7, v46;
	vm1 =	vgt.s32 v6, v46  }
0x300: {  	v6 =	vsel vm1, v6, v46;
	vm1 =	vlt.s32 v7, v47  }
0x301: {  	v50 =	vld [tilespmem:$0xE0E0];
	v7 =	vsel vm1, v7, v47;
	vm1 =	vgt.s32 v6, v47  }
0x302: {  	v6 =	vsel vm1, v6, v47;
	vm1 =	vlt.s32 v7, v48  }
0x303: {  	v51 =	vld [tilespmem:$0xE0F0];
	v7 =	vsel vm1, v7, v48;
	vm1 =	vgt.s32 v6, v48  }
0x304: {  	v6 =	vsel vm1, v6, v48;
	vm1 =	vlt.s32 v7, v49  }
0x305: {  	v52 =	vld [tilespmem:$0xE100];
	v7 =	vsel vm1, v7, v49;
	vm1 =	vgt.s32 v6, v49  }
0x306: {  	v6 =	vsel vm1, v6, v49;
	vm1 =	vlt.s32 v7, v50  }
0x307: {  	v53 =	vld [tilespmem:$0xE110];
	v7 =	vsel vm1, v7, v50;
	vm1 =	vgt.s32 v6, v50  }
0x308: {  	v6 =	vsel vm1, v6, v50;
	vm1 =	vlt.s32 v7, v51  }
0x309: {  	v54 =	vld [tilespmem:$0xE120];
	v7 =	vsel vm1, v7, v51;
	vm1 =	vgt.s32 v6, v51  }
0x30a: {  	v6 =	vsel vm1, v6, v51;
	vm1 =	vlt.s32 v7, v52  }
0x30b: {  	v55 =	vld [tilespmem:$0xE130];
	v7 =	vsel vm1, v7, v52;
	vm1 =	vgt.s32 v6, v52  }
0x30c: {  	v6 =	vsel vm1, v6, v52;
	vm1 =	vlt.s32 v7, v53  }
0x30d: {  	v56 =	vld [tilespmem:$0xE140];
	v7 =	vsel vm1, v7, v53;
	vm1 =	vgt.s32 v6, v53  }
0x30e: {  	v6 =	vsel vm1, v6, v53;
	vm1 =	vlt.s32 v7, v54  }
0x30f: {  	v57 =	vld [tilespmem:$0xE150];
	v7 =	vsel vm1, v7, v54;
	vm1 =	vgt.s32 v6, v54  }
0x310: {  	v6 =	vsel vm1, v6, v54;
	vm1 =	vlt.s32 v7, v55  }
0x311: {  	v58 =	vld [tilespmem:$0xE160];
	v7 =	vsel vm1, v7, v55;
	vm1 =	vgt.s32 v6, v55  }
0x312: {  	v6 =	vsel vm1, v6, v55;
	vm1 =	vlt.s32 v7, v56  }
0x313: {  	v59 =	vld [tilespmem:$0xE170];
	v7 =	vsel vm1, v7, v56;
	vm1 =	vgt.s32 v6, v56  }
0x314: {  	v6 =	vsel vm1, v6, v56;
	vm1 =	vlt.s32 v7, v57  }
0x315: {  	v60 =	vld [tilespmem:$0xE180];
	v7 =	vsel vm1, v7, v57;
	vm1 =	vgt.s32 v6, v57  }
0x316: {  	v6 =	vsel vm1, v6, v57;
	vm1 =	vlt.s32 v7, v58  }
0x317: {  	v61 =	vld [tilespmem:$0xE190];
	v7 =	vsel vm1, v7, v58;
	vm1 =	vgt.s32 v6, v58  }
0x318: {  	v6 =	vsel vm1, v6, v58;
	vm1 =	vlt.s32 v7, v59  }
0x319: {  	v62 =	vld [tilespmem:$0xE1A0];
	v7 =	vsel vm1, v7, v59;
	vm1 =	vgt.s32 v6, v59  }
0x31a: {  	v6 =	vsel vm1, v6, v59;
	vm1 =	vlt.s32 v7, v60  }
0x31b: {  	v63 =	vld [tilespmem:$0xE1B0];
	v7 =	vsel vm1, v7, v60;
	vm1 =	vgt.s32 v6, v60  }
0x31c: {  	v6 =	vsel vm1, v6, v60;
	vm1 =	vlt.s32 v7, v61  }
0x31d: {  	v7 =	vsel vm1, v7, v61;
	vm1 =	vgt.s32 v6, v61  }
0x31e: {  	v6 =	vsel vm1, v6, v61;
	vm1 =	vlt.s32 v7, v62  }
0x31f: {  	v7 =	vsel vm1, v7, v62;
	vm1 =	vgt.s32 v6, v62  }
0x320: {  	v6 =	vsel vm1, v6, v62;
	vm1 =	vlt.s32 v7, v63  }
0x321: {  	v7 =	vsel vm1, v7, v63;
	vm1 =	vgt.s32 v6, v63  }
0x322: {  	v6 =	vsel vm1, v6, v63;
	v7 =	vxor.u32 $0x80000000, v7  }
0x323: {  	(xrf0) =	vmin.scan.msk.u32 $0xffff, v7;
	v6 =	vxor.u32 $0x80000000, v6  }
0x324: {  	(xrf0) =	vmax.scan.msk.u32 $0xffff, v6;
	_ =	sdelay $0x4  }
0x325: {  	v6, _, _ =	vpop (xrf0)  }
0x326: {  	(v2sf) =	vpush v6, $0xF;
	v6, _, _ =	vpop (xrf0)  }
0x327: {  	(v2sf) =	vpush v6, $0xF;
	_ =	sdelay $0xd  }
0x328: {  	s15 =	spop (v2sf)  }
0x329: {  	p0 =	sgt.u32 s18, $0x6E;
	s8 =	spop (v2sf)  }
0x32a: {  	p1 =	sne.s32 @!p0 s15, s8  }
0x32b: {  	p0 =	por p0, p1  }
.Ltmp31:
0x32c: {  	_ = 	snop;
	(pc) =	sbr.rel @p0 .LBB2_40-.Ltmp31, $2  }
0x32d: {  	_ =	sdelay $0x2  }
0x32e: {  	[tilespmem:$0xE1C0] =	vst v63  }
0x32f: {  	s16 =	simm.s32 $0x0  }
0x330: {  	v6 =	vld [tilespmem:s16+$0x1C0]  }
0x331: {  	v8 =	vld [tilespmem:s16+$0x1D0]  }
0x332: {  	v7 =	vld [tilespmem:s16+$0x180]  }
0x333: {  	v9 =	vld [tilespmem:s16+$0x190]  }
0x334: {  	v10 =	vld [tilespmem:s16+$0x140]  }
0x335: {  	v11 =	vld [tilespmem:s16+$0x150]  }
0x336: {  	v12 =	vld [tilespmem:s16+$0x100]  }
0x337: {  	v13 =	vld [tilespmem:s16+$0x110]  }
0x338: {  	v14 =	vld [tilespmem:s16+$0xC0]  }
0x339: {  	v15 =	vld [tilespmem:s16+$0xD0]  }
0x33a: {  	v16 =	vld [tilespmem:s16+$0x80]  }
0x33b: {  	v17 =	vld [tilespmem:s16+$0x90]  }
0x33c: {  	v22 =	vld [tilespmem:s16+$0x40]  }
0x33d: {  	v23 =	vld [tilespmem:s16+$0x50]  }
0x33e: {  	v24 =	vld [tilespmem:s16+$0x0]  }
0x33f: {  	v18 =	vimm.f32 $0.0e+00;
	v26 =	vld [tilespmem:s16+$0x10]  }
0x340: {  	s17 =	simm.s32 $0x800;
	v21 =	vimm.f32 $0.0e+00;
	v19 =	vimm.f32 $0.0e+00;
	v20 =	vimm.f32 $0.0e+00;
	v25 =	vld [tilespmem:s16+$0x20]  }
.LBB2_37:
0x341: {  	p0 =	seq.s32 s17, $0x1B800;
	v27 =	vld [tilespmem:s16+$0x30]  }
0x342: {  	v28 =	vld [tilespmem:s16+$0x60]  }
0x343: {  	v29 =	vld [tilespmem:s16+$0x70]  }
0x344: {  	v30 =	vld [tilespmem:s16+$0xA0]  }
0x345: {  	v18 =	vadd.f32 v24, v18;
	v21 =	vadd.f32 v26, v21;
	v24 =	vld [tilespmem:s16+$0xB0]  }
0x346: {  	v19 =	vadd.f32 v25, v19;
	v20 =	vadd.f32 v27, v20;
	v25 =	vld [tilespmem:s16+$0xE0]  }
0x347: {  	v18 =	vadd.f32 v22, v18;
	v21 =	vadd.f32 v23, v21;
	v22 =	vld [tilespmem:s16+$0xF0]  }
0x348: {  	v19 =	vadd.f32 v28, v19;
	v20 =	vadd.f32 v29, v20;
	v23 =	vld [tilespmem:s16+$0x120]  }
0x349: {  	v16 =	vadd.f32 v16, v18;
	v17 =	vadd.f32 v17, v21;
	v18 =	vld [tilespmem:s16+$0x130]  }
0x34a: {  	v19 =	vadd.f32 v30, v19;
	v20 =	vadd.f32 v24, v20;
	v21 =	vld [tilespmem:s16+$0x160]  }
0x34b: {  	v14 =	vadd.f32 v14, v16;
	v15 =	vadd.f32 v15, v17;
	v16 =	vld [tilespmem:s16+$0x170]  }
0x34c: {  	v17 =	vadd.f32 v25, v19;
	v19 =	vadd.f32 v22, v20;
	v20 =	vld [tilespmem:s16+$0x1A0]  }
0x34d: {  	v12 =	vadd.f32 v12, v14;
	v13 =	vadd.f32 v13, v15;
	v14 =	vld [tilespmem:s16+$0x1B0]  }
0x34e: {  	v15 =	vadd.f32 v23, v17;
	v17 =	vadd.f32 v18, v19;
	v19 =	vld [tilespmem:s16+$0x1E0]  }
0x34f: {  	v10 =	vadd.f32 v10, v12;
	v11 =	vadd.f32 v11, v13;
	v12 =	vld [tilespmem:s16+$0x1F0];
	s16 =	sshra.s32 s17, $0x2  }
0x350: {  	v15 =	vadd.f32 v21, v15;
	v13 =	vld [tilespmem:s16+$0x1C0];
	v16 =	vadd.f32 v16, v17  }
0x351: {  	v10 =	vadd.f32 v7, v10;
	v11 =	vadd.f32 v9, v11;
	v17 =	vld [tilespmem:s16+$0x1D0]  }
0x352: {  	v15 =	vadd.f32 v20, v15;
	v7 =	vld [tilespmem:s16+$0x180];
	v14 =	vadd.f32 v14, v16  }
0x353: {  	v18 =	vadd.f32 v6, v10;
	v21 =	vadd.f32 v8, v11;
	v9 =	vld [tilespmem:s16+$0x190]  }
0x354: {  	v19 =	vadd.f32 v19, v15;
	v10 =	vld [tilespmem:s16+$0x140];
	v20 =	vadd.f32 v12, v14  }
0x355: {  	v11 =	vld [tilespmem:s16+$0x150];
	v6 =	vmov v13  }
0x356: {  	v12 =	vld [tilespmem:s16+$0x100];
	v8 =	vmov v17  }
0x357: {  	v13 =	vld [tilespmem:s16+$0x110]  }
0x358: {  	v14 =	vld [tilespmem:s16+$0xC0]  }
0x359: {  	v15 =	vld [tilespmem:s16+$0xD0]  }
0x35a: {  	v16 =	vld [tilespmem:s16+$0x80]  }
0x35b: {  	v17 =	vld [tilespmem:s16+$0x90]  }
.Ltmp32:
0x35c: {  	v22 =	vld [tilespmem:s16+$0x40];
	(pc) =	sbr.rel @!p0 .LBB2_37-.Ltmp32, $4  }
0x35d: {  	v23 =	vld [tilespmem:s16+$0x50]  }
0x35e: {  	v24 =	vld [tilespmem:s16+$0x0]  }
0x35f: {  	v26 =	vld [tilespmem:s16+$0x10]  }
0x360: {  	s17 =	sadd.s32 $0x800, s17;
	v25 =	vld [tilespmem:s16+$0x20]  }
0x361: {  	v27 =	vld [tilespmem:s16+$0x30]  }
0x362: {  	v28 =	vld [tilespmem:s16+$0x60]  }
0x363: {  	v29 =	vld [tilespmem:s16+$0x70]  }
0x364: {  	v30 =	vld [tilespmem:s16+$0xA0]  }
0x365: {  	v47 =	vld [tilespmem:s16+$0xB0];
	v18 =	vadd.f32 v24, v18;
	v21 =	vadd.f32 v26, v21  }
0x366: {  	v48 =	vld [tilespmem:s16+$0xE0];
	v19 =	vadd.f32 v25, v19;
	v20 =	vadd.f32 v27, v20  }
0x367: {  	v49 =	vld [tilespmem:s16+$0xF0];
	v18 =	vadd.f32 v22, v18;
	v21 =	vadd.f32 v23, v21  }
0x368: {  	v50 =	vld [tilespmem:s16+$0x120];
	v19 =	vadd.f32 v28, v19;
	v20 =	vadd.f32 v29, v20  }
0x369: {  	v51 =	vld [tilespmem:s16+$0x130];
	v16 =	vadd.f32 v16, v18;
	v17 =	vadd.f32 v17, v21  }
0x36a: {  	v52 =	vld [tilespmem:s16+$0x160];
	v19 =	vadd.f32 v30, v19;
	v20 =	vadd.f32 v47, v20  }
0x36b: {  	v53 =	vld [tilespmem:s16+$0x170];
	v14 =	vadd.f32 v14, v16;
	v15 =	vadd.f32 v15, v17  }
0x36c: {  	v56 =	vld [tilespmem:s16+$0x1A0];
	v54 =	vadd.f32 v48, v19;
	v55 =	vadd.f32 v49, v20  }
0x36d: {  	v57 =	vld [tilespmem:s16+$0x1B0];
	v12 =	vadd.f32 v12, v14;
	v13 =	vadd.f32 v13, v15  }
0x36e: {  	v60 =	vld [tilespmem:s16+$0x1E0];
	v58 =	vadd.f32 v50, v54;
	v59 =	vadd.f32 v51, v55  }
0x36f: {  	v61 =	vld [tilespmem:s16+$0x1F0];
	v10 =	vadd.f32 v10, v12;
	v11 =	vadd.f32 v11, v13  }
.Ltmp33:
0x370: {  	v62 =	vadd.f32 v52, v58;
	v63 =	vadd.f32 v53, v59;
	(pc) =	sbr.rel .LBB2_39-.Ltmp33, $4  }
0x371: {  	v7 =	vadd.f32 v7, v10;
	v9 =	vadd.f32 v9, v11  }
0x372: {  	v10 =	vadd.f32 v56, v62;
	v11 =	vadd.f32 v57, v63  }
0x373: {  	v6 =	vadd.f32 v6, v7;
	v7 =	vadd.f32 v8, v9  }
0x374: {  	v8 =	vadd.f32 v60, v10;
	v9 =	vadd.f32 v61, v11  }
.LBB2_49:
0x375: {  	_ = 	snop  }
0x376: {  	s8 =	smin.u32 s17, $0xA590  }
0x377: {  	s8 =	sadd.s32 $0x1C00, s8  }
0x378: {  	s10 =	sshll.u32 s8, $0x7  }
0x379: {  	s10 =	sor.u32 s9, s10  }
0x37a: {  	s10 =	sshrl.u32 s10, $0x3  }
0x37b: {  	s11 =	simm.s32 $0x0;
	s8 =	sshrl.u32 s8, $0x3;
	s10 =	sadd.s32 s3, s10  }
0x37c: {  	[tilespmem:s11], [sflag:$0x1] =	stream.strided.gather [hbm4b:s10+s25], $0x7000, s26, s25, $0x38;
	[tilespmem:$0xEEE0] =	vst v63  }
0x37d: {  	s8 =	sadd.s32 s4, s8  }
0x37e: {  	[tilespmem:s28], [sflag:$0x1] =	stream.linear.gather [hbm4b:s8+s11], $0x1C0, $0x38;
	[tilespmem:$0xEEE0] =	vst v63  }
0x37f: {  	_ =	swait.ge [sflag:s2], $0x7000  }
0x380: {  	[sflag:s2] =	ssyncset.done $0x0  }
0x381: {  	[sflag:s2] =	ssyncadd.s32 $0xFFFF9000  }
0x382: {  	_ =	swait.ge [sflag:s2], $0x1C0  }
0x383: {  	[sflag:s2] =	ssyncset.done $0x0  }
0x384: {  	[sflag:s2] =	ssyncadd.s32 $0xFFFFFE40  }
0x385: {  	v6 =	vld [tilespmem:$0xE1D0]  }
0x386: {  	v7 =	vld [tilespmem:$0xE1E0];
	_ =	sdelay $0x1  }
0x387: {  	v8 =	vld [tilespmem:$0xE1F0];
	_ =	sdelay $0x1  }
0x388: {  	v9 =	vld [tilespmem:$0xE200]  }
0x389: {  	vm1 =	vlt.s32 v6, v7  }
0x38a: {  	v11 =	vld [tilespmem:$0xE210];
	v10 =	vsel vm1, v6, v7  }
0x38b: {  	v6 =	vsel vm1, v7, v6;
	vm1 =	vlt.s32 v10, v8  }
0x38c: {  	v41 =	vld [tilespmem:$0xE220];
	v7 =	vsel vm1, v10, v8;
	vm1 =	vgt.s32 v6, v8  }
0x38d: {  	v6 =	vsel vm1, v6, v8;
	vm1 =	vlt.s32 v7, v9  }
0x38e: {  	v42 =	vld [tilespmem:$0xE230];
	v7 =	vsel vm1, v7, v9;
	vm1 =	vgt.s32 v6, v9  }
0x38f: {  	v6 =	vsel vm1, v6, v9;
	vm1 =	vlt.s32 v7, v11  }
0x390: {  	v43 =	vld [tilespmem:$0xE240];
	v7 =	vsel vm1, v7, v11;
	vm1 =	vgt.s32 v6, v11  }
0x391: {  	v6 =	vsel vm1, v6, v11;
	vm1 =	vlt.s32 v7, v41  }
0x392: {  	v44 =	vld [tilespmem:$0xE250];
	v7 =	vsel vm1, v7, v41;
	vm1 =	vgt.s32 v6, v41  }
0x393: {  	v6 =	vsel vm1, v6, v41;
	vm1 =	vlt.s32 v7, v42  }
0x394: {  	v45 =	vld [tilespmem:$0xE260];
	v7 =	vsel vm1, v7, v42;
	vm1 =	vgt.s32 v6, v42  }
0x395: {  	v6 =	vsel vm1, v6, v42;
	vm1 =	vlt.s32 v7, v43  }
0x396: {  	v46 =	vld [tilespmem:$0xE270];
	v7 =	vsel vm1, v7, v43;
	vm1 =	vgt.s32 v6, v43  }
0x397: {  	v6 =	vsel vm1, v6, v43;
	vm1 =	vlt.s32 v7, v44  }
0x398: {  	v47 =	vld [tilespmem:$0xE280];
	v7 =	vsel vm1, v7, v44;
	vm1 =	vgt.s32 v6, v44  }
0x399: {  	v6 =	vsel vm1, v6, v44;
	vm1 =	vlt.s32 v7, v45  }
0x39a: {  	v48 =	vld [tilespmem:$0xE290];
	v7 =	vsel vm1, v7, v45;
	vm1 =	vgt.s32 v6, v45  }
0x39b: {  	v6 =	vsel vm1, v6, v45;
	vm1 =	vlt.s32 v7, v46  }
0x39c: {  	v49 =	vld [tilespmem:$0xE2A0];
	v7 =	vsel vm1, v7, v46;
	vm1 =	vgt.s32 v6, v46  }
0x39d: {  	v6 =	vsel vm1, v6, v46;
	vm1 =	vlt.s32 v7, v47  }
0x39e: {  	v50 =	vld [tilespmem:$0xE2B0];
	v7 =	vsel vm1, v7, v47;
	vm1 =	vgt.s32 v6, v47  }
0x39f: {  	v6 =	vsel vm1, v6, v47;
	vm1 =	vlt.s32 v7, v48  }
0x3a0: {  	v51 =	vld [tilespmem:$0xE2C0];
	v7 =	vsel vm1, v7, v48;
	vm1 =	vgt.s32 v6, v48  }
0x3a1: {  	v6 =	vsel vm1, v6, v48;
	vm1 =	vlt.s32 v7, v49  }
0x3a2: {  	v52 =	vld [tilespmem:$0xE2D0];
	v7 =	vsel vm1, v7, v49;
	vm1 =	vgt.s32 v6, v49  }
0x3a3: {  	v6 =	vsel vm1, v6, v49;
	vm1 =	vlt.s32 v7, v50  }
0x3a4: {  	v53 =	vld [tilespmem:$0xE2E0];
	v7 =	vsel vm1, v7, v50;
	vm1 =	vgt.s32 v6, v50  }
0x3a5: {  	v6 =	vsel vm1, v6, v50;
	vm1 =	vlt.s32 v7, v51  }
0x3a6: {  	v54 =	vld [tilespmem:$0xE2F0];
	v7 =	vsel vm1, v7, v51;
	vm1 =	vgt.s32 v6, v51  }
0x3a7: {  	v6 =	vsel vm1, v6, v51;
	vm1 =	vlt.s32 v7, v52  }
0x3a8: {  	v55 =	vld [tilespmem:$0xE300];
	v7 =	vsel vm1, v7, v52;
	vm1 =	vgt.s32 v6, v52  }
0x3a9: {  	v6 =	vsel vm1, v6, v52;
	vm1 =	vlt.s32 v7, v53  }
0x3aa: {  	v56 =	vld [tilespmem:$0xE310];
	v7 =	vsel vm1, v7, v53;
	vm1 =	vgt.s32 v6, v53  }
0x3ab: {  	v6 =	vsel vm1, v6, v53;
	vm1 =	vlt.s32 v7, v54  }
0x3ac: {  	v57 =	vld [tilespmem:$0xE320];
	v7 =	vsel vm1, v7, v54;
	vm1 =	vgt.s32 v6, v54  }
0x3ad: {  	v6 =	vsel vm1, v6, v54;
	vm1 =	vlt.s32 v7, v55  }
0x3ae: {  	v58 =	vld [tilespmem:$0xE330];
	v7 =	vsel vm1, v7, v55;
	vm1 =	vgt.s32 v6, v55  }
0x3af: {  	v6 =	vsel vm1, v6, v55;
	vm1 =	vlt.s32 v7, v56  }
0x3b0: {  	v59 =	vld [tilespmem:$0xE340];
	v7 =	vsel vm1, v7, v56;
	vm1 =	vgt.s32 v6, v56  }
0x3b1: {  	v6 =	vsel vm1, v6, v56;
	vm1 =	vlt.s32 v7, v57  }
0x3b2: {  	v60 =	vld [tilespmem:$0xE350];
	v7 =	vsel vm1, v7, v57;
	vm1 =	vgt.s32 v6, v57  }
0x3b3: {  	v6 =	vsel vm1, v6, v57;
	vm1 =	vlt.s32 v7, v58  }
0x3b4: {  	v61 =	vld [tilespmem:$0xE360];
	v7 =	vsel vm1, v7, v58;
	vm1 =	vgt.s32 v6, v58  }
0x3b5: {  	v6 =	vsel vm1, v6, v58;
	vm1 =	vlt.s32 v7, v59  }
0x3b6: {  	v62 =	vld [tilespmem:$0xE370];
	v7 =	vsel vm1, v7, v59;
	vm1 =	vgt.s32 v6, v59  }
0x3b7: {  	v6 =	vsel vm1, v6, v59;
	vm1 =	vlt.s32 v7, v60  }
0x3b8: {  	v63 =	vld [tilespmem:$0xE380];
	v7 =	vsel vm1, v7, v60;
	vm1 =	vgt.s32 v6, v60  }
0x3b9: {  	v6 =	vsel vm1, v6, v60;
	vm1 =	vlt.s32 v7, v61  }
0x3ba: {  	v7 =	vsel vm1, v7, v61;
	vm1 =	vgt.s32 v6, v61  }
0x3bb: {  	v6 =	vsel vm1, v6, v61;
	vm1 =	vlt.s32 v7, v62  }
0x3bc: {  	v7 =	vsel vm1, v7, v62;
	vm1 =	vgt.s32 v6, v62  }
0x3bd: {  	v6 =	vsel vm1, v6, v62;
	vm1 =	vlt.s32 v7, v63  }
0x3be: {  	v7 =	vsel vm1, v7, v63;
	vm1 =	vgt.s32 v6, v63  }
0x3bf: {  	v6 =	vsel vm1, v6, v63;
	v7 =	vxor.u32 $0x80000000, v7  }
0x3c0: {  	(xrf0) =	vmin.scan.msk.u32 $0xffff, v7;
	v6 =	vxor.u32 $0x80000000, v6  }
0x3c1: {  	(xrf0) =	vmax.scan.msk.u32 $0xffff, v6;
	_ =	sdelay $0x4  }
0x3c2: {  	v6, _, _ =	vpop (xrf0)  }
0x3c3: {  	(v2sf) =	vpush v6, $0xF;
	v6, _, _ =	vpop (xrf0)  }
0x3c4: {  	(v2sf) =	vpush v6, $0xF;
	_ =	sdelay $0xd  }
0x3c5: {  	s15 =	spop (v2sf)  }
0x3c6: {  	p0 =	sgt.u32 s18, $0x6E;
	s8 =	spop (v2sf)  }
0x3c7: {  	p1 =	sne.s32 @!p0 s15, s8  }
0x3c8: {  	p0 =	por p0, p1  }
.Ltmp34:
0x3c9: {  	_ = 	snop;
	(pc) =	sbr.rel @p0 .LBB2_53-.Ltmp34, $2  }
0x3ca: {  	_ =	sdelay $0x2  }
0x3cb: {  	v16 =	vimm.f32 $0.0e+00;
	[tilespmem:$0xE390] =	vst v63  }
0x3cc: {  	s16 =	simm.s32 $0x0  }
0x3cd: {  	v6 =	vld [tilespmem:s16+$0x71C0]  }
0x3ce: {  	v8 =	vld [tilespmem:s16+$0x71D0]  }
0x3cf: {  	v7 =	vld [tilespmem:s16+$0x7180]  }
0x3d0: {  	v9 =	vld [tilespmem:s16+$0x7190]  }
0x3d1: {  	v10 =	vld [tilespmem:s16+$0x7140]  }
0x3d2: {  	v11 =	vld [tilespmem:s16+$0x7150]  }
0x3d3: {  	v12 =	vld [tilespmem:s16+$0x7100]  }
0x3d4: {  	v13 =	vld [tilespmem:s16+$0x7110]  }
0x3d5: {  	v14 =	vld [tilespmem:s16+$0x70C0]  }
0x3d6: {  	v15 =	vld [tilespmem:s16+$0x70D0]  }
0x3d7: {  	v17 =	vld [tilespmem:s16+$0x7080]  }
0x3d8: {  	v18 =	vld [tilespmem:s16+$0x7090]  }
0x3d9: {  	v22 =	vld [tilespmem:s16+$0x7040]  }
0x3da: {  	v23 =	vld [tilespmem:s16+$0x7050]  }
0x3db: {  	v25 =	vld [tilespmem:s16+$0x7000]  }
0x3dc: {  	v26 =	vld [tilespmem:s16+$0x7010]  }
0x3dd: {  	s17 =	simm.s32 $0x800;
	v21 =	vimm.f32 $0.0e+00;
	v19 =	vimm.f32 $0.0e+00;
	v20 =	vimm.f32 $0.0e+00;
	v24 =	vld [tilespmem:s16+$0x7020]  }
.LBB2_51:
0x3de: {  	p0 =	seq.s32 s17, $0x1B800;
	v27 =	vld [tilespmem:s16+$0x7030]  }
0x3df: {  	v28 =	vld [tilespmem:s16+$0x7060]  }
0x3e0: {  	v29 =	vld [tilespmem:s16+$0x7070]  }
0x3e1: {  	v30 =	vld [tilespmem:s16+$0x70A0]  }
0x3e2: {  	v16 =	vadd.f32 v25, v16;
	v21 =	vadd.f32 v26, v21;
	v25 =	vld [tilespmem:s16+$0x70B0]  }
0x3e3: {  	v19 =	vadd.f32 v24, v19;
	v20 =	vadd.f32 v27, v20;
	v24 =	vld [tilespmem:s16+$0x70E0]  }
0x3e4: {  	v16 =	vadd.f32 v22, v16;
	v21 =	vadd.f32 v23, v21;
	v22 =	vld [tilespmem:s16+$0x70F0]  }
0x3e5: {  	v19 =	vadd.f32 v28, v19;
	v20 =	vadd.f32 v29, v20;
	v23 =	vld [tilespmem:s16+$0x7120]  }
0x3e6: {  	v16 =	vadd.f32 v17, v16;
	v17 =	vadd.f32 v18, v21;
	v18 =	vld [tilespmem:s16+$0x7130]  }
0x3e7: {  	v19 =	vadd.f32 v30, v19;
	v20 =	vadd.f32 v25, v20;
	v21 =	vld [tilespmem:s16+$0x7160]  }
0x3e8: {  	v14 =	vadd.f32 v14, v16;
	v15 =	vadd.f32 v15, v17;
	v16 =	vld [tilespmem:s16+$0x7170]  }
0x3e9: {  	v17 =	vadd.f32 v24, v19;
	v19 =	vadd.f32 v22, v20;
	v20 =	vld [tilespmem:s16+$0x71A0]  }
0x3ea: {  	v12 =	vadd.f32 v12, v14;
	v13 =	vadd.f32 v13, v15;
	v14 =	vld [tilespmem:s16+$0x71B0]  }
0x3eb: {  	v15 =	vadd.f32 v23, v17;
	v17 =	vadd.f32 v18, v19;
	v18 =	vld [tilespmem:s16+$0x71E0]  }
0x3ec: {  	v10 =	vadd.f32 v10, v12;
	v11 =	vadd.f32 v11, v13;
	v12 =	vld [tilespmem:s16+$0x71F0];
	s16 =	sshra.s32 s17, $0x2  }
0x3ed: {  	v15 =	vadd.f32 v21, v15;
	v13 =	vld [tilespmem:s16+$0x71C0];
	v16 =	vadd.f32 v16, v17  }
0x3ee: {  	v10 =	vadd.f32 v7, v10;
	v11 =	vadd.f32 v9, v11;
	v17 =	vld [tilespmem:s16+$0x71D0]  }
0x3ef: {  	v15 =	vadd.f32 v20, v15;
	v7 =	vld [tilespmem:s16+$0x7180];
	v14 =	vadd.f32 v14, v16  }
0x3f0: {  	v16 =	vadd.f32 v6, v10;
	v21 =	vadd.f32 v8, v11;
	v9 =	vld [tilespmem:s16+$0x7190]  }
0x3f1: {  	v19 =	vadd.f32 v18, v15;
	v10 =	vld [tilespmem:s16+$0x7140];
	v20 =	vadd.f32 v12, v14  }
0x3f2: {  	v11 =	vld [tilespmem:s16+$0x7150];
	v6 =	vmov v13  }
0x3f3: {  	v12 =	vld [tilespmem:s16+$0x7100];
	v8 =	vmov v17  }
0x3f4: {  	v13 =	vld [tilespmem:s16+$0x7110]  }
0x3f5: {  	v14 =	vld [tilespmem:s16+$0x70C0]  }
0x3f6: {  	v15 =	vld [tilespmem:s16+$0x70D0]  }
0x3f7: {  	v17 =	vld [tilespmem:s16+$0x7080]  }
0x3f8: {  	v18 =	vld [tilespmem:s16+$0x7090]  }
.Ltmp35:
0x3f9: {  	v22 =	vld [tilespmem:s16+$0x7040];
	(pc) =	sbr.rel @!p0 .LBB2_51-.Ltmp35, $4  }
0x3fa: {  	v23 =	vld [tilespmem:s16+$0x7050]  }
0x3fb: {  	v25 =	vld [tilespmem:s16+$0x7000]  }
0x3fc: {  	v26 =	vld [tilespmem:s16+$0x7010]  }
0x3fd: {  	s17 =	sadd.s32 $0x800, s17;
	v24 =	vld [tilespmem:s16+$0x7020]  }
0x3fe: {  	v27 =	vld [tilespmem:s16+$0x7030]  }
0x3ff: {  	v28 =	vld [tilespmem:s16+$0x7060]  }
0x400: {  	v29 =	vld [tilespmem:s16+$0x7070]  }
0x401: {  	v30 =	vld [tilespmem:s16+$0x70A0]  }
0x402: {  	v46 =	vld [tilespmem:s16+$0x70B0];
	v16 =	vadd.f32 v25, v16;
	v21 =	vadd.f32 v26, v21  }
0x403: {  	v47 =	vld [tilespmem:s16+$0x70E0];
	v19 =	vadd.f32 v24, v19;
	v20 =	vadd.f32 v27, v20  }
0x404: {  	v48 =	vld [tilespmem:s16+$0x70F0];
	v16 =	vadd.f32 v22, v16;
	v21 =	vadd.f32 v23, v21  }
0x405: {  	v49 =	vld [tilespmem:s16+$0x7120];
	v19 =	vadd.f32 v28, v19;
	v20 =	vadd.f32 v29, v20  }
0x406: {  	v51 =	vld [tilespmem:s16+$0x7130];
	v16 =	vadd.f32 v17, v16;
	v50 =	vadd.f32 v18, v21  }
0x407: {  	v52 =	vld [tilespmem:s16+$0x7160];
	v19 =	vadd.f32 v30, v19;
	v20 =	vadd.f32 v46, v20  }
0x408: {  	v53 =	vld [tilespmem:s16+$0x7170];
	v14 =	vadd.f32 v14, v16;
	v15 =	vadd.f32 v15, v50  }
0x409: {  	v56 =	vld [tilespmem:s16+$0x71A0];
	v54 =	vadd.f32 v47, v19;
	v55 =	vadd.f32 v48, v20  }
0x40a: {  	v57 =	vld [tilespmem:s16+$0x71B0];
	v12 =	vadd.f32 v12, v14;
	v13 =	vadd.f32 v13, v15  }
0x40b: {  	v60 =	vld [tilespmem:s16+$0x71E0];
	v58 =	vadd.f32 v49, v54;
	v59 =	vadd.f32 v51, v55  }
0x40c: {  	v61 =	vld [tilespmem:s16+$0x71F0];
	v10 =	vadd.f32 v10, v12;
	v11 =	vadd.f32 v11, v13  }
.Ltmp36:
0x40d: {  	v62 =	vadd.f32 v52, v58;
	v63 =	vadd.f32 v53, v59;
	(pc) =	sbr.rel .LBB2_39-.Ltmp36, $4  }
0x40e: {  	v7 =	vadd.f32 v7, v10;
	v9 =	vadd.f32 v9, v11  }
0x40f: {  	v10 =	vadd.f32 v56, v62;
	v11 =	vadd.f32 v57, v63  }
0x410: {  	v6 =	vadd.f32 v6, v7;
	v7 =	vadd.f32 v8, v9  }
0x411: {  	v8 =	vadd.f32 v60, v10;
	v9 =	vadd.f32 v61, v11  }
.LBB2_40:
0x412: {  	s8 =	smax.u32 s17, $0xC190  }
0x413: {  	s15 =	sadd.s32 $0xFFFF3E70, s8  }
0x414: {  	p0 =	sgt.u32 s15, $0x1BF  }
.Ltmp37:
0x415: {  	_ = 	snop;
	(pc) =	sbr.rel @p0 .LBB2_62-.Ltmp37, $1  }
0x416: {  	_ =	sdelay $0x3  }
.Ltmp38:
0x417: {  	(pc) =	sbr.rel .LBB2_42-.Ltmp38, $2  }
0x418: {  	_ =	sdelay $0x2  }
0x419: {  	s16 =	sadd.s32 s16, s19;
	s17 =	sshrl.u32 s15, $0x3  }
.LBB2_43:
0x41a: {  	s8 =	sshll.u32 s17, $0x9  }
0x41b: {  	s8 =	sand.u32 $0x3FFFFE00, s8  }
0x41c: {  	v6 =	vld [tilespmem:s8+$0x0]  }
0x41d: {  	v7 =	vld [tilespmem:s8+$0x10]  }
0x41e: {  	v8 =	vld [tilespmem:s8+$0x20]  }
0x41f: {  	v9 =	vld [tilespmem:s8+$0x30]  }
0x420: {  	v10 =	vld [tilespmem:s8+$0x40]  }
0x421: {  	v11 =	vld [tilespmem:s8+$0x50]  }
0x422: {  	v12 =	vld [tilespmem:s8+$0x60]  }
0x423: {  	v13 =	vld [tilespmem:s8+$0x70]  }
0x424: {  	v14 =	vld [tilespmem:s8+$0x80]  }
0x425: {  	v15 =	vld [tilespmem:s8+$0x90]  }
0x426: {  	v16 =	vld [tilespmem:s8+$0xA0]  }
0x427: {  	v17 =	vld [tilespmem:s8+$0xB0]  }
0x428: {  	v18 =	vld [tilespmem:s8+$0xC0]  }
0x429: {  	v19 =	vld [tilespmem:s8+$0xD0]  }
0x42a: {  	v20 =	vld [tilespmem:s8+$0xE0]  }
0x42b: {  	v21 =	vld [tilespmem:s8+$0xF0]  }
0x42c: {  	v22 =	vld [tilespmem:s8+$0x100]  }
0x42d: {  	v23 =	vld [tilespmem:s8+$0x110]  }
0x42e: {  	v24 =	vld [tilespmem:s8+$0x120]  }
0x42f: {  	v25 =	vld [tilespmem:s8+$0x130];
	v6 =	vadd.f32 $0.0e+00, v6  }
0x430: {  	v44 =	vld [tilespmem:s8+$0x140];
	v7 =	vadd.f32 $0.0e+00, v7  }
0x431: {  	v45 =	vld [tilespmem:s8+$0x150];
	v8 =	vadd.f32 $0.0e+00, v8;
	v6 =	vadd.f32 v10, v6  }
0x432: {  	v46 =	vld [tilespmem:s8+$0x160];
	v9 =	vadd.f32 $0.0e+00, v9;
	v7 =	vadd.f32 v11, v7  }
0x433: {  	v47 =	vld [tilespmem:s8+$0x170];
	v8 =	vadd.f32 v12, v8;
	v6 =	vadd.f32 v14, v6  }
0x434: {  	s10 =	sadd.s32 $0x80000010, s10;
	v57 =	vor.u32 $0x10, v0;
	v48 =	vld [tilespmem:s8+$0x180];
	v9 =	vadd.f32 v13, v9;
	v7 =	vadd.f32 v15, v7  }
0x435: {  	v50 =	vmov s10;
	v49 =	vld [tilespmem:s8+$0x190];
	v8 =	vadd.f32 v16, v8;
	v6 =	vadd.f32 v18, v6  }
0x436: {  	v51 =	vld [tilespmem:s8+$0x1A0];
	v9 =	vadd.f32 v17, v9;
	v16 =	vmul.u32 $0x50, v50;
	v7 =	vadd.f32 v19, v7  }
0x437: {  	v59 =	vor.u32 $0x20, v0;
	v52 =	vld [tilespmem:s8+$0x1B0];
	v8 =	vadd.f32 v20, v8;
	v6 =	vadd.f32 v22, v6  }
0x438: {  	v53 =	vld [tilespmem:s8+$0x1C0];
	v9 =	vadd.f32 v21, v9;
	v16 =	vbroadcast v16, $0x0;
	v7 =	vadd.f32 v23, v7  }
0x439: {  	v61 =	vor.u32 $0x30, v0;
	v54 =	vld [tilespmem:s8+$0x1D0];
	v8 =	vadd.f32 v24, v8;
	v6 =	vadd.f32 v44, v6  }
0x43a: {  	v55 =	vld [tilespmem:s8+$0x1E0];
	v9 =	vadd.f32 v25, v9;
	v56 =	vor.u32 v0, v16;
	v7 =	vadd.f32 v45, v7  }
0x43b: {  	v58 =	vld [tilespmem:s8+$0x1F0];
	v19 =	vadd.s32 v57, v16;
	v8 =	vadd.f32 v46, v8;
	v6 =	vadd.f32 v48, v6  }
0x43c: {  	v60 =	vadd.s32 v59, v16;
	v9 =	vadd.f32 v47, v9;
	v7 =	vadd.f32 v49, v7  }
0x43d: {  	v62 =	vadd.s32 v61, v16;
	v8 =	vadd.f32 v51, v8;
	v6 =	vadd.f32 v53, v6  }
0x43e: {  	v63 =	vadd.s32 $0x40, v16;
	v9 =	vadd.f32 v52, v9;
	v7 =	vadd.f32 v54, v7  }
0x43f: {  	[tilespmem:v56+s22+$0x0] =	vst.idx.add.f32.msk $0xffff, v6;
	v6 =	vadd.f32 v55, v8  }
0x440: {  	[tilespmem:v19+s22+$0x0] =	vst.idx.add.f32.msk $0xffff, v7;
	v7 =	vadd.f32 v58, v9  }
0x441: {  	[tilespmem:v60+s22+$0x0] =	vst.idx.add.f32.msk $0xffff, v6  }
0x442: {  	[tilespmem:v62+s22+$0x0] =	vst.idx.add.f32.msk $0xffff, v7  }
0x443: {  	[tilespmem:v63+s22+$0x0] =	vst.idx.add.f32.msk $0x1, v2  }
.LBB2_48:
0x444: {  	p0 =	slt.u32 s17, $0x37  }
.Ltmp39:
0x445: {  	_ = 	snop;
	(pc) =	sbr.rel @!p0 .LBB2_62-.Ltmp39, $3  }
0x446: {  	_ =	sdelay $0x1  }
0x447: {  	s8 =	sadd.s32 $0x1, s17  }
0x448: {  	s16 =	sadd.s32 $0x200, s16;
	s17 =	smov.u32 s8  }
.LBB2_42:
0x449: {  	s8 =	sshll.u32 s17, $0x3  }
0x44a: {  	s10 =	sand.u32 $0x3FFFFFF8, s8  }
0x44b: {  	v6 =	vld [tilespmem:s10+$0xE000];
	_ =	sdelay $0x4  }
0x44c: {  	v7 =	vnsel vm0, $0x40000000, v6  }
0x44d: {  	v6 =	vnsel vm0, $0xC0000000, v6;
	v7 =	vxor.u32 $0x80000000, v7  }
0x44e: {  	v6 =	vxor.u32 $0x80000000, v6;
	(xrf0) =	vmin.scan.msk.u32 $0xffff, v7  }
0x44f: {  	(xrf0) =	vmax.scan.msk.u32 $0xffff, v6;
	_ =	sdelay $0x4  }
0x450: {  	v6, _, _ =	vpop (xrf0)  }
0x451: {  	(v2sf) =	vpush v6, $0xF;
	v6, _, _ =	vpop (xrf0)  }
0x452: {  	(v2sf) =	vpush v6, $0xF;
	_ =	sdelay $0xd  }
0x453: {  	s10 =	spop (v2sf)  }
0x454: {  	p0 =	slt.u32 s8, s15;
	s11 =	spop (v2sf)  }
0x455: {  	p1 =	sne.s32 @!p0 s10, s11  }
0x456: {  	p0 =	por p0, p1  }
.Ltmp40:
0x457: {  	_ = 	snop;
	(pc) =	sbr.rel @!p0 .LBB2_43-.Ltmp40, $1  }
0x458: {  	_ =	sdelay $0x3  }
0x459: {  	p0 =	sgt.u32 s15, s8  }
.Ltmp41:
0x45a: {  	_ = 	snop;
	(pc) =	sbr.rel @p0 .LBB2_48-.Ltmp41, $1  }
0x45b: {  	_ =	sdelay $0x3  }
0x45c: {  	v6 =	vmov s8;
	_ =	sdelay $0x4  }
0x45d: {  	v6 =	vld.idx.msk [tilespmem:v6+s28+$0x0], $0xffff;
	_ =	sdelay $0x4  }
0x45e: {  	v12 =	vmul.u32 $0x50, v6  }
0x45f: {  	v6 =	vor.u32 $0x500, v0  }
0x460: {  	v7 =	vld [tilespmem:s16+$0xFFFFFFE0];
	v8 =	vadd.s32 v6, v12;
	_ =	sdelay $0x4  }
0x461: {  	[tilespmem:v8+s22+$0x0] =	vst.idx.add.f32.msk $0xffff, v7;
	v7 =	vor.u32 $0x510, v0  }
0x462: {  	v8 =	vld [tilespmem:s16+$0xFFFFFFF0];
	v9 =	vadd.s32 v7, v12;
	_ =	sdelay $0x4  }
0x463: {  	[tilespmem:v9+s22+$0x0] =	vst.idx.add.f32.msk $0xffff, v8;
	v8 =	vor.u32 $0x520, v0  }
0x464: {  	v9 =	vld [tilespmem:s16+$0x0];
	v10 =	vadd.s32 v8, v12  }
0x465: {  	s18 =	sadd.s32 $0x8, s8;
	s8 =	sadd.s32 $0x1, s8  }
0x466: {  	p0 =	slt.u32 s8, s18  }
.Ltmp42:
0x467: {  	_ = 	snop;
	(pc) =	sbr.rel @!p0 .LBB2_47-.Ltmp42, $4  }
0x468: {  	_ = 	snop  }
0x469: {  	[tilespmem:v10+s22+$0x0] =	vst.idx.add.f32.msk $0xffff, v9;
	v9 =	vor.u32 $0x530, v0  }
0x46a: {  	v10 =	vld [tilespmem:s16+$0x10];
	v11 =	vadd.s32 v9, v12  }
0x46b: {  	s10 =	smov.u32 s16;
	v12 =	vadd.s32 $0x540, v12  }
.LBB2_46:
0x46c: {  	v13 =	vmov s8  }
0x46d: {  	s8 =	sadd.s32 $0x1, s8  }
0x46e: {  	p0 =	slt.u32 s8, s18  }
0x46f: {  	[tilespmem:v11+s22+$0x0] =	vst.idx.add.f32.msk $0xffff, v10  }
0x470: {  	[tilespmem:v12+s22+$0x0] =	vst.idx.add.f32.msk $0x1, v3  }
0x471: {  	s10 =	sadd.s32 $0x40, s10;
	v10 =	vld.idx.msk [tilespmem:v13+s28+$0x0], $0xffff  }
0x472: {  	v11 =	vld [tilespmem:s10+$0xFFFFFFE0];
	_ =	sdelay $0x4  }
0x473: {  	v12 =	vmul.u32 $0x50, v10;
	_ =	sdelay $0x1  }
0x474: {  	v10 =	vadd.s32 v6, v12;
	_ =	sdelay $0x4  }
0x475: {  	[tilespmem:v10+s22+$0x0] =	vst.idx.add.f32.msk $0xffff, v11  }
0x476: {  	v11 =	vadd.s32 v7, v12;
	v10 =	vld [tilespmem:s10+$0xFFFFFFF0];
	_ =	sdelay $0x4  }
0x477: {  	[tilespmem:v11+s22+$0x0] =	vst.idx.add.f32.msk $0xffff, v10  }
0x478: {  	v11 =	vadd.s32 v8, v12;
	v10 =	vld [tilespmem:s10+$0x0];
	_ =	sdelay $0x2  }
.Ltmp43:
0x479: {  	(pc) =	sbr.rel @p0 .LBB2_46-.Ltmp43, $4  }
0x47a: {  	_ = 	snop  }
0x47b: {  	[tilespmem:v11+s22+$0x0] =	vst.idx.add.f32.msk $0xffff, v10  }
0x47c: {  	v11 =	vadd.s32 v9, v12;
	v10 =	vld [tilespmem:s10+$0x10]  }
0x47d: {  	v12 =	vadd.s32 $0x540, v12  }
.LBB2_47:
0x47e: {  	_ = 	snop  }
.Ltmp44:
0x47f: {  	_ = 	snop;
	(pc) =	sbr.rel .LBB2_48-.Ltmp44, $3  }
0x480: {  	_ =	sdelay $0x1  }
0x481: {  	[tilespmem:v11+s22+$0x0] =	vst.idx.add.f32.msk $0xffff, v10  }
0x482: {  	[tilespmem:v12+s22+$0x0] =	vst.idx.add.f32.msk $0x1, v3  }
.LBB2_53:
0x483: {  	s8 =	smax.u32 s17, $0xC190  }
0x484: {  	s15 =	sadd.s32 $0xFFFF3E70, s8  }
0x485: {  	p0 =	sgt.u32 s15, $0x1BF  }
.Ltmp45:
0x486: {  	_ = 	snop;
	(pc) =	sbr.rel @p0 .LBB2_62-.Ltmp45, $1  }
0x487: {  	_ =	sdelay $0x3  }
.Ltmp46:
0x488: {  	(pc) =	sbr.rel .LBB2_55-.Ltmp46, $2  }
0x489: {  	_ =	sdelay $0x2  }
0x48a: {  	s16 =	sadd.s32 s16, s20;
	s17 =	sshrl.u32 s15, $0x3  }
.LBB2_56:
0x48b: {  	s8 =	sshll.u32 s17, $0x9  }
0x48c: {  	s8 =	sand.u32 $0x3FFFFE00, s8  }
0x48d: {  	v6 =	vld [tilespmem:s8+$0x7000]  }
0x48e: {  	v7 =	vld [tilespmem:s8+$0x7010]  }
0x48f: {  	v8 =	vld [tilespmem:s8+$0x7020]  }
0x490: {  	v9 =	vld [tilespmem:s8+$0x7030]  }
0x491: {  	v10 =	vld [tilespmem:s8+$0x7040]  }
0x492: {  	v11 =	vld [tilespmem:s8+$0x7050]  }
0x493: {  	v12 =	vld [tilespmem:s8+$0x7060]  }
0x494: {  	v13 =	vld [tilespmem:s8+$0x7070]  }
0x495: {  	v14 =	vld [tilespmem:s8+$0x7080]  }
0x496: {  	v15 =	vld [tilespmem:s8+$0x7090]  }
0x497: {  	v16 =	vld [tilespmem:s8+$0x70A0]  }
0x498: {  	v17 =	vld [tilespmem:s8+$0x70B0]  }
0x499: {  	v18 =	vld [tilespmem:s8+$0x70C0]  }
0x49a: {  	v19 =	vld [tilespmem:s8+$0x70D0]  }
0x49b: {  	v20 =	vld [tilespmem:s8+$0x70E0]  }
0x49c: {  	v21 =	vld [tilespmem:s8+$0x70F0]  }
0x49d: {  	v22 =	vld [tilespmem:s8+$0x7100]  }
0x49e: {  	v23 =	vld [tilespmem:s8+$0x7110]  }
0x49f: {  	v24 =	vld [tilespmem:s8+$0x7120]  }
0x4a0: {  	v25 =	vld [tilespmem:s8+$0x7130];
	v6 =	vadd.f32 $0.0e+00, v6  }
0x4a1: {  	v44 =	vld [tilespmem:s8+$0x7140];
	v7 =	vadd.f32 $0.0e+00, v7  }
0x4a2: {  	v45 =	vld [tilespmem:s8+$0x7150];
	v8 =	vadd.f32 $0.0e+00, v8;
	v6 =	vadd.f32 v10, v6  }
0x4a3: {  	v46 =	vld [tilespmem:s8+$0x7160];
	v9 =	vadd.f32 $0.0e+00, v9;
	v7 =	vadd.f32 v11, v7  }
0x4a4: {  	v47 =	vld [tilespmem:s8+$0x7170];
	v8 =	vadd.f32 v12, v8;
	v6 =	vadd.f32 v14, v6  }
0x4a5: {  	s10 =	sadd.s32 $0x80000010, s10;
	v57 =	vor.u32 $0x10, v0;
	v48 =	vld [tilespmem:s8+$0x7180];
	v9 =	vadd.f32 v13, v9;
	v7 =	vadd.f32 v15, v7  }
0x4a6: {  	v50 =	vmov s10;
	v49 =	vld [tilespmem:s8+$0x7190];
	v8 =	vadd.f32 v16, v8;
	v6 =	vadd.f32 v18, v6  }
0x4a7: {  	v51 =	vld [tilespmem:s8+$0x71A0];
	v9 =	vadd.f32 v17, v9;
	v16 =	vmul.u32 $0x50, v50;
	v7 =	vadd.f32 v19, v7  }
0x4a8: {  	v59 =	vor.u32 $0x20, v0;
	v52 =	vld [tilespmem:s8+$0x71B0];
	v8 =	vadd.f32 v20, v8;
	v6 =	vadd.f32 v22, v6  }
0x4a9: {  	v53 =	vld [tilespmem:s8+$0x71C0];
	v9 =	vadd.f32 v21, v9;
	v16 =	vbroadcast v16, $0x0;
	v7 =	vadd.f32 v23, v7  }
0x4aa: {  	v61 =	vor.u32 $0x30, v0;
	v54 =	vld [tilespmem:s8+$0x71D0];
	v8 =	vadd.f32 v24, v8;
	v6 =	vadd.f32 v44, v6  }
0x4ab: {  	v55 =	vld [tilespmem:s8+$0x71E0];
	v9 =	vadd.f32 v25, v9;
	v56 =	vor.u32 v0, v16;
	v7 =	vadd.f32 v45, v7  }
0x4ac: {  	v58 =	vld [tilespmem:s8+$0x71F0];
	v19 =	vadd.s32 v57, v16;
	v8 =	vadd.f32 v46, v8;
	v6 =	vadd.f32 v48, v6  }
0x4ad: {  	v60 =	vadd.s32 v59, v16;
	v9 =	vadd.f32 v47, v9;
	v7 =	vadd.f32 v49, v7  }
0x4ae: {  	v62 =	vadd.s32 v61, v16;
	v8 =	vadd.f32 v51, v8;
	v6 =	vadd.f32 v53, v6  }
0x4af: {  	v63 =	vadd.s32 $0x40, v16;
	v9 =	vadd.f32 v52, v9;
	v7 =	vadd.f32 v54, v7  }
0x4b0: {  	[tilespmem:v56+s22+$0x0] =	vst.idx.add.f32.msk $0xffff, v6;
	v6 =	vadd.f32 v55, v8  }
0x4b1: {  	[tilespmem:v19+s22+$0x0] =	vst.idx.add.f32.msk $0xffff, v7;
	v7 =	vadd.f32 v58, v9  }
0x4b2: {  	[tilespmem:v60+s22+$0x0] =	vst.idx.add.f32.msk $0xffff, v6  }
0x4b3: {  	[tilespmem:v62+s22+$0x0] =	vst.idx.add.f32.msk $0xffff, v7  }
0x4b4: {  	[tilespmem:v63+s22+$0x0] =	vst.idx.add.f32.msk $0x1, v2  }
.LBB2_61:
0x4b5: {  	p0 =	slt.u32 s17, $0x37  }
.Ltmp47:
0x4b6: {  	_ = 	snop;
	(pc) =	sbr.rel @!p0 .LBB2_62-.Ltmp47, $3  }
0x4b7: {  	_ =	sdelay $0x1  }
0x4b8: {  	s8 =	sadd.s32 $0x1, s17  }
0x4b9: {  	s16 =	sadd.s32 $0x200, s16;
	s17 =	smov.u32 s8  }
.LBB2_55:
0x4ba: {  	s8 =	sshll.u32 s17, $0x3  }
0x4bb: {  	s10 =	sand.u32 $0x3FFFFFF8, s8  }
0x4bc: {  	v6 =	vld [tilespmem:s10+$0xE1D0];
	_ =	sdelay $0x4  }
0x4bd: {  	v7 =	vnsel vm0, $0x40000000, v6  }
0x4be: {  	v6 =	vnsel vm0, $0xC0000000, v6;
	v7 =	vxor.u32 $0x80000000, v7  }
0x4bf: {  	v6 =	vxor.u32 $0x80000000, v6;
	(xrf0) =	vmin.scan.msk.u32 $0xffff, v7  }
0x4c0: {  	(xrf0) =	vmax.scan.msk.u32 $0xffff, v6;
	_ =	sdelay $0x4  }
0x4c1: {  	v6, _, _ =	vpop (xrf0)  }
0x4c2: {  	(v2sf) =	vpush v6, $0xF;
	v6, _, _ =	vpop (xrf0)  }
0x4c3: {  	(v2sf) =	vpush v6, $0xF;
	_ =	sdelay $0xd  }
0x4c4: {  	s10 =	spop (v2sf)  }
0x4c5: {  	p0 =	slt.u32 s8, s15;
	s11 =	spop (v2sf)  }
0x4c6: {  	p1 =	sne.s32 @!p0 s10, s11  }
0x4c7: {  	p0 =	por p0, p1  }
.Ltmp48:
0x4c8: {  	_ = 	snop;
	(pc) =	sbr.rel @!p0 .LBB2_56-.Ltmp48, $1  }
0x4c9: {  	_ =	sdelay $0x3  }
0x4ca: {  	p0 =	sgt.u32 s15, s8  }
.Ltmp49:
0x4cb: {  	_ = 	snop;
	(pc) =	sbr.rel @p0 .LBB2_61-.Ltmp49, $1  }
0x4cc: {  	_ =	sdelay $0x3  }
0x4cd: {  	v6 =	vmov s8;
	_ =	sdelay $0x4  }
0x4ce: {  	v6 =	vld.idx.msk [tilespmem:v6+s30+$0x0], $0xffff;
	_ =	sdelay $0x4  }
0x4cf: {  	v12 =	vmul.u32 $0x50, v6  }
0x4d0: {  	v6 =	vor.u32 $0x500, v0  }
0x4d1: {  	v7 =	vld [tilespmem:s16+$0xFFFFFFE0];
	v8 =	vadd.s32 v6, v12;
	_ =	sdelay $0x4  }
0x4d2: {  	[tilespmem:v8+s22+$0x0] =	vst.idx.add.f32.msk $0xffff, v7;
	v7 =	vor.u32 $0x510, v0  }
0x4d3: {  	v8 =	vld [tilespmem:s16+$0xFFFFFFF0];
	v9 =	vadd.s32 v7, v12;
	_ =	sdelay $0x4  }
0x4d4: {  	[tilespmem:v9+s22+$0x0] =	vst.idx.add.f32.msk $0xffff, v8;
	v8 =	vor.u32 $0x520, v0  }
0x4d5: {  	v9 =	vld [tilespmem:s16+$0x0];
	v10 =	vadd.s32 v8, v12  }
0x4d6: {  	s18 =	sadd.s32 $0x8, s8;
	s8 =	sadd.s32 $0x1, s8  }
0x4d7: {  	p0 =	slt.u32 s8, s18  }
.Ltmp50:
0x4d8: {  	_ = 	snop;
	(pc) =	sbr.rel @!p0 .LBB2_60-.Ltmp50, $4  }
0x4d9: {  	_ = 	snop  }
0x4da: {  	[tilespmem:v10+s22+$0x0] =	vst.idx.add.f32.msk $0xffff, v9;
	v9 =	vor.u32 $0x530, v0  }
0x4db: {  	v10 =	vld [tilespmem:s16+$0x10];
	v11 =	vadd.s32 v9, v12  }
0x4dc: {  	s10 =	smov.u32 s16;
	v12 =	vadd.s32 $0x540, v12  }
.LBB2_59:
0x4dd: {  	v13 =	vmov s8  }
0x4de: {  	s8 =	sadd.s32 $0x1, s8  }
0x4df: {  	p0 =	slt.u32 s8, s18  }
0x4e0: {  	[tilespmem:v11+s22+$0x0] =	vst.idx.add.f32.msk $0xffff, v10  }
0x4e1: {  	[tilespmem:v12+s22+$0x0] =	vst.idx.add.f32.msk $0x1, v3  }
0x4e2: {  	s10 =	sadd.s32 $0x40, s10;
	v10 =	vld.idx.msk [tilespmem:v13+s30+$0x0], $0xffff  }
0x4e3: {  	v11 =	vld [tilespmem:s10+$0xFFFFFFE0];
	_ =	sdelay $0x4  }
0x4e4: {  	v12 =	vmul.u32 $0x50, v10;
	_ =	sdelay $0x1  }
0x4e5: {  	v10 =	vadd.s32 v6, v12;
	_ =	sdelay $0x4  }
0x4e6: {  	[tilespmem:v10+s22+$0x0] =	vst.idx.add.f32.msk $0xffff, v11  }
0x4e7: {  	v11 =	vadd.s32 v7, v12;
	v10 =	vld [tilespmem:s10+$0xFFFFFFF0];
	_ =	sdelay $0x4  }
0x4e8: {  	[tilespmem:v11+s22+$0x0] =	vst.idx.add.f32.msk $0xffff, v10  }
0x4e9: {  	v11 =	vadd.s32 v8, v12;
	v10 =	vld [tilespmem:s10+$0x0];
	_ =	sdelay $0x2  }
.Ltmp51:
0x4ea: {  	(pc) =	sbr.rel @p0 .LBB2_59-.Ltmp51, $4  }
0x4eb: {  	_ = 	snop  }
0x4ec: {  	[tilespmem:v11+s22+$0x0] =	vst.idx.add.f32.msk $0xffff, v10  }
0x4ed: {  	v11 =	vadd.s32 v9, v12;
	v10 =	vld [tilespmem:s10+$0x10]  }
0x4ee: {  	v12 =	vadd.s32 $0x540, v12  }
.LBB2_60:
0x4ef: {  	_ = 	snop  }
.Ltmp52:
0x4f0: {  	_ = 	snop;
	(pc) =	sbr.rel .LBB2_61-.Ltmp52, $3  }
0x4f1: {  	_ =	sdelay $0x1  }
0x4f2: {  	[tilespmem:v11+s22+$0x0] =	vst.idx.add.f32.msk $0xffff, v10  }
0x4f3: {  	[tilespmem:v12+s22+$0x0] =	vst.idx.add.f32.msk $0x1, v3  }
.LBB2_64:
0x4f4: {  	_ =	sfence.sel $0x180000  }
0x4f5: {  	[bflag:$0x0] =	sbarrier.arrive $0xFFFF  }
0x4f6: {  	_ =	strace $0x90000047  }
0x4f7: {  	[bflag:$0x2] =	sbarrier.arrive $0xFFFF  }
0x4f8: {  	p0 =	sne.s32 s5, $0x0;
	s0 =	rddreg [dreg:$0x8]  }
0x4f9: {  	s0 =	sadd.s32 @!p0 $0x100000, s0  }
0x4fa: {  	[sflag:s0] =	ssyncadd.tile.s32 @!p0 $0x1;
	_ =	shalt  }
.Lfunc_end2:
_tile_overlayer_lowered:
.L_overlay_start_2:
0x4fb: {  	(tag) =	ssettag $0x2  }
0x4fc: {  	s0 =	rddreg [dreg:$0x0];
	s2 =	stileid.u32  }
0x4fd: {  	s1 =	rddreg [dreg:$0x1];
	p0 =	sne.s32 s2, $0x0  }
0x4fe: {  	s3 =	rddreg [dreg:$0x2];
	[bflag:$0x3] =	sbarrier.arrive $0xFFFF;
	s2 =	simm.s32 @!p0 $0x1C03  }
0x4ff: {  	[timem:s3], [sflag:s2] =	dma.local @!p0 [hbm:s0], s1  }
0x500: {  	s0 =	simm.s32 @!p0 $0x3  }
0x501: {  	_ =	swait.ge @!p0 [sflag:s0], s1  }
0x502: {  	s1 =	ssub.s32 @!p0 $0x0, s1;
	[sflag:s0] =	ssyncset.done @!p0 $0x0  }
0x503: {  	[sflag:s0] =	ssyncadd.s32 @!p0 s1  }
0x504: {  	[bflag:$0x3] =	sbarrier.arrive $0xFFFF  }
0x505: {  	_ =	shalt  }

</sc_bundles>
